<compile_context>
chip_gen: v7x
topology: tpu7x:2x2x1
jax: 0.10.2.dev20260603
libtpu: 0.0.44.dev20260713+nightly
codegen_flags: <defaults>
</compile_context>

<pallas_src>
import functools

import jax
import jax.numpy as jnp
from jax import lax
from jax.experimental import pallas as pl
from jax.experimental.pallas import tpu as pltpu
from jax.experimental.pallas import tpu_sc as plsc

N = 10000
E = 320000
F_IN = 128
F_OUT = 32
FC = 2 * F_OUT

NC, NS = 2, 16
NW = NC * NS
NPAD = 10240
EPAD = 327680
EPT = EPAD // NW
BLK = 128
NBLK = EPT // BLK
ROWS_PT = NPAD // NS

BR = 1024


def _sc_round_body(h_hbm, src_hbm, dst_hbm, w_hbm, out_hbm,
                   src_v, dst_v, w_v, rows_v, acc_sh, sem):
    c = lax.axis_index("c")
    s = lax.axis_index("s")
    wid = c * NS + s

    def _zrow(i, _):
        for f in range(FC // 16):
            rows_v[i, pl.ds(f * 16, 16)] = jnp.zeros((16,), jnp.float32)
        return _
    lax.fori_loop(0, BLK, _zrow, 0, unroll=8)
    row0 = s * ROWS_PT
    for zb in range(ROWS_PT // BLK):
        pltpu.sync_copy(rows_v, acc_sh.at[pl.ds(row0 + zb * BLK, BLK)])
    plsc.subcore_barrier()

    ebase = wid * EPT

    def _block(blk, _):
        off = ebase + blk * BLK
        pltpu.sync_copy(src_hbm.at[pl.ds(off, BLK)], src_v)
        pltpu.sync_copy(dst_hbm.at[pl.ds(off, BLK)], dst_v)
        pltpu.sync_copy(w_hbm.at[pl.ds(off, BLK)], w_v)
        pltpu.async_copy(h_hbm.at[src_v], rows_v, sem).wait()

        def _scale(g, _):
            wv = w_v[pl.ds(g * 16, 16)]
            for j in range(16):
                e = g * 16 + j
                wspl = jnp.full((16,), wv[j])
                for f in range(FC // 16):
                    sl = pl.ds(f * 16, 16)
                    rows_v[e, sl] = rows_v[e, sl] * wspl
            return _
        lax.fori_loop(0, BLK // 16, _scale, 0)

        pltpu.sync_copy(rows_v, acc_sh.at[dst_v], add=True)
        return _
    lax.fori_loop(0, NBLK, _block, 0)

    plsc.subcore_barrier()
    pltpu.sync_copy(acc_sh.at[pl.ds(row0, ROWS_PT)],
                    out_hbm.at[c, pl.ds(row0, ROWS_PT)])


_sc_round = functools.partial(
    pl.kernel,
    out_type=jax.ShapeDtypeStruct((NC, NPAD, FC), jnp.float32),
    mesh=plsc.VectorSubcoreMesh(core_axis_name="c", subcore_axis_name="s",
                                num_cores=NC, num_subcores=NS),
    compiler_params=pltpu.CompilerParams(use_tc_tiling_on_sc=False),
    scratch_types=[
        pltpu.VMEM((BLK,), jnp.int32),
        pltpu.VMEM((BLK,), jnp.int32),
        pltpu.VMEM((BLK,), jnp.float32),
        pltpu.VMEM((BLK, FC), jnp.float32),
        pltpu.VMEM_SHARED((NPAD, FC), jnp.float32),
        pltpu.SemaphoreType.DMA,
    ],
)(_sc_round_body)


def _project_body(x_ref, th_ref, b_ref, a1_ref, a2_ref, a3_ref, bc_ref):
    z = jnp.dot(x_ref[...], th_ref[...], preferred_element_type=jnp.float32)
    a1_ref[...] = z[:, FC:2 * FC]
    a2_ref[...] = z[:, 2 * FC:3 * FC]
    a3_ref[...] = z[:, 3 * FC:4 * FC]
    bc_ref[...] = z[:, 0:FC] - z[:, 2 * FC:3 * FC] + b_ref[...]


def _project(x_pad, theta_cat, bias_cat):
    grid = (NPAD // BR,)
    return pl.pallas_call(
        _project_body,
        grid=grid,
        in_specs=[
            pl.BlockSpec((BR, F_IN), lambda i: (i, 0)),
            pl.BlockSpec((F_IN, 4 * FC), lambda i: (0, 0)),
            pl.BlockSpec((1, FC), lambda i: (0, 0)),
        ],
        out_specs=[pl.BlockSpec((BR, FC), lambda i: (i, 0))] * 4,
        out_shape=[jax.ShapeDtypeStruct((NPAD, FC), jnp.float32)] * 4,
    )(x_pad, theta_cat, bias_cat)


def _combine1_body(u_ref, a2_ref, o_ref):
    o_ref[...] = a2_ref[...] + 2.0 * (u_ref[0] + u_ref[1])


def _combine1(u, a2):
    return pl.pallas_call(
        _combine1_body,
        grid=(NPAD // BR,),
        in_specs=[
            pl.BlockSpec((NC, BR, FC), lambda i: (0, i, 0)),
            pl.BlockSpec((BR, FC), lambda i: (i, 0)),
        ],
        out_specs=pl.BlockSpec((BR, FC), lambda i: (i, 0)),
        out_shape=jax.ShapeDtypeStruct((NPAD, FC), jnp.float32),
    )(u, a2)


def _combine2_body(v_ref, a1_ref, a3_ref, o_ref):
    o_ref[...] = a1_ref[...] - 3.0 * a3_ref[...] + 2.0 * (v_ref[0] + v_ref[1])


def _combine2(v, a1, a3):
    return pl.pallas_call(
        _combine2_body,
        grid=(NPAD // BR,),
        in_specs=[
            pl.BlockSpec((NC, BR, FC), lambda i: (0, i, 0)),
            pl.BlockSpec((BR, FC), lambda i: (i, 0)),
            pl.BlockSpec((BR, FC), lambda i: (i, 0)),
        ],
        out_specs=pl.BlockSpec((BR, FC), lambda i: (i, 0)),
        out_shape=jax.ShapeDtypeStruct((NPAD, FC), jnp.float32),
    )(v, a1, a3)


def _epilogue_body(r_ref, bc_ref, sb_ref, o_ref):
    p = bc_ref[...] + r_ref[0] + r_ref[1]
    o_ref[...] = p[:, :F_OUT] + sb_ref[...] * p[:, F_OUT:]


def _epilogue(r, bc, sb):
    return pl.pallas_call(
        _epilogue_body,
        grid=(NPAD // BR,),
        in_specs=[
            pl.BlockSpec((NC, BR, FC), lambda i: (0, i, 0)),
            pl.BlockSpec((BR, FC), lambda i: (i, 0)),
            pl.BlockSpec((BR, F_OUT), lambda i: (i, 0)),
        ],
        out_specs=pl.BlockSpec((BR, F_OUT), lambda i: (i, 0)),
        out_shape=jax.ShapeDtypeStruct((NPAD, F_OUT), jnp.float32),
    )(r, bc, sb)


@jax.jit
def kernel(x, edge_indices, edge_attrs, s_local, Theta0, Theta1, bias):
    x_pad = jnp.pad(x[0], ((0, NPAD - N), (0, 0)))
    src = jnp.pad(edge_indices[0], (0, EPAD - E))
    dst = jnp.pad(edge_indices[1], (0, EPAD - E))
    w = jnp.pad(edge_attrs, (0, EPAD - E))
    sb = jnp.broadcast_to(jnp.pad(s_local[0], (0, NPAD - N))[:, None],
                          (NPAD, F_OUT))

    theta_cat = jnp.concatenate(
        [jnp.concatenate([Theta0[k], Theta1[k]], axis=1) for k in range(4)],
        axis=1)
    bias_cat = jnp.concatenate([bias, jnp.zeros_like(bias)])[None, :]

    a1, a2, a3, bc = _project(x_pad, theta_cat, bias_cat)

    u = _sc_round(a3, src, dst, w)
    h2 = _combine1(u, a2)
    v = _sc_round(h2, src, dst, w)
    h3 = _combine2(v, a1, a3)
    r = _sc_round(h3, src, dst, w)

    out = _epilogue(r, bc, sb)
    return out[:N][None, :, :]

# --- scband reference (transcript-rebuilt; emitter-appended) ---
"""Pipeline reference for scband-adaptive-graph-wavelet-conv-13726715478521 (READ-ONLY COPY).

The authoritative reference and input builder live on the scoring server;
editing this copy changes nothing except your own understanding.
"""

import jax, jax.numpy as jnp
import numpy as np

N, E, F_IN, F_OUT, K = 10000, 320000, 128, 32, 3

def setup_inputs(seed: int = 0) -> dict:
    key = jax.random.key(seed)
    ks = jax.random.split(key, 7)
    x = jax.random.normal(ks[0], (1, N, F_IN), dtype=jnp.float32)
    edge_indices = jax.random.randint(ks[1], (2, E), 0, N, dtype=jnp.int32)
    edge_attrs = jax.random.uniform(ks[2], (E,), dtype=jnp.float32)
    s_local = jax.random.uniform(ks[3], (1, N), dtype=jnp.float32)
    gain = float(np.sqrt(2.0))
    fan_in = F_IN * F_OUT
    fan_out = (K + 1) * F_OUT
    b0 = gain * float(np.sqrt(6.0 / (fan_in + fan_out)))
    b1 = b0 * 0.1
    Theta0 = jax.random.uniform(ks[4], (K + 1, F_IN, F_OUT), minval=-b0, maxval=b0, dtype=jnp.float32)
    Theta1 = jax.random.uniform(ks[5], (K + 1, F_IN, F_OUT), minval=-b1, maxval=b1, dtype=jnp.float32)
    bias = jnp.zeros((F_OUT,), dtype=jnp.float32)
    return {"x": x, "edge_indices": edge_indices, "edge_attrs": edge_attrs, "s_local": s_local, "Theta0": Theta0, "Theta1": Theta1, "bias": bias}

def reference(x, edge_indices, edge_attrs, s_local, Theta0, Theta1, bias):
    B, n, f_in = x.shape
    Kp1 = Theta0.shape[0]
    src = edge_indices[0]
    dst = edge_indices[1]
    def mp(h):
        msgs = edge_attrs[:, None] * h[src]
        return jnp.zeros_like(h).at[dst].add(msgs)
    outs = []
    for b in range(B):
        xb = x[b]
        Tx = [xb]
        if Kp1 >= 2:
            Tx0 = xb
            Tx1 = mp(xb)
            Tx.append(Tx1)
            for k in range(2, Kp1):
                Txk = 2.0 * mp(Tx1) - Tx0
                Tx.append(Txk)
                Tx0, Tx1 = Tx1, Txk
    # einsum('knf,nkfo->no', Tx, Theta0 + s*Theta1) factored to avoid [N,K+1,Fin,Fout]
        Txs = jnp.stack(Tx, axis=0)
        out0 = jnp.einsum('knf,kfo->no', Txs, Theta0)
        out1 = jnp.einsum('knf,kfo->no', Txs, Theta1)
        outs.append(out0 + s_local[b][:, None] * out1)
    out = jnp.stack(outs, axis=0) + bias
    return out

if __name__ == "__main__":
    import jax
    _d = setup_inputs()
    print(jax.jit(kernel)(*tuple(_d.values())))

</pallas_src>

<mosaic_0001>
#map = affine_map<(d0, d1) -> (0, 0)>
#map1 = affine_map<(d0, d1) -> (0)>
#map2 = affine_map<(d0, d1) -> (0, 0, 0)>
module attributes {stable_mosaic.version = 14 : i64} {
  func.func @_sc_round_body(%arg0: i32, %arg1: i32, %arg2: memref<10240x64xf32, #tpu.memory_space<hbm>>, %arg3: memref<327680xi32, #tpu.memory_space<hbm>>, %arg4: memref<327680xi32, #tpu.memory_space<hbm>>, %arg5: memref<327680xf32, #tpu.memory_space<hbm>>, %arg6: memref<2x10240x64xf32, #tpu.memory_space<hbm>>, %arg7: memref<128xi32, #tpu.memory_space<vmem>>, %arg8: memref<128xi32, #tpu.memory_space<vmem>>, %arg9: memref<128xf32, #tpu.memory_space<vmem>>, %arg10: memref<128x64xf32, #tpu.memory_space<vmem>>, %arg11: memref<10240x64xf32, #tpu.memory_space<vmem_shared>>, %arg12: memref<!tpu.dma_semaphore, #tpu.memory_space<semaphore_mem>>) attributes {dimension_semantics = [#tpu.dimension_semantics<core_parallel>, #tpu.dimension_semantics<subcore_parallel>], iteration_bounds = array<i64: 2, 16>, scalar_prefetch = 0 : i64, scratch_operands = 6 : i64, tpu.core_type = #tpu.core_type<sc_vector_subcore>, window_params = [{transform_indices = #map}, {transform_indices = #map1}, {transform_indices = #map1}, {transform_indices = #map1}, {transform_indices = #map2}]} {
    %mul3A = arith.constant 16 : i32
    %mul3A_0 = arith.muli %arg0, %mul3A : i32
    %add3A = arith.addi %mul3A_0, %arg1 : i32
    %scan3A = arith.constant 0 : i32
    %scan3A_1 = arith.constant 0 : i32
    %scan3A_2 = arith.constant 128 : i32
    %scan3A_3 = arith.addi %scan3A_1, %scan3A_2 : i32
    %scan3A_4 = arith.constant 8 : i32
    scf.for %scan3A_27 = %scan3A_1 to %scan3A_3 step %scan3A_4  : i32 {
      %broadcast_in_dim3A = arith.constant 0.000000e+00 : f32
      %broadcast_in_dim3A_28 = vector.broadcast %broadcast_in_dim3A : f32 to vector<16xf32>
      %swap3A = arith.index_cast %scan3A_27 : i32 to index
      %swap3A_29 = arith.constant 0 : index
      %swap3A_30 = tpu.vector_load %arg10[%swap3A, %swap3A_29] {strides = array<i32>} : memref<128x64xf32, #tpu.memory_space<vmem>>, vector<1x16xf32>,
      %swap3A_31 = vector.shape_cast %swap3A_30 : vector<1x16xf32> to vector<16xf32>
      %swap3A_32 = vector.shape_cast %broadcast_in_dim3A_28 : vector<16xf32> to vector<1x16xf32>
      tpu.vector_store %arg10[%swap3A, %swap3A_29], %swap3A_32 {strides = array<i32>} : memref<128x64xf32, #tpu.memory_space<vmem>>, vector<1x16xf32>,
      %broadcast_in_dim3A_33 = arith.constant 0.000000e+00 : f32
      %broadcast_in_dim3A_34 = vector.broadcast %broadcast_in_dim3A_33 : f32 to vector<16xf32>
      %swap3A_35 = arith.index_cast %scan3A_27 : i32 to index
      %swap3A_36 = arith.constant 16 : index
      %swap3A_37 = tpu.vector_load %arg10[%swap3A_35, %swap3A_36] {strides = array<i32>} : memref<128x64xf32, #tpu.memory_space<vmem>>, vector<1x16xf32>,
      %swap3A_38 = vector.shape_cast %swap3A_37 : vector<1x16xf32> to vector<16xf32>
      %swap3A_39 = vector.shape_cast %broadcast_in_dim3A_34 : vector<16xf32> to vector<1x16xf32>
      tpu.vector_store %arg10[%swap3A_35, %swap3A_36], %swap3A_39 {strides = array<i32>} : memref<128x64xf32, #tpu.memory_space<vmem>>, vector<1x16xf32>,
      %broadcast_in_dim3A_40 = arith.constant 0.000000e+00 : f32
      %broadcast_in_dim3A_41 = vector.broadcast %broadcast_in_dim3A_40 : f32 to vector<16xf32>
      %swap3A_42 = arith.index_cast %scan3A_27 : i32 to index
      %swap3A_43 = arith.constant 32 : index
      %swap3A_44 = tpu.vector_load %arg10[%swap3A_42, %swap3A_43] {strides = array<i32>} : memref<128x64xf32, #tpu.memory_space<vmem>>, vector<1x16xf32>,
      %swap3A_45 = vector.shape_cast %swap3A_44 : vector<1x16xf32> to vector<16xf32>
      %swap3A_46 = vector.shape_cast %broadcast_in_dim3A_41 : vector<16xf32> to vector<1x16xf32>
      tpu.vector_store %arg10[%swap3A_42, %swap3A_43], %swap3A_46 {strides = array<i32>} : memref<128x64xf32, #tpu.memory_space<vmem>>, vector<1x16xf32>,
      %broadcast_in_dim3A_47 = arith.constant 0.000000e+00 : f32
      %broadcast_in_dim3A_48 = vector.broadcast %broadcast_in_dim3A_47 : f32 to vector<16xf32>
      %swap3A_49 = arith.index_cast %scan3A_27 : i32 to index
      %swap3A_50 = arith.constant 48 : index
      %swap3A_51 = tpu.vector_load %arg10[%swap3A_49, %swap3A_50] {strides = array<i32>} : memref<128x64xf32, #tpu.memory_space<vmem>>, vector<1x16xf32>,
      %swap3A_52 = vector.shape_cast %swap3A_51 : vector<1x16xf32> to vector<16xf32>
      %swap3A_53 = vector.shape_cast %broadcast_in_dim3A_48 : vector<16xf32> to vector<1x16xf32>
      tpu.vector_store %arg10[%swap3A_49, %swap3A_50], %swap3A_53 {strides = array<i32>} : memref<128x64xf32, #tpu.memory_space<vmem>>, vector<1x16xf32>,
      %scan3A_54 = arith.constant 1 : i32
      %scan3A_55 = arith.addi %scan3A_27, %scan3A_54 : i32
      %broadcast_in_dim3A_56 = arith.constant 0.000000e+00 : f32
      %broadcast_in_dim3A_57 = vector.broadcast %broadcast_in_dim3A_56 : f32 to vector<16xf32>
      %swap3A_58 = arith.index_cast %scan3A_55 : i32 to index
      %swap3A_59 = arith.constant 0 : index
      %swap3A_60 = tpu.vector_load %arg10[%swap3A_58, %swap3A_59] {strides = array<i32>} : memref<128x64xf32, #tpu.memory_space<vmem>>, vector<1x16xf32>,
      %swap3A_61 = vector.shape_cast %swap3A_60 : vector<1x16xf32> to vector<16xf32>
      %swap3A_62 = vector.shape_cast %broadcast_in_dim3A_57 : vector<16xf32> to vector<1x16xf32>
      tpu.vector_store %arg10[%swap3A_58, %swap3A_59], %swap3A_62 {strides = array<i32>} : memref<128x64xf32, #tpu.memory_space<vmem>>, vector<1x16xf32>,
      %broadcast_in_dim3A_63 = arith.constant 0.000000e+00 : f32
      %broadcast_in_dim3A_64 = vector.broadcast %broadcast_in_dim3A_63 : f32 to vector<16xf32>
      %swap3A_65 = arith.index_cast %scan3A_55 : i32 to index
      %swap3A_66 = arith.constant 16 : index
      %swap3A_67 = tpu.vector_load %arg10[%swap3A_65, %swap3A_66] {strides = array<i32>} : memref<128x64xf32, #tpu.memory_space<vmem>>, vector<1x16xf32>,
      %swap3A_68 = vector.shape_cast %swap3A_67 : vector<1x16xf32> to vector<16xf32>
      %swap3A_69 = vector.shape_cast %broadcast_in_dim3A_64 : vector<16xf32> to vector<1x16xf32>
      tpu.vector_store %arg10[%swap3A_65, %swap3A_66], %swap3A_69 {strides = array<i32>} : memref<128x64xf32, #tpu.memory_space<vmem>>, vector<1x16xf32>,
      %broadcast_in_dim3A_70 = arith.constant 0.000000e+00 : f32
      %broadcast_in_dim3A_71 = vector.broadcast %broadcast_in_dim3A_70 : f32 to vector<16xf32>
      %swap3A_72 = arith.index_cast %scan3A_55 : i32 to index
      %swap3A_73 = arith.constant 32 : index
      %swap3A_74 = tpu.vector_load %arg10[%swap3A_72, %swap3A_73] {strides = array<i32>} : memref<128x64xf32, #tpu.memory_space<vmem>>, vector<1x16xf32>,
      %swap3A_75 = vector.shape_cast %swap3A_74 : vector<1x16xf32> to vector<16xf32>
      %swap3A_76 = vector.shape_cast %broadcast_in_dim3A_71 : vector<16xf32> to vector<1x16xf32>
      tpu.vector_store %arg10[%swap3A_72, %swap3A_73], %swap3A_76 {strides = array<i32>} : memref<128x64xf32, #tpu.memory_space<vmem>>, vector<1x16xf32>,
      %broadcast_in_dim3A_77 = arith.constant 0.000000e+00 : f32
      %broadcast_in_dim3A_78 = vector.broadcast %broadcast_in_dim3A_77 : f32 to vector<16xf32>
      %swap3A_79 = arith.index_cast %scan3A_55 : i32 to index
      %swap3A_80 = arith.constant 48 : index
      %swap3A_81 = tpu.vector_load %arg10[%swap3A_79, %swap3A_80] {strides = array<i32>} : memref<128x64xf32, #tpu.memory_space<vmem>>, vector<1x16xf32>,
      %swap3A_82 = vector.shape_cast %swap3A_81 : vector<1x16xf32> to vector<16xf32>
      %swap3A_83 = vector.shape_cast %broadcast_in_dim3A_78 : vector<16xf32> to vector<1x16xf32>
      tpu.vector_store %arg10[%swap3A_79, %swap3A_80], %swap3A_83 {strides = array<i32>} : memref<128x64xf32, #tpu.memory_space<vmem>>, vector<1x16xf32>,
      %scan3A_84 = arith.constant 2 : i32
      %scan3A_85 = arith.addi %scan3A_27, %scan3A_84 : i32
      %broadcast_in_dim3A_86 = arith.constant 0.000000e+00 : f32
      %broadcast_in_dim3A_87 = vector.broadcast %broadcast_in_dim3A_86 : f32 to vector<16xf32>
      %swap3A_88 = arith.index_cast %scan3A_85 : i32 to index
      %swap3A_89 = arith.constant 0 : index
      %swap3A_90 = tpu.vector_load %arg10[%swap3A_88, %swap3A_89] {strides = array<i32>} : memref<128x64xf32, #tpu.memory_space<vmem>>, vector<1x16xf32>,
      %swap3A_91 = vector.shape_cast %swap3A_90 : vector<1x16xf32> to vector<16xf32>
      %swap3A_92 = vector.shape_cast %broadcast_in_dim3A_87 : vector<16xf32> to vector<1x16xf32>
      tpu.vector_store %arg10[%swap3A_88, %swap3A_89], %swap3A_92 {strides = array<i32>} : memref<128x64xf32, #tpu.memory_space<vmem>>, vector<1x16xf32>,
      %broadcast_in_dim3A_93 = arith.constant 0.000000e+00 : f32
      %broadcast_in_dim3A_94 = vector.broadcast %broadcast_in_dim3A_93 : f32 to vector<16xf32>
      %swap3A_95 = arith.index_cast %scan3A_85 : i32 to index
      %swap3A_96 = arith.constant 16 : index
      %swap3A_97 = tpu.vector_load %arg10[%swap3A_95, %swap3A_96] {strides = array<i32>} : memref<128x64xf32, #tpu.memory_space<vmem>>, vector<1x16xf32>,
      %swap3A_98 = vector.shape_cast %swap3A_97 : vector<1x16xf32> to vector<16xf32>
      %swap3A_99 = vector.shape_cast %broadcast_in_dim3A_94 : vector<16xf32> to vector<1x16xf32>
      tpu.vector_store %arg10[%swap3A_95, %swap3A_96], %swap3A_99 {strides = array<i32>} : memref<128x64xf32, #tpu.memory_space<vmem>>, vector<1x16xf32>,
      %broadcast_in_dim3A_100 = arith.constant 0.000000e+00 : f32
      %broadcast_in_dim3A_101 = vector.broadcast %broadcast_in_dim3A_100 : f32 to vector<16xf32>
      %swap3A_102 = arith.index_cast %scan3A_85 : i32 to index
      %swap3A_103 = arith.constant 32 : index
      %swap3A_104 = tpu.vector_load %arg10[%swap3A_102, %swap3A_103] {strides = array<i32>} : memref<128x64xf32, #tpu.memory_space<vmem>>, vector<1x16xf32>,
      %swap3A_105 = vector.shape_cast %swap3A_104 : vector<1x16xf32> to vector<16xf32>
      %swap3A_106 = vector.shape_cast %broadcast_in_dim3A_101 : vector<16xf32> to vector<1x16xf32>
      tpu.vector_store %arg10[%swap3A_102, %swap3A_103], %swap3A_106 {strides = array<i32>} : memref<128x64xf32, #tpu.memory_space<vmem>>, vector<1x16xf32>,
      %broadcast_in_dim3A_107 = arith.constant 0.000000e+00 : f32
      %broadcast_in_dim3A_108 = vector.broadcast %broadcast_in_dim3A_107 : f32 to vector<16xf32>
      %swap3A_109 = arith.index_cast %scan3A_85 : i32 to index
      %swap3A_110 = arith.constant 48 : index
      %swap3A_111 = tpu.vector_load %arg10[%swap3A_109, %swap3A_110] {strides = array<i32>} : memref<128x64xf32, #tpu.memory_space<vmem>>, vector<1x16xf32>,
      %swap3A_112 = vector.shape_cast %swap3A_111 : vector<1x16xf32> to vector<16xf32>
      %swap3A_113 = vector.shape_cast %broadcast_in_dim3A_108 : vector<16xf32> to vector<1x16xf32>
      tpu.vector_store %arg10[%swap3A_109, %swap3A_110], %swap3A_113 {strides = array<i32>} : memref<128x64xf32, #tpu.memory_space<vmem>>, vector<1x16xf32>,
      %scan3A_114 = arith.constant 3 : i32
      %scan3A_115 = arith.addi %scan3A_27, %scan3A_114 : i32
      %broadcast_in_dim3A_116 = arith.constant 0.000000e+00 : f32
      %broadcast_in_dim3A_117 = vector.broadcast %broadcast_in_dim3A_116 : f32 to vector<16xf32>
      %swap3A_118 = arith.index_cast %scan3A_115 : i32 to index
      %swap3A_119 = arith.constant 0 : index
      %swap3A_120 = tpu.vector_load %arg10[%swap3A_118, %swap3A_119] {strides = array<i32>} : memref<128x64xf32, #tpu.memory_space<vmem>>, vector<1x16xf32>,
      %swap3A_121 = vector.shape_cast %swap3A_120 : vector<1x16xf32> to vector<16xf32>
      %swap3A_122 = vector.shape_cast %broadcast_in_dim3A_117 : vector<16xf32> to vector<1x16xf32>
      tpu.vector_store %arg10[%swap3A_118, %swap3A_119], %swap3A_122 {strides = array<i32>} : memref<128x64xf32, #tpu.memory_space<vmem>>, vector<1x16xf32>,
      %broadcast_in_dim3A_123 = arith.constant 0.000000e+00 : f32
      %broadcast_in_dim3A_124 = vector.broadcast %broadcast_in_dim3A_123 : f32 to vector<16xf32>
      %swap3A_125 = arith.index_cast %scan3A_115 : i32 to index
      %swap3A_126 = arith.constant 16 : index
      %swap3A_127 = tpu.vector_load %arg10[%swap3A_125, %swap3A_126] {strides = array<i32>} : memref<128x64xf32, #tpu.memory_space<vmem>>, vector<1x16xf32>,
      %swap3A_128 = vector.shape_cast %swap3A_127 : vector<1x16xf32> to vector<16xf32>
      %swap3A_129 = vector.shape_cast %broadcast_in_dim3A_124 : vector<16xf32> to vector<1x16xf32>
      tpu.vector_store %arg10[%swap3A_125, %swap3A_126], %swap3A_129 {strides = array<i32>} : memref<128x64xf32, #tpu.memory_space<vmem>>, vector<1x16xf32>,
      %broadcast_in_dim3A_130 = arith.constant 0.000000e+00 : f32
      %broadcast_in_dim3A_131 = vector.broadcast %broadcast_in_dim3A_130 : f32 to vector<16xf32>
      %swap3A_132 = arith.index_cast %scan3A_115 : i32 to index
      %swap3A_133 = arith.constant 32 : index
      %swap3A_134 = tpu.vector_load %arg10[%swap3A_132, %swap3A_133] {strides = array<i32>} : memref<128x64xf32, #tpu.memory_space<vmem>>, vector<1x16xf32>,
      %swap3A_135 = vector.shape_cast %swap3A_134 : vector<1x16xf32> to vector<16xf32>
      %swap3A_136 = vector.shape_cast %broadcast_in_dim3A_131 : vector<16xf32> to vector<1x16xf32>
      tpu.vector_store %arg10[%swap3A_132, %swap3A_133], %swap3A_136 {strides = array<i32>} : memref<128x64xf32, #tpu.memory_space<vmem>>, vector<1x16xf32>,
      %broadcast_in_dim3A_137 = arith.constant 0.000000e+00 : f32
      %broadcast_in_dim3A_138 = vector.broadcast %broadcast_in_dim3A_137 : f32 to vector<16xf32>
      %swap3A_139 = arith.index_cast %scan3A_115 : i32 to index
      %swap3A_140 = arith.constant 48 : index
      %swap3A_141 = tpu.vector_load %arg10[%swap3A_139, %swap3A_140] {strides = array<i32>} : memref<128x64xf32, #tpu.memory_space<vmem>>, vector<1x16xf32>,
      %swap3A_142 = vector.shape_cast %swap3A_141 : vector<1x16xf32> to vector<16xf32>
      %swap3A_143 = vector.shape_cast %broadcast_in_dim3A_138 : vector<16xf32> to vector<1x16xf32>
      tpu.vector_store %arg10[%swap3A_139, %swap3A_140], %swap3A_143 {strides = array<i32>} : memref<128x64xf32, #tpu.memory_space<vmem>>, vector<1x16xf32>,
      %scan3A_144 = arith.constant 4 : i32
      %scan3A_145 = arith.addi %scan3A_27, %scan3A_144 : i32
      %broadcast_in_dim3A_146 = arith.constant 0.000000e+00 : f32
      %broadcast_in_dim3A_147 = vector.broadcast %broadcast_in_dim3A_146 : f32 to vector<16xf32>
      %swap3A_148 = arith.index_cast %scan3A_145 : i32 to index
      %swap3A_149 = arith.constant 0 : index
      %swap3A_150 = tpu.vector_load %arg10[%swap3A_148, %swap3A_149] {strides = array<i32>} : memref<128x64xf32, #tpu.memory_space<vmem>>, vector<1x16xf32>,
      %swap3A_151 = vector.shape_cast %swap3A_150 : vector<1x16xf32> to vector<16xf32>
      %swap3A_152 = vector.shape_cast %broadcast_in_dim3A_147 : vector<16xf32> to vector<1x16xf32>
      tpu.vector_store %arg10[%swap3A_148, %swap3A_149], %swap3A_152 {strides = array<i32>} : memref<128x64xf32, #tpu.memory_space<vmem>>, vector<1x16xf32>,
      %broadcast_in_dim3A_153 = arith.constant 0.000000e+00 : f32
      %broadcast_in_dim3A_154 = vector.broadcast %broadcast_in_dim3A_153 : f32 to vector<16xf32>
      %swap3A_155 = arith.index_cast %scan3A_145 : i32 to index
      %swap3A_156 = arith.constant 16 : index
      %swap3A_157 = tpu.vector_load %arg10[%swap3A_155, %swap3A_156] {strides = array<i32>} : memref<128x64xf32, #tpu.memory_space<vmem>>, vector<1x16xf32>,
      %swap3A_158 = vector.shape_cast %swap3A_157 : vector<1x16xf32> to vector<16xf32>
      %swap3A_159 = vector.shape_cast %broadcast_in_dim3A_154 : vector<16xf32> to vector<1x16xf32>
      tpu.vector_store %arg10[%swap3A_155, %swap3A_156], %swap3A_159 {strides = array<i32>} : memref<128x64xf32, #tpu.memory_space<vmem>>, vector<1x16xf32>,
      %broadcast_in_dim3A_160 = arith.constant 0.000000e+00 : f32
      %broadcast_in_dim3A_161 = vector.broadcast %broadcast_in_dim3A_160 : f32 to vector<16xf32>
      %swap3A_162 = arith.index_cast %scan3A_145 : i32 to index
      %swap3A_163 = arith.constant 32 : index
      %swap3A_164 = tpu.vector_load %arg10[%swap3A_162, %swap3A_163] {strides = array<i32>} : memref<128x64xf32, #tpu.memory_space<vmem>>, vector<1x16xf32>,
      %swap3A_165 = vector.shape_cast %swap3A_164 : vector<1x16xf32> to vector<16xf32>
      %swap3A_166 = vector.shape_cast %broadcast_in_dim3A_161 : vector<16xf32> to vector<1x16xf32>
      tpu.vector_store %arg10[%swap3A_162, %swap3A_163], %swap3A_166 {strides = array<i32>} : memref<128x64xf32, #tpu.memory_space<vmem>>, vector<1x16xf32>,
      %broadcast_in_dim3A_167 = arith.constant 0.000000e+00 : f32
      %broadcast_in_dim3A_168 = vector.broadcast %broadcast_in_dim3A_167 : f32 to vector<16xf32>
      %swap3A_169 = arith.index_cast %scan3A_145 : i32 to index
      %swap3A_170 = arith.constant 48 : index
      %swap3A_171 = tpu.vector_load %arg10[%swap3A_169, %swap3A_170] {strides = array<i32>} : memref<128x64xf32, #tpu.memory_space<vmem>>, vector<1x16xf32>,
      %swap3A_172 = vector.shape_cast %swap3A_171 : vector<1x16xf32> to vector<16xf32>
      %swap3A_173 = vector.shape_cast %broadcast_in_dim3A_168 : vector<16xf32> to vector<1x16xf32>
      tpu.vector_store %arg10[%swap3A_169, %swap3A_170], %swap3A_173 {strides = array<i32>} : memref<128x64xf32, #tpu.memory_space<vmem>>, vector<1x16xf32>,
      %scan3A_174 = arith.constant 5 : i32
      %scan3A_175 = arith.addi %scan3A_27, %scan3A_174 : i32
      %broadcast_in_dim3A_176 = arith.constant 0.000000e+00 : f32
      %broadcast_in_dim3A_177 = vector.broadcast %broadcast_in_dim3A_176 : f32 to vector<16xf32>
      %swap3A_178 = arith.index_cast %scan3A_175 : i32 to index
      %swap3A_179 = arith.constant 0 : index
      %swap3A_180 = tpu.vector_load %arg10[%swap3A_178, %swap3A_179] {strides = array<i32>} : memref<128x64xf32, #tpu.memory_space<vmem>>, vector<1x16xf32>,
      %swap3A_181 = vector.shape_cast %swap3A_180 : vector<1x16xf32> to vector<16xf32>
      %swap3A_182 = vector.shape_cast %broadcast_in_dim3A_177 : vector<16xf32> to vector<1x16xf32>
      tpu.vector_store %arg10[%swap3A_178, %swap3A_179], %swap3A_182 {strides = array<i32>} : memref<128x64xf32, #tpu.memory_space<vmem>>, vector<1x16xf32>,
      %broadcast_in_dim3A_183 = arith.constant 0.000000e+00 : f32
      %broadcast_in_dim3A_184 = vector.broadcast %broadcast_in_dim3A_183 : f32 to vector<16xf32>
      %swap3A_185 = arith.index_cast %scan3A_175 : i32 to index
      %swap3A_186 = arith.constant 16 : index
      %swap3A_187 = tpu.vector_load %arg10[%swap3A_185, %swap3A_186] {strides = array<i32>} : memref<128x64xf32, #tpu.memory_space<vmem>>, vector<1x16xf32>,
      %swap3A_188 = vector.shape_cast %swap3A_187 : vector<1x16xf32> to vector<16xf32>
      %swap3A_189 = vector.shape_cast %broadcast_in_dim3A_184 : vector<16xf32> to vector<1x16xf32>
      tpu.vector_store %arg10[%swap3A_185, %swap3A_186], %swap3A_189 {strides = array<i32>} : memref<128x64xf32, #tpu.memory_space<vmem>>, vector<1x16xf32>,
      %broadcast_in_dim3A_190 = arith.constant 0.000000e+00 : f32
      %broadcast_in_dim3A_191 = vector.broadcast %broadcast_in_dim3A_190 : f32 to vector<16xf32>
      %swap3A_192 = arith.index_cast %scan3A_175 : i32 to index
      %swap3A_193 = arith.constant 32 : index
      %swap3A_194 = tpu.vector_load %arg10[%swap3A_192, %swap3A_193] {strides = array<i32>} : memref<128x64xf32, #tpu.memory_space<vmem>>, vector<1x16xf32>,
      %swap3A_195 = vector.shape_cast %swap3A_194 : vector<1x16xf32> to vector<16xf32>
      %swap3A_196 = vector.shape_cast %broadcast_in_dim3A_191 : vector<16xf32> to vector<1x16xf32>
      tpu.vector_store %arg10[%swap3A_192, %swap3A_193], %swap3A_196 {strides = array<i32>} : memref<128x64xf32, #tpu.memory_space<vmem>>, vector<1x16xf32>,
      %broadcast_in_dim3A_197 = arith.constant 0.000000e+00 : f32
      %broadcast_in_dim3A_198 = vector.broadcast %broadcast_in_dim3A_197 : f32 to vector<16xf32>
      %swap3A_199 = arith.index_cast %scan3A_175 : i32 to index
      %swap3A_200 = arith.constant 48 : index
      %swap3A_201 = tpu.vector_load %arg10[%swap3A_199, %swap3A_200] {strides = array<i32>} : memref<128x64xf32, #tpu.memory_space<vmem>>, vector<1x16xf32>,
      %swap3A_202 = vector.shape_cast %swap3A_201 : vector<1x16xf32> to vector<16xf32>
      %swap3A_203 = vector.shape_cast %broadcast_in_dim3A_198 : vector<16xf32> to vector<1x16xf32>
      tpu.vector_store %arg10[%swap3A_199, %swap3A_200], %swap3A_203 {strides = array<i32>} : memref<128x64xf32, #tpu.memory_space<vmem>>, vector<1x16xf32>,
      %scan3A_204 = arith.constant 6 : i32
      %scan3A_205 = arith.addi %scan3A_27, %scan3A_204 : i32
      %broadcast_in_dim3A_206 = arith.constant 0.000000e+00 : f32
      %broadcast_in_dim3A_207 = vector.broadcast %broadcast_in_dim3A_206 : f32 to vector<16xf32>
      %swap3A_208 = arith.index_cast %scan3A_205 : i32 to index
      %swap3A_209 = arith.constant 0 : index
      %swap3A_210 = tpu.vector_load %arg10[%swap3A_208, %swap3A_209] {strides = array<i32>} : memref<128x64xf32, #tpu.memory_space<vmem>>, vector<1x16xf32>,
      %swap3A_211 = vector.shape_cast %swap3A_210 : vector<1x16xf32> to vector<16xf32>
      %swap3A_212 = vector.shape_cast %broadcast_in_dim3A_207 : vector<16xf32> to vector<1x16xf32>
      tpu.vector_store %arg10[%swap3A_208, %swap3A_209], %swap3A_212 {strides = array<i32>} : memref<128x64xf32, #tpu.memory_space<vmem>>, vector<1x16xf32>,
      %broadcast_in_dim3A_213 = arith.constant 0.000000e+00 : f32
      %broadcast_in_dim3A_214 = vector.broadcast %broadcast_in_dim3A_213 : f32 to vector<16xf32>
      %swap3A_215 = arith.index_cast %scan3A_205 : i32 to index
      %swap3A_216 = arith.constant 16 : index
      %swap3A_217 = tpu.vector_load %arg10[%swap3A_215, %swap3A_216] {strides = array<i32>} : memref<128x64xf32, #tpu.memory_space<vmem>>, vector<1x16xf32>,
      %swap3A_218 = vector.shape_cast %swap3A_217 : vector<1x16xf32> to vector<16xf32>
      %swap3A_219 = vector.shape_cast %broadcast_in_dim3A_214 : vector<16xf32> to vector<1x16xf32>
      tpu.vector_store %arg10[%swap3A_215, %swap3A_216], %swap3A_219 {strides = array<i32>} : memref<128x64xf32, #tpu.memory_space<vmem>>, vector<1x16xf32>,
      %broadcast_in_dim3A_220 = arith.constant 0.000000e+00 : f32
      %broadcast_in_dim3A_221 = vector.broadcast %broadcast_in_dim3A_220 : f32 to vector<16xf32>
      %swap3A_222 = arith.index_cast %scan3A_205 : i32 to index
      %swap3A_223 = arith.constant 32 : index
      %swap3A_224 = tpu.vector_load %arg10[%swap3A_222, %swap3A_223] {strides = array<i32>} : memref<128x64xf32, #tpu.memory_space<vmem>>, vector<1x16xf32>,
      %swap3A_225 = vector.shape_cast %swap3A_224 : vector<1x16xf32> to vector<16xf32>
      %swap3A_226 = vector.shape_cast %broadcast_in_dim3A_221 : vector<16xf32> to vector<1x16xf32>
      tpu.vector_store %arg10[%swap3A_222, %swap3A_223], %swap3A_226 {strides = array<i32>} : memref<128x64xf32, #tpu.memory_space<vmem>>, vector<1x16xf32>,
      %broadcast_in_dim3A_227 = arith.constant 0.000000e+00 : f32
      %broadcast_in_dim3A_228 = vector.broadcast %broadcast_in_dim3A_227 : f32 to vector<16xf32>
      %swap3A_229 = arith.index_cast %scan3A_205 : i32 to index
      %swap3A_230 = arith.constant 48 : index
      %swap3A_231 = tpu.vector_load %arg10[%swap3A_229, %swap3A_230] {strides = array<i32>} : memref<128x64xf32, #tpu.memory_space<vmem>>, vector<1x16xf32>,
      %swap3A_232 = vector.shape_cast %swap3A_231 : vector<1x16xf32> to vector<16xf32>
      %swap3A_233 = vector.shape_cast %broadcast_in_dim3A_228 : vector<16xf32> to vector<1x16xf32>
      tpu.vector_store %arg10[%swap3A_229, %swap3A_230], %swap3A_233 {strides = array<i32>} : memref<128x64xf32, #tpu.memory_space<vmem>>, vector<1x16xf32>,
      %scan3A_234 = arith.constant 7 : i32
      %scan3A_235 = arith.addi %scan3A_27, %scan3A_234 : i32
      %broadcast_in_dim3A_236 = arith.constant 0.000000e+00 : f32
      %broadcast_in_dim3A_237 = vector.broadcast %broadcast_in_dim3A_236 : f32 to vector<16xf32>
      %swap3A_238 = arith.index_cast %scan3A_235 : i32 to index
      %swap3A_239 = arith.constant 0 : index
      %swap3A_240 = tpu.vector_load %arg10[%swap3A_238, %swap3A_239] {strides = array<i32>} : memref<128x64xf32, #tpu.memory_space<vmem>>, vector<1x16xf32>,
      %swap3A_241 = vector.shape_cast %swap3A_240 : vector<1x16xf32> to vector<16xf32>
      %swap3A_242 = vector.shape_cast %broadcast_in_dim3A_237 : vector<16xf32> to vector<1x16xf32>
      tpu.vector_store %arg10[%swap3A_238, %swap3A_239], %swap3A_242 {strides = array<i32>} : memref<128x64xf32, #tpu.memory_space<vmem>>, vector<1x16xf32>,
      %broadcast_in_dim3A_243 = arith.constant 0.000000e+00 : f32
      %broadcast_in_dim3A_244 = vector.broadcast %broadcast_in_dim3A_243 : f32 to vector<16xf32>
      %swap3A_245 = arith.index_cast %scan3A_235 : i32 to index
      %swap3A_246 = arith.constant 16 : index
      %swap3A_247 = tpu.vector_load %arg10[%swap3A_245, %swap3A_246] {strides = array<i32>} : memref<128x64xf32, #tpu.memory_space<vmem>>, vector<1x16xf32>,
      %swap3A_248 = vector.shape_cast %swap3A_247 : vector<1x16xf32> to vector<16xf32>
      %swap3A_249 = vector.shape_cast %broadcast_in_dim3A_244 : vector<16xf32> to vector<1x16xf32>
      tpu.vector_store %arg10[%swap3A_245, %swap3A_246], %swap3A_249 {strides = array<i32>} : memref<128x64xf32, #tpu.memory_space<vmem>>, vector<1x16xf32>,
      %broadcast_in_dim3A_250 = arith.constant 0.000000e+00 : f32
      %broadcast_in_dim3A_251 = vector.broadcast %broadcast_in_dim3A_250 : f32 to vector<16xf32>
      %swap3A_252 = arith.index_cast %scan3A_235 : i32 to index
      %swap3A_253 = arith.constant 32 : index
      %swap3A_254 = tpu.vector_load %arg10[%swap3A_252, %swap3A_253] {strides = array<i32>} : memref<128x64xf32, #tpu.memory_space<vmem>>, vector<1x16xf32>,
      %swap3A_255 = vector.shape_cast %swap3A_254 : vector<1x16xf32> to vector<16xf32>
      %swap3A_256 = vector.shape_cast %broadcast_in_dim3A_251 : vector<16xf32> to vector<1x16xf32>
      tpu.vector_store %arg10[%swap3A_252, %swap3A_253], %swap3A_256 {strides = array<i32>} : memref<128x64xf32, #tpu.memory_space<vmem>>, vector<1x16xf32>,
      %broadcast_in_dim3A_257 = arith.constant 0.000000e+00 : f32
      %broadcast_in_dim3A_258 = vector.broadcast %broadcast_in_dim3A_257 : f32 to vector<16xf32>
      %swap3A_259 = arith.index_cast %scan3A_235 : i32 to index
      %swap3A_260 = arith.constant 48 : index
      %swap3A_261 = tpu.vector_load %arg10[%swap3A_259, %swap3A_260] {strides = array<i32>} : memref<128x64xf32, #tpu.memory_space<vmem>>, vector<1x16xf32>,
      %swap3A_262 = vector.shape_cast %swap3A_261 : vector<1x16xf32> to vector<16xf32>
      %swap3A_263 = vector.shape_cast %broadcast_in_dim3A_258 : vector<16xf32> to vector<1x16xf32>
      tpu.vector_store %arg10[%swap3A_259, %swap3A_260], %swap3A_263 {strides = array<i32>} : memref<128x64xf32, #tpu.memory_space<vmem>>, vector<1x16xf32>,
    }
    %scan3A_5 = arith.constant 128 : i32
    %mul3A_6 = arith.constant 640 : i32
    %mul3A_7 = arith.muli %arg1, %mul3A_6 : i32
    %add3A_8 = arith.constant 0 : i32
    %add3A_9 = arith.addi %mul3A_7, %add3A_8 : i32
    "tpu.region"() ({
      %run_scoped3A = tpu.sem_alloc : memref<!tpu.dma_semaphore, #tpu.memory_space<semaphore_mem>>
      %dma_start3A = arith.constant 0 : i32
      %dma_start3A_27 = tpu.memref_slice %arg11[%add3A_9, %dma_start3A] : memref<10240x64xf32, #tpu.memory_space<vmem_shared>> -> memref<128x64xf32, #tpu.memory_space<vmem_shared>>
      %dma_start3A_28 = arith.constant 0 : i32
      %dma_start3A_29 = tpu.memref_slice %arg11[%add3A_9, %dma_start3A_28] : memref<10240x64xf32, #tpu.memory_space<vmem_shared>> -> memref<128x64xf32, #tpu.memory_space<vmem_shared>>
      tpu.enqueue_dma source(%arg10 : memref<128x64xf32, #tpu.memory_space<vmem>>) target(%dma_start3A_29 : memref<128x64xf32, #tpu.memory_space<vmem_shared>>) target_semaphore(%run_scoped3A : memref<!tpu.dma_semaphore, #tpu.memory_space<semaphore_mem>>)
      %dma_wait3A = arith.constant 0 : i32
      %dma_wait3A_30 = tpu.memref_slice %arg11[%add3A_9, %dma_wait3A] : memref<10240x64xf32, #tpu.memory_space<vmem_shared>> -> memref<128x64xf32, #tpu.memory_space<vmem_shared>>
      %dma_wait3A_31 = arith.constant 0 : i32
      %dma_wait3A_32 = tpu.memref_slice %arg11[%add3A_9, %dma_wait3A_31] : memref<10240x64xf32, #tpu.memory_space<vmem_shared>> -> memref<128x64xf32, #tpu.memory_space<vmem_shared>>
      tpu.wait_dma2 semaphore(%run_scoped3A : memref<!tpu.dma_semaphore, #tpu.memory_space<semaphore_mem>>) src(%arg10 : memref<128x64xf32, #tpu.memory_space<vmem>>) dst(%dma_wait3A_32 : memref<128x64xf32, #tpu.memory_space<vmem_shared>>)
      tpu.yield
    }) : () -> ()
    %add3A_10 = arith.constant 128 : i32
    %add3A_11 = arith.addi %mul3A_7, %add3A_10 : i32
    "tpu.region"() ({
      %run_scoped3A = tpu.sem_alloc : memref<!tpu.dma_semaphore, #tpu.memory_space<semaphore_mem>>
      %dma_start3A = arith.constant 0 : i32
      %dma_start3A_27 = tpu.memref_slice %arg11[%add3A_11, %dma_start3A] : memref<10240x64xf32, #tpu.memory_space<vmem_shared>> -> memref<128x64xf32, #tpu.memory_space<vmem_shared>>
      %dma_start3A_28 = arith.constant 0 : i32
      %dma_start3A_29 = tpu.memref_slice %arg11[%add3A_11, %dma_start3A_28] : memref<10240x64xf32, #tpu.memory_space<vmem_shared>> -> memref<128x64xf32, #tpu.memory_space<vmem_shared>>
      tpu.enqueue_dma source(%arg10 : memref<128x64xf32, #tpu.memory_space<vmem>>) target(%dma_start3A_29 : memref<128x64xf32, #tpu.memory_space<vmem_shared>>) target_semaphore(%run_scoped3A : memref<!tpu.dma_semaphore, #tpu.memory_space<semaphore_mem>>)
      %dma_wait3A = arith.constant 0 : i32
      %dma_wait3A_30 = tpu.memref_slice %arg11[%add3A_11, %dma_wait3A] : memref<10240x64xf32, #tpu.memory_space<vmem_shared>> -> memref<128x64xf32, #tpu.memory_space<vmem_shared>>
      %dma_wait3A_31 = arith.constant 0 : i32
      %dma_wait3A_32 = tpu.memref_slice %arg11[%add3A_11, %dma_wait3A_31] : memref<10240x64xf32, #tpu.memory_space<vmem_shared>> -> memref<128x64xf32, #tpu.memory_space<vmem_shared>>
      tpu.wait_dma2 semaphore(%run_scoped3A : memref<!tpu.dma_semaphore, #tpu.memory_space<semaphore_mem>>) src(%arg10 : memref<128x64xf32, #tpu.memory_space<vmem>>) dst(%dma_wait3A_32 : memref<128x64xf32, #tpu.memory_space<vmem_shared>>)
      tpu.yield
    }) : () -> ()
    %add3A_12 = arith.constant 256 : i32
    %add3A_13 = arith.addi %mul3A_7, %add3A_12 : i32
    "tpu.region"() ({
      %run_scoped3A = tpu.sem_alloc : memref<!tpu.dma_semaphore, #tpu.memory_space<semaphore_mem>>
      %dma_start3A = arith.constant 0 : i32
      %dma_start3A_27 = tpu.memref_slice %arg11[%add3A_13, %dma_start3A] : memref<10240x64xf32, #tpu.memory_space<vmem_shared>> -> memref<128x64xf32, #tpu.memory_space<vmem_shared>>
      %dma_start3A_28 = arith.constant 0 : i32
      %dma_start3A_29 = tpu.memref_slice %arg11[%add3A_13, %dma_start3A_28] : memref<10240x64xf32, #tpu.memory_space<vmem_shared>> -> memref<128x64xf32, #tpu.memory_space<vmem_shared>>
      tpu.enqueue_dma source(%arg10 : memref<128x64xf32, #tpu.memory_space<vmem>>) target(%dma_start3A_29 : memref<128x64xf32, #tpu.memory_space<vmem_shared>>) target_semaphore(%run_scoped3A : memref<!tpu.dma_semaphore, #tpu.memory_space<semaphore_mem>>)
      %dma_wait3A = arith.constant 0 : i32
      %dma_wait3A_30 = tpu.memref_slice %arg11[%add3A_13, %dma_wait3A] : memref<10240x64xf32, #tpu.memory_space<vmem_shared>> -> memref<128x64xf32, #tpu.memory_space<vmem_shared>>
      %dma_wait3A_31 = arith.constant 0 : i32
      %dma_wait3A_32 = tpu.memref_slice %arg11[%add3A_13, %dma_wait3A_31] : memref<10240x64xf32, #tpu.memory_space<vmem_shared>> -> memref<128x64xf32, #tpu.memory_space<vmem_shared>>
      tpu.wait_dma2 semaphore(%run_scoped3A : memref<!tpu.dma_semaphore, #tpu.memory_space<semaphore_mem>>) src(%arg10 : memref<128x64xf32, #tpu.memory_space<vmem>>) dst(%dma_wait3A_32 : memref<128x64xf32, #tpu.memory_space<vmem_shared>>)
      tpu.yield
    }) : () -> ()
    %add3A_14 = arith.constant 384 : i32
    %add3A_15 = arith.addi %mul3A_7, %add3A_14 : i32
    "tpu.region"() ({
      %run_scoped3A = tpu.sem_alloc : memref<!tpu.dma_semaphore, #tpu.memory_space<semaphore_mem>>
      %dma_start3A = arith.constant 0 : i32
      %dma_start3A_27 = tpu.memref_slice %arg11[%add3A_15, %dma_start3A] : memref<10240x64xf32, #tpu.memory_space<vmem_shared>> -> memref<128x64xf32, #tpu.memory_space<vmem_shared>>
      %dma_start3A_28 = arith.constant 0 : i32
      %dma_start3A_29 = tpu.memref_slice %arg11[%add3A_15, %dma_start3A_28] : memref<10240x64xf32, #tpu.memory_space<vmem_shared>> -> memref<128x64xf32, #tpu.memory_space<vmem_shared>>
      tpu.enqueue_dma source(%arg10 : memref<128x64xf32, #tpu.memory_space<vmem>>) target(%dma_start3A_29 : memref<128x64xf32, #tpu.memory_space<vmem_shared>>) target_semaphore(%run_scoped3A : memref<!tpu.dma_semaphore, #tpu.memory_space<semaphore_mem>>)
      %dma_wait3A = arith.constant 0 : i32
      %dma_wait3A_30 = tpu.memref_slice %arg11[%add3A_15, %dma_wait3A] : memref<10240x64xf32, #tpu.memory_space<vmem_shared>> -> memref<128x64xf32, #tpu.memory_space<vmem_shared>>
      %dma_wait3A_31 = arith.constant 0 : i32
      %dma_wait3A_32 = tpu.memref_slice %arg11[%add3A_15, %dma_wait3A_31] : memref<10240x64xf32, #tpu.memory_space<vmem_shared>> -> memref<128x64xf32, #tpu.memory_space<vmem_shared>>
      tpu.wait_dma2 semaphore(%run_scoped3A : memref<!tpu.dma_semaphore, #tpu.memory_space<semaphore_mem>>) src(%arg10 : memref<128x64xf32, #tpu.memory_space<vmem>>) dst(%dma_wait3A_32 : memref<128x64xf32, #tpu.memory_space<vmem_shared>>)
      tpu.yield
    }) : () -> ()
    %add3A_16 = arith.constant 512 : i32
    %add3A_17 = arith.addi %mul3A_7, %add3A_16 : i32
    "tpu.region"() ({
      %run_scoped3A = tpu.sem_alloc : memref<!tpu.dma_semaphore, #tpu.memory_space<semaphore_mem>>
      %dma_start3A = arith.constant 0 : i32
      %dma_start3A_27 = tpu.memref_slice %arg11[%add3A_17, %dma_start3A] : memref<10240x64xf32, #tpu.memory_space<vmem_shared>> -> memref<128x64xf32, #tpu.memory_space<vmem_shared>>
      %dma_start3A_28 = arith.constant 0 : i32
      %dma_start3A_29 = tpu.memref_slice %arg11[%add3A_17, %dma_start3A_28] : memref<10240x64xf32, #tpu.memory_space<vmem_shared>> -> memref<128x64xf32, #tpu.memory_space<vmem_shared>>
      tpu.enqueue_dma source(%arg10 : memref<128x64xf32, #tpu.memory_space<vmem>>) target(%dma_start3A_29 : memref<128x64xf32, #tpu.memory_space<vmem_shared>>) target_semaphore(%run_scoped3A : memref<!tpu.dma_semaphore, #tpu.memory_space<semaphore_mem>>)
      %dma_wait3A = arith.constant 0 : i32
      %dma_wait3A_30 = tpu.memref_slice %arg11[%add3A_17, %dma_wait3A] : memref<10240x64xf32, #tpu.memory_space<vmem_shared>> -> memref<128x64xf32, #tpu.memory_space<vmem_shared>>
      %dma_wait3A_31 = arith.constant 0 : i32
      %dma_wait3A_32 = tpu.memref_slice %arg11[%add3A_17, %dma_wait3A_31] : memref<10240x64xf32, #tpu.memory_space<vmem_shared>> -> memref<128x64xf32, #tpu.memory_space<vmem_shared>>
      tpu.wait_dma2 semaphore(%run_scoped3A : memref<!tpu.dma_semaphore, #tpu.memory_space<semaphore_mem>>) src(%arg10 : memref<128x64xf32, #tpu.memory_space<vmem>>) dst(%dma_wait3A_32 : memref<128x64xf32, #tpu.memory_space<vmem_shared>>)
      tpu.yield
    }) : () -> ()
    %barrier3A = arith.constant 0 : index
    tpu.barrier barrier_id(%barrier3A)
    %mul3A_18 = arith.constant 10240 : i32
    %mul3A_19 = arith.muli %add3A, %mul3A_18 : i32
    %scan3A_20 = arith.constant 0 : i32
    %scan3A_21 = arith.constant 0 : i32
    %scan3A_22 = arith.constant 80 : i32
    %scan3A_23 = arith.addi %scan3A_21, %scan3A_22 : i32
    %scan3A_24 = arith.constant 1 : i32
    scf.for %scan3A_27 = %scan3A_21 to %scan3A_23 step %scan3A_24  : i32 {
      %mul3A_28 = arith.constant 128 : i32
      %mul3A_29 = arith.muli %scan3A_27, %mul3A_28 : i32
      %add3A_30 = arith.addi %mul3A_19, %mul3A_29 : i32
      "tpu.region"() ({
        %run_scoped3A = tpu.sem_alloc : memref<!tpu.dma_semaphore, #tpu.memory_space<semaphore_mem>>
        %dma_start3A_41 = tpu.memref_slice %arg3[%add3A_30] : memref<327680xi32, #tpu.memory_space<hbm>> -> memref<128xi32, #tpu.memory_space<hbm>>
        %dma_start3A_42 = tpu.memref_slice %arg3[%add3A_30] : memref<327680xi32, #tpu.memory_space<hbm>> -> memref<128xi32, #tpu.memory_space<hbm>>
        tpu.enqueue_dma source(%dma_start3A_42 : memref<128xi32, #tpu.memory_space<hbm>>) target(%arg7 : memref<128xi32, #tpu.memory_space<vmem>>) target_semaphore(%run_scoped3A : memref<!tpu.dma_semaphore, #tpu.memory_space<semaphore_mem>>)
        %dma_wait3A_43 = tpu.memref_slice %arg3[%add3A_30] : memref<327680xi32, #tpu.memory_space<hbm>> -> memref<128xi32, #tpu.memory_space<hbm>>
        %dma_wait3A_44 = tpu.memref_slice %arg3[%add3A_30] : memref<327680xi32, #tpu.memory_space<hbm>> -> memref<128xi32, #tpu.memory_space<hbm>>
        tpu.wait_dma2 semaphore(%run_scoped3A : memref<!tpu.dma_semaphore, #tpu.memory_space<semaphore_mem>>) src(%dma_wait3A_44 : memref<128xi32, #tpu.memory_space<hbm>>) dst(%arg7 : memref<128xi32, #tpu.memory_space<vmem>>)
        tpu.yield
      }) : () -> ()
      "tpu.region"() ({
        %run_scoped3A = tpu.sem_alloc : memref<!tpu.dma_semaphore, #tpu.memory_space<semaphore_mem>>
        %dma_start3A_41 = tpu.memref_slice %arg4[%add3A_30] : memref<327680xi32, #tpu.memory_space<hbm>> -> memref<128xi32, #tpu.memory_space<hbm>>
        %dma_start3A_42 = tpu.memref_slice %arg4[%add3A_30] : memref<327680xi32, #tpu.memory_space<hbm>> -> memref<128xi32, #tpu.memory_space<hbm>>
        tpu.enqueue_dma source(%dma_start3A_42 : memref<128xi32, #tpu.memory_space<hbm>>) target(%arg8 : memref<128xi32, #tpu.memory_space<vmem>>) target_semaphore(%run_scoped3A : memref<!tpu.dma_semaphore, #tpu.memory_space<semaphore_mem>>)
        %dma_wait3A_43 = tpu.memref_slice %arg4[%add3A_30] : memref<327680xi32, #tpu.memory_space<hbm>> -> memref<128xi32, #tpu.memory_space<hbm>>
        %dma_wait3A_44 = tpu.memref_slice %arg4[%add3A_30] : memref<327680xi32, #tpu.memory_space<hbm>> -> memref<128xi32, #tpu.memory_space<hbm>>
        tpu.wait_dma2 semaphore(%run_scoped3A : memref<!tpu.dma_semaphore, #tpu.memory_space<semaphore_mem>>) src(%dma_wait3A_44 : memref<128xi32, #tpu.memory_space<hbm>>) dst(%arg8 : memref<128xi32, #tpu.memory_space<vmem>>)
        tpu.yield
      }) : () -> ()
      "tpu.region"() ({
        %run_scoped3A = tpu.sem_alloc : memref<!tpu.dma_semaphore, #tpu.memory_space<semaphore_mem>>
        %dma_start3A_41 = tpu.memref_slice %arg5[%add3A_30] : memref<327680xf32, #tpu.memory_space<hbm>> -> memref<128xf32, #tpu.memory_space<hbm>>
        %dma_start3A_42 = tpu.memref_slice %arg5[%add3A_30] : memref<327680xf32, #tpu.memory_space<hbm>> -> memref<128xf32, #tpu.memory_space<hbm>>
        tpu.enqueue_dma source(%dma_start3A_42 : memref<128xf32, #tpu.memory_space<hbm>>) target(%arg9 : memref<128xf32, #tpu.memory_space<vmem>>) target_semaphore(%run_scoped3A : memref<!tpu.dma_semaphore, #tpu.memory_space<semaphore_mem>>)
        %dma_wait3A_43 = tpu.memref_slice %arg5[%add3A_30] : memref<327680xf32, #tpu.memory_space<hbm>> -> memref<128xf32, #tpu.memory_space<hbm>>
        %dma_wait3A_44 = tpu.memref_slice %arg5[%add3A_30] : memref<327680xf32, #tpu.memory_space<hbm>> -> memref<128xf32, #tpu.memory_space<hbm>>
        tpu.wait_dma2 semaphore(%run_scoped3A : memref<!tpu.dma_semaphore, #tpu.memory_space<semaphore_mem>>) src(%dma_wait3A_44 : memref<128xf32, #tpu.memory_space<hbm>>) dst(%arg9 : memref<128xf32, #tpu.memory_space<vmem>>)
        tpu.yield
      }) : () -> ()
      %dma_start3A = arith.constant 0 : i32
      %dma_start3A_31 = arith.constant 0 : i32
      %dma_start3A_32 = tpu.memref_slice %arg2[%dma_start3A, %dma_start3A_31] : memref<10240x64xf32, #tpu.memory_space<hbm>> -> memref<10240x64xf32, #tpu.memory_space<hbm>>
      tpu.enqueue_indirect_dma source(%dma_start3A_32 : memref<10240x64xf32, #tpu.memory_space<hbm>>) target(%arg10 : memref<128x64xf32, #tpu.memory_space<vmem>>) offsets(%arg7 : memref<128xi32, #tpu.memory_space<vmem>>) semaphore(%arg12 : memref<!tpu.dma_semaphore, #tpu.memory_space<semaphore_mem>>)
      %dma_wait3A = arith.constant 0 : i32
      %dma_wait3A_33 = arith.constant 0 : i32
      %dma_wait3A_34 = tpu.memref_slice %arg2[%dma_wait3A, %dma_wait3A_33] : memref<10240x64xf32, #tpu.memory_space<hbm>> -> memref<10240x64xf32, #tpu.memory_space<hbm>>
      tpu.wait_indirect_dma semaphore(%arg12 : memref<!tpu.dma_semaphore, #tpu.memory_space<semaphore_mem>>) src(%dma_wait3A_34 : memref<10240x64xf32, #tpu.memory_space<hbm>>) dst(%arg10 : memref<128x64xf32, #tpu.memory_space<vmem>>)
      %scan3A_35 = arith.constant 0 : i32
      %scan3A_36 = arith.constant 0 : i32
      %scan3A_37 = arith.constant 8 : i32
      %scan3A_38 = arith.addi %scan3A_36, %scan3A_37 : i32
      %scan3A_39 = arith.constant 1 : i32
      scf.for %scan3A_41 = %scan3A_36 to %scan3A_38 step %scan3A_39  : i32 {
        %mul3A_42 = arith.constant 16 : i32
        %mul3A_43 = arith.muli %scan3A_41, %mul3A_42 : i32
        %get3A = arith.index_cast %mul3A_43 : i32 to index
        %get3A_44 = tpu.vector_load %arg9[%get3A] {strides = array<i32>} : memref<128xf32, #tpu.memory_space<vmem>>, vector<16xf32>,
        %get3A_45 = vector.shape_cast %get3A_44 : vector<16xf32> to vector<16xf32>
        %mul3A_46 = arith.constant 16 : i32
        %mul3A_47 = arith.muli %scan3A_41, %mul3A_46 : i32
        %add3A_48 = arith.constant 0 : i32
        %add3A_49 = arith.addi %mul3A_47, %add3A_48 : i32
        %slice3A = vector.extract_strided_slice %get3A_45 {offsets = [0], sizes = [1], strides = [1]} : vector<16xf32> to vector<1xf32>
        %squeeze3A = vector.extract %slice3A[0] : f32 from vector<1xf32>
        %broadcast_in_dim3A = vector.broadcast %squeeze3A : f32 to vector<16xf32>
        %get3A_50 = arith.index_cast %add3A_49 : i32 to index
        %get3A_51 = arith.constant 0 : index
        %get3A_52 = tpu.vector_load %arg10[%get3A_50, %get3A_51] {strides = array<i32>} : memref<128x64xf32, #tpu.memory_space<vmem>>, vector<1x16xf32>,
        %get3A_53 = vector.shape_cast %get3A_52 : vector<1x16xf32> to vector<16xf32>
        %mul3A_54 = arith.mulf %get3A_53, %broadcast_in_dim3A : vector<16xf32>
        %swap3A = arith.index_cast %add3A_49 : i32 to index
        %swap3A_55 = arith.constant 0 : index
        %swap3A_56 = tpu.vector_load %arg10[%swap3A, %swap3A_55] {strides = array<i32>} : memref<128x64xf32, #tpu.memory_space<vmem>>, vector<1x16xf32>,
        %swap3A_57 = vector.shape_cast %swap3A_56 : vector<1x16xf32> to vector<16xf32>
        %swap3A_58 = vector.shape_cast %mul3A_54 : vector<16xf32> to vector<1x16xf32>
        tpu.vector_store %arg10[%swap3A, %swap3A_55], %swap3A_58 {strides = array<i32>} : memref<128x64xf32, #tpu.memory_space<vmem>>, vector<1x16xf32>,
        %get3A_59 = arith.index_cast %add3A_49 : i32 to index
        %get3A_60 = arith.constant 16 : index
        %get3A_61 = tpu.vector_load %arg10[%get3A_59, %get3A_60] {strides = array<i32>} : memref<128x64xf32, #tpu.memory_space<vmem>>, vector<1x16xf32>,
        %get3A_62 = vector.shape_cast %get3A_61 : vector<1x16xf32> to vector<16xf32>
        %mul3A_63 = arith.mulf %get3A_62, %broadcast_in_dim3A : vector<16xf32>
        %swap3A_64 = arith.index_cast %add3A_49 : i32 to index
        %swap3A_65 = arith.constant 16 : index
        %swap3A_66 = tpu.vector_load %arg10[%swap3A_64, %swap3A_65] {strides = array<i32>} : memref<128x64xf32, #tpu.memory_space<vmem>>, vector<1x16xf32>,
        %swap3A_67 = vector.shape_cast %swap3A_66 : vector<1x16xf32> to vector<16xf32>
        %swap3A_68 = vector.shape_cast %mul3A_63 : vector<16xf32> to vector<1x16xf32>
        tpu.vector_store %arg10[%swap3A_64, %swap3A_65], %swap3A_68 {strides = array<i32>} : memref<128x64xf32, #tpu.memory_space<vmem>>, vector<1x16xf32>,
        %get3A_69 = arith.index_cast %add3A_49 : i32 to index
        %get3A_70 = arith.constant 32 : index
        %get3A_71 = tpu.vector_load %arg10[%get3A_69, %get3A_70] {strides = array<i32>} : memref<128x64xf32, #tpu.memory_space<vmem>>, vector<1x16xf32>,
        %get3A_72 = vector.shape_cast %get3A_71 : vector<1x16xf32> to vector<16xf32>
        %mul3A_73 = arith.mulf %get3A_72, %broadcast_in_dim3A : vector<16xf32>
        %swap3A_74 = arith.index_cast %add3A_49 : i32 to index
        %swap3A_75 = arith.constant 32 : index
        %swap3A_76 = tpu.vector_load %arg10[%swap3A_74, %swap3A_75] {strides = array<i32>} : memref<128x64xf32, #tpu.memory_space<vmem>>, vector<1x16xf32>,
        %swap3A_77 = vector.shape_cast %swap3A_76 : vector<1x16xf32> to vector<16xf32>
        %swap3A_78 = vector.shape_cast %mul3A_73 : vector<16xf32> to vector<1x16xf32>
        tpu.vector_store %arg10[%swap3A_74, %swap3A_75], %swap3A_78 {strides = array<i32>} : memref<128x64xf32, #tpu.memory_space<vmem>>, vector<1x16xf32>,
        %get3A_79 = arith.index_cast %add3A_49 : i32 to index
        %get3A_80 = arith.constant 48 : index
        %get3A_81 = tpu.vector_load %arg10[%get3A_79, %get3A_80] {strides = array<i32>} : memref<128x64xf32, #tpu.memory_space<vmem>>, vector<1x16xf32>,
        %get3A_82 = vector.shape_cast %get3A_81 : vector<1x16xf32> to vector<16xf32>
        %mul3A_83 = arith.mulf %get3A_82, %broadcast_in_dim3A : vector<16xf32>
        %swap3A_84 = arith.index_cast %add3A_49 : i32 to index
        %swap3A_85 = arith.constant 48 : index
        %swap3A_86 = tpu.vector_load %arg10[%swap3A_84, %swap3A_85] {strides = array<i32>} : memref<128x64xf32, #tpu.memory_space<vmem>>, vector<1x16xf32>,
        %swap3A_87 = vector.shape_cast %swap3A_86 : vector<1x16xf32> to vector<16xf32>
        %swap3A_88 = vector.shape_cast %mul3A_83 : vector<16xf32> to vector<1x16xf32>
        tpu.vector_store %arg10[%swap3A_84, %swap3A_85], %swap3A_88 {strides = array<i32>} : memref<128x64xf32, #tpu.memory_space<vmem>>, vector<1x16xf32>,
        %mul3A_89 = arith.constant 16 : i32
        %mul3A_90 = arith.muli %scan3A_41, %mul3A_89 : i32
        %add3A_91 = arith.constant 1 : i32
        %add3A_92 = arith.addi %mul3A_90, %add3A_91 : i32
        %slice3A_93 = vector.extract_strided_slice %get3A_45 {offsets = [1], sizes = [1], strides = [1]} : vector<16xf32> to vector<1xf32>
        %squeeze3A_94 = vector.extract %slice3A_93[0] : f32 from vector<1xf32>
        %broadcast_in_dim3A_95 = vector.broadcast %squeeze3A_94 : f32 to vector<16xf32>
        %get3A_96 = arith.index_cast %add3A_92 : i32 to index
        %get3A_97 = arith.constant 0 : index
        %get3A_98 = tpu.vector_load %arg10[%get3A_96, %get3A_97] {strides = array<i32>} : memref<128x64xf32, #tpu.memory_space<vmem>>, vector<1x16xf32>,
        %get3A_99 = vector.shape_cast %get3A_98 : vector<1x16xf32> to vector<16xf32>
        %mul3A_100 = arith.mulf %get3A_99, %broadcast_in_dim3A_95 : vector<16xf32>
        %swap3A_101 = arith.index_cast %add3A_92 : i32 to index
        %swap3A_102 = arith.constant 0 : index
        %swap3A_103 = tpu.vector_load %arg10[%swap3A_101, %swap3A_102] {strides = array<i32>} : memref<128x64xf32, #tpu.memory_space<vmem>>, vector<1x16xf32>,
        %swap3A_104 = vector.shape_cast %swap3A_103 : vector<1x16xf32> to vector<16xf32>
        %swap3A_105 = vector.shape_cast %mul3A_100 : vector<16xf32> to vector<1x16xf32>
        tpu.vector_store %arg10[%swap3A_101, %swap3A_102], %swap3A_105 {strides = array<i32>} : memref<128x64xf32, #tpu.memory_space<vmem>>, vector<1x16xf32>,
        %get3A_106 = arith.index_cast %add3A_92 : i32 to index
        %get3A_107 = arith.constant 16 : index
        %get3A_108 = tpu.vector_load %arg10[%get3A_106, %get3A_107] {strides = array<i32>} : memref<128x64xf32, #tpu.memory_space<vmem>>, vector<1x16xf32>,
        %get3A_109 = vector.shape_cast %get3A_108 : vector<1x16xf32> to vector<16xf32>
        %mul3A_110 = arith.mulf %get3A_109, %broadcast_in_dim3A_95 : vector<16xf32>
        %swap3A_111 = arith.index_cast %add3A_92 : i32 to index
        %swap3A_112 = arith.constant 16 : index
        %swap3A_113 = tpu.vector_load %arg10[%swap3A_111, %swap3A_112] {strides = array<i32>} : memref<128x64xf32, #tpu.memory_space<vmem>>, vector<1x16xf32>,
        %swap3A_114 = vector.shape_cast %swap3A_113 : vector<1x16xf32> to vector<16xf32>
        %swap3A_115 = vector.shape_cast %mul3A_110 : vector<16xf32> to vector<1x16xf32>
        tpu.vector_store %arg10[%swap3A_111, %swap3A_112], %swap3A_115 {strides = array<i32>} : memref<128x64xf32, #tpu.memory_space<vmem>>, vector<1x16xf32>,
        %get3A_116 = arith.index_cast %add3A_92 : i32 to index
        %get3A_117 = arith.constant 32 : index
        %get3A_118 = tpu.vector_load %arg10[%get3A_116, %get3A_117] {strides = array<i32>} : memref<128x64xf32, #tpu.memory_space<vmem>>, vector<1x16xf32>,
        %get3A_119 = vector.shape_cast %get3A_118 : vector<1x16xf32> to vector<16xf32>
        %mul3A_120 = arith.mulf %get3A_119, %broadcast_in_dim3A_95 : vector<16xf32>
        %swap3A_121 = arith.index_cast %add3A_92 : i32 to index
        %swap3A_122 = arith.constant 32 : index
        %swap3A_123 = tpu.vector_load %arg10[%swap3A_121, %swap3A_122] {strides = array<i32>} : memref<128x64xf32, #tpu.memory_space<vmem>>, vector<1x16xf32>,
        %swap3A_124 = vector.shape_cast %swap3A_123 : vector<1x16xf32> to vector<16xf32>
        %swap3A_125 = vector.shape_cast %mul3A_120 : vector<16xf32> to vector<1x16xf32>
        tpu.vector_store %arg10[%swap3A_121, %swap3A_122], %swap3A_125 {strides = array<i32>} : memref<128x64xf32, #tpu.memory_space<vmem>>, vector<1x16xf32>,
        %get3A_126 = arith.index_cast %add3A_92 : i32 to index
        %get3A_127 = arith.constant 48 : index
        %get3A_128 = tpu.vector_load %arg10[%get3A_126, %get3A_127] {strides = array<i32>} : memref<128x64xf32, #tpu.memory_space<vmem>>, vector<1x16xf32>,
        %get3A_129 = vector.shape_cast %get3A_128 : vector<1x16xf32> to vector<16xf32>
        %mul3A_130 = arith.mulf %get3A_129, %broadcast_in_dim3A_95 : vector<16xf32>
        %swap3A_131 = arith.index_cast %add3A_92 : i32 to index
        %swap3A_132 = arith.constant 48 : index
        %swap3A_133 = tpu.vector_load %arg10[%swap3A_131, %swap3A_132] {strides = array<i32>} : memref<128x64xf32, #tpu.memory_space<vmem>>, vector<1x16xf32>,
        %swap3A_134 = vector.shape_cast %swap3A_133 : vector<1x16xf32> to vector<16xf32>
        %swap3A_135 = vector.shape_cast %mul3A_130 : vector<16xf32> to vector<1x16xf32>
        tpu.vector_store %arg10[%swap3A_131, %swap3A_132], %swap3A_135 {strides = array<i32>} : memref<128x64xf32, #tpu.memory_space<vmem>>, vector<1x16xf32>,
        %mul3A_136 = arith.constant 16 : i32
        %mul3A_137 = arith.muli %scan3A_41, %mul3A_136 : i32
        %add3A_138 = arith.constant 2 : i32
        %add3A_139 = arith.addi %mul3A_137, %add3A_138 : i32
        %slice3A_140 = vector.extract_strided_slice %get3A_45 {offsets = [2], sizes = [1], strides = [1]} : vector<16xf32> to vector<1xf32>
        %squeeze3A_141 = vector.extract %slice3A_140[0] : f32 from vector<1xf32>
        %broadcast_in_dim3A_142 = vector.broadcast %squeeze3A_141 : f32 to vector<16xf32>
        %get3A_143 = arith.index_cast %add3A_139 : i32 to index
        %get3A_144 = arith.constant 0 : index
        %get3A_145 = tpu.vector_load %arg10[%get3A_143, %get3A_144] {strides = array<i32>} : memref<128x64xf32, #tpu.memory_space<vmem>>, vector<1x16xf32>,
        %get3A_146 = vector.shape_cast %get3A_145 : vector<1x16xf32> to vector<16xf32>
        %mul3A_147 = arith.mulf %get3A_146, %broadcast_in_dim3A_142 : vector<16xf32>
        %swap3A_148 = arith.index_cast %add3A_139 : i32 to index
        %swap3A_149 = arith.constant 0 : index
        %swap3A_150 = tpu.vector_load %arg10[%swap3A_148, %swap3A_149] {strides = array<i32>} : memref<128x64xf32, #tpu.memory_space<vmem>>, vector<1x16xf32>,
        %swap3A_151 = vector.shape_cast %swap3A_150 : vector<1x16xf32> to vector<16xf32>
        %swap3A_152 = vector.shape_cast %mul3A_147 : vector<16xf32> to vector<1x16xf32>
        tpu.vector_store %arg10[%swap3A_148, %swap3A_149], %swap3A_152 {strides = array<i32>} : memref<128x64xf32, #tpu.memory_space<vmem>>, vector<1x16xf32>,
        %get3A_153 = arith.index_cast %add3A_139 : i32 to index
        %get3A_154 = arith.constant 16 : index
        %get3A_155 = tpu.vector_load %arg10[%get3A_153, %get3A_154] {strides = array<i32>} : memref<128x64xf32, #tpu.memory_space<vmem>>, vector<1x16xf32>,
        %get3A_156 = vector.shape_cast %get3A_155 : vector<1x16xf32> to vector<16xf32>
        %mul3A_157 = arith.mulf %get3A_156, %broadcast_in_dim3A_142 : vector<16xf32>
        %swap3A_158 = arith.index_cast %add3A_139 : i32 to index
        %swap3A_159 = arith.constant 16 : index
        %swap3A_160 = tpu.vector_load %arg10[%swap3A_158, %swap3A_159] {strides = array<i32>} : memref<128x64xf32, #tpu.memory_space<vmem>>, vector<1x16xf32>,
        %swap3A_161 = vector.shape_cast %swap3A_160 : vector<1x16xf32> to vector<16xf32>
        %swap3A_162 = vector.shape_cast %mul3A_157 : vector<16xf32> to vector<1x16xf32>
        tpu.vector_store %arg10[%swap3A_158, %swap3A_159], %swap3A_162 {strides = array<i32>} : memref<128x64xf32, #tpu.memory_space<vmem>>, vector<1x16xf32>,
        %get3A_163 = arith.index_cast %add3A_139 : i32 to index
        %get3A_164 = arith.constant 32 : index
        %get3A_165 = tpu.vector_load %arg10[%get3A_163, %get3A_164] {strides = array<i32>} : memref<128x64xf32, #tpu.memory_space<vmem>>, vector<1x16xf32>,
        %get3A_166 = vector.shape_cast %get3A_165 : vector<1x16xf32> to vector<16xf32>
        %mul3A_167 = arith.mulf %get3A_166, %broadcast_in_dim3A_142 : vector<16xf32>
        %swap3A_168 = arith.index_cast %add3A_139 : i32 to index
        %swap3A_169 = arith.constant 32 : index
        %swap3A_170 = tpu.vector_load %arg10[%swap3A_168, %swap3A_169] {strides = array<i32>} : memref<128x64xf32, #tpu.memory_space<vmem>>, vector<1x16xf32>,
        %swap3A_171 = vector.shape_cast %swap3A_170 : vector<1x16xf32> to vector<16xf32>
        %swap3A_172 = vector.shape_cast %mul3A_167 : vector<16xf32> to vector<1x16xf32>
        tpu.vector_store %arg10[%swap3A_168, %swap3A_169], %swap3A_172 {strides = array<i32>} : memref<128x64xf32, #tpu.memory_space<vmem>>, vector<1x16xf32>,
        %get3A_173 = arith.index_cast %add3A_139 : i32 to index
        %get3A_174 = arith.constant 48 : index
        %get3A_175 = tpu.vector_load %arg10[%get3A_173, %get3A_174] {strides = array<i32>} : memref<128x64xf32, #tpu.memory_space<vmem>>, vector<1x16xf32>,
        %get3A_176 = vector.shape_cast %get3A_175 : vector<1x16xf32> to vector<16xf32>
        %mul3A_177 = arith.mulf %get3A_176, %broadcast_in_dim3A_142 : vector<16xf32>
        %swap3A_178 = arith.index_cast %add3A_139 : i32 to index
        %swap3A_179 = arith.constant 48 : index
        %swap3A_180 = tpu.vector_load %arg10[%swap3A_178, %swap3A_179] {strides = array<i32>} : memref<128x64xf32, #tpu.memory_space<vmem>>, vector<1x16xf32>,
        %swap3A_181 = vector.shape_cast %swap3A_180 : vector<1x16xf32> to vector<16xf32>
        %swap3A_182 = vector.shape_cast %mul3A_177 : vector<16xf32> to vector<1x16xf32>
        tpu.vector_store %arg10[%swap3A_178, %swap3A_179], %swap3A_182 {strides = array<i32>} : memref<128x64xf32, #tpu.memory_space<vmem>>, vector<1x16xf32>,
        %mul3A_183 = arith.constant 16 : i32
        %mul3A_184 = arith.muli %scan3A_41, %mul3A_183 : i32
        %add3A_185 = arith.constant 3 : i32
        %add3A_186 = arith.addi %mul3A_184, %add3A_185 : i32
        %slice3A_187 = vector.extract_strided_slice %get3A_45 {offsets = [3], sizes = [1], strides = [1]} : vector<16xf32> to vector<1xf32>
        %squeeze3A_188 = vector.extract %slice3A_187[0] : f32 from vector<1xf32>
        %broadcast_in_dim3A_189 = vector.broadcast %squeeze3A_188 : f32 to vector<16xf32>
        %get3A_190 = arith.index_cast %add3A_186 : i32 to index
        %get3A_191 = arith.constant 0 : index
        %get3A_192 = tpu.vector_load %arg10[%get3A_190, %get3A_191] {strides = array<i32>} : memref<128x64xf32, #tpu.memory_space<vmem>>, vector<1x16xf32>,
        %get3A_193 = vector.shape_cast %get3A_192 : vector<1x16xf32> to vector<16xf32>
        %mul3A_194 = arith.mulf %get3A_193, %broadcast_in_dim3A_189 : vector<16xf32>
        %swap3A_195 = arith.index_cast %add3A_186 : i32 to index
        %swap3A_196 = arith.constant 0 : index
        %swap3A_197 = tpu.vector_load %arg10[%swap3A_195, %swap3A_196] {strides = array<i32>} : memref<128x64xf32, #tpu.memory_space<vmem>>, vector<1x16xf32>,
        %swap3A_198 = vector.shape_cast %swap3A_197 : vector<1x16xf32> to vector<16xf32>
        %swap3A_199 = vector.shape_cast %mul3A_194 : vector<16xf32> to vector<1x16xf32>
        tpu.vector_store %arg10[%swap3A_195, %swap3A_196], %swap3A_199 {strides = array<i32>} : memref<128x64xf32, #tpu.memory_space<vmem>>, vector<1x16xf32>,
        %get3A_200 = arith.index_cast %add3A_186 : i32 to index
        %get3A_201 = arith.constant 16 : index
        %get3A_202 = tpu.vector_load %arg10[%get3A_200, %get3A_201] {strides = array<i32>} : memref<128x64xf32, #tpu.memory_space<vmem>>, vector<1x16xf32>,
        %get3A_203 = vector.shape_cast %get3A_202 : vector<1x16xf32> to vector<16xf32>
        %mul3A_204 = arith.mulf %get3A_203, %broadcast_in_dim3A_189 : vector<16xf32>
        %swap3A_205 = arith.index_cast %add3A_186 : i32 to index
        %swap3A_206 = arith.constant 16 : index
        %swap3A_207 = tpu.vector_load %arg10[%swap3A_205, %swap3A_206] {strides = array<i32>} : memref<128x64xf32, #tpu.memory_space<vmem>>, vector<1x16xf32>,
        %swap3A_208 = vector.shape_cast %swap3A_207 : vector<1x16xf32> to vector<16xf32>
        %swap3A_209 = vector.shape_cast %mul3A_204 : vector<16xf32> to vector<1x16xf32>
        tpu.vector_store %arg10[%swap3A_205, %swap3A_206], %swap3A_209 {strides = array<i32>} : memref<128x64xf32, #tpu.memory_space<vmem>>, vector<1x16xf32>,
        %get3A_210 = arith.index_cast %add3A_186 : i32 to index
        %get3A_211 = arith.constant 32 : index
        %get3A_212 = tpu.vector_load %arg10[%get3A_210, %get3A_211] {strides = array<i32>} : memref<128x64xf32, #tpu.memory_space<vmem>>, vector<1x16xf32>,
        %get3A_213 = vector.shape_cast %get3A_212 : vector<1x16xf32> to vector<16xf32>
        %mul3A_214 = arith.mulf %get3A_213, %broadcast_in_dim3A_189 : vector<16xf32>
        %swap3A_215 = arith.index_cast %add3A_186 : i32 to index
        %swap3A_216 = arith.constant 32 : index
        %swap3A_217 = tpu.vector_load %arg10[%swap3A_215, %swap3A_216] {strides = array<i32>} : memref<128x64xf32, #tpu.memory_space<vmem>>, vector<1x16xf32>,
        %swap3A_218 = vector.shape_cast %swap3A_217 : vector<1x16xf32> to vector<16xf32>
        %swap3A_219 = vector.shape_cast %mul3A_214 : vector<16xf32> to vector<1x16xf32>
        tpu.vector_store %arg10[%swap3A_215, %swap3A_216], %swap3A_219 {strides = array<i32>} : memref<128x64xf32, #tpu.memory_space<vmem>>, vector<1x16xf32>,
        %get3A_220 = arith.index_cast %add3A_186 : i32 to index
        %get3A_221 = arith.constant 48 : index
        %get3A_222 = tpu.vector_load %arg10[%get3A_220, %get3A_221] {strides = array<i32>} : memref<128x64xf32, #tpu.memory_space<vmem>>, vector<1x16xf32>,
        %get3A_223 = vector.shape_cast %get3A_222 : vector<1x16xf32> to vector<16xf32>
        %mul3A_224 = arith.mulf %get3A_223, %broadcast_in_dim3A_189 : vector<16xf32>
        %swap3A_225 = arith.index_cast %add3A_186 : i32 to index
        %swap3A_226 = arith.constant 48 : index
        %swap3A_227 = tpu.vector_load %arg10[%swap3A_225, %swap3A_226] {strides = array<i32>} : memref<128x64xf32, #tpu.memory_space<vmem>>, vector<1x16xf32>,
        %swap3A_228 = vector.shape_cast %swap3A_227 : vector<1x16xf32> to vector<16xf32>
        %swap3A_229 = vector.shape_cast %mul3A_224 : vector<16xf32> to vector<1x16xf32>
        tpu.vector_store %arg10[%swap3A_225, %swap3A_226], %swap3A_229 {strides = array<i32>} : memref<128x64xf32, #tpu.memory_space<vmem>>, vector<1x16xf32>,
        %mul3A_230 = arith.constant 16 : i32
        %mul3A_231 = arith.muli %scan3A_41, %mul3A_230 : i32
        %add3A_232 = arith.constant 4 : i32
        %add3A_233 = arith.addi %mul3A_231, %add3A_232 : i32
        %slice3A_234 = vector.extract_strided_slice %get3A_45 {offsets = [4], sizes = [1], strides = [1]} : vector<16xf32> to vector<1xf32>
        %squeeze3A_235 = vector.extract %slice3A_234[0] : f32 from vector<1xf32>
        %broadcast_in_dim3A_236 = vector.broadcast %squeeze3A_235 : f32 to vector<16xf32>
        %get3A_237 = arith.index_cast %add3A_233 : i32 to index
        %get3A_238 = arith.constant 0 : index
        %get3A_239 = tpu.vector_load %arg10[%get3A_237, %get3A_238] {strides = array<i32>} : memref<128x64xf32, #tpu.memory_space<vmem>>, vector<1x16xf32>,
        %get3A_240 = vector.shape_cast %get3A_239 : vector<1x16xf32> to vector<16xf32>
        %mul3A_241 = arith.mulf %get3A_240, %broadcast_in_dim3A_236 : vector<16xf32>
        %swap3A_242 = arith.index_cast %add3A_233 : i32 to index
        %swap3A_243 = arith.constant 0 : index
        %swap3A_244 = tpu.vector_load %arg10[%swap3A_242, %swap3A_243] {strides = array<i32>} : memref<128x64xf32, #tpu.memory_space<vmem>>, vector<1x16xf32>,
        %swap3A_245 = vector.shape_cast %swap3A_244 : vector<1x16xf32> to vector<16xf32>
        %swap3A_246 = vector.shape_cast %mul3A_241 : vector<16xf32> to vector<1x16xf32>
        tpu.vector_store %arg10[%swap3A_242, %swap3A_243], %swap3A_246 {strides = array<i32>} : memref<128x64xf32, #tpu.memory_space<vmem>>, vector<1x16xf32>,
        %get3A_247 = arith.index_cast %add3A_233 : i32 to index
        %get3A_248 = arith.constant 16 : index
        %get3A_249 = tpu.vector_load %arg10[%get3A_247, %get3A_248] {strides = array<i32>} : memref<128x64xf32, #tpu.memory_space<vmem>>, vector<1x16xf32>,
        %get3A_250 = vector.shape_cast %get3A_249 : vector<1x16xf32> to vector<16xf32>
        %mul3A_251 = arith.mulf %get3A_250, %broadcast_in_dim3A_236 : vector<16xf32>
        %swap3A_252 = arith.index_cast %add3A_233 : i32 to index
        %swap3A_253 = arith.constant 16 : index
        %swap3A_254 = tpu.vector_load %arg10[%swap3A_252, %swap3A_253] {strides = array<i32>} : memref<128x64xf32, #tpu.memory_space<vmem>>, vector<1x16xf32>,
        %swap3A_255 = vector.shape_cast %swap3A_254 : vector<1x16xf32> to vector<16xf32>
        %swap3A_256 = vector.shape_cast %mul3A_251 : vector<16xf32> to vector<1x16xf32>
        tpu.vector_store %arg10[%swap3A_252, %swap3A_253], %swap3A_256 {strides = array<i32>} : memref<128x64xf32, #tpu.memory_space<vmem>>, vector<1x16xf32>,
        %get3A_257 = arith.index_cast %add3A_233 : i32 to index
        %get3A_258 = arith.constant 32 : index
        %get3A_259 = tpu.vector_load %arg10[%get3A_257, %get3A_258] {strides = array<i32>} : memref<128x64xf32, #tpu.memory_space<vmem>>, vector<1x16xf32>,
        %get3A_260 = vector.shape_cast %get3A_259 : vector<1x16xf32> to vector<16xf32>
        %mul3A_261 = arith.mulf %get3A_260, %broadcast_in_dim3A_236 : vector<16xf32>
        %swap3A_262 = arith.index_cast %add3A_233 : i32 to index
        %swap3A_263 = arith.constant 32 : index
        %swap3A_264 = tpu.vector_load %arg10[%swap3A_262, %swap3A_263] {strides = array<i32>} : memref<128x64xf32, #tpu.memory_space<vmem>>, vector<1x16xf32>,
        %swap3A_265 = vector.shape_cast %swap3A_264 : vector<1x16xf32> to vector<16xf32>
        %swap3A_266 = vector.shape_cast %mul3A_261 : vector<16xf32> to vector<1x16xf32>
        tpu.vector_store %arg10[%swap3A_262, %swap3A_263], %swap3A_266 {strides = array<i32>} : memref<128x64xf32, #tpu.memory_space<vmem>>, vector<1x16xf32>,
        %get3A_267 = arith.index_cast %add3A_233 : i32 to index
        %get3A_268 = arith.constant 48 : index
        %get3A_269 = tpu.vector_load %arg10[%get3A_267, %get3A_268] {strides = array<i32>} : memref<128x64xf32, #tpu.memory_space<vmem>>, vector<1x16xf32>,
        %get3A_270 = vector.shape_cast %get3A_269 : vector<1x16xf32> to vector<16xf32>
        %mul3A_271 = arith.mulf %get3A_270, %broadcast_in_dim3A_236 : vector<16xf32>
        %swap3A_272 = arith.index_cast %add3A_233 : i32 to index
        %swap3A_273 = arith.constant 48 : index
        %swap3A_274 = tpu.vector_load %arg10[%swap3A_272, %swap3A_273] {strides = array<i32>} : memref<128x64xf32, #tpu.memory_space<vmem>>, vector<1x16xf32>,
        %swap3A_275 = vector.shape_cast %swap3A_274 : vector<1x16xf32> to vector<16xf32>
        %swap3A_276 = vector.shape_cast %mul3A_271 : vector<16xf32> to vector<1x16xf32>
        tpu.vector_store %arg10[%swap3A_272, %swap3A_273], %swap3A_276 {strides = array<i32>} : memref<128x64xf32, #tpu.memory_space<vmem>>, vector<1x16xf32>,
        %mul3A_277 = arith.constant 16 : i32
        %mul3A_278 = arith.muli %scan3A_41, %mul3A_277 : i32
        %add3A_279 = arith.constant 5 : i32
        %add3A_280 = arith.addi %mul3A_278, %add3A_279 : i32
        %slice3A_281 = vector.extract_strided_slice %get3A_45 {offsets = [5], sizes = [1], strides = [1]} : vector<16xf32> to vector<1xf32>
        %squeeze3A_282 = vector.extract %slice3A_281[0] : f32 from vector<1xf32>
        %broadcast_in_dim3A_283 = vector.broadcast %squeeze3A_282 : f32 to vector<16xf32>
        %get3A_284 = arith.index_cast %add3A_280 : i32 to index
        %get3A_285 = arith.constant 0 : index
        %get3A_286 = tpu.vector_load %arg10[%get3A_284, %get3A_285] {strides = array<i32>} : memref<128x64xf32, #tpu.memory_space<vmem>>, vector<1x16xf32>,
        %get3A_287 = vector.shape_cast %get3A_286 : vector<1x16xf32> to vector<16xf32>
        %mul3A_288 = arith.mulf %get3A_287, %broadcast_in_dim3A_283 : vector<16xf32>
        %swap3A_289 = arith.index_cast %add3A_280 : i32 to index
        %swap3A_290 = arith.constant 0 : index
        %swap3A_291 = tpu.vector_load %arg10[%swap3A_289, %swap3A_290] {strides = array<i32>} : memref<128x64xf32, #tpu.memory_space<vmem>>, vector<1x16xf32>,
        %swap3A_292 = vector.shape_cast %swap3A_291 : vector<1x16xf32> to vector<16xf32>
        %swap3A_293 = vector.shape_cast %mul3A_288 : vector<16xf32> to vector<1x16xf32>
        tpu.vector_store %arg10[%swap3A_289, %swap3A_290], %swap3A_293 {strides = array<i32>} : memref<128x64xf32, #tpu.memory_space<vmem>>, vector<1x16xf32>,
        %get3A_294 = arith.index_cast %add3A_280 : i32 to index
        %get3A_295 = arith.constant 16 : index
        %get3A_296 = tpu.vector_load %arg10[%get3A_294, %get3A_295] {strides = array<i32>} : memref<128x64xf32, #tpu.memory_space<vmem>>, vector<1x16xf32>,
        %get3A_297 = vector.shape_cast %get3A_296 : vector<1x16xf32> to vector<16xf32>
        %mul3A_298 = arith.mulf %get3A_297, %broadcast_in_dim3A_283 : vector<16xf32>
        %swap3A_299 = arith.index_cast %add3A_280 : i32 to index
        %swap3A_300 = arith.constant 16 : index
        %swap3A_301 = tpu.vector_load %arg10[%swap3A_299, %swap3A_300] {strides = array<i32>} : memref<128x64xf32, #tpu.memory_space<vmem>>, vector<1x16xf32>,
        %swap3A_302 = vector.shape_cast %swap3A_301 : vector<1x16xf32> to vector<16xf32>
        %swap3A_303 = vector.shape_cast %mul3A_298 : vector<16xf32> to vector<1x16xf32>
        tpu.vector_store %arg10[%swap3A_299, %swap3A_300], %swap3A_303 {strides = array<i32>} : memref<128x64xf32, #tpu.memory_space<vmem>>, vector<1x16xf32>,
        %get3A_304 = arith.index_cast %add3A_280 : i32 to index
        %get3A_305 = arith.constant 32 : index
        %get3A_306 = tpu.vector_load %arg10[%get3A_304, %get3A_305] {strides = array<i32>} : memref<128x64xf32, #tpu.memory_space<vmem>>, vector<1x16xf32>,
        %get3A_307 = vector.shape_cast %get3A_306 : vector<1x16xf32> to vector<16xf32>
        %mul3A_308 = arith.mulf %get3A_307, %broadcast_in_dim3A_283 : vector<16xf32>
        %swap3A_309 = arith.index_cast %add3A_280 : i32 to index
        %swap3A_310 = arith.constant 32 : index
        %swap3A_311 = tpu.vector_load %arg10[%swap3A_309, %swap3A_310] {strides = array<i32>} : memref<128x64xf32, #tpu.memory_space<vmem>>, vector<1x16xf32>,
        %swap3A_312 = vector.shape_cast %swap3A_311 : vector<1x16xf32> to vector<16xf32>
        %swap3A_313 = vector.shape_cast %mul3A_308 : vector<16xf32> to vector<1x16xf32>
        tpu.vector_store %arg10[%swap3A_309, %swap3A_310], %swap3A_313 {strides = array<i32>} : memref<128x64xf32, #tpu.memory_space<vmem>>, vector<1x16xf32>,
        %get3A_314 = arith.index_cast %add3A_280 : i32 to index
        %get3A_315 = arith.constant 48 : index
        %get3A_316 = tpu.vector_load %arg10[%get3A_314, %get3A_315] {strides = array<i32>} : memref<128x64xf32, #tpu.memory_space<vmem>>, vector<1x16xf32>,
        %get3A_317 = vector.shape_cast %get3A_316 : vector<1x16xf32> to vector<16xf32>
        %mul3A_318 = arith.mulf %get3A_317, %broadcast_in_dim3A_283 : vector<16xf32>
        %swap3A_319 = arith.index_cast %add3A_280 : i32 to index
        %swap3A_320 = arith.constant 48 : index
        %swap3A_321 = tpu.vector_load %arg10[%swap3A_319, %swap3A_320] {strides = array<i32>} : memref<128x64xf32, #tpu.memory_space<vmem>>, vector<1x16xf32>,
        %swap3A_322 = vector.shape_cast %swap3A_321 : vector<1x16xf32> to vector<16xf32>
        %swap3A_323 = vector.shape_cast %mul3A_318 : vector<16xf32> to vector<1x16xf32>
        tpu.vector_store %arg10[%swap3A_319, %swap3A_320], %swap3A_323 {strides = array<i32>} : memref<128x64xf32, #tpu.memory_space<vmem>>, vector<1x16xf32>,
        %mul3A_324 = arith.constant 16 : i32
        %mul3A_325 = arith.muli %scan3A_41, %mul3A_324 : i32
        %add3A_326 = arith.constant 6 : i32
        %add3A_327 = arith.addi %mul3A_325, %add3A_326 : i32
        %slice3A_328 = vector.extract_strided_slice %get3A_45 {offsets = [6], sizes = [1], strides = [1]} : vector<16xf32> to vector<1xf32>
        %squeeze3A_329 = vector.extract %slice3A_328[0] : f32 from vector<1xf32>
        %broadcast_in_dim3A_330 = vector.broadcast %squeeze3A_329 : f32 to vector<16xf32>
        %get3A_331 = arith.index_cast %add3A_327 : i32 to index
        %get3A_332 = arith.constant 0 : index
        %get3A_333 = tpu.vector_load %arg10[%get3A_331, %get3A_332] {strides = array<i32>} : memref<128x64xf32, #tpu.memory_space<vmem>>, vector<1x16xf32>,
        %get3A_334 = vector.shape_cast %get3A_333 : vector<1x16xf32> to vector<16xf32>
        %mul3A_335 = arith.mulf %get3A_334, %broadcast_in_dim3A_330 : vector<16xf32>
        %swap3A_336 = arith.index_cast %add3A_327 : i32 to index
        %swap3A_337 = arith.constant 0 : index
        %swap3A_338 = tpu.vector_load %arg10[%swap3A_336, %swap3A_337] {strides = array<i32>} : memref<128x64xf32, #tpu.memory_space<vmem>>, vector<1x16xf32>,
        %swap3A_339 = vector.shape_cast %swap3A_338 : vector<1x16xf32> to vector<16xf32>
        %swap3A_340 = vector.shape_cast %mul3A_335 : vector<16xf32> to vector<1x16xf32>
        tpu.vector_store %arg10[%swap3A_336, %swap3A_337], %swap3A_340 {strides = array<i32>} : memref<128x64xf32, #tpu.memory_space<vmem>>, vector<1x16xf32>,
        %get3A_341 = arith.index_cast %add3A_327 : i32 to index
        %get3A_342 = arith.constant 16 : index
        %get3A_343 = tpu.vector_load %arg10[%get3A_341, %get3A_342] {strides = array<i32>} : memref<128x64xf32, #tpu.memory_space<vmem>>, vector<1x16xf32>,
        %get3A_344 = vector.shape_cast %get3A_343 : vector<1x16xf32> to vector<16xf32>
        %mul3A_345 = arith.mulf %get3A_344, %broadcast_in_dim3A_330 : vector<16xf32>
        %swap3A_346 = arith.index_cast %add3A_327 : i32 to index
        %swap3A_347 = arith.constant 16 : index
        %swap3A_348 = tpu.vector_load %arg10[%swap3A_346, %swap3A_347] {strides = array<i32>} : memref<128x64xf32, #tpu.memory_space<vmem>>, vector<1x16xf32>,
        %swap3A_349 = vector.shape_cast %swap3A_348 : vector<1x16xf32> to vector<16xf32>
        %swap3A_350 = vector.shape_cast %mul3A_345 : vector<16xf32> to vector<1x16xf32>
        tpu.vector_store %arg10[%swap3A_346, %swap3A_347], %swap3A_350 {strides = array<i32>} : memref<128x64xf32, #tpu.memory_space<vmem>>, vector<1x16xf32>,
        %get3A_351 = arith.index_cast %add3A_327 : i32 to index
        %get3A_352 = arith.constant 32 : index
        %get3A_353 = tpu.vector_load %arg10[%get3A_351, %get3A_352] {strides = array<i32>} : memref<128x64xf32, #tpu.memory_space<vmem>>, vector<1x16xf32>,
        %get3A_354 = vector.shape_cast %get3A_353 : vector<1x16xf32> to vector<16xf32>
        %mul3A_355 = arith.mulf %get3A_354, %broadcast_in_dim3A_330 : vector<16xf32>
        %swap3A_356 = arith.index_cast %add3A_327 : i32 to index
        %swap3A_357 = arith.constant 32 : index
        %swap3A_358 = tpu.vector_load %arg10[%swap3A_356, %swap3A_357] {strides = array<i32>} : memref<128x64xf32, #tpu.memory_space<vmem>>, vector<1x16xf32>,
        %swap3A_359 = vector.shape_cast %swap3A_358 : vector<1x16xf32> to vector<16xf32>
        %swap3A_360 = vector.shape_cast %mul3A_355 : vector<16xf32> to vector<1x16xf32>
        tpu.vector_store %arg10[%swap3A_356, %swap3A_357], %swap3A_360 {strides = array<i32>} : memref<128x64xf32, #tpu.memory_space<vmem>>, vector<1x16xf32>,
        %get3A_361 = arith.index_cast %add3A_327 : i32 to index
        %get3A_362 = arith.constant 48 : index
        %get3A_363 = tpu.vector_load %arg10[%get3A_361, %get3A_362] {strides = array<i32>} : memref<128x64xf32, #tpu.memory_space<vmem>>, vector<1x16xf32>,
        %get3A_364 = vector.shape_cast %get3A_363 : vector<1x16xf32> to vector<16xf32>
        %mul3A_365 = arith.mulf %get3A_364, %broadcast_in_dim3A_330 : vector<16xf32>
        %swap3A_366 = arith.index_cast %add3A_327 : i32 to index
        %swap3A_367 = arith.constant 48 : index
        %swap3A_368 = tpu.vector_load %arg10[%swap3A_366, %swap3A_367] {strides = array<i32>} : memref<128x64xf32, #tpu.memory_space<vmem>>, vector<1x16xf32>,
        %swap3A_369 = vector.shape_cast %swap3A_368 : vector<1x16xf32> to vector<16xf32>
        %swap3A_370 = vector.shape_cast %mul3A_365 : vector<16xf32> to vector<1x16xf32>
        tpu.vector_store %arg10[%swap3A_366, %swap3A_367], %swap3A_370 {strides = array<i32>} : memref<128x64xf32, #tpu.memory_space<vmem>>, vector<1x16xf32>,
        %mul3A_371 = arith.constant 16 : i32
        %mul3A_372 = arith.muli %scan3A_41, %mul3A_371 : i32
        %add3A_373 = arith.constant 7 : i32
        %add3A_374 = arith.addi %mul3A_372, %add3A_373 : i32
        %slice3A_375 = vector.extract_strided_slice %get3A_45 {offsets = [7], sizes = [1], strides = [1]} : vector<16xf32> to vector<1xf32>
        %squeeze3A_376 = vector.extract %slice3A_375[0] : f32 from vector<1xf32>
        %broadcast_in_dim3A_377 = vector.broadcast %squeeze3A_376 : f32 to vector<16xf32>
        %get3A_378 = arith.index_cast %add3A_374 : i32 to index
        %get3A_379 = arith.constant 0 : index
        %get3A_380 = tpu.vector_load %arg10[%get3A_378, %get3A_379] {strides = array<i32>} : memref<128x64xf32, #tpu.memory_space<vmem>>, vector<1x16xf32>,
        %get3A_381 = vector.shape_cast %get3A_380 : vector<1x16xf32> to vector<16xf32>
        %mul3A_382 = arith.mulf %get3A_381, %broadcast_in_dim3A_377 : vector<16xf32>
        %swap3A_383 = arith.index_cast %add3A_374 : i32 to index
        %swap3A_384 = arith.constant 0 : index
        %swap3A_385 = tpu.vector_load %arg10[%swap3A_383, %swap3A_384] {strides = array<i32>} : memref<128x64xf32, #tpu.memory_space<vmem>>, vector<1x16xf32>,
        %swap3A_386 = vector.shape_cast %swap3A_385 : vector<1x16xf32> to vector<16xf32>
        %swap3A_387 = vector.shape_cast %mul3A_382 : vector<16xf32> to vector<1x16xf32>
        tpu.vector_store %arg10[%swap3A_383, %swap3A_384], %swap3A_387 {strides = array<i32>} : memref<128x64xf32, #tpu.memory_space<vmem>>, vector<1x16xf32>,
        %get3A_388 = arith.index_cast %add3A_374 : i32 to index
        %get3A_389 = arith.constant 16 : index
        %get3A_390 = tpu.vector_load %arg10[%get3A_388, %get3A_389] {strides = array<i32>} : memref<128x64xf32, #tpu.memory_space<vmem>>, vector<1x16xf32>,
        %get3A_391 = vector.shape_cast %get3A_390 : vector<1x16xf32> to vector<16xf32>
        %mul3A_392 = arith.mulf %get3A_391, %broadcast_in_dim3A_377 : vector<16xf32>
        %swap3A_393 = arith.index_cast %add3A_374 : i32 to index
        %swap3A_394 = arith.constant 16 : index
        %swap3A_395 = tpu.vector_load %arg10[%swap3A_393, %swap3A_394] {strides = array<i32>} : memref<128x64xf32, #tpu.memory_space<vmem>>, vector<1x16xf32>,
        %swap3A_396 = vector.shape_cast %swap3A_395 : vector<1x16xf32> to vector<16xf32>
        %swap3A_397 = vector.shape_cast %mul3A_392 : vector<16xf32> to vector<1x16xf32>
        tpu.vector_store %arg10[%swap3A_393, %swap3A_394], %swap3A_397 {strides = array<i32>} : memref<128x64xf32, #tpu.memory_space<vmem>>, vector<1x16xf32>,
        %get3A_398 = arith.index_cast %add3A_374 : i32 to index
        %get3A_399 = arith.constant 32 : index
        %get3A_400 = tpu.vector_load %arg10[%get3A_398, %get3A_399] {strides = array<i32>} : memref<128x64xf32, #tpu.memory_space<vmem>>, vector<1x16xf32>,
        %get3A_401 = vector.shape_cast %get3A_400 : vector<1x16xf32> to vector<16xf32>
        %mul3A_402 = arith.mulf %get3A_401, %broadcast_in_dim3A_377 : vector<16xf32>
        %swap3A_403 = arith.index_cast %add3A_374 : i32 to index
        %swap3A_404 = arith.constant 32 : index
        %swap3A_405 = tpu.vector_load %arg10[%swap3A_403, %swap3A_404] {strides = array<i32>} : memref<128x64xf32, #tpu.memory_space<vmem>>, vector<1x16xf32>,
        %swap3A_406 = vector.shape_cast %swap3A_405 : vector<1x16xf32> to vector<16xf32>
        %swap3A_407 = vector.shape_cast %mul3A_402 : vector<16xf32> to vector<1x16xf32>
        tpu.vector_store %arg10[%swap3A_403, %swap3A_404], %swap3A_407 {strides = array<i32>} : memref<128x64xf32, #tpu.memory_space<vmem>>, vector<1x16xf32>,
        %get3A_408 = arith.index_cast %add3A_374 : i32 to index
        %get3A_409 = arith.constant 48 : index
        %get3A_410 = tpu.vector_load %arg10[%get3A_408, %get3A_409] {strides = array<i32>} : memref<128x64xf32, #tpu.memory_space<vmem>>, vector<1x16xf32>,
        %get3A_411 = vector.shape_cast %get3A_410 : vector<1x16xf32> to vector<16xf32>
        %mul3A_412 = arith.mulf %get3A_411, %broadcast_in_dim3A_377 : vector<16xf32>
        %swap3A_413 = arith.index_cast %add3A_374 : i32 to index
        %swap3A_414 = arith.constant 48 : index
        %swap3A_415 = tpu.vector_load %arg10[%swap3A_413, %swap3A_414] {strides = array<i32>} : memref<128x64xf32, #tpu.memory_space<vmem>>, vector<1x16xf32>,
        %swap3A_416 = vector.shape_cast %swap3A_415 : vector<1x16xf32> to vector<16xf32>
        %swap3A_417 = vector.shape_cast %mul3A_412 : vector<16xf32> to vector<1x16xf32>
        tpu.vector_store %arg10[%swap3A_413, %swap3A_414], %swap3A_417 {strides = array<i32>} : memref<128x64xf32, #tpu.memory_space<vmem>>, vector<1x16xf32>,
        %mul3A_418 = arith.constant 16 : i32
        %mul3A_419 = arith.muli %scan3A_41, %mul3A_418 : i32
        %add3A_420 = arith.constant 8 : i32
        %add3A_421 = arith.addi %mul3A_419, %add3A_420 : i32
        %slice3A_422 = vector.extract_strided_slice %get3A_45 {offsets = [8], sizes = [1], strides = [1]} : vector<16xf32> to vector<1xf32>
        %squeeze3A_423 = vector.extract %slice3A_422[0] : f32 from vector<1xf32>
        %broadcast_in_dim3A_424 = vector.broadcast %squeeze3A_423 : f32 to vector<16xf32>
        %get3A_425 = arith.index_cast %add3A_421 : i32 to index
        %get3A_426 = arith.constant 0 : index
        %get3A_427 = tpu.vector_load %arg10[%get3A_425, %get3A_426] {strides = array<i32>} : memref<128x64xf32, #tpu.memory_space<vmem>>, vector<1x16xf32>,
        %get3A_428 = vector.shape_cast %get3A_427 : vector<1x16xf32> to vector<16xf32>
        %mul3A_429 = arith.mulf %get3A_428, %broadcast_in_dim3A_424 : vector<16xf32>
        %swap3A_430 = arith.index_cast %add3A_421 : i32 to index
        %swap3A_431 = arith.constant 0 : index
        %swap3A_432 = tpu.vector_load %arg10[%swap3A_430, %swap3A_431] {strides = array<i32>} : memref<128x64xf32, #tpu.memory_space<vmem>>, vector<1x16xf32>,
        %swap3A_433 = vector.shape_cast %swap3A_432 : vector<1x16xf32> to vector<16xf32>
        %swap3A_434 = vector.shape_cast %mul3A_429 : vector<16xf32> to vector<1x16xf32>
        tpu.vector_store %arg10[%swap3A_430, %swap3A_431], %swap3A_434 {strides = array<i32>} : memref<128x64xf32, #tpu.memory_space<vmem>>, vector<1x16xf32>,
        %get3A_435 = arith.index_cast %add3A_421 : i32 to index
        %get3A_436 = arith.constant 16 : index
        %get3A_437 = tpu.vector_load %arg10[%get3A_435, %get3A_436] {strides = array<i32>} : memref<128x64xf32, #tpu.memory_space<vmem>>, vector<1x16xf32>,
        %get3A_438 = vector.shape_cast %get3A_437 : vector<1x16xf32> to vector<16xf32>
        %mul3A_439 = arith.mulf %get3A_438, %broadcast_in_dim3A_424 : vector<16xf32>
        %swap3A_440 = arith.index_cast %add3A_421 : i32 to index
        %swap3A_441 = arith.constant 16 : index
        %swap3A_442 = tpu.vector_load %arg10[%swap3A_440, %swap3A_441] {strides = array<i32>} : memref<128x64xf32, #tpu.memory_space<vmem>>, vector<1x16xf32>,
        %swap3A_443 = vector.shape_cast %swap3A_442 : vector<1x16xf32> to vector<16xf32>
        %swap3A_444 = vector.shape_cast %mul3A_439 : vector<16xf32> to vector<1x16xf32>
        tpu.vector_store %arg10[%swap3A_440, %swap3A_441], %swap3A_444 {strides = array<i32>} : memref<128x64xf32, #tpu.memory_space<vmem>>, vector<1x16xf32>,
        %get3A_445 = arith.index_cast %add3A_421 : i32 to index
        %get3A_446 = arith.constant 32 : index
        %get3A_447 = tpu.vector_load %arg10[%get3A_445, %get3A_446] {strides = array<i32>} : memref<128x64xf32, #tpu.memory_space<vmem>>, vector<1x16xf32>,
        %get3A_448 = vector.shape_cast %get3A_447 : vector<1x16xf32> to vector<16xf32>
        %mul3A_449 = arith.mulf %get3A_448, %broadcast_in_dim3A_424 : vector<16xf32>
        %swap3A_450 = arith.index_cast %add3A_421 : i32 to index
        %swap3A_451 = arith.constant 32 : index
        %swap3A_452 = tpu.vector_load %arg10[%swap3A_450, %swap3A_451] {strides = array<i32>} : memref<128x64xf32, #tpu.memory_space<vmem>>, vector<1x16xf32>,
        %swap3A_453 = vector.shape_cast %swap3A_452 : vector<1x16xf32> to vector<16xf32>
        %swap3A_454 = vector.shape_cast %mul3A_449 : vector<16xf32> to vector<1x16xf32>
        tpu.vector_store %arg10[%swap3A_450, %swap3A_451], %swap3A_454 {strides = array<i32>} : memref<128x64xf32, #tpu.memory_space<vmem>>, vector<1x16xf32>,
        %get3A_455 = arith.index_cast %add3A_421 : i32 to index
        %get3A_456 = arith.constant 48 : index
        %get3A_457 = tpu.vector_load %arg10[%get3A_455, %get3A_456] {strides = array<i32>} : memref<128x64xf32, #tpu.memory_space<vmem>>, vector<1x16xf32>,
        %get3A_458 = vector.shape_cast %get3A_457 : vector<1x16xf32> to vector<16xf32>
        %mul3A_459 = arith.mulf %get3A_458, %broadcast_in_dim3A_424 : vector<16xf32>
        %swap3A_460 = arith.index_cast %add3A_421 : i32 to index
        %swap3A_461 = arith.constant 48 : index
        %swap3A_462 = tpu.vector_load %arg10[%swap3A_460, %swap3A_461] {strides = array<i32>} : memref<128x64xf32, #tpu.memory_space<vmem>>, vector<1x16xf32>,
        %swap3A_463 = vector.shape_cast %swap3A_462 : vector<1x16xf32> to vector<16xf32>
        %swap3A_464 = vector.shape_cast %mul3A_459 : vector<16xf32> to vector<1x16xf32>
        tpu.vector_store %arg10[%swap3A_460, %swap3A_461], %swap3A_464 {strides = array<i32>} : memref<128x64xf32, #tpu.memory_space<vmem>>, vector<1x16xf32>,
        %mul3A_465 = arith.constant 16 : i32
        %mul3A_466 = arith.muli %scan3A_41, %mul3A_465 : i32
        %add3A_467 = arith.constant 9 : i32
        %add3A_468 = arith.addi %mul3A_466, %add3A_467 : i32
        %slice3A_469 = vector.extract_strided_slice %get3A_45 {offsets = [9], sizes = [1], strides = [1]} : vector<16xf32> to vector<1xf32>
        %squeeze3A_470 = vector.extract %slice3A_469[0] : f32 from vector<1xf32>
        %broadcast_in_dim3A_471 = vector.broadcast %squeeze3A_470 : f32 to vector<16xf32>
        %get3A_472 = arith.index_cast %add3A_468 : i32 to index
        %get3A_473 = arith.constant 0 : index
        %get3A_474 = tpu.vector_load %arg10[%get3A_472, %get3A_473] {strides = array<i32>} : memref<128x64xf32, #tpu.memory_space<vmem>>, vector<1x16xf32>,
        %get3A_475 = vector.shape_cast %get3A_474 : vector<1x16xf32> to vector<16xf32>
        %mul3A_476 = arith.mulf %get3A_475, %broadcast_in_dim3A_471 : vector<16xf32>
        %swap3A_477 = arith.index_cast %add3A_468 : i32 to index
        %swap3A_478 = arith.constant 0 : index
        %swap3A_479 = tpu.vector_load %arg10[%swap3A_477, %swap3A_478] {strides = array<i32>} : memref<128x64xf32, #tpu.memory_space<vmem>>, vector<1x16xf32>,
        %swap3A_480 = vector.shape_cast %swap3A_479 : vector<1x16xf32> to vector<16xf32>
        %swap3A_481 = vector.shape_cast %mul3A_476 : vector<16xf32> to vector<1x16xf32>
        tpu.vector_store %arg10[%swap3A_477, %swap3A_478], %swap3A_481 {strides = array<i32>} : memref<128x64xf32, #tpu.memory_space<vmem>>, vector<1x16xf32>,
        %get3A_482 = arith.index_cast %add3A_468 : i32 to index
        %get3A_483 = arith.constant 16 : index
        %get3A_484 = tpu.vector_load %arg10[%get3A_482, %get3A_483] {strides = array<i32>} : memref<128x64xf32, #tpu.memory_space<vmem>>, vector<1x16xf32>,
        %get3A_485 = vector.shape_cast %get3A_484 : vector<1x16xf32> to vector<16xf32>
        %mul3A_486 = arith.mulf %get3A_485, %broadcast_in_dim3A_471 : vector<16xf32>
        %swap3A_487 = arith.index_cast %add3A_468 : i32 to index
        %swap3A_488 = arith.constant 16 : index
        %swap3A_489 = tpu.vector_load %arg10[%swap3A_487, %swap3A_488] {strides = array<i32>} : memref<128x64xf32, #tpu.memory_space<vmem>>, vector<1x16xf32>,
        %swap3A_490 = vector.shape_cast %swap3A_489 : vector<1x16xf32> to vector<16xf32>
        %swap3A_491 = vector.shape_cast %mul3A_486 : vector<16xf32> to vector<1x16xf32>
        tpu.vector_store %arg10[%swap3A_487, %swap3A_488], %swap3A_491 {strides = array<i32>} : memref<128x64xf32, #tpu.memory_space<vmem>>, vector<1x16xf32>,
        %get3A_492 = arith.index_cast %add3A_468 : i32 to index
        %get3A_493 = arith.constant 32 : index
        %get3A_494 = tpu.vector_load %arg10[%get3A_492, %get3A_493] {strides = array<i32>} : memref<128x64xf32, #tpu.memory_space<vmem>>, vector<1x16xf32>,
        %get3A_495 = vector.shape_cast %get3A_494 : vector<1x16xf32> to vector<16xf32>
        %mul3A_496 = arith.mulf %get3A_495, %broadcast_in_dim3A_471 : vector<16xf32>
        %swap3A_497 = arith.index_cast %add3A_468 : i32 to index
        %swap3A_498 = arith.constant 32 : index
        %swap3A_499 = tpu.vector_load %arg10[%swap3A_497, %swap3A_498] {strides = array<i32>} : memref<128x64xf32, #tpu.memory_space<vmem>>, vector<1x16xf32>,
        %swap3A_500 = vector.shape_cast %swap3A_499 : vector<1x16xf32> to vector<16xf32>
        %swap3A_501 = vector.shape_cast %mul3A_496 : vector<16xf32> to vector<1x16xf32>
        tpu.vector_store %arg10[%swap3A_497, %swap3A_498], %swap3A_501 {strides = array<i32>} : memref<128x64xf32, #tpu.memory_space<vmem>>, vector<1x16xf32>,
        %get3A_502 = arith.index_cast %add3A_468 : i32 to index
        %get3A_503 = arith.constant 48 : index
        %get3A_504 = tpu.vector_load %arg10[%get3A_502, %get3A_503] {strides = array<i32>} : memref<128x64xf32, #tpu.memory_space<vmem>>, vector<1x16xf32>,
        %get3A_505 = vector.shape_cast %get3A_504 : vector<1x16xf32> to vector<16xf32>
        %mul3A_506 = arith.mulf %get3A_505, %broadcast_in_dim3A_471 : vector<16xf32>
        %swap3A_507 = arith.index_cast %add3A_468 : i32 to index
        %swap3A_508 = arith.constant 48 : index
        %swap3A_509 = tpu.vector_load %arg10[%swap3A_507, %swap3A_508] {strides = array<i32>} : memref<128x64xf32, #tpu.memory_space<vmem>>, vector<1x16xf32>,
        %swap3A_510 = vector.shape_cast %swap3A_509 : vector<1x16xf32> to vector<16xf32>
        %swap3A_511 = vector.shape_cast %mul3A_506 : vector<16xf32> to vector<1x16xf32>
        tpu.vector_store %arg10[%swap3A_507, %swap3A_508], %swap3A_511 {strides = array<i32>} : memref<128x64xf32, #tpu.memory_space<vmem>>, vector<1x16xf32>,
        %mul3A_512 = arith.constant 16 : i32
        %mul3A_513 = arith.muli %scan3A_41, %mul3A_512 : i32
        %add3A_514 = arith.constant 10 : i32
        %add3A_515 = arith.addi %mul3A_513, %add3A_514 : i32
        %slice3A_516 = vector.extract_strided_slice %get3A_45 {offsets = [10], sizes = [1], strides = [1]} : vector<16xf32> to vector<1xf32>
        %squeeze3A_517 = vector.extract %slice3A_516[0] : f32 from vector<1xf32>
        %broadcast_in_dim3A_518 = vector.broadcast %squeeze3A_517 : f32 to vector<16xf32>
        %get3A_519 = arith.index_cast %add3A_515 : i32 to index
        %get3A_520 = arith.constant 0 : index
        %get3A_521 = tpu.vector_load %arg10[%get3A_519, %get3A_520] {strides = array<i32>} : memref<128x64xf32, #tpu.memory_space<vmem>>, vector<1x16xf32>,
        %get3A_522 = vector.shape_cast %get3A_521 : vector<1x16xf32> to vector<16xf32>
        %mul3A_523 = arith.mulf %get3A_522, %broadcast_in_dim3A_518 : vector<16xf32>
        %swap3A_524 = arith.index_cast %add3A_515 : i32 to index
        %swap3A_525 = arith.constant 0 : index
        %swap3A_526 = tpu.vector_load %arg10[%swap3A_524, %swap3A_525] {strides = array<i32>} : memref<128x64xf32, #tpu.memory_space<vmem>>, vector<1x16xf32>,
        %swap3A_527 = vector.shape_cast %swap3A_526 : vector<1x16xf32> to vector<16xf32>
        %swap3A_528 = vector.shape_cast %mul3A_523 : vector<16xf32> to vector<1x16xf32>
        tpu.vector_store %arg10[%swap3A_524, %swap3A_525], %swap3A_528 {strides = array<i32>} : memref<128x64xf32, #tpu.memory_space<vmem>>, vector<1x16xf32>,
        %get3A_529 = arith.index_cast %add3A_515 : i32 to index
        %get3A_530 = arith.constant 16 : index
        %get3A_531 = tpu.vector_load %arg10[%get3A_529, %get3A_530] {strides = array<i32>} : memref<128x64xf32, #tpu.memory_space<vmem>>, vector<1x16xf32>,
        %get3A_532 = vector.shape_cast %get3A_531 : vector<1x16xf32> to vector<16xf32>
        %mul3A_533 = arith.mulf %get3A_532, %broadcast_in_dim3A_518 : vector<16xf32>
        %swap3A_534 = arith.index_cast %add3A_515 : i32 to index
        %swap3A_535 = arith.constant 16 : index
        %swap3A_536 = tpu.vector_load %arg10[%swap3A_534, %swap3A_535] {strides = array<i32>} : memref<128x64xf32, #tpu.memory_space<vmem>>, vector<1x16xf32>,
        %swap3A_537 = vector.shape_cast %swap3A_536 : vector<1x16xf32> to vector<16xf32>
        %swap3A_538 = vector.shape_cast %mul3A_533 : vector<16xf32> to vector<1x16xf32>
        tpu.vector_store %arg10[%swap3A_534, %swap3A_535], %swap3A_538 {strides = array<i32>} : memref<128x64xf32, #tpu.memory_space<vmem>>, vector<1x16xf32>,
        %get3A_539 = arith.index_cast %add3A_515 : i32 to index
        %get3A_540 = arith.constant 32 : index
        %get3A_541 = tpu.vector_load %arg10[%get3A_539, %get3A_540] {strides = array<i32>} : memref<128x64xf32, #tpu.memory_space<vmem>>, vector<1x16xf32>,
        %get3A_542 = vector.shape_cast %get3A_541 : vector<1x16xf32> to vector<16xf32>
        %mul3A_543 = arith.mulf %get3A_542, %broadcast_in_dim3A_518 : vector<16xf32>
        %swap3A_544 = arith.index_cast %add3A_515 : i32 to index
        %swap3A_545 = arith.constant 32 : index
        %swap3A_546 = tpu.vector_load %arg10[%swap3A_544, %swap3A_545] {strides = array<i32>} : memref<128x64xf32, #tpu.memory_space<vmem>>, vector<1x16xf32>,
        %swap3A_547 = vector.shape_cast %swap3A_546 : vector<1x16xf32> to vector<16xf32>
        %swap3A_548 = vector.shape_cast %mul3A_543 : vector<16xf32> to vector<1x16xf32>
        tpu.vector_store %arg10[%swap3A_544, %swap3A_545], %swap3A_548 {strides = array<i32>} : memref<128x64xf32, #tpu.memory_space<vmem>>, vector<1x16xf32>,
        %get3A_549 = arith.index_cast %add3A_515 : i32 to index
        %get3A_550 = arith.constant 48 : index
        %get3A_551 = tpu.vector_load %arg10[%get3A_549, %get3A_550] {strides = array<i32>} : memref<128x64xf32, #tpu.memory_space<vmem>>, vector<1x16xf32>,
        %get3A_552 = vector.shape_cast %get3A_551 : vector<1x16xf32> to vector<16xf32>
        %mul3A_553 = arith.mulf %get3A_552, %broadcast_in_dim3A_518 : vector<16xf32>
        %swap3A_554 = arith.index_cast %add3A_515 : i32 to index
        %swap3A_555 = arith.constant 48 : index
        %swap3A_556 = tpu.vector_load %arg10[%swap3A_554, %swap3A_555] {strides = array<i32>} : memref<128x64xf32, #tpu.memory_space<vmem>>, vector<1x16xf32>,
        %swap3A_557 = vector.shape_cast %swap3A_556 : vector<1x16xf32> to vector<16xf32>
        %swap3A_558 = vector.shape_cast %mul3A_553 : vector<16xf32> to vector<1x16xf32>
        tpu.vector_store %arg10[%swap3A_554, %swap3A_555], %swap3A_558 {strides = array<i32>} : memref<128x64xf32, #tpu.memory_space<vmem>>, vector<1x16xf32>,
        %mul3A_559 = arith.constant 16 : i32
        %mul3A_560 = arith.muli %scan3A_41, %mul3A_559 : i32
        %add3A_561 = arith.constant 11 : i32
        %add3A_562 = arith.addi %mul3A_560, %add3A_561 : i32
        %slice3A_563 = vector.extract_strided_slice %get3A_45 {offsets = [11], sizes = [1], strides = [1]} : vector<16xf32> to vector<1xf32>
        %squeeze3A_564 = vector.extract %slice3A_563[0] : f32 from vector<1xf32>
        %broadcast_in_dim3A_565 = vector.broadcast %squeeze3A_564 : f32 to vector<16xf32>
        %get3A_566 = arith.index_cast %add3A_562 : i32 to index
        %get3A_567 = arith.constant 0 : index
        %get3A_568 = tpu.vector_load %arg10[%get3A_566, %get3A_567] {strides = array<i32>} : memref<128x64xf32, #tpu.memory_space<vmem>>, vector<1x16xf32>,
        %get3A_569 = vector.shape_cast %get3A_568 : vector<1x16xf32> to vector<16xf32>
        %mul3A_570 = arith.mulf %get3A_569, %broadcast_in_dim3A_565 : vector<16xf32>
        %swap3A_571 = arith.index_cast %add3A_562 : i32 to index
        %swap3A_572 = arith.constant 0 : index
        %swap3A_573 = tpu.vector_load %arg10[%swap3A_571, %swap3A_572] {strides = array<i32>} : memref<128x64xf32, #tpu.memory_space<vmem>>, vector<1x16xf32>,
        %swap3A_574 = vector.shape_cast %swap3A_573 : vector<1x16xf32> to vector<16xf32>
        %swap3A_575 = vector.shape_cast %mul3A_570 : vector<16xf32> to vector<1x16xf32>
        tpu.vector_store %arg10[%swap3A_571, %swap3A_572], %swap3A_575 {strides = array<i32>} : memref<128x64xf32, #tpu.memory_space<vmem>>, vector<1x16xf32>,
        %get3A_576 = arith.index_cast %add3A_562 : i32 to index
        %get3A_577 = arith.constant 16 : index
        %get3A_578 = tpu.vector_load %arg10[%get3A_576, %get3A_577] {strides = array<i32>} : memref<128x64xf32, #tpu.memory_space<vmem>>, vector<1x16xf32>,
        %get3A_579 = vector.shape_cast %get3A_578 : vector<1x16xf32> to vector<16xf32>
        %mul3A_580 = arith.mulf %get3A_579, %broadcast_in_dim3A_565 : vector<16xf32>
        %swap3A_581 = arith.index_cast %add3A_562 : i32 to index
        %swap3A_582 = arith.constant 16 : index
        %swap3A_583 = tpu.vector_load %arg10[%swap3A_581, %swap3A_582] {strides = array<i32>} : memref<128x64xf32, #tpu.memory_space<vmem>>, vector<1x16xf32>,
        %swap3A_584 = vector.shape_cast %swap3A_583 : vector<1x16xf32> to vector<16xf32>
        %swap3A_585 = vector.shape_cast %mul3A_580 : vector<16xf32> to vector<1x16xf32>
        tpu.vector_store %arg10[%swap3A_581, %swap3A_582], %swap3A_585 {strides = array<i32>} : memref<128x64xf32, #tpu.memory_space<vmem>>, vector<1x16xf32>,
        %get3A_586 = arith.index_cast %add3A_562 : i32 to index
        %get3A_587 = arith.constant 32 : index
        %get3A_588 = tpu.vector_load %arg10[%get3A_586, %get3A_587] {strides = array<i32>} : memref<128x64xf32, #tpu.memory_space<vmem>>, vector<1x16xf32>,
        %get3A_589 = vector.shape_cast %get3A_588 : vector<1x16xf32> to vector<16xf32>
        %mul3A_590 = arith.mulf %get3A_589, %broadcast_in_dim3A_565 : vector<16xf32>
        %swap3A_591 = arith.index_cast %add3A_562 : i32 to index
        %swap3A_592 = arith.constant 32 : index
        %swap3A_593 = tpu.vector_load %arg10[%swap3A_591, %swap3A_592] {strides = array<i32>} : memref<128x64xf32, #tpu.memory_space<vmem>>, vector<1x16xf32>,
        %swap3A_594 = vector.shape_cast %swap3A_593 : vector<1x16xf32> to vector<16xf32>
        %swap3A_595 = vector.shape_cast %mul3A_590 : vector<16xf32> to vector<1x16xf32>
        tpu.vector_store %arg10[%swap3A_591, %swap3A_592], %swap3A_595 {strides = array<i32>} : memref<128x64xf32, #tpu.memory_space<vmem>>, vector<1x16xf32>,
        %get3A_596 = arith.index_cast %add3A_562 : i32 to index
        %get3A_597 = arith.constant 48 : index
        %get3A_598 = tpu.vector_load %arg10[%get3A_596, %get3A_597] {strides = array<i32>} : memref<128x64xf32, #tpu.memory_space<vmem>>, vector<1x16xf32>,
        %get3A_599 = vector.shape_cast %get3A_598 : vector<1x16xf32> to vector<16xf32>
        %mul3A_600 = arith.mulf %get3A_599, %broadcast_in_dim3A_565 : vector<16xf32>
        %swap3A_601 = arith.index_cast %add3A_562 : i32 to index
        %swap3A_602 = arith.constant 48 : index
        %swap3A_603 = tpu.vector_load %arg10[%swap3A_601, %swap3A_602] {strides = array<i32>} : memref<128x64xf32, #tpu.memory_space<vmem>>, vector<1x16xf32>,
        %swap3A_604 = vector.shape_cast %swap3A_603 : vector<1x16xf32> to vector<16xf32>
        %swap3A_605 = vector.shape_cast %mul3A_600 : vector<16xf32> to vector<1x16xf32>
        tpu.vector_store %arg10[%swap3A_601, %swap3A_602], %swap3A_605 {strides = array<i32>} : memref<128x64xf32, #tpu.memory_space<vmem>>, vector<1x16xf32>,
        %mul3A_606 = arith.constant 16 : i32
        %mul3A_607 = arith.muli %scan3A_41, %mul3A_606 : i32
        %add3A_608 = arith.constant 12 : i32
        %add3A_609 = arith.addi %mul3A_607, %add3A_608 : i32
        %slice3A_610 = vector.extract_strided_slice %get3A_45 {offsets = [12], sizes = [1], strides = [1]} : vector<16xf32> to vector<1xf32>
        %squeeze3A_611 = vector.extract %slice3A_610[0] : f32 from vector<1xf32>
        %broadcast_in_dim3A_612 = vector.broadcast %squeeze3A_611 : f32 to vector<16xf32>
        %get3A_613 = arith.index_cast %add3A_609 : i32 to index
        %get3A_614 = arith.constant 0 : index
        %get3A_615 = tpu.vector_load %arg10[%get3A_613, %get3A_614] {strides = array<i32>} : memref<128x64xf32, #tpu.memory_space<vmem>>, vector<1x16xf32>,
        %get3A_616 = vector.shape_cast %get3A_615 : vector<1x16xf32> to vector<16xf32>
        %mul3A_617 = arith.mulf %get3A_616, %broadcast_in_dim3A_612 : vector<16xf32>
        %swap3A_618 = arith.index_cast %add3A_609 : i32 to index
        %swap3A_619 = arith.constant 0 : index
        %swap3A_620 = tpu.vector_load %arg10[%swap3A_618, %swap3A_619] {strides = array<i32>} : memref<128x64xf32, #tpu.memory_space<vmem>>, vector<1x16xf32>,
        %swap3A_621 = vector.shape_cast %swap3A_620 : vector<1x16xf32> to vector<16xf32>
        %swap3A_622 = vector.shape_cast %mul3A_617 : vector<16xf32> to vector<1x16xf32>
        tpu.vector_store %arg10[%swap3A_618, %swap3A_619], %swap3A_622 {strides = array<i32>} : memref<128x64xf32, #tpu.memory_space<vmem>>, vector<1x16xf32>,
        %get3A_623 = arith.index_cast %add3A_609 : i32 to index
        %get3A_624 = arith.constant 16 : index
        %get3A_625 = tpu.vector_load %arg10[%get3A_623, %get3A_624] {strides = array<i32>} : memref<128x64xf32, #tpu.memory_space<vmem>>, vector<1x16xf32>,
        %get3A_626 = vector.shape_cast %get3A_625 : vector<1x16xf32> to vector<16xf32>
        %mul3A_627 = arith.mulf %get3A_626, %broadcast_in_dim3A_612 : vector<16xf32>
        %swap3A_628 = arith.index_cast %add3A_609 : i32 to index
        %swap3A_629 = arith.constant 16 : index
        %swap3A_630 = tpu.vector_load %arg10[%swap3A_628, %swap3A_629] {strides = array<i32>} : memref<128x64xf32, #tpu.memory_space<vmem>>, vector<1x16xf32>,
        %swap3A_631 = vector.shape_cast %swap3A_630 : vector<1x16xf32> to vector<16xf32>
        %swap3A_632 = vector.shape_cast %mul3A_627 : vector<16xf32> to vector<1x16xf32>
        tpu.vector_store %arg10[%swap3A_628, %swap3A_629], %swap3A_632 {strides = array<i32>} : memref<128x64xf32, #tpu.memory_space<vmem>>, vector<1x16xf32>,
        %get3A_633 = arith.index_cast %add3A_609 : i32 to index
        %get3A_634 = arith.constant 32 : index
        %get3A_635 = tpu.vector_load %arg10[%get3A_633, %get3A_634] {strides = array<i32>} : memref<128x64xf32, #tpu.memory_space<vmem>>, vector<1x16xf32>,
        %get3A_636 = vector.shape_cast %get3A_635 : vector<1x16xf32> to vector<16xf32>
        %mul3A_637 = arith.mulf %get3A_636, %broadcast_in_dim3A_612 : vector<16xf32>
        %swap3A_638 = arith.index_cast %add3A_609 : i32 to index
        %swap3A_639 = arith.constant 32 : index
        %swap3A_640 = tpu.vector_load %arg10[%swap3A_638, %swap3A_639] {strides = array<i32>} : memref<128x64xf32, #tpu.memory_space<vmem>>, vector<1x16xf32>,
        %swap3A_641 = vector.shape_cast %swap3A_640 : vector<1x16xf32> to vector<16xf32>
        %swap3A_642 = vector.shape_cast %mul3A_637 : vector<16xf32> to vector<1x16xf32>
        tpu.vector_store %arg10[%swap3A_638, %swap3A_639], %swap3A_642 {strides = array<i32>} : memref<128x64xf32, #tpu.memory_space<vmem>>, vector<1x16xf32>,
        %get3A_643 = arith.index_cast %add3A_609 : i32 to index
        %get3A_644 = arith.constant 48 : index
        %get3A_645 = tpu.vector_load %arg10[%get3A_643, %get3A_644] {strides = array<i32>} : memref<128x64xf32, #tpu.memory_space<vmem>>, vector<1x16xf32>,
        %get3A_646 = vector.shape_cast %get3A_645 : vector<1x16xf32> to vector<16xf32>
        %mul3A_647 = arith.mulf %get3A_646, %broadcast_in_dim3A_612 : vector<16xf32>
        %swap3A_648 = arith.index_cast %add3A_609 : i32 to index
        %swap3A_649 = arith.constant 48 : index
        %swap3A_650 = tpu.vector_load %arg10[%swap3A_648, %swap3A_649] {strides = array<i32>} : memref<128x64xf32, #tpu.memory_space<vmem>>, vector<1x16xf32>,
        %swap3A_651 = vector.shape_cast %swap3A_650 : vector<1x16xf32> to vector<16xf32>
        %swap3A_652 = vector.shape_cast %mul3A_647 : vector<16xf32> to vector<1x16xf32>
        tpu.vector_store %arg10[%swap3A_648, %swap3A_649], %swap3A_652 {strides = array<i32>} : memref<128x64xf32, #tpu.memory_space<vmem>>, vector<1x16xf32>,
        %mul3A_653 = arith.constant 16 : i32
        %mul3A_654 = arith.muli %scan3A_41, %mul3A_653 : i32
        %add3A_655 = arith.constant 13 : i32
        %add3A_656 = arith.addi %mul3A_654, %add3A_655 : i32
        %slice3A_657 = vector.extract_strided_slice %get3A_45 {offsets = [13], sizes = [1], strides = [1]} : vector<16xf32> to vector<1xf32>
        %squeeze3A_658 = vector.extract %slice3A_657[0] : f32 from vector<1xf32>
        %broadcast_in_dim3A_659 = vector.broadcast %squeeze3A_658 : f32 to vector<16xf32>
        %get3A_660 = arith.index_cast %add3A_656 : i32 to index
        %get3A_661 = arith.constant 0 : index
        %get3A_662 = tpu.vector_load %arg10[%get3A_660, %get3A_661] {strides = array<i32>} : memref<128x64xf32, #tpu.memory_space<vmem>>, vector<1x16xf32>,
        %get3A_663 = vector.shape_cast %get3A_662 : vector<1x16xf32> to vector<16xf32>
        %mul3A_664 = arith.mulf %get3A_663, %broadcast_in_dim3A_659 : vector<16xf32>
        %swap3A_665 = arith.index_cast %add3A_656 : i32 to index
        %swap3A_666 = arith.constant 0 : index
        %swap3A_667 = tpu.vector_load %arg10[%swap3A_665, %swap3A_666] {strides = array<i32>} : memref<128x64xf32, #tpu.memory_space<vmem>>, vector<1x16xf32>,
        %swap3A_668 = vector.shape_cast %swap3A_667 : vector<1x16xf32> to vector<16xf32>
        %swap3A_669 = vector.shape_cast %mul3A_664 : vector<16xf32> to vector<1x16xf32>
        tpu.vector_store %arg10[%swap3A_665, %swap3A_666], %swap3A_669 {strides = array<i32>} : memref<128x64xf32, #tpu.memory_space<vmem>>, vector<1x16xf32>,
        %get3A_670 = arith.index_cast %add3A_656 : i32 to index
        %get3A_671 = arith.constant 16 : index
        %get3A_672 = tpu.vector_load %arg10[%get3A_670, %get3A_671] {strides = array<i32>} : memref<128x64xf32, #tpu.memory_space<vmem>>, vector<1x16xf32>,
        %get3A_673 = vector.shape_cast %get3A_672 : vector<1x16xf32> to vector<16xf32>
        %mul3A_674 = arith.mulf %get3A_673, %broadcast_in_dim3A_659 : vector<16xf32>
        %swap3A_675 = arith.index_cast %add3A_656 : i32 to index
        %swap3A_676 = arith.constant 16 : index
        %swap3A_677 = tpu.vector_load %arg10[%swap3A_675, %swap3A_676] {strides = array<i32>} : memref<128x64xf32, #tpu.memory_space<vmem>>, vector<1x16xf32>,
        %swap3A_678 = vector.shape_cast %swap3A_677 : vector<1x16xf32> to vector<16xf32>
        %swap3A_679 = vector.shape_cast %mul3A_674 : vector<16xf32> to vector<1x16xf32>
        tpu.vector_store %arg10[%swap3A_675, %swap3A_676], %swap3A_679 {strides = array<i32>} : memref<128x64xf32, #tpu.memory_space<vmem>>, vector<1x16xf32>,
        %get3A_680 = arith.index_cast %add3A_656 : i32 to index
        %get3A_681 = arith.constant 32 : index
        %get3A_682 = tpu.vector_load %arg10[%get3A_680, %get3A_681] {strides = array<i32>} : memref<128x64xf32, #tpu.memory_space<vmem>>, vector<1x16xf32>,
        %get3A_683 = vector.shape_cast %get3A_682 : vector<1x16xf32> to vector<16xf32>
        %mul3A_684 = arith.mulf %get3A_683, %broadcast_in_dim3A_659 : vector<16xf32>
        %swap3A_685 = arith.index_cast %add3A_656 : i32 to index
        %swap3A_686 = arith.constant 32 : index
        %swap3A_687 = tpu.vector_load %arg10[%swap3A_685, %swap3A_686] {strides = array<i32>} : memref<128x64xf32, #tpu.memory_space<vmem>>, vector<1x16xf32>,
        %swap3A_688 = vector.shape_cast %swap3A_687 : vector<1x16xf32> to vector<16xf32>
        %swap3A_689 = vector.shape_cast %mul3A_684 : vector<16xf32> to vector<1x16xf32>
        tpu.vector_store %arg10[%swap3A_685, %swap3A_686], %swap3A_689 {strides = array<i32>} : memref<128x64xf32, #tpu.memory_space<vmem>>, vector<1x16xf32>,
        %get3A_690 = arith.index_cast %add3A_656 : i32 to index
        %get3A_691 = arith.constant 48 : index
        %get3A_692 = tpu.vector_load %arg10[%get3A_690, %get3A_691] {strides = array<i32>} : memref<128x64xf32, #tpu.memory_space<vmem>>, vector<1x16xf32>,
        %get3A_693 = vector.shape_cast %get3A_692 : vector<1x16xf32> to vector<16xf32>
        %mul3A_694 = arith.mulf %get3A_693, %broadcast_in_dim3A_659 : vector<16xf32>
        %swap3A_695 = arith.index_cast %add3A_656 : i32 to index
        %swap3A_696 = arith.constant 48 : index
        %swap3A_697 = tpu.vector_load %arg10[%swap3A_695, %swap3A_696] {strides = array<i32>} : memref<128x64xf32, #tpu.memory_space<vmem>>, vector<1x16xf32>,
        %swap3A_698 = vector.shape_cast %swap3A_697 : vector<1x16xf32> to vector<16xf32>
        %swap3A_699 = vector.shape_cast %mul3A_694 : vector<16xf32> to vector<1x16xf32>
        tpu.vector_store %arg10[%swap3A_695, %swap3A_696], %swap3A_699 {strides = array<i32>} : memref<128x64xf32, #tpu.memory_space<vmem>>, vector<1x16xf32>,
        %mul3A_700 = arith.constant 16 : i32
        %mul3A_701 = arith.muli %scan3A_41, %mul3A_700 : i32
        %add3A_702 = arith.constant 14 : i32
        %add3A_703 = arith.addi %mul3A_701, %add3A_702 : i32
        %slice3A_704 = vector.extract_strided_slice %get3A_45 {offsets = [14], sizes = [1], strides = [1]} : vector<16xf32> to vector<1xf32>
        %squeeze3A_705 = vector.extract %slice3A_704[0] : f32 from vector<1xf32>
        %broadcast_in_dim3A_706 = vector.broadcast %squeeze3A_705 : f32 to vector<16xf32>
        %get3A_707 = arith.index_cast %add3A_703 : i32 to index
        %get3A_708 = arith.constant 0 : index
        %get3A_709 = tpu.vector_load %arg10[%get3A_707, %get3A_708] {strides = array<i32>} : memref<128x64xf32, #tpu.memory_space<vmem>>, vector<1x16xf32>,
        %get3A_710 = vector.shape_cast %get3A_709 : vector<1x16xf32> to vector<16xf32>
        %mul3A_711 = arith.mulf %get3A_710, %broadcast_in_dim3A_706 : vector<16xf32>
        %swap3A_712 = arith.index_cast %add3A_703 : i32 to index
        %swap3A_713 = arith.constant 0 : index
        %swap3A_714 = tpu.vector_load %arg10[%swap3A_712, %swap3A_713] {strides = array<i32>} : memref<128x64xf32, #tpu.memory_space<vmem>>, vector<1x16xf32>,
        %swap3A_715 = vector.shape_cast %swap3A_714 : vector<1x16xf32> to vector<16xf32>
        %swap3A_716 = vector.shape_cast %mul3A_711 : vector<16xf32> to vector<1x16xf32>
        tpu.vector_store %arg10[%swap3A_712, %swap3A_713], %swap3A_716 {strides = array<i32>} : memref<128x64xf32, #tpu.memory_space<vmem>>, vector<1x16xf32>,
        %get3A_717 = arith.index_cast %add3A_703 : i32 to index
        %get3A_718 = arith.constant 16 : index
        %get3A_719 = tpu.vector_load %arg10[%get3A_717, %get3A_718] {strides = array<i32>} : memref<128x64xf32, #tpu.memory_space<vmem>>, vector<1x16xf32>,
        %get3A_720 = vector.shape_cast %get3A_719 : vector<1x16xf32> to vector<16xf32>
        %mul3A_721 = arith.mulf %get3A_720, %broadcast_in_dim3A_706 : vector<16xf32>
        %swap3A_722 = arith.index_cast %add3A_703 : i32 to index
        %swap3A_723 = arith.constant 16 : index
        %swap3A_724 = tpu.vector_load %arg10[%swap3A_722, %swap3A_723] {strides = array<i32>} : memref<128x64xf32, #tpu.memory_space<vmem>>, vector<1x16xf32>,
        %swap3A_725 = vector.shape_cast %swap3A_724 : vector<1x16xf32> to vector<16xf32>
        %swap3A_726 = vector.shape_cast %mul3A_721 : vector<16xf32> to vector<1x16xf32>
        tpu.vector_store %arg10[%swap3A_722, %swap3A_723], %swap3A_726 {strides = array<i32>} : memref<128x64xf32, #tpu.memory_space<vmem>>, vector<1x16xf32>,
        %get3A_727 = arith.index_cast %add3A_703 : i32 to index
        %get3A_728 = arith.constant 32 : index
        %get3A_729 = tpu.vector_load %arg10[%get3A_727, %get3A_728] {strides = array<i32>} : memref<128x64xf32, #tpu.memory_space<vmem>>, vector<1x16xf32>,
        %get3A_730 = vector.shape_cast %get3A_729 : vector<1x16xf32> to vector<16xf32>
        %mul3A_731 = arith.mulf %get3A_730, %broadcast_in_dim3A_706 : vector<16xf32>
        %swap3A_732 = arith.index_cast %add3A_703 : i32 to index
        %swap3A_733 = arith.constant 32 : index
        %swap3A_734 = tpu.vector_load %arg10[%swap3A_732, %swap3A_733] {strides = array<i32>} : memref<128x64xf32, #tpu.memory_space<vmem>>, vector<1x16xf32>,
        %swap3A_735 = vector.shape_cast %swap3A_734 : vector<1x16xf32> to vector<16xf32>
        %swap3A_736 = vector.shape_cast %mul3A_731 : vector<16xf32> to vector<1x16xf32>
        tpu.vector_store %arg10[%swap3A_732, %swap3A_733], %swap3A_736 {strides = array<i32>} : memref<128x64xf32, #tpu.memory_space<vmem>>, vector<1x16xf32>,
        %get3A_737 = arith.index_cast %add3A_703 : i32 to index
        %get3A_738 = arith.constant 48 : index
        %get3A_739 = tpu.vector_load %arg10[%get3A_737, %get3A_738] {strides = array<i32>} : memref<128x64xf32, #tpu.memory_space<vmem>>, vector<1x16xf32>,
        %get3A_740 = vector.shape_cast %get3A_739 : vector<1x16xf32> to vector<16xf32>
        %mul3A_741 = arith.mulf %get3A_740, %broadcast_in_dim3A_706 : vector<16xf32>
        %swap3A_742 = arith.index_cast %add3A_703 : i32 to index
        %swap3A_743 = arith.constant 48 : index
        %swap3A_744 = tpu.vector_load %arg10[%swap3A_742, %swap3A_743] {strides = array<i32>} : memref<128x64xf32, #tpu.memory_space<vmem>>, vector<1x16xf32>,
        %swap3A_745 = vector.shape_cast %swap3A_744 : vector<1x16xf32> to vector<16xf32>
        %swap3A_746 = vector.shape_cast %mul3A_741 : vector<16xf32> to vector<1x16xf32>
        tpu.vector_store %arg10[%swap3A_742, %swap3A_743], %swap3A_746 {strides = array<i32>} : memref<128x64xf32, #tpu.memory_space<vmem>>, vector<1x16xf32>,
        %mul3A_747 = arith.constant 16 : i32
        %mul3A_748 = arith.muli %scan3A_41, %mul3A_747 : i32
        %add3A_749 = arith.constant 15 : i32
        %add3A_750 = arith.addi %mul3A_748, %add3A_749 : i32
        %slice3A_751 = vector.extract_strided_slice %get3A_45 {offsets = [15], sizes = [1], strides = [1]} : vector<16xf32> to vector<1xf32>
        %squeeze3A_752 = vector.extract %slice3A_751[0] : f32 from vector<1xf32>
        %broadcast_in_dim3A_753 = vector.broadcast %squeeze3A_752 : f32 to vector<16xf32>
        %get3A_754 = arith.index_cast %add3A_750 : i32 to index
        %get3A_755 = arith.constant 0 : index
        %get3A_756 = tpu.vector_load %arg10[%get3A_754, %get3A_755] {strides = array<i32>} : memref<128x64xf32, #tpu.memory_space<vmem>>, vector<1x16xf32>,
        %get3A_757 = vector.shape_cast %get3A_756 : vector<1x16xf32> to vector<16xf32>
        %mul3A_758 = arith.mulf %get3A_757, %broadcast_in_dim3A_753 : vector<16xf32>
        %swap3A_759 = arith.index_cast %add3A_750 : i32 to index
        %swap3A_760 = arith.constant 0 : index
        %swap3A_761 = tpu.vector_load %arg10[%swap3A_759, %swap3A_760] {strides = array<i32>} : memref<128x64xf32, #tpu.memory_space<vmem>>, vector<1x16xf32>,
        %swap3A_762 = vector.shape_cast %swap3A_761 : vector<1x16xf32> to vector<16xf32>
        %swap3A_763 = vector.shape_cast %mul3A_758 : vector<16xf32> to vector<1x16xf32>
        tpu.vector_store %arg10[%swap3A_759, %swap3A_760], %swap3A_763 {strides = array<i32>} : memref<128x64xf32, #tpu.memory_space<vmem>>, vector<1x16xf32>,
        %get3A_764 = arith.index_cast %add3A_750 : i32 to index
        %get3A_765 = arith.constant 16 : index
        %get3A_766 = tpu.vector_load %arg10[%get3A_764, %get3A_765] {strides = array<i32>} : memref<128x64xf32, #tpu.memory_space<vmem>>, vector<1x16xf32>,
        %get3A_767 = vector.shape_cast %get3A_766 : vector<1x16xf32> to vector<16xf32>
        %mul3A_768 = arith.mulf %get3A_767, %broadcast_in_dim3A_753 : vector<16xf32>
        %swap3A_769 = arith.index_cast %add3A_750 : i32 to index
        %swap3A_770 = arith.constant 16 : index
        %swap3A_771 = tpu.vector_load %arg10[%swap3A_769, %swap3A_770] {strides = array<i32>} : memref<128x64xf32, #tpu.memory_space<vmem>>, vector<1x16xf32>,
        %swap3A_772 = vector.shape_cast %swap3A_771 : vector<1x16xf32> to vector<16xf32>
        %swap3A_773 = vector.shape_cast %mul3A_768 : vector<16xf32> to vector<1x16xf32>
        tpu.vector_store %arg10[%swap3A_769, %swap3A_770], %swap3A_773 {strides = array<i32>} : memref<128x64xf32, #tpu.memory_space<vmem>>, vector<1x16xf32>,
        %get3A_774 = arith.index_cast %add3A_750 : i32 to index
        %get3A_775 = arith.constant 32 : index
        %get3A_776 = tpu.vector_load %arg10[%get3A_774, %get3A_775] {strides = array<i32>} : memref<128x64xf32, #tpu.memory_space<vmem>>, vector<1x16xf32>,
        %get3A_777 = vector.shape_cast %get3A_776 : vector<1x16xf32> to vector<16xf32>
        %mul3A_778 = arith.mulf %get3A_777, %broadcast_in_dim3A_753 : vector<16xf32>
        %swap3A_779 = arith.index_cast %add3A_750 : i32 to index
        %swap3A_780 = arith.constant 32 : index
        %swap3A_781 = tpu.vector_load %arg10[%swap3A_779, %swap3A_780] {strides = array<i32>} : memref<128x64xf32, #tpu.memory_space<vmem>>, vector<1x16xf32>,
        %swap3A_782 = vector.shape_cast %swap3A_781 : vector<1x16xf32> to vector<16xf32>
        %swap3A_783 = vector.shape_cast %mul3A_778 : vector<16xf32> to vector<1x16xf32>
        tpu.vector_store %arg10[%swap3A_779, %swap3A_780], %swap3A_783 {strides = array<i32>} : memref<128x64xf32, #tpu.memory_space<vmem>>, vector<1x16xf32>,
        %get3A_784 = arith.index_cast %add3A_750 : i32 to index
        %get3A_785 = arith.constant 48 : index
        %get3A_786 = tpu.vector_load %arg10[%get3A_784, %get3A_785] {strides = array<i32>} : memref<128x64xf32, #tpu.memory_space<vmem>>, vector<1x16xf32>,
        %get3A_787 = vector.shape_cast %get3A_786 : vector<1x16xf32> to vector<16xf32>
        %mul3A_788 = arith.mulf %get3A_787, %broadcast_in_dim3A_753 : vector<16xf32>
        %swap3A_789 = arith.index_cast %add3A_750 : i32 to index
        %swap3A_790 = arith.constant 48 : index
        %swap3A_791 = tpu.vector_load %arg10[%swap3A_789, %swap3A_790] {strides = array<i32>} : memref<128x64xf32, #tpu.memory_space<vmem>>, vector<1x16xf32>,
        %swap3A_792 = vector.shape_cast %swap3A_791 : vector<1x16xf32> to vector<16xf32>
        %swap3A_793 = vector.shape_cast %mul3A_788 : vector<16xf32> to vector<1x16xf32>
        tpu.vector_store %arg10[%swap3A_789, %swap3A_790], %swap3A_793 {strides = array<i32>} : memref<128x64xf32, #tpu.memory_space<vmem>>, vector<1x16xf32>,
      }
      %scan3A_40 = arith.constant 8 : i32
      "tpu.region"() ({
        %run_scoped3A = tpu.sem_alloc : memref<!tpu.dma_semaphore, #tpu.memory_space<semaphore_mem>>
        %dma_start3A_41 = arith.constant 0 : i32
        %dma_start3A_42 = arith.constant 0 : i32
        %dma_start3A_43 = tpu.memref_slice %arg11[%dma_start3A_41, %dma_start3A_42] : memref<10240x64xf32, #tpu.memory_space<vmem_shared>> -> memref<10240x64xf32, #tpu.memory_space<vmem_shared>>
        tpu.enqueue_indirect_dma source(%arg10 : memref<128x64xf32, #tpu.memory_space<vmem>>) target(%dma_start3A_43 : memref<10240x64xf32, #tpu.memory_space<vmem_shared>>) offsets(%arg8 : memref<128xi32, #tpu.memory_space<vmem>>) semaphore(%run_scoped3A : memref<!tpu.dma_semaphore, #tpu.memory_space<semaphore_mem>>) {add = true}
        %dma_wait3A_44 = arith.constant 0 : i32
        %dma_wait3A_45 = arith.constant 0 : i32
        %dma_wait3A_46 = tpu.memref_slice %arg11[%dma_wait3A_44, %dma_wait3A_45] : memref<10240x64xf32, #tpu.memory_space<vmem_shared>> -> memref<10240x64xf32, #tpu.memory_space<vmem_shared>>
        tpu.wait_indirect_dma semaphore(%run_scoped3A : memref<!tpu.dma_semaphore, #tpu.memory_space<semaphore_mem>>) src(%arg10 : memref<128x64xf32, #tpu.memory_space<vmem>>) dst(%dma_wait3A_46 : memref<10240x64xf32, #tpu.memory_space<vmem_shared>>)
        tpu.yield
      }) : () -> ()
    }
    %scan3A_25 = arith.constant 80 : i32
    %barrier3A_26 = arith.constant 0 : index
    tpu.barrier barrier_id(%barrier3A_26)
    "tpu.region"() ({
      %run_scoped3A = tpu.sem_alloc : memref<!tpu.dma_semaphore, #tpu.memory_space<semaphore_mem>>
      %dma_start3A = arith.constant 0 : i32
      %dma_start3A_27 = tpu.memref_slice %arg6[%arg0, %mul3A_7, %dma_start3A] : memref<2x10240x64xf32, #tpu.memory_space<hbm>> -> memref<1x640x64xf32, #tpu.memory_space<hbm>>
      %dma_start3A_28 = tpu.memref_squeeze %dma_start3A_27 : memref<1x640x64xf32, #tpu.memory_space<hbm>> -> memref<640x64xf32, #tpu.memory_space<hbm>>
      %dma_start3A_29 = arith.constant 0 : i32
      %dma_start3A_30 = tpu.memref_slice %arg11[%mul3A_7, %dma_start3A_29] : memref<10240x64xf32, #tpu.memory_space<vmem_shared>> -> memref<640x64xf32, #tpu.memory_space<vmem_shared>>
      tpu.enqueue_dma source(%dma_start3A_30 : memref<640x64xf32, #tpu.memory_space<vmem_shared>>) target(%dma_start3A_28 : memref<640x64xf32, #tpu.memory_space<hbm>>) target_semaphore(%run_scoped3A : memref<!tpu.dma_semaphore, #tpu.memory_space<semaphore_mem>>)
      %dma_wait3A = arith.constant 0 : i32
      %dma_wait3A_31 = tpu.memref_slice %arg6[%arg0, %mul3A_7, %dma_wait3A] : memref<2x10240x64xf32, #tpu.memory_space<hbm>> -> memref<1x640x64xf32, #tpu.memory_space<hbm>>
      %dma_wait3A_32 = tpu.memref_squeeze %dma_wait3A_31 : memref<1x640x64xf32, #tpu.memory_space<hbm>> -> memref<640x64xf32, #tpu.memory_space<hbm>>
      %dma_wait3A_33 = arith.constant 0 : i32
      %dma_wait3A_34 = tpu.memref_slice %arg11[%mul3A_7, %dma_wait3A_33] : memref<10240x64xf32, #tpu.memory_space<vmem_shared>> -> memref<640x64xf32, #tpu.memory_space<vmem_shared>>
      tpu.wait_dma2 semaphore(%run_scoped3A : memref<!tpu.dma_semaphore, #tpu.memory_space<semaphore_mem>>) src(%dma_wait3A_34 : memref<640x64xf32, #tpu.memory_space<vmem_shared>>) dst(%dma_wait3A_32 : memref<640x64xf32, #tpu.memory_space<hbm>>)
      tpu.yield
    }) : () -> ()
    return
  }
}

#map = affine_map<(d0, d1) -> (0, 0)>
#map1 = affine_map<(d0, d1) -> (0)>
#map2 = affine_map<(d0, d1) -> (0, 0, 0)>
module attributes {stable_mosaic.version = 14 : i64} {
  func.func @_sc_round_body(%arg0: i32, %arg1: i32, %arg2: memref<10240x64xf32, #tpu.memory_space<hbm>>, %arg3: memref<327680xi32, #tpu.memory_space<hbm>>, %arg4: memref<327680xi32, #tpu.memory_space<hbm>>, %arg5: memref<327680xf32, #tpu.memory_space<hbm>>, %arg6: memref<2x10240x64xf32, #tpu.memory_space<hbm>>, %arg7: memref<128xi32, #tpu.memory_space<vmem>>, %arg8: memref<128xi32, #tpu.memory_space<vmem>>, %arg9: memref<128xf32, #tpu.memory_space<vmem>>, %arg10: memref<128x64xf32, #tpu.memory_space<vmem>>, %arg11: memref<10240x64xf32, #tpu.memory_space<vmem_shared>>, %arg12: memref<!tpu.dma_semaphore, #tpu.memory_space<semaphore_mem>>) attributes {dimension_semantics = [#tpu.dimension_semantics<core_parallel>, #tpu.dimension_semantics<subcore_parallel>], iteration_bounds = array<i64: 2, 16>, scalar_prefetch = 0 : i64, scratch_operands = 6 : i64, tpu.core_type = #tpu.core_type<sc_vector_subcore>, window_params = [{transform_indices = #map}, {transform_indices = #map1}, {transform_indices = #map1}, {transform_indices = #map1}, {transform_indices = #map2}]} {
    %mul3A = arith.constant 16 : i32
    %mul3A_0 = arith.muli %arg0, %mul3A : i32
    %add3A = arith.addi %mul3A_0, %arg1 : i32
    %scan3A = arith.constant 0 : i32
    %scan3A_1 = arith.constant 0 : i32
    %scan3A_2 = arith.constant 128 : i32
    %scan3A_3 = arith.addi %scan3A_1, %scan3A_2 : i32
    %scan3A_4 = arith.constant 8 : i32
    scf.for %scan3A_27 = %scan3A_1 to %scan3A_3 step %scan3A_4  : i32 {
      %broadcast_in_dim3A = arith.constant 0.000000e+00 : f32
      %broadcast_in_dim3A_28 = vector.broadcast %broadcast_in_dim3A : f32 to vector<16xf32>
      %swap3A = arith.index_cast %scan3A_27 : i32 to index
      %swap3A_29 = arith.constant 0 : index
      %swap3A_30 = tpu.vector_load %arg10[%swap3A, %swap3A_29] {strides = array<i32>} : memref<128x64xf32, #tpu.memory_space<vmem>>, vector<1x16xf32>,
      %swap3A_31 = vector.shape_cast %swap3A_30 : vector<1x16xf32> to vector<16xf32>
      %swap3A_32 = vector.shape_cast %broadcast_in_dim3A_28 : vector<16xf32> to vector<1x16xf32>
      tpu.vector_store %arg10[%swap3A, %swap3A_29], %swap3A_32 {strides = array<i32>} : memref<128x64xf32, #tpu.memory_space<vmem>>, vector<1x16xf32>,
      %broadcast_in_dim3A_33 = arith.constant 0.000000e+00 : f32
      %broadcast_in_dim3A_34 = vector.broadcast %broadcast_in_dim3A_33 : f32 to vector<16xf32>
      %swap3A_35 = arith.index_cast %scan3A_27 : i32 to index
      %swap3A_36 = arith.constant 16 : index
      %swap3A_37 = tpu.vector_load %arg10[%swap3A_35, %swap3A_36] {strides = array<i32>} : memref<128x64xf32, #tpu.memory_space<vmem>>, vector<1x16xf32>,
      %swap3A_38 = vector.shape_cast %swap3A_37 : vector<1x16xf32> to vector<16xf32>
      %swap3A_39 = vector.shape_cast %broadcast_in_dim3A_34 : vector<16xf32> to vector<1x16xf32>
      tpu.vector_store %arg10[%swap3A_35, %swap3A_36], %swap3A_39 {strides = array<i32>} : memref<128x64xf32, #tpu.memory_space<vmem>>, vector<1x16xf32>,
      %broadcast_in_dim3A_40 = arith.constant 0.000000e+00 : f32
      %broadcast_in_dim3A_41 = vector.broadcast %broadcast_in_dim3A_40 : f32 to vector<16xf32>
      %swap3A_42 = arith.index_cast %scan3A_27 : i32 to index
      %swap3A_43 = arith.constant 32 : index
      %swap3A_44 = tpu.vector_load %arg10[%swap3A_42, %swap3A_43] {strides = array<i32>} : memref<128x64xf32, #tpu.memory_space<vmem>>, vector<1x16xf32>,
      %swap3A_45 = vector.shape_cast %swap3A_44 : vector<1x16xf32> to vector<16xf32>
      %swap3A_46 = vector.shape_cast %broadcast_in_dim3A_41 : vector<16xf32> to vector<1x16xf32>
      tpu.vector_store %arg10[%swap3A_42, %swap3A_43], %swap3A_46 {strides = array<i32>} : memref<128x64xf32, #tpu.memory_space<vmem>>, vector<1x16xf32>,
      %broadcast_in_dim3A_47 = arith.constant 0.000000e+00 : f32
      %broadcast_in_dim3A_48 = vector.broadcast %broadcast_in_dim3A_47 : f32 to vector<16xf32>
      %swap3A_49 = arith.index_cast %scan3A_27 : i32 to index
      %swap3A_50 = arith.constant 48 : index
      %swap3A_51 = tpu.vector_load %arg10[%swap3A_49, %swap3A_50] {strides = array<i32>} : memref<128x64xf32, #tpu.memory_space<vmem>>, vector<1x16xf32>,
      %swap3A_52 = vector.shape_cast %swap3A_51 : vector<1x16xf32> to vector<16xf32>
      %swap3A_53 = vector.shape_cast %broadcast_in_dim3A_48 : vector<16xf32> to vector<1x16xf32>
      tpu.vector_store %arg10[%swap3A_49, %swap3A_50], %swap3A_53 {strides = array<i32>} : memref<128x64xf32, #tpu.memory_space<vmem>>, vector<1x16xf32>,
      %scan3A_54 = arith.constant 1 : i32
      %scan3A_55 = arith.addi %scan3A_27, %scan3A_54 : i32
      %broadcast_in_dim3A_56 = arith.constant 0.000000e+00 : f32
      %broadcast_in_dim3A_57 = vector.broadcast %broadcast_in_dim3A_56 : f32 to vector<16xf32>
      %swap3A_58 = arith.index_cast %scan3A_55 : i32 to index
      %swap3A_59 = arith.constant 0 : index
      %swap3A_60 = tpu.vector_load %arg10[%swap3A_58, %swap3A_59] {strides = array<i32>} : memref<128x64xf32, #tpu.memory_space<vmem>>, vector<1x16xf32>,
      %swap3A_61 = vector.shape_cast %swap3A_60 : vector<1x16xf32> to vector<16xf32>
      %swap3A_62 = vector.shape_cast %broadcast_in_dim3A_57 : vector<16xf32> to vector<1x16xf32>
      tpu.vector_store %arg10[%swap3A_58, %swap3A_59], %swap3A_62 {strides = array<i32>} : memref<128x64xf32, #tpu.memory_space<vmem>>, vector<1x16xf32>,
      %broadcast_in_dim3A_63 = arith.constant 0.000000e+00 : f32
      %broadcast_in_dim3A_64 = vector.broadcast %broadcast_in_dim3A_63 : f32 to vector<16xf32>
      %swap3A_65 = arith.index_cast %scan3A_55 : i32 to index
      %swap3A_66 = arith.constant 16 : index
      %swap3A_67 = tpu.vector_load %arg10[%swap3A_65, %swap3A_66] {strides = array<i32>} : memref<128x64xf32, #tpu.memory_space<vmem>>, vector<1x16xf32>,
      %swap3A_68 = vector.shape_cast %swap3A_67 : vector<1x16xf32> to vector<16xf32>
      %swap3A_69 = vector.shape_cast %broadcast_in_dim3A_64 : vector<16xf32> to vector<1x16xf32>
      tpu.vector_store %arg10[%swap3A_65, %swap3A_66], %swap3A_69 {strides = array<i32>} : memref<128x64xf32, #tpu.memory_space<vmem>>, vector<1x16xf32>,
      %broadcast_in_dim3A_70 = arith.constant 0.000000e+00 : f32
      %broadcast_in_dim3A_71 = vector.broadcast %broadcast_in_dim3A_70 : f32 to vector<16xf32>
      %swap3A_72 = arith.index_cast %scan3A_55 : i32 to index
      %swap3A_73 = arith.constant 32 : index
      %swap3A_74 = tpu.vector_load %arg10[%swap3A_72, %swap3A_73] {strides = array<i32>} : memref<128x64xf32, #tpu.memory_space<vmem>>, vector<1x16xf32>,
      %swap3A_75 = vector.shape_cast %swap3A_74 : vector<1x16xf32> to vector<16xf32>
      %swap3A_76 = vector.shape_cast %broadcast_in_dim3A_71 : vector<16xf32> to vector<1x16xf32>
      tpu.vector_store %arg10[%swap3A_72, %swap3A_73], %swap3A_76 {strides = array<i32>} : memref<128x64xf32, #tpu.memory_space<vmem>>, vector<1x16xf32>,
      %broadcast_in_dim3A_77 = arith.constant 0.000000e+00 : f32
      %broadcast_in_dim3A_78 = vector.broadcast %broadcast_in_dim3A_77 : f32 to vector<16xf32>
      %swap3A_79 = arith.index_cast %scan3A_55 : i32 to index
      %swap3A_80 = arith.constant 48 : index
      %swap3A_81 = tpu.vector_load %arg10[%swap3A_79, %swap3A_80] {strides = array<i32>} : memref<128x64xf32, #tpu.memory_space<vmem>>, vector<1x16xf32>,
      %swap3A_82 = vector.shape_cast %swap3A_81 : vector<1x16xf32> to vector<16xf32>
      %swap3A_83 = vector.shape_cast %broadcast_in_dim3A_78 : vector<16xf32> to vector<1x16xf32>
      tpu.vector_store %arg10[%swap3A_79, %swap3A_80], %swap3A_83 {strides = array<i32>} : memref<128x64xf32, #tpu.memory_space<vmem>>, vector<1x16xf32>,
      %scan3A_84 = arith.constant 2 : i32
      %scan3A_85 = arith.addi %scan3A_27, %scan3A_84 : i32
      %broadcast_in_dim3A_86 = arith.constant 0.000000e+00 : f32
      %broadcast_in_dim3A_87 = vector.broadcast %broadcast_in_dim3A_86 : f32 to vector<16xf32>
      %swap3A_88 = arith.index_cast %scan3A_85 : i32 to index
      %swap3A_89 = arith.constant 0 : index
      %swap3A_90 = tpu.vector_load %arg10[%swap3A_88, %swap3A_89] {strides = array<i32>} : memref<128x64xf32, #tpu.memory_space<vmem>>, vector<1x16xf32>,
      %swap3A_91 = vector.shape_cast %swap3A_90 : vector<1x16xf32> to vector<16xf32>
      %swap3A_92 = vector.shape_cast %broadcast_in_dim3A_87 : vector<16xf32> to vector<1x16xf32>
      tpu.vector_store %arg10[%swap3A_88, %swap3A_89], %swap3A_92 {strides = array<i32>} : memref<128x64xf32, #tpu.memory_space<vmem>>, vector<1x16xf32>,
      %broadcast_in_dim3A_93 = arith.constant 0.000000e+00 : f32
      %broadcast_in_dim3A_94 = vector.broadcast %broadcast_in_dim3A_93 : f32 to vector<16xf32>
      %swap3A_95 = arith.index_cast %scan3A_85 : i32 to index
      %swap3A_96 = arith.constant 16 : index
      %swap3A_97 = tpu.vector_load %arg10[%swap3A_95, %swap3A_96] {strides = array<i32>} : memref<128x64xf32, #tpu.memory_space<vmem>>, vector<1x16xf32>,
      %swap3A_98 = vector.shape_cast %swap3A_97 : vector<1x16xf32> to vector<16xf32>
      %swap3A_99 = vector.shape_cast %broadcast_in_dim3A_94 : vector<16xf32> to vector<1x16xf32>
      tpu.vector_store %arg10[%swap3A_95, %swap3A_96], %swap3A_99 {strides = array<i32>} : memref<128x64xf32, #tpu.memory_space<vmem>>, vector<1x16xf32>,
      %broadcast_in_dim3A_100 = arith.constant 0.000000e+00 : f32
      %broadcast_in_dim3A_101 = vector.broadcast %broadcast_in_dim3A_100 : f32 to vector<16xf32>
      %swap3A_102 = arith.index_cast %scan3A_85 : i32 to index
      %swap3A_103 = arith.constant 32 : index
      %swap3A_104 = tpu.vector_load %arg10[%swap3A_102, %swap3A_103] {strides = array<i32>} : memref<128x64xf32, #tpu.memory_space<vmem>>, vector<1x16xf32>,
      %swap3A_105 = vector.shape_cast %swap3A_104 : vector<1x16xf32> to vector<16xf32>
      %swap3A_106 = vector.shape_cast %broadcast_in_dim3A_101 : vector<16xf32> to vector<1x16xf32>
      tpu.vector_store %arg10[%swap3A_102, %swap3A_103], %swap3A_106 {strides = array<i32>} : memref<128x64xf32, #tpu.memory_space<vmem>>, vector<1x16xf32>,
      %broadcast_in_dim3A_107 = arith.constant 0.000000e+00 : f32
      %broadcast_in_dim3A_108 = vector.broadcast %broadcast_in_dim3A_107 : f32 to vector<16xf32>
      %swap3A_109 = arith.index_cast %scan3A_85 : i32 to index
      %swap3A_110 = arith.constant 48 : index
      %swap3A_111 = tpu.vector_load %arg10[%swap3A_109, %swap3A_110] {strides = array<i32>} : memref<128x64xf32, #tpu.memory_space<vmem>>, vector<1x16xf32>,
      %swap3A_112 = vector.shape_cast %swap3A_111 : vector<1x16xf32> to vector<16xf32>
      %swap3A_113 = vector.shape_cast %broadcast_in_dim3A_108 : vector<16xf32> to vector<1x16xf32>
      tpu.vector_store %arg10[%swap3A_109, %swap3A_110], %swap3A_113 {strides = array<i32>} : memref<128x64xf32, #tpu.memory_space<vmem>>, vector<1x16xf32>,
      %scan3A_114 = arith.constant 3 : i32
      %scan3A_115 = arith.addi %scan3A_27, %scan3A_114 : i32
      %broadcast_in_dim3A_116 = arith.constant 0.000000e+00 : f32
      %broadcast_in_dim3A_117 = vector.broadcast %broadcast_in_dim3A_116 : f32 to vector<16xf32>
      %swap3A_118 = arith.index_cast %scan3A_115 : i32 to index
      %swap3A_119 = arith.constant 0 : index
      %swap3A_120 = tpu.vector_load %arg10[%swap3A_118, %swap3A_119] {strides = array<i32>} : memref<128x64xf32, #tpu.memory_space<vmem>>, vector<1x16xf32>,
      %swap3A_121 = vector.shape_cast %swap3A_120 : vector<1x16xf32> to vector<16xf32>
      %swap3A_122 = vector.shape_cast %broadcast_in_dim3A_117 : vector<16xf32> to vector<1x16xf32>
      tpu.vector_store %arg10[%swap3A_118, %swap3A_119], %swap3A_122 {strides = array<i32>} : memref<128x64xf32, #tpu.memory_space<vmem>>, vector<1x16xf32>,
      %broadcast_in_dim3A_123 = arith.constant 0.000000e+00 : f32
      %broadcast_in_dim3A_124 = vector.broadcast %broadcast_in_dim3A_123 : f32 to vector<16xf32>
      %swap3A_125 = arith.index_cast %scan3A_115 : i32 to index
      %swap3A_126 = arith.constant 16 : index
      %swap3A_127 = tpu.vector_load %arg10[%swap3A_125, %swap3A_126] {strides = array<i32>} : memref<128x64xf32, #tpu.memory_space<vmem>>, vector<1x16xf32>,
      %swap3A_128 = vector.shape_cast %swap3A_127 : vector<1x16xf32> to vector<16xf32>
      %swap3A_129 = vector.shape_cast %broadcast_in_dim3A_124 : vector<16xf32> to vector<1x16xf32>
      tpu.vector_store %arg10[%swap3A_125, %swap3A_126], %swap3A_129 {strides = array<i32>} : memref<128x64xf32, #tpu.memory_space<vmem>>, vector<1x16xf32>,
      %broadcast_in_dim3A_130 = arith.constant 0.000000e+00 : f32
      %broadcast_in_dim3A_131 = vector.broadcast %broadcast_in_dim3A_130 : f32 to vector<16xf32>
      %swap3A_132 = arith.index_cast %scan3A_115 : i32 to index
      %swap3A_133 = arith.constant 32 : index
      %swap3A_134 = tpu.vector_load %arg10[%swap3A_132, %swap3A_133] {strides = array<i32>} : memref<128x64xf32, #tpu.memory_space<vmem>>, vector<1x16xf32>,
      %swap3A_135 = vector.shape_cast %swap3A_134 : vector<1x16xf32> to vector<16xf32>
      %swap3A_136 = vector.shape_cast %broadcast_in_dim3A_131 : vector<16xf32> to vector<1x16xf32>
      tpu.vector_store %arg10[%swap3A_132, %swap3A_133], %swap3A_136 {strides = array<i32>} : memref<128x64xf32, #tpu.memory_space<vmem>>, vector<1x16xf32>,
      %broadcast_in_dim3A_137 = arith.constant 0.000000e+00 : f32
      %broadcast_in_dim3A_138 = vector.broadcast %broadcast_in_dim3A_137 : f32 to vector<16xf32>
      %swap3A_139 = arith.index_cast %scan3A_115 : i32 to index
      %swap3A_140 = arith.constant 48 : index
      %swap3A_141 = tpu.vector_load %arg10[%swap3A_139, %swap3A_140] {strides = array<i32>} : memref<128x64xf32, #tpu.memory_space<vmem>>, vector<1x16xf32>,
      %swap3A_142 = vector.shape_cast %swap3A_141 : vector<1x16xf32> to vector<16xf32>
      %swap3A_143 = vector.shape_cast %broadcast_in_dim3A_138 : vector<16xf32> to vector<1x16xf32>
      tpu.vector_store %arg10[%swap3A_139, %swap3A_140], %swap3A_143 {strides = array<i32>} : memref<128x64xf32, #tpu.memory_space<vmem>>, vector<1x16xf32>,
      %scan3A_144 = arith.constant 4 : i32
      %scan3A_145 = arith.addi %scan3A_27, %scan3A_144 : i32
      %broadcast_in_dim3A_146 = arith.constant 0.000000e+00 : f32
      %broadcast_in_dim3A_147 = vector.broadcast %broadcast_in_dim3A_146 : f32 to vector<16xf32>
      %swap3A_148 = arith.index_cast %scan3A_145 : i32 to index
      %swap3A_149 = arith.constant 0 : index
      %swap3A_150 = tpu.vector_load %arg10[%swap3A_148, %swap3A_149] {strides = array<i32>} : memref<128x64xf32, #tpu.memory_space<vmem>>, vector<1x16xf32>,
      %swap3A_151 = vector.shape_cast %swap3A_150 : vector<1x16xf32> to vector<16xf32>
      %swap3A_152 = vector.shape_cast %broadcast_in_dim3A_147 : vector<16xf32> to vector<1x16xf32>
      tpu.vector_store %arg10[%swap3A_148, %swap3A_149], %swap3A_152 {strides = array<i32>} : memref<128x64xf32, #tpu.memory_space<vmem>>, vector<1x16xf32>,
      %broadcast_in_dim3A_153 = arith.constant 0.000000e+00 : f32
      %broadcast_in_dim3A_154 = vector.broadcast %broadcast_in_dim3A_153 : f32 to vector<16xf32>
      %swap3A_155 = arith.index_cast %scan3A_145 : i32 to index
      %swap3A_156 = arith.constant 16 : index
      %swap3A_157 = tpu.vector_load %arg10[%swap3A_155, %swap3A_156] {strides = array<i32>} : memref<128x64xf32, #tpu.memory_space<vmem>>, vector<1x16xf32>,
      %swap3A_158 = vector.shape_cast %swap3A_157 : vector<1x16xf32> to vector<16xf32>
      %swap3A_159 = vector.shape_cast %broadcast_in_dim3A_154 : vector<16xf32> to vector<1x16xf32>
      tpu.vector_store %arg10[%swap3A_155, %swap3A_156], %swap3A_159 {strides = array<i32>} : memref<128x64xf32, #tpu.memory_space<vmem>>, vector<1x16xf32>,
      %broadcast_in_dim3A_160 = arith.constant 0.000000e+00 : f32
      %broadcast_in_dim3A_161 = vector.broadcast %broadcast_in_dim3A_160 : f32 to vector<16xf32>
      %swap3A_162 = arith.index_cast %scan3A_145 : i32 to index
      %swap3A_163 = arith.constant 32 : index
      %swap3A_164 = tpu.vector_load %arg10[%swap3A_162, %swap3A_163] {strides = array<i32>} : memref<128x64xf32, #tpu.memory_space<vmem>>, vector<1x16xf32>,
      %swap3A_165 = vector.shape_cast %swap3A_164 : vector<1x16xf32> to vector<16xf32>
      %swap3A_166 = vector.shape_cast %broadcast_in_dim3A_161 : vector<16xf32> to vector<1x16xf32>
      tpu.vector_store %arg10[%swap3A_162, %swap3A_163], %swap3A_166 {strides = array<i32>} : memref<128x64xf32, #tpu.memory_space<vmem>>, vector<1x16xf32>,
      %broadcast_in_dim3A_167 = arith.constant 0.000000e+00 : f32
      %broadcast_in_dim3A_168 = vector.broadcast %broadcast_in_dim3A_167 : f32 to vector<16xf32>
      %swap3A_169 = arith.index_cast %scan3A_145 : i32 to index
      %swap3A_170 = arith.constant 48 : index
      %swap3A_171 = tpu.vector_load %arg10[%swap3A_169, %swap3A_170] {strides = array<i32>} : memref<128x64xf32, #tpu.memory_space<vmem>>, vector<1x16xf32>,
      %swap3A_172 = vector.shape_cast %swap3A_171 : vector<1x16xf32> to vector<16xf32>
      %swap3A_173 = vector.shape_cast %broadcast_in_dim3A_168 : vector<16xf32> to vector<1x16xf32>
      tpu.vector_store %arg10[%swap3A_169, %swap3A_170], %swap3A_173 {strides = array<i32>} : memref<128x64xf32, #tpu.memory_space<vmem>>, vector<1x16xf32>,
      %scan3A_174 = arith.constant 5 : i32
      %scan3A_175 = arith.addi %scan3A_27, %scan3A_174 : i32
      %broadcast_in_dim3A_176 = arith.constant 0.000000e+00 : f32
      %broadcast_in_dim3A_177 = vector.broadcast %broadcast_in_dim3A_176 : f32 to vector<16xf32>
      %swap3A_178 = arith.index_cast %scan3A_175 : i32 to index
      %swap3A_179 = arith.constant 0 : index
      %swap3A_180 = tpu.vector_load %arg10[%swap3A_178, %swap3A_179] {strides = array<i32>} : memref<128x64xf32, #tpu.memory_space<vmem>>, vector<1x16xf32>,
      %swap3A_181 = vector.shape_cast %swap3A_180 : vector<1x16xf32> to vector<16xf32>
      %swap3A_182 = vector.shape_cast %broadcast_in_dim3A_177 : vector<16xf32> to vector<1x16xf32>
      tpu.vector_store %arg10[%swap3A_178, %swap3A_179], %swap3A_182 {strides = array<i32>} : memref<128x64xf32, #tpu.memory_space<vmem>>, vector<1x16xf32>,
      %broadcast_in_dim3A_183 = arith.constant 0.000000e+00 : f32
      %broadcast_in_dim3A_184 = vector.broadcast %broadcast_in_dim3A_183 : f32 to vector<16xf32>
      %swap3A_185 = arith.index_cast %scan3A_175 : i32 to index
      %swap3A_186 = arith.constant 16 : index
      %swap3A_187 = tpu.vector_load %arg10[%swap3A_185, %swap3A_186] {strides = array<i32>} : memref<128x64xf32, #tpu.memory_space<vmem>>, vector<1x16xf32>,
      %swap3A_188 = vector.shape_cast %swap3A_187 : vector<1x16xf32> to vector<16xf32>
      %swap3A_189 = vector.shape_cast %broadcast_in_dim3A_184 : vector<16xf32> to vector<1x16xf32>
      tpu.vector_store %arg10[%swap3A_185, %swap3A_186], %swap3A_189 {strides = array<i32>} : memref<128x64xf32, #tpu.memory_space<vmem>>, vector<1x16xf32>,
      %broadcast_in_dim3A_190 = arith.constant 0.000000e+00 : f32
      %broadcast_in_dim3A_191 = vector.broadcast %broadcast_in_dim3A_190 : f32 to vector<16xf32>
      %swap3A_192 = arith.index_cast %scan3A_175 : i32 to index
      %swap3A_193 = arith.constant 32 : index
      %swap3A_194 = tpu.vector_load %arg10[%swap3A_192, %swap3A_193] {strides = array<i32>} : memref<128x64xf32, #tpu.memory_space<vmem>>, vector<1x16xf32>,
      %swap3A_195 = vector.shape_cast %swap3A_194 : vector<1x16xf32> to vector<16xf32>
      %swap3A_196 = vector.shape_cast %broadcast_in_dim3A_191 : vector<16xf32> to vector<1x16xf32>
      tpu.vector_store %arg10[%swap3A_192, %swap3A_193], %swap3A_196 {strides = array<i32>} : memref<128x64xf32, #tpu.memory_space<vmem>>, vector<1x16xf32>,
      %broadcast_in_dim3A_197 = arith.constant 0.000000e+00 : f32
      %broadcast_in_dim3A_198 = vector.broadcast %broadcast_in_dim3A_197 : f32 to vector<16xf32>
      %swap3A_199 = arith.index_cast %scan3A_175 : i32 to index
      %swap3A_200 = arith.constant 48 : index
      %swap3A_201 = tpu.vector_load %arg10[%swap3A_199, %swap3A_200] {strides = array<i32>} : memref<128x64xf32, #tpu.memory_space<vmem>>, vector<1x16xf32>,
      %swap3A_202 = vector.shape_cast %swap3A_201 : vector<1x16xf32> to vector<16xf32>
      %swap3A_203 = vector.shape_cast %broadcast_in_dim3A_198 : vector<16xf32> to vector<1x16xf32>
      tpu.vector_store %arg10[%swap3A_199, %swap3A_200], %swap3A_203 {strides = array<i32>} : memref<128x64xf32, #tpu.memory_space<vmem>>, vector<1x16xf32>,
      %scan3A_204 = arith.constant 6 : i32
      %scan3A_205 = arith.addi %scan3A_27, %scan3A_204 : i32
      %broadcast_in_dim3A_206 = arith.constant 0.000000e+00 : f32
      %broadcast_in_dim3A_207 = vector.broadcast %broadcast_in_dim3A_206 : f32 to vector<16xf32>
      %swap3A_208 = arith.index_cast %scan3A_205 : i32 to index
      %swap3A_209 = arith.constant 0 : index
      %swap3A_210 = tpu.vector_load %arg10[%swap3A_208, %swap3A_209] {strides = array<i32>} : memref<128x64xf32, #tpu.memory_space<vmem>>, vector<1x16xf32>,
      %swap3A_211 = vector.shape_cast %swap3A_210 : vector<1x16xf32> to vector<16xf32>
      %swap3A_212 = vector.shape_cast %broadcast_in_dim3A_207 : vector<16xf32> to vector<1x16xf32>
      tpu.vector_store %arg10[%swap3A_208, %swap3A_209], %swap3A_212 {strides = array<i32>} : memref<128x64xf32, #tpu.memory_space<vmem>>, vector<1x16xf32>,
      %broadcast_in_dim3A_213 = arith.constant 0.000000e+00 : f32
      %broadcast_in_dim3A_214 = vector.broadcast %broadcast_in_dim3A_213 : f32 to vector<16xf32>
      %swap3A_215 = arith.index_cast %scan3A_205 : i32 to index
      %swap3A_216 = arith.constant 16 : index
      %swap3A_217 = tpu.vector_load %arg10[%swap3A_215, %swap3A_216] {strides = array<i32>} : memref<128x64xf32, #tpu.memory_space<vmem>>, vector<1x16xf32>,
      %swap3A_218 = vector.shape_cast %swap3A_217 : vector<1x16xf32> to vector<16xf32>
      %swap3A_219 = vector.shape_cast %broadcast_in_dim3A_214 : vector<16xf32> to vector<1x16xf32>
      tpu.vector_store %arg10[%swap3A_215, %swap3A_216], %swap3A_219 {strides = array<i32>} : memref<128x64xf32, #tpu.memory_space<vmem>>, vector<1x16xf32>,
      %broadcast_in_dim3A_220 = arith.constant 0.000000e+00 : f32
      %broadcast_in_dim3A_221 = vector.broadcast %broadcast_in_dim3A_220 : f32 to vector<16xf32>
      %swap3A_222 = arith.index_cast %scan3A_205 : i32 to index
      %swap3A_223 = arith.constant 32 : index
      %swap3A_224 = tpu.vector_load %arg10[%swap3A_222, %swap3A_223] {strides = array<i32>} : memref<128x64xf32, #tpu.memory_space<vmem>>, vector<1x16xf32>,
      %swap3A_225 = vector.shape_cast %swap3A_224 : vector<1x16xf32> to vector<16xf32>
      %swap3A_226 = vector.shape_cast %broadcast_in_dim3A_221 : vector<16xf32> to vector<1x16xf32>
      tpu.vector_store %arg10[%swap3A_222, %swap3A_223], %swap3A_226 {strides = array<i32>} : memref<128x64xf32, #tpu.memory_space<vmem>>, vector<1x16xf32>,
      %broadcast_in_dim3A_227 = arith.constant 0.000000e+00 : f32
      %broadcast_in_dim3A_228 = vector.broadcast %broadcast_in_dim3A_227 : f32 to vector<16xf32>
      %swap3A_229 = arith.index_cast %scan3A_205 : i32 to index
      %swap3A_230 = arith.constant 48 : index
      %swap3A_231 = tpu.vector_load %arg10[%swap3A_229, %swap3A_230] {strides = array<i32>} : memref<128x64xf32, #tpu.memory_space<vmem>>, vector<1x16xf32>,
      %swap3A_232 = vector.shape_cast %swap3A_231 : vector<1x16xf32> to vector<16xf32>
      %swap3A_233 = vector.shape_cast %broadcast_in_dim3A_228 : vector<16xf32> to vector<1x16xf32>
      tpu.vector_store %arg10[%swap3A_229, %swap3A_230], %swap3A_233 {strides = array<i32>} : memref<128x64xf32, #tpu.memory_space<vmem>>, vector<1x16xf32>,
      %scan3A_234 = arith.constant 7 : i32
      %scan3A_235 = arith.addi %scan3A_27, %scan3A_234 : i32
      %broadcast_in_dim3A_236 = arith.constant 0.000000e+00 : f32
      %broadcast_in_dim3A_237 = vector.broadcast %broadcast_in_dim3A_236 : f32 to vector<16xf32>
      %swap3A_238 = arith.index_cast %scan3A_235 : i32 to index
      %swap3A_239 = arith.constant 0 : index
      %swap3A_240 = tpu.vector_load %arg10[%swap3A_238, %swap3A_239] {strides = array<i32>} : memref<128x64xf32, #tpu.memory_space<vmem>>, vector<1x16xf32>,
      %swap3A_241 = vector.shape_cast %swap3A_240 : vector<1x16xf32> to vector<16xf32>
      %swap3A_242 = vector.shape_cast %broadcast_in_dim3A_237 : vector<16xf32> to vector<1x16xf32>
      tpu.vector_store %arg10[%swap3A_238, %swap3A_239], %swap3A_242 {strides = array<i32>} : memref<128x64xf32, #tpu.memory_space<vmem>>, vector<1x16xf32>,
      %broadcast_in_dim3A_243 = arith.constant 0.000000e+00 : f32
      %broadcast_in_dim3A_244 = vector.broadcast %broadcast_in_dim3A_243 : f32 to vector<16xf32>
      %swap3A_245 = arith.index_cast %scan3A_235 : i32 to index
      %swap3A_246 = arith.constant 16 : index
      %swap3A_247 = tpu.vector_load %arg10[%swap3A_245, %swap3A_246] {strides = array<i32>} : memref<128x64xf32, #tpu.memory_space<vmem>>, vector<1x16xf32>,
      %swap3A_248 = vector.shape_cast %swap3A_247 : vector<1x16xf32> to vector<16xf32>
      %swap3A_249 = vector.shape_cast %broadcast_in_dim3A_244 : vector<16xf32> to vector<1x16xf32>
      tpu.vector_store %arg10[%swap3A_245, %swap3A_246], %swap3A_249 {strides = array<i32>} : memref<128x64xf32, #tpu.memory_space<vmem>>, vector<1x16xf32>,
      %broadcast_in_dim3A_250 = arith.constant 0.000000e+00 : f32
      %broadcast_in_dim3A_251 = vector.broadcast %broadcast_in_dim3A_250 : f32 to vector<16xf32>
      %swap3A_252 = arith.index_cast %scan3A_235 : i32 to index
      %swap3A_253 = arith.constant 32 : index
      %swap3A_254 = tpu.vector_load %arg10[%swap3A_252, %swap3A_253] {strides = array<i32>} : memref<128x64xf32, #tpu.memory_space<vmem>>, vector<1x16xf32>,
      %swap3A_255 = vector.shape_cast %swap3A_254 : vector<1x16xf32> to vector<16xf32>
      %swap3A_256 = vector.shape_cast %broadcast_in_dim3A_251 : vector<16xf32> to vector<1x16xf32>
      tpu.vector_store %arg10[%swap3A_252, %swap3A_253], %swap3A_256 {strides = array<i32>} : memref<128x64xf32, #tpu.memory_space<vmem>>, vector<1x16xf32>,
      %broadcast_in_dim3A_257 = arith.constant 0.000000e+00 : f32
      %broadcast_in_dim3A_258 = vector.broadcast %broadcast_in_dim3A_257 : f32 to vector<16xf32>
      %swap3A_259 = arith.index_cast %scan3A_235 : i32 to index
      %swap3A_260 = arith.constant 48 : index
      %swap3A_261 = tpu.vector_load %arg10[%swap3A_259, %swap3A_260] {strides = array<i32>} : memref<128x64xf32, #tpu.memory_space<vmem>>, vector<1x16xf32>,
      %swap3A_262 = vector.shape_cast %swap3A_261 : vector<1x16xf32> to vector<16xf32>
      %swap3A_263 = vector.shape_cast %broadcast_in_dim3A_258 : vector<16xf32> to vector<1x16xf32>
      tpu.vector_store %arg10[%swap3A_259, %swap3A_260], %swap3A_263 {strides = array<i32>} : memref<128x64xf32, #tpu.memory_space<vmem>>, vector<1x16xf32>,
    }
    %scan3A_5 = arith.constant 128 : i32
    %mul3A_6 = arith.constant 640 : i32
    %mul3A_7 = arith.muli %arg1, %mul3A_6 : i32
    %add3A_8 = arith.constant 0 : i32
    %add3A_9 = arith.addi %mul3A_7, %add3A_8 : i32
    "tpu.region"() ({
      %run_scoped3A = tpu.sem_alloc : memref<!tpu.dma_semaphore, #tpu.memory_space<semaphore_mem>>
      %dma_start3A = arith.constant 0 : i32
      %dma_start3A_27 = tpu.memref_slice %arg11[%add3A_9, %dma_start3A] : memref<10240x64xf32, #tpu.memory_space<vmem_shared>> -> memref<128x64xf32, #tpu.memory_space<vmem_shared>>
      %dma_start3A_28 = arith.constant 0 : i32
      %dma_start3A_29 = tpu.memref_slice %arg11[%add3A_9, %dma_start3A_28] : memref<10240x64xf32, #tpu.memory_space<vmem_shared>> -> memref<128x64xf32, #tpu.memory_space<vmem_shared>>
      tpu.enqueue_dma source(%arg10 : memref<128x64xf32, #tpu.memory_space<vmem>>) target(%dma_start3A_29 : memref<128x64xf32, #tpu.memory_space<vmem_shared>>) target_semaphore(%run_scoped3A : memref<!tpu.dma_semaphore, #tpu.memory_space<semaphore_mem>>)
      %dma_wait3A = arith.constant 0 : i32
      %dma_wait3A_30 = tpu.memref_slice %arg11[%add3A_9, %dma_wait3A] : memref<10240x64xf32, #tpu.memory_space<vmem_shared>> -> memref<128x64xf32, #tpu.memory_space<vmem_shared>>
      %dma_wait3A_31 = arith.constant 0 : i32
      %dma_wait3A_32 = tpu.memref_slice %arg11[%add3A_9, %dma_wait3A_31] : memref<10240x64xf32, #tpu.memory_space<vmem_shared>> -> memref<128x64xf32, #tpu.memory_space<vmem_shared>>
      tpu.wait_dma2 semaphore(%run_scoped3A : memref<!tpu.dma_semaphore, #tpu.memory_space<semaphore_mem>>) src(%arg10 : memref<128x64xf32, #tpu.memory_space<vmem>>) dst(%dma_wait3A_32 : memref<128x64xf32, #tpu.memory_space<vmem_shared>>)
      tpu.yield
    }) : () -> ()
    %add3A_10 = arith.constant 128 : i32
    %add3A_11 = arith.addi %mul3A_7, %add3A_10 : i32
    "tpu.region"() ({
      %run_scoped3A = tpu.sem_alloc : memref<!tpu.dma_semaphore, #tpu.memory_space<semaphore_mem>>
      %dma_start3A = arith.constant 0 : i32
      %dma_start3A_27 = tpu.memref_slice %arg11[%add3A_11, %dma_start3A] : memref<10240x64xf32, #tpu.memory_space<vmem_shared>> -> memref<128x64xf32, #tpu.memory_space<vmem_shared>>
      %dma_start3A_28 = arith.constant 0 : i32
      %dma_start3A_29 = tpu.memref_slice %arg11[%add3A_11, %dma_start3A_28] : memref<10240x64xf32, #tpu.memory_space<vmem_shared>> -> memref<128x64xf32, #tpu.memory_space<vmem_shared>>
      tpu.enqueue_dma source(%arg10 : memref<128x64xf32, #tpu.memory_space<vmem>>) target(%dma_start3A_29 : memref<128x64xf32, #tpu.memory_space<vmem_shared>>) target_semaphore(%run_scoped3A : memref<!tpu.dma_semaphore, #tpu.memory_space<semaphore_mem>>)
      %dma_wait3A = arith.constant 0 : i32
      %dma_wait3A_30 = tpu.memref_slice %arg11[%add3A_11, %dma_wait3A] : memref<10240x64xf32, #tpu.memory_space<vmem_shared>> -> memref<128x64xf32, #tpu.memory_space<vmem_shared>>
      %dma_wait3A_31 = arith.constant 0 : i32
      %dma_wait3A_32 = tpu.memref_slice %arg11[%add3A_11, %dma_wait3A_31] : memref<10240x64xf32, #tpu.memory_space<vmem_shared>> -> memref<128x64xf32, #tpu.memory_space<vmem_shared>>
      tpu.wait_dma2 semaphore(%run_scoped3A : memref<!tpu.dma_semaphore, #tpu.memory_space<semaphore_mem>>) src(%arg10 : memref<128x64xf32, #tpu.memory_space<vmem>>) dst(%dma_wait3A_32 : memref<128x64xf32, #tpu.memory_space<vmem_shared>>)
      tpu.yield
    }) : () -> ()
    %add3A_12 = arith.constant 256 : i32
    %add3A_13 = arith.addi %mul3A_7, %add3A_12 : i32
    "tpu.region"() ({
      %run_scoped3A = tpu.sem_alloc : memref<!tpu.dma_semaphore, #tpu.memory_space<semaphore_mem>>
      %dma_start3A = arith.constant 0 : i32
      %dma_start3A_27 = tpu.memref_slice %arg11[%add3A_13, %dma_start3A] : memref<10240x64xf32, #tpu.memory_space<vmem_shared>> -> memref<128x64xf32, #tpu.memory_space<vmem_shared>>
      %dma_start3A_28 = arith.constant 0 : i32
      %dma_start3A_29 = tpu.memref_slice %arg11[%add3A_13, %dma_start3A_28] : memref<10240x64xf32, #tpu.memory_space<vmem_shared>> -> memref<128x64xf32, #tpu.memory_space<vmem_shared>>
      tpu.enqueue_dma source(%arg10 : memref<128x64xf32, #tpu.memory_space<vmem>>) target(%dma_start3A_29 : memref<128x64xf32, #tpu.memory_space<vmem_shared>>) target_semaphore(%run_scoped3A : memref<!tpu.dma_semaphore, #tpu.memory_space<semaphore_mem>>)
      %dma_wait3A = arith.constant 0 : i32
      %dma_wait3A_30 = tpu.memref_slice %arg11[%add3A_13, %dma_wait3A] : memref<10240x64xf32, #tpu.memory_space<vmem_shared>> -> memref<128x64xf32, #tpu.memory_space<vmem_shared>>
      %dma_wait3A_31 = arith.constant 0 : i32
      %dma_wait3A_32 = tpu.memref_slice %arg11[%add3A_13, %dma_wait3A_31] : memref<10240x64xf32, #tpu.memory_space<vmem_shared>> -> memref<128x64xf32, #tpu.memory_space<vmem_shared>>
      tpu.wait_dma2 semaphore(%run_scoped3A : memref<!tpu.dma_semaphore, #tpu.memory_space<semaphore_mem>>) src(%arg10 : memref<128x64xf32, #tpu.memory_space<vmem>>) dst(%dma_wait3A_32 : memref<128x64xf32, #tpu.memory_space<vmem_shared>>)
      tpu.yield
    }) : () -> ()
    %add3A_14 = arith.constant 384 : i32
    %add3A_15 = arith.addi %mul3A_7, %add3A_14 : i32
    "tpu.region"() ({
      %run_scoped3A = tpu.sem_alloc : memref<!tpu.dma_semaphore, #tpu.memory_space<semaphore_mem>>
      %dma_start3A = arith.constant 0 : i32
      %dma_start3A_27 = tpu.memref_slice %arg11[%add3A_15, %dma_start3A] : memref<10240x64xf32, #tpu.memory_space<vmem_shared>> -> memref<128x64xf32, #tpu.memory_space<vmem_shared>>
      %dma_start3A_28 = arith.constant 0 : i32
      %dma_start3A_29 = tpu.memref_slice %arg11[%add3A_15, %dma_start3A_28] : memref<10240x64xf32, #tpu.memory_space<vmem_shared>> -> memref<128x64xf32, #tpu.memory_space<vmem_shared>>
      tpu.enqueue_dma source(%arg10 : memref<128x64xf32, #tpu.memory_space<vmem>>) target(%dma_start3A_29 : memref<128x64xf32, #tpu.memory_space<vmem_shared>>) target_semaphore(%run_scoped3A : memref<!tpu.dma_semaphore, #tpu.memory_space<semaphore_mem>>)
      %dma_wait3A = arith.constant 0 : i32
      %dma_wait3A_30 = tpu.memref_slice %arg11[%add3A_15, %dma_wait3A] : memref<10240x64xf32, #tpu.memory_space<vmem_shared>> -> memref<128x64xf32, #tpu.memory_space<vmem_shared>>
      %dma_wait3A_31 = arith.constant 0 : i32
      %dma_wait3A_32 = tpu.memref_slice %arg11[%add3A_15, %dma_wait3A_31] : memref<10240x64xf32, #tpu.memory_space<vmem_shared>> -> memref<128x64xf32, #tpu.memory_space<vmem_shared>>
      tpu.wait_dma2 semaphore(%run_scoped3A : memref<!tpu.dma_semaphore, #tpu.memory_space<semaphore_mem>>) src(%arg10 : memref<128x64xf32, #tpu.memory_space<vmem>>) dst(%dma_wait3A_32 : memref<128x64xf32, #tpu.memory_space<vmem_shared>>)
      tpu.yield
    }) : () -> ()
    %add3A_16 = arith.constant 512 : i32
    %add3A_17 = arith.addi %mul3A_7, %add3A_16 : i32
    "tpu.region"() ({
      %run_scoped3A = tpu.sem_alloc : memref<!tpu.dma_semaphore, #tpu.memory_space<semaphore_mem>>
      %dma_start3A = arith.constant 0 : i32
      %dma_start3A_27 = tpu.memref_slice %arg11[%add3A_17, %dma_start3A] : memref<10240x64xf32, #tpu.memory_space<vmem_shared>> -> memref<128x64xf32, #tpu.memory_space<vmem_shared>>
      %dma_start3A_28 = arith.constant 0 : i32
      %dma_start3A_29 = tpu.memref_slice %arg11[%add3A_17, %dma_start3A_28] : memref<10240x64xf32, #tpu.memory_space<vmem_shared>> -> memref<128x64xf32, #tpu.memory_space<vmem_shared>>
      tpu.enqueue_dma source(%arg10 : memref<128x64xf32, #tpu.memory_space<vmem>>) target(%dma_start3A_29 : memref<128x64xf32, #tpu.memory_space<vmem_shared>>) target_semaphore(%run_scoped3A : memref<!tpu.dma_semaphore, #tpu.memory_space<semaphore_mem>>)
      %dma_wait3A = arith.constant 0 : i32
      %dma_wait3A_30 = tpu.memref_slice %arg11[%add3A_17, %dma_wait3A] : memref<10240x64xf32, #tpu.memory_space<vmem_shared>> -> memref<128x64xf32, #tpu.memory_space<vmem_shared>>
      %dma_wait3A_31 = arith.constant 0 : i32
      %dma_wait3A_32 = tpu.memref_slice %arg11[%add3A_17, %dma_wait3A_31] : memref<10240x64xf32, #tpu.memory_space<vmem_shared>> -> memref<128x64xf32, #tpu.memory_space<vmem_shared>>
      tpu.wait_dma2 semaphore(%run_scoped3A : memref<!tpu.dma_semaphore, #tpu.memory_space<semaphore_mem>>) src(%arg10 : memref<128x64xf32, #tpu.memory_space<vmem>>) dst(%dma_wait3A_32 : memref<128x64xf32, #tpu.memory_space<vmem_shared>>)
      tpu.yield
    }) : () -> ()
    %barrier3A = arith.constant 0 : index
    tpu.barrier barrier_id(%barrier3A)
    %mul3A_18 = arith.constant 10240 : i32
    %mul3A_19 = arith.muli %add3A, %mul3A_18 : i32
    %scan3A_20 = arith.constant 0 : i32
    %scan3A_21 = arith.constant 0 : i32
    %scan3A_22 = arith.constant 80 : i32
    %scan3A_23 = arith.addi %scan3A_21, %scan3A_22 : i32
    %scan3A_24 = arith.constant 1 : i32
    scf.for %scan3A_27 = %scan3A_21 to %scan3A_23 step %scan3A_24  : i32 {
      %mul3A_28 = arith.constant 128 : i32
      %mul3A_29 = arith.muli %scan3A_27, %mul3A_28 : i32
      %add3A_30 = arith.addi %mul3A_19, %mul3A_29 : i32
      "tpu.region"() ({
        %run_scoped3A = tpu.sem_alloc : memref<!tpu.dma_semaphore, #tpu.memory_space<semaphore_mem>>
        %dma_start3A_41 = tpu.memref_slice %arg3[%add3A_30] : memref<327680xi32, #tpu.memory_space<hbm>> -> memref<128xi32, #tpu.memory_space<hbm>>
        %dma_start3A_42 = tpu.memref_slice %arg3[%add3A_30] : memref<327680xi32, #tpu.memory_space<hbm>> -> memref<128xi32, #tpu.memory_space<hbm>>
        tpu.enqueue_dma source(%dma_start3A_42 : memref<128xi32, #tpu.memory_space<hbm>>) target(%arg7 : memref<128xi32, #tpu.memory_space<vmem>>) target_semaphore(%run_scoped3A : memref<!tpu.dma_semaphore, #tpu.memory_space<semaphore_mem>>)
        %dma_wait3A_43 = tpu.memref_slice %arg3[%add3A_30] : memref<327680xi32, #tpu.memory_space<hbm>> -> memref<128xi32, #tpu.memory_space<hbm>>
        %dma_wait3A_44 = tpu.memref_slice %arg3[%add3A_30] : memref<327680xi32, #tpu.memory_space<hbm>> -> memref<128xi32, #tpu.memory_space<hbm>>
        tpu.wait_dma2 semaphore(%run_scoped3A : memref<!tpu.dma_semaphore, #tpu.memory_space<semaphore_mem>>) src(%dma_wait3A_44 : memref<128xi32, #tpu.memory_space<hbm>>) dst(%arg7 : memref<128xi32, #tpu.memory_space<vmem>>)
        tpu.yield
      }) : () -> ()
      "tpu.region"() ({
        %run_scoped3A = tpu.sem_alloc : memref<!tpu.dma_semaphore, #tpu.memory_space<semaphore_mem>>
        %dma_start3A_41 = tpu.memref_slice %arg4[%add3A_30] : memref<327680xi32, #tpu.memory_space<hbm>> -> memref<128xi32, #tpu.memory_space<hbm>>
        %dma_start3A_42 = tpu.memref_slice %arg4[%add3A_30] : memref<327680xi32, #tpu.memory_space<hbm>> -> memref<128xi32, #tpu.memory_space<hbm>>
        tpu.enqueue_dma source(%dma_start3A_42 : memref<128xi32, #tpu.memory_space<hbm>>) target(%arg8 : memref<128xi32, #tpu.memory_space<vmem>>) target_semaphore(%run_scoped3A : memref<!tpu.dma_semaphore, #tpu.memory_space<semaphore_mem>>)
        %dma_wait3A_43 = tpu.memref_slice %arg4[%add3A_30] : memref<327680xi32, #tpu.memory_space<hbm>> -> memref<128xi32, #tpu.memory_space<hbm>>
        %dma_wait3A_44 = tpu.memref_slice %arg4[%add3A_30] : memref<327680xi32, #tpu.memory_space<hbm>> -> memref<128xi32, #tpu.memory_space<hbm>>
        tpu.wait_dma2 semaphore(%run_scoped3A : memref<!tpu.dma_semaphore, #tpu.memory_space<semaphore_mem>>) src(%dma_wait3A_44 : memref<128xi32, #tpu.memory_space<hbm>>) dst(%arg8 : memref<128xi32, #tpu.memory_space<vmem>>)
        tpu.yield
      }) : () -> ()
      "tpu.region"() ({
        %run_scoped3A = tpu.sem_alloc : memref<!tpu.dma_semaphore, #tpu.memory_space<semaphore_mem>>
        %dma_start3A_41 = tpu.memref_slice %arg5[%add3A_30] : memref<327680xf32, #tpu.memory_space<hbm>> -> memref<128xf32, #tpu.memory_space<hbm>>
        %dma_start3A_42 = tpu.memref_slice %arg5[%add3A_30] : memref<327680xf32, #tpu.memory_space<hbm>> -> memref<128xf32, #tpu.memory_space<hbm>>
        tpu.enqueue_dma source(%dma_start3A_42 : memref<128xf32, #tpu.memory_space<hbm>>) target(%arg9 : memref<128xf32, #tpu.memory_space<vmem>>) target_semaphore(%run_scoped3A : memref<!tpu.dma_semaphore, #tpu.memory_space<semaphore_mem>>)
        %dma_wait3A_43 = tpu.memref_slice %arg5[%add3A_30] : memref<327680xf32, #tpu.memory_space<hbm>> -> memref<128xf32, #tpu.memory_space<hbm>>
        %dma_wait3A_44 = tpu.memref_slice %arg5[%add3A_30] : memref<327680xf32, #tpu.memory_space<hbm>> -> memref<128xf32, #tpu.memory_space<hbm>>
        tpu.wait_dma2 semaphore(%run_scoped3A : memref<!tpu.dma_semaphore, #tpu.memory_space<semaphore_mem>>) src(%dma_wait3A_44 : memref<128xf32, #tpu.memory_space<hbm>>) dst(%arg9 : memref<128xf32, #tpu.memory_space<vmem>>)
        tpu.yield
      }) : () -> ()
      %dma_start3A = arith.constant 0 : i32
      %dma_start3A_31 = arith.constant 0 : i32
      %dma_start3A_32 = tpu.memref_slice %arg2[%dma_start3A, %dma_start3A_31] : memref<10240x64xf32, #tpu.memory_space<hbm>> -> memref<10240x64xf32, #tpu.memory_space<hbm>>
      tpu.enqueue_indirect_dma source(%dma_start3A_32 : memref<10240x64xf32, #tpu.memory_space<hbm>>) target(%arg10 : memref<128x64xf32, #tpu.memory_space<vmem>>) offsets(%arg7 : memref<128xi32, #tpu.memory_space<vmem>>) semaphore(%arg12 : memref<!tpu.dma_semaphore, #tpu.memory_space<semaphore_mem>>)
      %dma_wait3A = arith.constant 0 : i32
      %dma_wait3A_33 = arith.constant 0 : i32
      %dma_wait3A_34 = tpu.memref_slice %arg2[%dma_wait3A, %dma_wait3A_33] : memref<10240x64xf32, #tpu.memory_space<hbm>> -> memref<10240x64xf32, #tpu.memory_space<hbm>>
      tpu.wait_indirect_dma semaphore(%arg12 : memref<!tpu.dma_semaphore, #tpu.memory_space<semaphore_mem>>) src(%dma_wait3A_34 : memref<10240x64xf32, #tpu.memory_space<hbm>>) dst(%arg10 : memref<128x64xf32, #tpu.memory_space<vmem>>)
      %scan3A_35 = arith.constant 0 : i32
      %scan3A_36 = arith.constant 0 : i32
      %scan3A_37 = arith.constant 8 : i32
      %scan3A_38 = arith.addi %scan3A_36, %scan3A_37 : i32
      %scan3A_39 = arith.constant 1 : i32
      scf.for %scan3A_41 = %scan3A_36 to %scan3A_38 step %scan3A_39  : i32 {
        %mul3A_42 = arith.constant 16 : i32
        %mul3A_43 = arith.muli %scan3A_41, %mul3A_42 : i32
        %get3A = arith.index_cast %mul3A_43 : i32 to index
        %get3A_44 = tpu.vector_load %arg9[%get3A] {strides = array<i32>} : memref<128xf32, #tpu.memory_space<vmem>>, vector<16xf32>,
        %get3A_45 = vector.shape_cast %get3A_44 : vector<16xf32> to vector<16xf32>
        %mul3A_46 = arith.constant 16 : i32
        %mul3A_47 = arith.muli %scan3A_41, %mul3A_46 : i32
        %add3A_48 = arith.constant 0 : i32
        %add3A_49 = arith.addi %mul3A_47, %add3A_48 : i32
        %slice3A = vector.extract_strided_slice %get3A_45 {offsets = [0], sizes = [1], strides = [1]} : vector<16xf32> to vector<1xf32>
        %squeeze3A = vector.extract %slice3A[0] : f32 from vector<1xf32>
        %broadcast_in_dim3A = vector.broadcast %squeeze3A : f32 to vector<16xf32>
        %get3A_50 = arith.index_cast %add3A_49 : i32 to index
        %get3A_51 = arith.constant 0 : index
        %get3A_52 = tpu.vector_load %arg10[%get3A_50, %get3A_51] {strides = array<i32>} : memref<128x64xf32, #tpu.memory_space<vmem>>, vector<1x16xf32>,
        %get3A_53 = vector.shape_cast %get3A_52 : vector<1x16xf32> to vector<16xf32>
        %mul3A_54 = arith.mulf %get3A_53, %broadcast_in_dim3A : vector<16xf32>
        %swap3A = arith.index_cast %add3A_49 : i32 to index
        %swap3A_55 = arith.constant 0 : index
        %swap3A_56 = tpu.vector_load %arg10[%swap3A, %swap3A_55] {strides = array<i32>} : memref<128x64xf32, #tpu.memory_space<vmem>>, vector<1x16xf32>,
        %swap3A_57 = vector.shape_cast %swap3A_56 : vector<1x16xf32> to vector<16xf32>
        %swap3A_58 = vector.shape_cast %mul3A_54 : vector<16xf32> to vector<1x16xf32>
        tpu.vector_store %arg10[%swap3A, %swap3A_55], %swap3A_58 {strides = array<i32>} : memref<128x64xf32, #tpu.memory_space<vmem>>, vector<1x16xf32>,
        %get3A_59 = arith.index_cast %add3A_49 : i32 to index
        %get3A_60 = arith.constant 16 : index
        %get3A_61 = tpu.vector_load %arg10[%get3A_59, %get3A_60] {strides = array<i32>} : memref<128x64xf32, #tpu.memory_space<vmem>>, vector<1x16xf32>,
        %get3A_62 = vector.shape_cast %get3A_61 : vector<1x16xf32> to vector<16xf32>
        %mul3A_63 = arith.mulf %get3A_62, %broadcast_in_dim3A : vector<16xf32>
        %swap3A_64 = arith.index_cast %add3A_49 : i32 to index
        %swap3A_65 = arith.constant 16 : index
        %swap3A_66 = tpu.vector_load %arg10[%swap3A_64, %swap3A_65] {strides = array<i32>} : memref<128x64xf32, #tpu.memory_space<vmem>>, vector<1x16xf32>,
        %swap3A_67 = vector.shape_cast %swap3A_66 : vector<1x16xf32> to vector<16xf32>
        %swap3A_68 = vector.shape_cast %mul3A_63 : vector<16xf32> to vector<1x16xf32>
        tpu.vector_store %arg10[%swap3A_64, %swap3A_65], %swap3A_68 {strides = array<i32>} : memref<128x64xf32, #tpu.memory_space<vmem>>, vector<1x16xf32>,
        %get3A_69 = arith.index_cast %add3A_49 : i32 to index
        %get3A_70 = arith.constant 32 : index
        %get3A_71 = tpu.vector_load %arg10[%get3A_69, %get3A_70] {strides = array<i32>} : memref<128x64xf32, #tpu.memory_space<vmem>>, vector<1x16xf32>,
        %get3A_72 = vector.shape_cast %get3A_71 : vector<1x16xf32> to vector<16xf32>
        %mul3A_73 = arith.mulf %get3A_72, %broadcast_in_dim3A : vector<16xf32>
        %swap3A_74 = arith.index_cast %add3A_49 : i32 to index
        %swap3A_75 = arith.constant 32 : index
        %swap3A_76 = tpu.vector_load %arg10[%swap3A_74, %swap3A_75] {strides = array<i32>} : memref<128x64xf32, #tpu.memory_space<vmem>>, vector<1x16xf32>,
        %swap3A_77 = vector.shape_cast %swap3A_76 : vector<1x16xf32> to vector<16xf32>
        %swap3A_78 = vector.shape_cast %mul3A_73 : vector<16xf32> to vector<1x16xf32>
        tpu.vector_store %arg10[%swap3A_74, %swap3A_75], %swap3A_78 {strides = array<i32>} : memref<128x64xf32, #tpu.memory_space<vmem>>, vector<1x16xf32>,
        %get3A_79 = arith.index_cast %add3A_49 : i32 to index
        %get3A_80 = arith.constant 48 : index
        %get3A_81 = tpu.vector_load %arg10[%get3A_79, %get3A_80] {strides = array<i32>} : memref<128x64xf32, #tpu.memory_space<vmem>>, vector<1x16xf32>,
        %get3A_82 = vector.shape_cast %get3A_81 : vector<1x16xf32> to vector<16xf32>
        %mul3A_83 = arith.mulf %get3A_82, %broadcast_in_dim3A : vector<16xf32>
        %swap3A_84 = arith.index_cast %add3A_49 : i32 to index
        %swap3A_85 = arith.constant 48 : index
        %swap3A_86 = tpu.vector_load %arg10[%swap3A_84, %swap3A_85] {strides = array<i32>} : memref<128x64xf32, #tpu.memory_space<vmem>>, vector<1x16xf32>,
        %swap3A_87 = vector.shape_cast %swap3A_86 : vector<1x16xf32> to vector<16xf32>
        %swap3A_88 = vector.shape_cast %mul3A_83 : vector<16xf32> to vector<1x16xf32>
        tpu.vector_store %arg10[%swap3A_84, %swap3A_85], %swap3A_88 {strides = array<i32>} : memref<128x64xf32, #tpu.memory_space<vmem>>, vector<1x16xf32>,
        %mul3A_89 = arith.constant 16 : i32
        %mul3A_90 = arith.muli %scan3A_41, %mul3A_89 : i32
        %add3A_91 = arith.constant 1 : i32
        %add3A_92 = arith.addi %mul3A_90, %add3A_91 : i32
        %slice3A_93 = vector.extract_strided_slice %get3A_45 {offsets = [1], sizes = [1], strides = [1]} : vector<16xf32> to vector<1xf32>
        %squeeze3A_94 = vector.extract %slice3A_93[0] : f32 from vector<1xf32>
        %broadcast_in_dim3A_95 = vector.broadcast %squeeze3A_94 : f32 to vector<16xf32>
        %get3A_96 = arith.index_cast %add3A_92 : i32 to index
        %get3A_97 = arith.constant 0 : index
        %get3A_98 = tpu.vector_load %arg10[%get3A_96, %get3A_97] {strides = array<i32>} : memref<128x64xf32, #tpu.memory_space<vmem>>, vector<1x16xf32>,
        %get3A_99 = vector.shape_cast %get3A_98 : vector<1x16xf32> to vector<16xf32>
        %mul3A_100 = arith.mulf %get3A_99, %broadcast_in_dim3A_95 : vector<16xf32>
        %swap3A_101 = arith.index_cast %add3A_92 : i32 to index
        %swap3A_102 = arith.constant 0 : index
        %swap3A_103 = tpu.vector_load %arg10[%swap3A_101, %swap3A_102] {strides = array<i32>} : memref<128x64xf32, #tpu.memory_space<vmem>>, vector<1x16xf32>,
        %swap3A_104 = vector.shape_cast %swap3A_103 : vector<1x16xf32> to vector<16xf32>
        %swap3A_105 = vector.shape_cast %mul3A_100 : vector<16xf32> to vector<1x16xf32>
        tpu.vector_store %arg10[%swap3A_101, %swap3A_102], %swap3A_105 {strides = array<i32>} : memref<128x64xf32, #tpu.memory_space<vmem>>, vector<1x16xf32>,
        %get3A_106 = arith.index_cast %add3A_92 : i32 to index
        %get3A_107 = arith.constant 16 : index
        %get3A_108 = tpu.vector_load %arg10[%get3A_106, %get3A_107] {strides = array<i32>} : memref<128x64xf32, #tpu.memory_space<vmem>>, vector<1x16xf32>,
        %get3A_109 = vector.shape_cast %get3A_108 : vector<1x16xf32> to vector<16xf32>
        %mul3A_110 = arith.mulf %get3A_109, %broadcast_in_dim3A_95 : vector<16xf32>
        %swap3A_111 = arith.index_cast %add3A_92 : i32 to index
        %swap3A_112 = arith.constant 16 : index
        %swap3A_113 = tpu.vector_load %arg10[%swap3A_111, %swap3A_112] {strides = array<i32>} : memref<128x64xf32, #tpu.memory_space<vmem>>, vector<1x16xf32>,
        %swap3A_114 = vector.shape_cast %swap3A_113 : vector<1x16xf32> to vector<16xf32>
        %swap3A_115 = vector.shape_cast %mul3A_110 : vector<16xf32> to vector<1x16xf32>
        tpu.vector_store %arg10[%swap3A_111, %swap3A_112], %swap3A_115 {strides = array<i32>} : memref<128x64xf32, #tpu.memory_space<vmem>>, vector<1x16xf32>,
        %get3A_116 = arith.index_cast %add3A_92 : i32 to index
        %get3A_117 = arith.constant 32 : index
        %get3A_118 = tpu.vector_load %arg10[%get3A_116, %get3A_117] {strides = array<i32>} : memref<128x64xf32, #tpu.memory_space<vmem>>, vector<1x16xf32>,
        %get3A_119 = vector.shape_cast %get3A_118 : vector<1x16xf32> to vector<16xf32>
        %mul3A_120 = arith.mulf %get3A_119, %broadcast_in_dim3A_95 : vector<16xf32>
        %swap3A_121 = arith.index_cast %add3A_92 : i32 to index
        %swap3A_122 = arith.constant 32 : index
        %swap3A_123 = tpu.vector_load %arg10[%swap3A_121, %swap3A_122] {strides = array<i32>} : memref<128x64xf32, #tpu.memory_space<vmem>>, vector<1x16xf32>,
        %swap3A_124 = vector.shape_cast %swap3A_123 : vector<1x16xf32> to vector<16xf32>
        %swap3A_125 = vector.shape_cast %mul3A_120 : vector<16xf32> to vector<1x16xf32>
        tpu.vector_store %arg10[%swap3A_121, %swap3A_122], %swap3A_125 {strides = array<i32>} : memref<128x64xf32, #tpu.memory_space<vmem>>, vector<1x16xf32>,
        %get3A_126 = arith.index_cast %add3A_92 : i32 to index
        %get3A_127 = arith.constant 48 : index
        %get3A_128 = tpu.vector_load %arg10[%get3A_126, %get3A_127] {strides = array<i32>} : memref<128x64xf32, #tpu.memory_space<vmem>>, vector<1x16xf32>,
        %get3A_129 = vector.shape_cast %get3A_128 : vector<1x16xf32> to vector<16xf32>
        %mul3A_130 = arith.mulf %get3A_129, %broadcast_in_dim3A_95 : vector<16xf32>
        %swap3A_131 = arith.index_cast %add3A_92 : i32 to index
        %swap3A_132 = arith.constant 48 : index
        %swap3A_133 = tpu.vector_load %arg10[%swap3A_131, %swap3A_132] {strides = array<i32>} : memref<128x64xf32, #tpu.memory_space<vmem>>, vector<1x16xf32>,
        %swap3A_134 = vector.shape_cast %swap3A_133 : vector<1x16xf32> to vector<16xf32>
        %swap3A_135 = vector.shape_cast %mul3A_130 : vector<16xf32> to vector<1x16xf32>
        tpu.vector_store %arg10[%swap3A_131, %swap3A_132], %swap3A_135 {strides = array<i32>} : memref<128x64xf32, #tpu.memory_space<vmem>>, vector<1x16xf32>,
        %mul3A_136 = arith.constant 16 : i32
        %mul3A_137 = arith.muli %scan3A_41, %mul3A_136 : i32
        %add3A_138 = arith.constant 2 : i32
        %add3A_139 = arith.addi %mul3A_137, %add3A_138 : i32
        %slice3A_140 = vector.extract_strided_slice %get3A_45 {offsets = [2], sizes = [1], strides = [1]} : vector<16xf32> to vector<1xf32>
        %squeeze3A_141 = vector.extract %slice3A_140[0] : f32 from vector<1xf32>
        %broadcast_in_dim3A_142 = vector.broadcast %squeeze3A_141 : f32 to vector<16xf32>
        %get3A_143 = arith.index_cast %add3A_139 : i32 to index
        %get3A_144 = arith.constant 0 : index
        %get3A_145 = tpu.vector_load %arg10[%get3A_143, %get3A_144] {strides = array<i32>} : memref<128x64xf32, #tpu.memory_space<vmem>>, vector<1x16xf32>,
        %get3A_146 = vector.shape_cast %get3A_145 : vector<1x16xf32> to vector<16xf32>
        %mul3A_147 = arith.mulf %get3A_146, %broadcast_in_dim3A_142 : vector<16xf32>
        %swap3A_148 = arith.index_cast %add3A_139 : i32 to index
        %swap3A_149 = arith.constant 0 : index
        %swap3A_150 = tpu.vector_load %arg10[%swap3A_148, %swap3A_149] {strides = array<i32>} : memref<128x64xf32, #tpu.memory_space<vmem>>, vector<1x16xf32>,
        %swap3A_151 = vector.shape_cast %swap3A_150 : vector<1x16xf32> to vector<16xf32>
        %swap3A_152 = vector.shape_cast %mul3A_147 : vector<16xf32> to vector<1x16xf32>
        tpu.vector_store %arg10[%swap3A_148, %swap3A_149], %swap3A_152 {strides = array<i32>} : memref<128x64xf32, #tpu.memory_space<vmem>>, vector<1x16xf32>,
        %get3A_153 = arith.index_cast %add3A_139 : i32 to index
        %get3A_154 = arith.constant 16 : index
        %get3A_155 = tpu.vector_load %arg10[%get3A_153, %get3A_154] {strides = array<i32>} : memref<128x64xf32, #tpu.memory_space<vmem>>, vector<1x16xf32>,
        %get3A_156 = vector.shape_cast %get3A_155 : vector<1x16xf32> to vector<16xf32>
        %mul3A_157 = arith.mulf %get3A_156, %broadcast_in_dim3A_142 : vector<16xf32>
        %swap3A_158 = arith.index_cast %add3A_139 : i32 to index
        %swap3A_159 = arith.constant 16 : index
        %swap3A_160 = tpu.vector_load %arg10[%swap3A_158, %swap3A_159] {strides = array<i32>} : memref<128x64xf32, #tpu.memory_space<vmem>>, vector<1x16xf32>,
        %swap3A_161 = vector.shape_cast %swap3A_160 : vector<1x16xf32> to vector<16xf32>
        %swap3A_162 = vector.shape_cast %mul3A_157 : vector<16xf32> to vector<1x16xf32>
        tpu.vector_store %arg10[%swap3A_158, %swap3A_159], %swap3A_162 {strides = array<i32>} : memref<128x64xf32, #tpu.memory_space<vmem>>, vector<1x16xf32>,
        %get3A_163 = arith.index_cast %add3A_139 : i32 to index
        %get3A_164 = arith.constant 32 : index
        %get3A_165 = tpu.vector_load %arg10[%get3A_163, %get3A_164] {strides = array<i32>} : memref<128x64xf32, #tpu.memory_space<vmem>>, vector<1x16xf32>,
        %get3A_166 = vector.shape_cast %get3A_165 : vector<1x16xf32> to vector<16xf32>
        %mul3A_167 = arith.mulf %get3A_166, %broadcast_in_dim3A_142 : vector<16xf32>
        %swap3A_168 = arith.index_cast %add3A_139 : i32 to index
        %swap3A_169 = arith.constant 32 : index
        %swap3A_170 = tpu.vector_load %arg10[%swap3A_168, %swap3A_169] {strides = array<i32>} : memref<128x64xf32, #tpu.memory_space<vmem>>, vector<1x16xf32>,
        %swap3A_171 = vector.shape_cast %swap3A_170 : vector<1x16xf32> to vector<16xf32>
        %swap3A_172 = vector.shape_cast %mul3A_167 : vector<16xf32> to vector<1x16xf32>
        tpu.vector_store %arg10[%swap3A_168, %swap3A_169], %swap3A_172 {strides = array<i32>} : memref<128x64xf32, #tpu.memory_space<vmem>>, vector<1x16xf32>,
        %get3A_173 = arith.index_cast %add3A_139 : i32 to index
        %get3A_174 = arith.constant 48 : index
        %get3A_175 = tpu.vector_load %arg10[%get3A_173, %get3A_174] {strides = array<i32>} : memref<128x64xf32, #tpu.memory_space<vmem>>, vector<1x16xf32>,
        %get3A_176 = vector.shape_cast %get3A_175 : vector<1x16xf32> to vector<16xf32>
        %mul3A_177 = arith.mulf %get3A_176, %broadcast_in_dim3A_142 : vector<16xf32>
        %swap3A_178 = arith.index_cast %add3A_139 : i32 to index
        %swap3A_179 = arith.constant 48 : index
        %swap3A_180 = tpu.vector_load %arg10[%swap3A_178, %swap3A_179] {strides = array<i32>} : memref<128x64xf32, #tpu.memory_space<vmem>>, vector<1x16xf32>,
        %swap3A_181 = vector.shape_cast %swap3A_180 : vector<1x16xf32> to vector<16xf32>
        %swap3A_182 = vector.shape_cast %mul3A_177 : vector<16xf32> to vector<1x16xf32>
        tpu.vector_store %arg10[%swap3A_178, %swap3A_179], %swap3A_182 {strides = array<i32>} : memref<128x64xf32, #tpu.memory_space<vmem>>, vector<1x16xf32>,
        %mul3A_183 = arith.constant 16 : i32
        %mul3A_184 = arith.muli %scan3A_41, %mul3A_183 : i32
        %add3A_185 = arith.constant 3 : i32
        %add3A_186 = arith.addi %mul3A_184, %add3A_185 : i32
        %slice3A_187 = vector.extract_strided_slice %get3A_45 {offsets = [3], sizes = [1], strides = [1]} : vector<16xf32> to vector<1xf32>
        %squeeze3A_188 = vector.extract %slice3A_187[0] : f32 from vector<1xf32>
        %broadcast_in_dim3A_189 = vector.broadcast %squeeze3A_188 : f32 to vector<16xf32>
        %get3A_190 = arith.index_cast %add3A_186 : i32 to index
        %get3A_191 = arith.constant 0 : index
        %get3A_192 = tpu.vector_load %arg10[%get3A_190, %get3A_191] {strides = array<i32>} : memref<128x64xf32, #tpu.memory_space<vmem>>, vector<1x16xf32>,
        %get3A_193 = vector.shape_cast %get3A_192 : vector<1x16xf32> to vector<16xf32>
        %mul3A_194 = arith.mulf %get3A_193, %broadcast_in_dim3A_189 : vector<16xf32>
        %swap3A_195 = arith.index_cast %add3A_186 : i32 to index
        %swap3A_196 = arith.constant 0 : index
        %swap3A_197 = tpu.vector_load %arg10[%swap3A_195, %swap3A_196] {strides = array<i32>} : memref<128x64xf32, #tpu.memory_space<vmem>>, vector<1x16xf32>,
        %swap3A_198 = vector.shape_cast %swap3A_197 : vector<1x16xf32> to vector<16xf32>
        %swap3A_199 = vector.shape_cast %mul3A_194 : vector<16xf32> to vector<1x16xf32>
        tpu.vector_store %arg10[%swap3A_195, %swap3A_196], %swap3A_199 {strides = array<i32>} : memref<128x64xf32, #tpu.memory_space<vmem>>, vector<1x16xf32>,
        %get3A_200 = arith.index_cast %add3A_186 : i32 to index
        %get3A_201 = arith.constant 16 : index
        %get3A_202 = tpu.vector_load %arg10[%get3A_200, %get3A_201] {strides = array<i32>} : memref<128x64xf32, #tpu.memory_space<vmem>>, vector<1x16xf32>,
        %get3A_203 = vector.shape_cast %get3A_202 : vector<1x16xf32> to vector<16xf32>
        %mul3A_204 = arith.mulf %get3A_203, %broadcast_in_dim3A_189 : vector<16xf32>
        %swap3A_205 = arith.index_cast %add3A_186 : i32 to index
        %swap3A_206 = arith.constant 16 : index
        %swap3A_207 = tpu.vector_load %arg10[%swap3A_205, %swap3A_206] {strides = array<i32>} : memref<128x64xf32, #tpu.memory_space<vmem>>, vector<1x16xf32>,
        %swap3A_208 = vector.shape_cast %swap3A_207 : vector<1x16xf32> to vector<16xf32>
        %swap3A_209 = vector.shape_cast %mul3A_204 : vector<16xf32> to vector<1x16xf32>
        tpu.vector_store %arg10[%swap3A_205, %swap3A_206], %swap3A_209 {strides = array<i32>} : memref<128x64xf32, #tpu.memory_space<vmem>>, vector<1x16xf32>,
        %get3A_210 = arith.index_cast %add3A_186 : i32 to index
        %get3A_211 = arith.constant 32 : index
        %get3A_212 = tpu.vector_load %arg10[%get3A_210, %get3A_211] {strides = array<i32>} : memref<128x64xf32, #tpu.memory_space<vmem>>, vector<1x16xf32>,
        %get3A_213 = vector.shape_cast %get3A_212 : vector<1x16xf32> to vector<16xf32>
        %mul3A_214 = arith.mulf %get3A_213, %broadcast_in_dim3A_189 : vector<16xf32>
        %swap3A_215 = arith.index_cast %add3A_186 : i32 to index
        %swap3A_216 = arith.constant 32 : index
        %swap3A_217 = tpu.vector_load %arg10[%swap3A_215, %swap3A_216] {strides = array<i32>} : memref<128x64xf32, #tpu.memory_space<vmem>>, vector<1x16xf32>,
        %swap3A_218 = vector.shape_cast %swap3A_217 : vector<1x16xf32> to vector<16xf32>
        %swap3A_219 = vector.shape_cast %mul3A_214 : vector<16xf32> to vector<1x16xf32>
        tpu.vector_store %arg10[%swap3A_215, %swap3A_216], %swap3A_219 {strides = array<i32>} : memref<128x64xf32, #tpu.memory_space<vmem>>, vector<1x16xf32>,
        %get3A_220 = arith.index_cast %add3A_186 : i32 to index
        %get3A_221 = arith.constant 48 : index
        %get3A_222 = tpu.vector_load %arg10[%get3A_220, %get3A_221] {strides = array<i32>} : memref<128x64xf32, #tpu.memory_space<vmem>>, vector<1x16xf32>,
        %get3A_223 = vector.shape_cast %get3A_222 : vector<1x16xf32> to vector<16xf32>
        %mul3A_224 = arith.mulf %get3A_223, %broadcast_in_dim3A_189 : vector<16xf32>
        %swap3A_225 = arith.index_cast %add3A_186 : i32 to index
        %swap3A_226 = arith.constant 48 : index
        %swap3A_227 = tpu.vector_load %arg10[%swap3A_225, %swap3A_226] {strides = array<i32>} : memref<128x64xf32, #tpu.memory_space<vmem>>, vector<1x16xf32>,
        %swap3A_228 = vector.shape_cast %swap3A_227 : vector<1x16xf32> to vector<16xf32>
        %swap3A_229 = vector.shape_cast %mul3A_224 : vector<16xf32> to vector<1x16xf32>
        tpu.vector_store %arg10[%swap3A_225, %swap3A_226], %swap3A_229 {strides = array<i32>} : memref<128x64xf32, #tpu.memory_space<vmem>>, vector<1x16xf32>,
        %mul3A_230 = arith.constant 16 : i32
        %mul3A_231 = arith.muli %scan3A_41, %mul3A_230 : i32
        %add3A_232 = arith.constant 4 : i32
        %add3A_233 = arith.addi %mul3A_231, %add3A_232 : i32
        %slice3A_234 = vector.extract_strided_slice %get3A_45 {offsets = [4], sizes = [1], strides = [1]} : vector<16xf32> to vector<1xf32>
        %squeeze3A_235 = vector.extract %slice3A_234[0] : f32 from vector<1xf32>
        %broadcast_in_dim3A_236 = vector.broadcast %squeeze3A_235 : f32 to vector<16xf32>
        %get3A_237 = arith.index_cast %add3A_233 : i32 to index
        %get3A_238 = arith.constant 0 : index
        %get3A_239 = tpu.vector_load %arg10[%get3A_237, %get3A_238] {strides = array<i32>} : memref<128x64xf32, #tpu.memory_space<vmem>>, vector<1x16xf32>,
        %get3A_240 = vector.shape_cast %get3A_239 : vector<1x16xf32> to vector<16xf32>
        %mul3A_241 = arith.mulf %get3A_240, %broadcast_in_dim3A_236 : vector<16xf32>
        %swap3A_242 = arith.index_cast %add3A_233 : i32 to index
        %swap3A_243 = arith.constant 0 : index
        %swap3A_244 = tpu.vector_load %arg10[%swap3A_242, %swap3A_243] {strides = array<i32>} : memref<128x64xf32, #tpu.memory_space<vmem>>, vector<1x16xf32>,
        %swap3A_245 = vector.shape_cast %swap3A_244 : vector<1x16xf32> to vector<16xf32>
        %swap3A_246 = vector.shape_cast %mul3A_241 : vector<16xf32> to vector<1x16xf32>
        tpu.vector_store %arg10[%swap3A_242, %swap3A_243], %swap3A_246 {strides = array<i32>} : memref<128x64xf32, #tpu.memory_space<vmem>>, vector<1x16xf32>,
        %get3A_247 = arith.index_cast %add3A_233 : i32 to index
        %get3A_248 = arith.constant 16 : index
        %get3A_249 = tpu.vector_load %arg10[%get3A_247, %get3A_248] {strides = array<i32>} : memref<128x64xf32, #tpu.memory_space<vmem>>, vector<1x16xf32>,
        %get3A_250 = vector.shape_cast %get3A_249 : vector<1x16xf32> to vector<16xf32>
        %mul3A_251 = arith.mulf %get3A_250, %broadcast_in_dim3A_236 : vector<16xf32>
        %swap3A_252 = arith.index_cast %add3A_233 : i32 to index
        %swap3A_253 = arith.constant 16 : index
        %swap3A_254 = tpu.vector_load %arg10[%swap3A_252, %swap3A_253] {strides = array<i32>} : memref<128x64xf32, #tpu.memory_space<vmem>>, vector<1x16xf32>,
        %swap3A_255 = vector.shape_cast %swap3A_254 : vector<1x16xf32> to vector<16xf32>
        %swap3A_256 = vector.shape_cast %mul3A_251 : vector<16xf32> to vector<1x16xf32>
        tpu.vector_store %arg10[%swap3A_252, %swap3A_253], %swap3A_256 {strides = array<i32>} : memref<128x64xf32, #tpu.memory_space<vmem>>, vector<1x16xf32>,
        %get3A_257 = arith.index_cast %add3A_233 : i32 to index
        %get3A_258 = arith.constant 32 : index
        %get3A_259 = tpu.vector_load %arg10[%get3A_257, %get3A_258] {strides = array<i32>} : memref<128x64xf32, #tpu.memory_space<vmem>>, vector<1x16xf32>,
        %get3A_260 = vector.shape_cast %get3A_259 : vector<1x16xf32> to vector<16xf32>
        %mul3A_261 = arith.mulf %get3A_260, %broadcast_in_dim3A_236 : vector<16xf32>
        %swap3A_262 = arith.index_cast %add3A_233 : i32 to index
        %swap3A_263 = arith.constant 32 : index
        %swap3A_264 = tpu.vector_load %arg10[%swap3A_262, %swap3A_263] {strides = array<i32>} : memref<128x64xf32, #tpu.memory_space<vmem>>, vector<1x16xf32>,
        %swap3A_265 = vector.shape_cast %swap3A_264 : vector<1x16xf32> to vector<16xf32>
        %swap3A_266 = vector.shape_cast %mul3A_261 : vector<16xf32> to vector<1x16xf32>
        tpu.vector_store %arg10[%swap3A_262, %swap3A_263], %swap3A_266 {strides = array<i32>} : memref<128x64xf32, #tpu.memory_space<vmem>>, vector<1x16xf32>,
        %get3A_267 = arith.index_cast %add3A_233 : i32 to index
        %get3A_268 = arith.constant 48 : index
        %get3A_269 = tpu.vector_load %arg10[%get3A_267, %get3A_268] {strides = array<i32>} : memref<128x64xf32, #tpu.memory_space<vmem>>, vector<1x16xf32>,
        %get3A_270 = vector.shape_cast %get3A_269 : vector<1x16xf32> to vector<16xf32>
        %mul3A_271 = arith.mulf %get3A_270, %broadcast_in_dim3A_236 : vector<16xf32>
        %swap3A_272 = arith.index_cast %add3A_233 : i32 to index
        %swap3A_273 = arith.constant 48 : index
        %swap3A_274 = tpu.vector_load %arg10[%swap3A_272, %swap3A_273] {strides = array<i32>} : memref<128x64xf32, #tpu.memory_space<vmem>>, vector<1x16xf32>,
        %swap3A_275 = vector.shape_cast %swap3A_274 : vector<1x16xf32> to vector<16xf32>
        %swap3A_276 = vector.shape_cast %mul3A_271 : vector<16xf32> to vector<1x16xf32>
        tpu.vector_store %arg10[%swap3A_272, %swap3A_273], %swap3A_276 {strides = array<i32>} : memref<128x64xf32, #tpu.memory_space<vmem>>, vector<1x16xf32>,
        %mul3A_277 = arith.constant 16 : i32
        %mul3A_278 = arith.muli %scan3A_41, %mul3A_277 : i32
        %add3A_279 = arith.constant 5 : i32
        %add3A_280 = arith.addi %mul3A_278, %add3A_279 : i32
        %slice3A_281 = vector.extract_strided_slice %get3A_45 {offsets = [5], sizes = [1], strides = [1]} : vector<16xf32> to vector<1xf32>
        %squeeze3A_282 = vector.extract %slice3A_281[0] : f32 from vector<1xf32>
        %broadcast_in_dim3A_283 = vector.broadcast %squeeze3A_282 : f32 to vector<16xf32>
        %get3A_284 = arith.index_cast %add3A_280 : i32 to index
        %get3A_285 = arith.constant 0 : index
        %get3A_286 = tpu.vector_load %arg10[%get3A_284, %get3A_285] {strides = array<i32>} : memref<128x64xf32, #tpu.memory_space<vmem>>, vector<1x16xf32>,
        %get3A_287 = vector.shape_cast %get3A_286 : vector<1x16xf32> to vector<16xf32>
        %mul3A_288 = arith.mulf %get3A_287, %broadcast_in_dim3A_283 : vector<16xf32>
        %swap3A_289 = arith.index_cast %add3A_280 : i32 to index
        %swap3A_290 = arith.constant 0 : index
        %swap3A_291 = tpu.vector_load %arg10[%swap3A_289, %swap3A_290] {strides = array<i32>} : memref<128x64xf32, #tpu.memory_space<vmem>>, vector<1x16xf32>,
        %swap3A_292 = vector.shape_cast %swap3A_291 : vector<1x16xf32> to vector<16xf32>
        %swap3A_293 = vector.shape_cast %mul3A_288 : vector<16xf32> to vector<1x16xf32>
        tpu.vector_store %arg10[%swap3A_289, %swap3A_290], %swap3A_293 {strides = array<i32>} : memref<128x64xf32, #tpu.memory_space<vmem>>, vector<1x16xf32>,
        %get3A_294 = arith.index_cast %add3A_280 : i32 to index
        %get3A_295 = arith.constant 16 : index
        %get3A_296 = tpu.vector_load %arg10[%get3A_294, %get3A_295] {strides = array<i32>} : memref<128x64xf32, #tpu.memory_space<vmem>>, vector<1x16xf32>,
        %get3A_297 = vector.shape_cast %get3A_296 : vector<1x16xf32> to vector<16xf32>
        %mul3A_298 = arith.mulf %get3A_297, %broadcast_in_dim3A_283 : vector<16xf32>
        %swap3A_299 = arith.index_cast %add3A_280 : i32 to index
        %swap3A_300 = arith.constant 16 : index
        %swap3A_301 = tpu.vector_load %arg10[%swap3A_299, %swap3A_300] {strides = array<i32>} : memref<128x64xf32, #tpu.memory_space<vmem>>, vector<1x16xf32>,
        %swap3A_302 = vector.shape_cast %swap3A_301 : vector<1x16xf32> to vector<16xf32>
        %swap3A_303 = vector.shape_cast %mul3A_298 : vector<16xf32> to vector<1x16xf32>
        tpu.vector_store %arg10[%swap3A_299, %swap3A_300], %swap3A_303 {strides = array<i32>} : memref<128x64xf32, #tpu.memory_space<vmem>>, vector<1x16xf32>,
        %get3A_304 = arith.index_cast %add3A_280 : i32 to index
        %get3A_305 = arith.constant 32 : index
        %get3A_306 = tpu.vector_load %arg10[%get3A_304, %get3A_305] {strides = array<i32>} : memref<128x64xf32, #tpu.memory_space<vmem>>, vector<1x16xf32>,
        %get3A_307 = vector.shape_cast %get3A_306 : vector<1x16xf32> to vector<16xf32>
        %mul3A_308 = arith.mulf %get3A_307, %broadcast_in_dim3A_283 : vector<16xf32>
        %swap3A_309 = arith.index_cast %add3A_280 : i32 to index
        %swap3A_310 = arith.constant 32 : index
        %swap3A_311 = tpu.vector_load %arg10[%swap3A_309, %swap3A_310] {strides = array<i32>} : memref<128x64xf32, #tpu.memory_space<vmem>>, vector<1x16xf32>,
        %swap3A_312 = vector.shape_cast %swap3A_311 : vector<1x16xf32> to vector<16xf32>
        %swap3A_313 = vector.shape_cast %mul3A_308 : vector<16xf32> to vector<1x16xf32>
        tpu.vector_store %arg10[%swap3A_309, %swap3A_310], %swap3A_313 {strides = array<i32>} : memref<128x64xf32, #tpu.memory_space<vmem>>, vector<1x16xf32>,
        %get3A_314 = arith.index_cast %add3A_280 : i32 to index
        %get3A_315 = arith.constant 48 : index
        %get3A_316 = tpu.vector_load %arg10[%get3A_314, %get3A_315] {strides = array<i32>} : memref<128x64xf32, #tpu.memory_space<vmem>>, vector<1x16xf32>,
        %get3A_317 = vector.shape_cast %get3A_316 : vector<1x16xf32> to vector<16xf32>
        %mul3A_318 = arith.mulf %get3A_317, %broadcast_in_dim3A_283 : vector<16xf32>
        %swap3A_319 = arith.index_cast %add3A_280 : i32 to index
        %swap3A_320 = arith.constant 48 : index
        %swap3A_321 = tpu.vector_load %arg10[%swap3A_319, %swap3A_320] {strides = array<i32>} : memref<128x64xf32, #tpu.memory_space<vmem>>, vector<1x16xf32>,
        %swap3A_322 = vector.shape_cast %swap3A_321 : vector<1x16xf32> to vector<16xf32>
        %swap3A_323 = vector.shape_cast %mul3A_318 : vector<16xf32> to vector<1x16xf32>
        tpu.vector_store %arg10[%swap3A_319, %swap3A_320], %swap3A_323 {strides = array<i32>} : memref<128x64xf32, #tpu.memory_space<vmem>>, vector<1x16xf32>,
        %mul3A_324 = arith.constant 16 : i32
        %mul3A_325 = arith.muli %scan3A_41, %mul3A_324 : i32
        %add3A_326 = arith.constant 6 : i32
        %add3A_327 = arith.addi %mul3A_325, %add3A_326 : i32
        %slice3A_328 = vector.extract_strided_slice %get3A_45 {offsets = [6], sizes = [1], strides = [1]} : vector<16xf32> to vector<1xf32>
        %squeeze3A_329 = vector.extract %slice3A_328[0] : f32 from vector<1xf32>
        %broadcast_in_dim3A_330 = vector.broadcast %squeeze3A_329 : f32 to vector<16xf32>
        %get3A_331 = arith.index_cast %add3A_327 : i32 to index
        %get3A_332 = arith.constant 0 : index
        %get3A_333 = tpu.vector_load %arg10[%get3A_331, %get3A_332] {strides = array<i32>} : memref<128x64xf32, #tpu.memory_space<vmem>>, vector<1x16xf32>,
        %get3A_334 = vector.shape_cast %get3A_333 : vector<1x16xf32> to vector<16xf32>
        %mul3A_335 = arith.mulf %get3A_334, %broadcast_in_dim3A_330 : vector<16xf32>
        %swap3A_336 = arith.index_cast %add3A_327 : i32 to index
        %swap3A_337 = arith.constant 0 : index
        %swap3A_338 = tpu.vector_load %arg10[%swap3A_336, %swap3A_337] {strides = array<i32>} : memref<128x64xf32, #tpu.memory_space<vmem>>, vector<1x16xf32>,
        %swap3A_339 = vector.shape_cast %swap3A_338 : vector<1x16xf32> to vector<16xf32>
        %swap3A_340 = vector.shape_cast %mul3A_335 : vector<16xf32> to vector<1x16xf32>
        tpu.vector_store %arg10[%swap3A_336, %swap3A_337], %swap3A_340 {strides = array<i32>} : memref<128x64xf32, #tpu.memory_space<vmem>>, vector<1x16xf32>,
        %get3A_341 = arith.index_cast %add3A_327 : i32 to index
        %get3A_342 = arith.constant 16 : index
        %get3A_343 = tpu.vector_load %arg10[%get3A_341, %get3A_342] {strides = array<i32>} : memref<128x64xf32, #tpu.memory_space<vmem>>, vector<1x16xf32>,
        %get3A_344 = vector.shape_cast %get3A_343 : vector<1x16xf32> to vector<16xf32>
        %mul3A_345 = arith.mulf %get3A_344, %broadcast_in_dim3A_330 : vector<16xf32>
        %swap3A_346 = arith.index_cast %add3A_327 : i32 to index
        %swap3A_347 = arith.constant 16 : index
        %swap3A_348 = tpu.vector_load %arg10[%swap3A_346, %swap3A_347] {strides = array<i32>} : memref<128x64xf32, #tpu.memory_space<vmem>>, vector<1x16xf32>,
        %swap3A_349 = vector.shape_cast %swap3A_348 : vector<1x16xf32> to vector<16xf32>
        %swap3A_350 = vector.shape_cast %mul3A_345 : vector<16xf32> to vector<1x16xf32>
        tpu.vector_store %arg10[%swap3A_346, %swap3A_347], %swap3A_350 {strides = array<i32>} : memref<128x64xf32, #tpu.memory_space<vmem>>, vector<1x16xf32>,
        %get3A_351 = arith.index_cast %add3A_327 : i32 to index
        %get3A_352 = arith.constant 32 : index
        %get3A_353 = tpu.vector_load %arg10[%get3A_351, %get3A_352] {strides = array<i32>} : memref<128x64xf32, #tpu.memory_space<vmem>>, vector<1x16xf32>,
        %get3A_354 = vector.shape_cast %get3A_353 : vector<1x16xf32> to vector<16xf32>
        %mul3A_355 = arith.mulf %get3A_354, %broadcast_in_dim3A_330 : vector<16xf32>
        %swap3A_356 = arith.index_cast %add3A_327 : i32 to index
        %swap3A_357 = arith.constant 32 : index
        %swap3A_358 = tpu.vector_load %arg10[%swap3A_356, %swap3A_357] {strides = array<i32>} : memref<128x64xf32, #tpu.memory_space<vmem>>, vector<1x16xf32>,
        %swap3A_359 = vector.shape_cast %swap3A_358 : vector<1x16xf32> to vector<16xf32>
        %swap3A_360 = vector.shape_cast %mul3A_355 : vector<16xf32> to vector<1x16xf32>
        tpu.vector_store %arg10[%swap3A_356, %swap3A_357], %swap3A_360 {strides = array<i32>} : memref<128x64xf32, #tpu.memory_space<vmem>>, vector<1x16xf32>,
        %get3A_361 = arith.index_cast %add3A_327 : i32 to index
        %get3A_362 = arith.constant 48 : index
        %get3A_363 = tpu.vector_load %arg10[%get3A_361, %get3A_362] {strides = array<i32>} : memref<128x64xf32, #tpu.memory_space<vmem>>, vector<1x16xf32>,
        %get3A_364 = vector.shape_cast %get3A_363 : vector<1x16xf32> to vector<16xf32>
        %mul3A_365 = arith.mulf %get3A_364, %broadcast_in_dim3A_330 : vector<16xf32>
        %swap3A_366 = arith.index_cast %add3A_327 : i32 to index
        %swap3A_367 = arith.constant 48 : index
        %swap3A_368 = tpu.vector_load %arg10[%swap3A_366, %swap3A_367] {strides = array<i32>} : memref<128x64xf32, #tpu.memory_space<vmem>>, vector<1x16xf32>,
        %swap3A_369 = vector.shape_cast %swap3A_368 : vector<1x16xf32> to vector<16xf32>
        %swap3A_370 = vector.shape_cast %mul3A_365 : vector<16xf32> to vector<1x16xf32>
        tpu.vector_store %arg10[%swap3A_366, %swap3A_367], %swap3A_370 {strides = array<i32>} : memref<128x64xf32, #tpu.memory_space<vmem>>, vector<1x16xf32>,
        %mul3A_371 = arith.constant 16 : i32
        %mul3A_372 = arith.muli %scan3A_41, %mul3A_371 : i32
        %add3A_373 = arith.constant 7 : i32
        %add3A_374 = arith.addi %mul3A_372, %add3A_373 : i32
        %slice3A_375 = vector.extract_strided_slice %get3A_45 {offsets = [7], sizes = [1], strides = [1]} : vector<16xf32> to vector<1xf32>
        %squeeze3A_376 = vector.extract %slice3A_375[0] : f32 from vector<1xf32>
        %broadcast_in_dim3A_377 = vector.broadcast %squeeze3A_376 : f32 to vector<16xf32>
        %get3A_378 = arith.index_cast %add3A_374 : i32 to index
        %get3A_379 = arith.constant 0 : index
        %get3A_380 = tpu.vector_load %arg10[%get3A_378, %get3A_379] {strides = array<i32>} : memref<128x64xf32, #tpu.memory_space<vmem>>, vector<1x16xf32>,
        %get3A_381 = vector.shape_cast %get3A_380 : vector<1x16xf32> to vector<16xf32>
        %mul3A_382 = arith.mulf %get3A_381, %broadcast_in_dim3A_377 : vector<16xf32>
        %swap3A_383 = arith.index_cast %add3A_374 : i32 to index
        %swap3A_384 = arith.constant 0 : index
        %swap3A_385 = tpu.vector_load %arg10[%swap3A_383, %swap3A_384] {strides = array<i32>} : memref<128x64xf32, #tpu.memory_space<vmem>>, vector<1x16xf32>,
        %swap3A_386 = vector.shape_cast %swap3A_385 : vector<1x16xf32> to vector<16xf32>
        %swap3A_387 = vector.shape_cast %mul3A_382 : vector<16xf32> to vector<1x16xf32>
        tpu.vector_store %arg10[%swap3A_383, %swap3A_384], %swap3A_387 {strides = array<i32>} : memref<128x64xf32, #tpu.memory_space<vmem>>, vector<1x16xf32>,
        %get3A_388 = arith.index_cast %add3A_374 : i32 to index
        %get3A_389 = arith.constant 16 : index
        %get3A_390 = tpu.vector_load %arg10[%get3A_388, %get3A_389] {strides = array<i32>} : memref<128x64xf32, #tpu.memory_space<vmem>>, vector<1x16xf32>,
        %get3A_391 = vector.shape_cast %get3A_390 : vector<1x16xf32> to vector<16xf32>
        %mul3A_392 = arith.mulf %get3A_391, %broadcast_in_dim3A_377 : vector<16xf32>
        %swap3A_393 = arith.index_cast %add3A_374 : i32 to index
        %swap3A_394 = arith.constant 16 : index
        %swap3A_395 = tpu.vector_load %arg10[%swap3A_393, %swap3A_394] {strides = array<i32>} : memref<128x64xf32, #tpu.memory_space<vmem>>, vector<1x16xf32>,
        %swap3A_396 = vector.shape_cast %swap3A_395 : vector<1x16xf32> to vector<16xf32>
        %swap3A_397 = vector.shape_cast %mul3A_392 : vector<16xf32> to vector<1x16xf32>
        tpu.vector_store %arg10[%swap3A_393, %swap3A_394], %swap3A_397 {strides = array<i32>} : memref<128x64xf32, #tpu.memory_space<vmem>>, vector<1x16xf32>,
        %get3A_398 = arith.index_cast %add3A_374 : i32 to index
        %get3A_399 = arith.constant 32 : index
        %get3A_400 = tpu.vector_load %arg10[%get3A_398, %get3A_399] {strides = array<i32>} : memref<128x64xf32, #tpu.memory_space<vmem>>, vector<1x16xf32>,
        %get3A_401 = vector.shape_cast %get3A_400 : vector<1x16xf32> to vector<16xf32>
        %mul3A_402 = arith.mulf %get3A_401, %broadcast_in_dim3A_377 : vector<16xf32>
        %swap3A_403 = arith.index_cast %add3A_374 : i32 to index
        %swap3A_404 = arith.constant 32 : index
        %swap3A_405 = tpu.vector_load %arg10[%swap3A_403, %swap3A_404] {strides = array<i32>} : memref<128x64xf32, #tpu.memory_space<vmem>>, vector<1x16xf32>,
        %swap3A_406 = vector.shape_cast %swap3A_405 : vector<1x16xf32> to vector<16xf32>
        %swap3A_407 = vector.shape_cast %mul3A_402 : vector<16xf32> to vector<1x16xf32>
        tpu.vector_store %arg10[%swap3A_403, %swap3A_404], %swap3A_407 {strides = array<i32>} : memref<128x64xf32, #tpu.memory_space<vmem>>, vector<1x16xf32>,
        %get3A_408 = arith.index_cast %add3A_374 : i32 to index
        %get3A_409 = arith.constant 48 : index
        %get3A_410 = tpu.vector_load %arg10[%get3A_408, %get3A_409] {strides = array<i32>} : memref<128x64xf32, #tpu.memory_space<vmem>>, vector<1x16xf32>,
        %get3A_411 = vector.shape_cast %get3A_410 : vector<1x16xf32> to vector<16xf32>
        %mul3A_412 = arith.mulf %get3A_411, %broadcast_in_dim3A_377 : vector<16xf32>
        %swap3A_413 = arith.index_cast %add3A_374 : i32 to index
        %swap3A_414 = arith.constant 48 : index
        %swap3A_415 = tpu.vector_load %arg10[%swap3A_413, %swap3A_414] {strides = array<i32>} : memref<128x64xf32, #tpu.memory_space<vmem>>, vector<1x16xf32>,
        %swap3A_416 = vector.shape_cast %swap3A_415 : vector<1x16xf32> to vector<16xf32>
        %swap3A_417 = vector.shape_cast %mul3A_412 : vector<16xf32> to vector<1x16xf32>
        tpu.vector_store %arg10[%swap3A_413, %swap3A_414], %swap3A_417 {strides = array<i32>} : memref<128x64xf32, #tpu.memory_space<vmem>>, vector<1x16xf32>,
        %mul3A_418 = arith.constant 16 : i32
        %mul3A_419 = arith.muli %scan3A_41, %mul3A_418 : i32
        %add3A_420 = arith.constant 8 : i32
        %add3A_421 = arith.addi %mul3A_419, %add3A_420 : i32
        %slice3A_422 = vector.extract_strided_slice %get3A_45 {offsets = [8], sizes = [1], strides = [1]} : vector<16xf32> to vector<1xf32>
        %squeeze3A_423 = vector.extract %slice3A_422[0] : f32 from vector<1xf32>
        %broadcast_in_dim3A_424 = vector.broadcast %squeeze3A_423 : f32 to vector<16xf32>
        %get3A_425 = arith.index_cast %add3A_421 : i32 to index
        %get3A_426 = arith.constant 0 : index
        %get3A_427 = tpu.vector_load %arg10[%get3A_425, %get3A_426] {strides = array<i32>} : memref<128x64xf32, #tpu.memory_space<vmem>>, vector<1x16xf32>,
        %get3A_428 = vector.shape_cast %get3A_427 : vector<1x16xf32> to vector<16xf32>
        %mul3A_429 = arith.mulf %get3A_428, %broadcast_in_dim3A_424 : vector<16xf32>
        %swap3A_430 = arith.index_cast %add3A_421 : i32 to index
        %swap3A_431 = arith.constant 0 : index
        %swap3A_432 = tpu.vector_load %arg10[%swap3A_430, %swap3A_431] {strides = array<i32>} : memref<128x64xf32, #tpu.memory_space<vmem>>, vector<1x16xf32>,
        %swap3A_433 = vector.shape_cast %swap3A_432 : vector<1x16xf32> to vector<16xf32>
        %swap3A_434 = vector.shape_cast %mul3A_429 : vector<16xf32> to vector<1x16xf32>
        tpu.vector_store %arg10[%swap3A_430, %swap3A_431], %swap3A_434 {strides = array<i32>} : memref<128x64xf32, #tpu.memory_space<vmem>>, vector<1x16xf32>,
        %get3A_435 = arith.index_cast %add3A_421 : i32 to index
        %get3A_436 = arith.constant 16 : index
        %get3A_437 = tpu.vector_load %arg10[%get3A_435, %get3A_436] {strides = array<i32>} : memref<128x64xf32, #tpu.memory_space<vmem>>, vector<1x16xf32>,
        %get3A_438 = vector.shape_cast %get3A_437 : vector<1x16xf32> to vector<16xf32>
        %mul3A_439 = arith.mulf %get3A_438, %broadcast_in_dim3A_424 : vector<16xf32>
        %swap3A_440 = arith.index_cast %add3A_421 : i32 to index
        %swap3A_441 = arith.constant 16 : index
        %swap3A_442 = tpu.vector_load %arg10[%swap3A_440, %swap3A_441] {strides = array<i32>} : memref<128x64xf32, #tpu.memory_space<vmem>>, vector<1x16xf32>,
        %swap3A_443 = vector.shape_cast %swap3A_442 : vector<1x16xf32> to vector<16xf32>
        %swap3A_444 = vector.shape_cast %mul3A_439 : vector<16xf32> to vector<1x16xf32>
        tpu.vector_store %arg10[%swap3A_440, %swap3A_441], %swap3A_444 {strides = array<i32>} : memref<128x64xf32, #tpu.memory_space<vmem>>, vector<1x16xf32>,
        %get3A_445 = arith.index_cast %add3A_421 : i32 to index
        %get3A_446 = arith.constant 32 : index
        %get3A_447 = tpu.vector_load %arg10[%get3A_445, %get3A_446] {strides = array<i32>} : memref<128x64xf32, #tpu.memory_space<vmem>>, vector<1x16xf32>,
        %get3A_448 = vector.shape_cast %get3A_447 : vector<1x16xf32> to vector<16xf32>
        %mul3A_449 = arith.mulf %get3A_448, %broadcast_in_dim3A_424 : vector<16xf32>
        %swap3A_450 = arith.index_cast %add3A_421 : i32 to index
        %swap3A_451 = arith.constant 32 : index
        %swap3A_452 = tpu.vector_load %arg10[%swap3A_450, %swap3A_451] {strides = array<i32>} : memref<128x64xf32, #tpu.memory_space<vmem>>, vector<1x16xf32>,
        %swap3A_453 = vector.shape_cast %swap3A_452 : vector<1x16xf32> to vector<16xf32>
        %swap3A_454 = vector.shape_cast %mul3A_449 : vector<16xf32> to vector<1x16xf32>
        tpu.vector_store %arg10[%swap3A_450, %swap3A_451], %swap3A_454 {strides = array<i32>} : memref<128x64xf32, #tpu.memory_space<vmem>>, vector<1x16xf32>,
        %get3A_455 = arith.index_cast %add3A_421 : i32 to index
        %get3A_456 = arith.constant 48 : index
        %get3A_457 = tpu.vector_load %arg10[%get3A_455, %get3A_456] {strides = array<i32>} : memref<128x64xf32, #tpu.memory_space<vmem>>, vector<1x16xf32>,
        %get3A_458 = vector.shape_cast %get3A_457 : vector<1x16xf32> to vector<16xf32>
        %mul3A_459 = arith.mulf %get3A_458, %broadcast_in_dim3A_424 : vector<16xf32>
        %swap3A_460 = arith.index_cast %add3A_421 : i32 to index
        %swap3A_461 = arith.constant 48 : index
        %swap3A_462 = tpu.vector_load %arg10[%swap3A_460, %swap3A_461] {strides = array<i32>} : memref<128x64xf32, #tpu.memory_space<vmem>>, vector<1x16xf32>,
        %swap3A_463 = vector.shape_cast %swap3A_462 : vector<1x16xf32> to vector<16xf32>
        %swap3A_464 = vector.shape_cast %mul3A_459 : vector<16xf32> to vector<1x16xf32>
        tpu.vector_store %arg10[%swap3A_460, %swap3A_461], %swap3A_464 {strides = array<i32>} : memref<128x64xf32, #tpu.memory_space<vmem>>, vector<1x16xf32>,
        %mul3A_465 = arith.constant 16 : i32
        %mul3A_466 = arith.muli %scan3A_41, %mul3A_465 : i32
        %add3A_467 = arith.constant 9 : i32
        %add3A_468 = arith.addi %mul3A_466, %add3A_467 : i32
        %slice3A_469 = vector.extract_strided_slice %get3A_45 {offsets = [9], sizes = [1], strides = [1]} : vector<16xf32> to vector<1xf32>
        %squeeze3A_470 = vector.extract %slice3A_469[0] : f32 from vector<1xf32>
        %broadcast_in_dim3A_471 = vector.broadcast %squeeze3A_470 : f32 to vector<16xf32>
        %get3A_472 = arith.index_cast %add3A_468 : i32 to index
        %get3A_473 = arith.constant 0 : index
        %get3A_474 = tpu.vector_load %arg10[%get3A_472, %get3A_473] {strides = array<i32>} : memref<128x64xf32, #tpu.memory_space<vmem>>, vector<1x16xf32>,
        %get3A_475 = vector.shape_cast %get3A_474 : vector<1x16xf32> to vector<16xf32>
        %mul3A_476 = arith.mulf %get3A_475, %broadcast_in_dim3A_471 : vector<16xf32>
        %swap3A_477 = arith.index_cast %add3A_468 : i32 to index
        %swap3A_478 = arith.constant 0 : index
        %swap3A_479 = tpu.vector_load %arg10[%swap3A_477, %swap3A_478] {strides = array<i32>} : memref<128x64xf32, #tpu.memory_space<vmem>>, vector<1x16xf32>,
        %swap3A_480 = vector.shape_cast %swap3A_479 : vector<1x16xf32> to vector<16xf32>
        %swap3A_481 = vector.shape_cast %mul3A_476 : vector<16xf32> to vector<1x16xf32>
        tpu.vector_store %arg10[%swap3A_477, %swap3A_478], %swap3A_481 {strides = array<i32>} : memref<128x64xf32, #tpu.memory_space<vmem>>, vector<1x16xf32>,
        %get3A_482 = arith.index_cast %add3A_468 : i32 to index
        %get3A_483 = arith.constant 16 : index
        %get3A_484 = tpu.vector_load %arg10[%get3A_482, %get3A_483] {strides = array<i32>} : memref<128x64xf32, #tpu.memory_space<vmem>>, vector<1x16xf32>,
        %get3A_485 = vector.shape_cast %get3A_484 : vector<1x16xf32> to vector<16xf32>
        %mul3A_486 = arith.mulf %get3A_485, %broadcast_in_dim3A_471 : vector<16xf32>
        %swap3A_487 = arith.index_cast %add3A_468 : i32 to index
        %swap3A_488 = arith.constant 16 : index
        %swap3A_489 = tpu.vector_load %arg10[%swap3A_487, %swap3A_488] {strides = array<i32>} : memref<128x64xf32, #tpu.memory_space<vmem>>, vector<1x16xf32>,
        %swap3A_490 = vector.shape_cast %swap3A_489 : vector<1x16xf32> to vector<16xf32>
        %swap3A_491 = vector.shape_cast %mul3A_486 : vector<16xf32> to vector<1x16xf32>
        tpu.vector_store %arg10[%swap3A_487, %swap3A_488], %swap3A_491 {strides = array<i32>} : memref<128x64xf32, #tpu.memory_space<vmem>>, vector<1x16xf32>,
        %get3A_492 = arith.index_cast %add3A_468 : i32 to index
        %get3A_493 = arith.constant 32 : index
        %get3A_494 = tpu.vector_load %arg10[%get3A_492, %get3A_493] {strides = array<i32>} : memref<128x64xf32, #tpu.memory_space<vmem>>, vector<1x16xf32>,
        %get3A_495 = vector.shape_cast %get3A_494 : vector<1x16xf32> to vector<16xf32>
        %mul3A_496 = arith.mulf %get3A_495, %broadcast_in_dim3A_471 : vector<16xf32>
        %swap3A_497 = arith.index_cast %add3A_468 : i32 to index
        %swap3A_498 = arith.constant 32 : index
        %swap3A_499 = tpu.vector_load %arg10[%swap3A_497, %swap3A_498] {strides = array<i32>} : memref<128x64xf32, #tpu.memory_space<vmem>>, vector<1x16xf32>,
        %swap3A_500 = vector.shape_cast %swap3A_499 : vector<1x16xf32> to vector<16xf32>
        %swap3A_501 = vector.shape_cast %mul3A_496 : vector<16xf32> to vector<1x16xf32>
        tpu.vector_store %arg10[%swap3A_497, %swap3A_498], %swap3A_501 {strides = array<i32>} : memref<128x64xf32, #tpu.memory_space<vmem>>, vector<1x16xf32>,
        %get3A_502 = arith.index_cast %add3A_468 : i32 to index
        %get3A_503 = arith.constant 48 : index
        %get3A_504 = tpu.vector_load %arg10[%get3A_502, %get3A_503] {strides = array<i32>} : memref<128x64xf32, #tpu.memory_space<vmem>>, vector<1x16xf32>,
        %get3A_505 = vector.shape_cast %get3A_504 : vector<1x16xf32> to vector<16xf32>
        %mul3A_506 = arith.mulf %get3A_505, %broadcast_in_dim3A_471 : vector<16xf32>
        %swap3A_507 = arith.index_cast %add3A_468 : i32 to index
        %swap3A_508 = arith.constant 48 : index
        %swap3A_509 = tpu.vector_load %arg10[%swap3A_507, %swap3A_508] {strides = array<i32>} : memref<128x64xf32, #tpu.memory_space<vmem>>, vector<1x16xf32>,
        %swap3A_510 = vector.shape_cast %swap3A_509 : vector<1x16xf32> to vector<16xf32>
        %swap3A_511 = vector.shape_cast %mul3A_506 : vector<16xf32> to vector<1x16xf32>
        tpu.vector_store %arg10[%swap3A_507, %swap3A_508], %swap3A_511 {strides = array<i32>} : memref<128x64xf32, #tpu.memory_space<vmem>>, vector<1x16xf32>,
        %mul3A_512 = arith.constant 16 : i32
        %mul3A_513 = arith.muli %scan3A_41, %mul3A_512 : i32
        %add3A_514 = arith.constant 10 : i32
        %add3A_515 = arith.addi %mul3A_513, %add3A_514 : i32
        %slice3A_516 = vector.extract_strided_slice %get3A_45 {offsets = [10], sizes = [1], strides = [1]} : vector<16xf32> to vector<1xf32>
        %squeeze3A_517 = vector.extract %slice3A_516[0] : f32 from vector<1xf32>
        %broadcast_in_dim3A_518 = vector.broadcast %squeeze3A_517 : f32 to vector<16xf32>
        %get3A_519 = arith.index_cast %add3A_515 : i32 to index
        %get3A_520 = arith.constant 0 : index
        %get3A_521 = tpu.vector_load %arg10[%get3A_519, %get3A_520] {strides = array<i32>} : memref<128x64xf32, #tpu.memory_space<vmem>>, vector<1x16xf32>,
        %get3A_522 = vector.shape_cast %get3A_521 : vector<1x16xf32> to vector<16xf32>
        %mul3A_523 = arith.mulf %get3A_522, %broadcast_in_dim3A_518 : vector<16xf32>
        %swap3A_524 = arith.index_cast %add3A_515 : i32 to index
        %swap3A_525 = arith.constant 0 : index
        %swap3A_526 = tpu.vector_load %arg10[%swap3A_524, %swap3A_525] {strides = array<i32>} : memref<128x64xf32, #tpu.memory_space<vmem>>, vector<1x16xf32>,
        %swap3A_527 = vector.shape_cast %swap3A_526 : vector<1x16xf32> to vector<16xf32>
        %swap3A_528 = vector.shape_cast %mul3A_523 : vector<16xf32> to vector<1x16xf32>
        tpu.vector_store %arg10[%swap3A_524, %swap3A_525], %swap3A_528 {strides = array<i32>} : memref<128x64xf32, #tpu.memory_space<vmem>>, vector<1x16xf32>,
        %get3A_529 = arith.index_cast %add3A_515 : i32 to index
        %get3A_530 = arith.constant 16 : index
        %get3A_531 = tpu.vector_load %arg10[%get3A_529, %get3A_530] {strides = array<i32>} : memref<128x64xf32, #tpu.memory_space<vmem>>, vector<1x16xf32>,
        %get3A_532 = vector.shape_cast %get3A_531 : vector<1x16xf32> to vector<16xf32>
        %mul3A_533 = arith.mulf %get3A_532, %broadcast_in_dim3A_518 : vector<16xf32>
        %swap3A_534 = arith.index_cast %add3A_515 : i32 to index
        %swap3A_535 = arith.constant 16 : index
        %swap3A_536 = tpu.vector_load %arg10[%swap3A_534, %swap3A_535] {strides = array<i32>} : memref<128x64xf32, #tpu.memory_space<vmem>>, vector<1x16xf32>,
        %swap3A_537 = vector.shape_cast %swap3A_536 : vector<1x16xf32> to vector<16xf32>
        %swap3A_538 = vector.shape_cast %mul3A_533 : vector<16xf32> to vector<1x16xf32>
        tpu.vector_store %arg10[%swap3A_534, %swap3A_535], %swap3A_538 {strides = array<i32>} : memref<128x64xf32, #tpu.memory_space<vmem>>, vector<1x16xf32>,
        %get3A_539 = arith.index_cast %add3A_515 : i32 to index
        %get3A_540 = arith.constant 32 : index
        %get3A_541 = tpu.vector_load %arg10[%get3A_539, %get3A_540] {strides = array<i32>} : memref<128x64xf32, #tpu.memory_space<vmem>>, vector<1x16xf32>,
        %get3A_542 = vector.shape_cast %get3A_541 : vector<1x16xf32> to vector<16xf32>
        %mul3A_543 = arith.mulf %get3A_542, %broadcast_in_dim3A_518 : vector<16xf32>
        %swap3A_544 = arith.index_cast %add3A_515 : i32 to index
        %swap3A_545 = arith.constant 32 : index
        %swap3A_546 = tpu.vector_load %arg10[%swap3A_544, %swap3A_545] {strides = array<i32>} : memref<128x64xf32, #tpu.memory_space<vmem>>, vector<1x16xf32>,
        %swap3A_547 = vector.shape_cast %swap3A_546 : vector<1x16xf32> to vector<16xf32>
        %swap3A_548 = vector.shape_cast %mul3A_543 : vector<16xf32> to vector<1x16xf32>
        tpu.vector_store %arg10[%swap3A_544, %swap3A_545], %swap3A_548 {strides = array<i32>} : memref<128x64xf32, #tpu.memory_space<vmem>>, vector<1x16xf32>,
        %get3A_549 = arith.index_cast %add3A_515 : i32 to index
        %get3A_550 = arith.constant 48 : index
        %get3A_551 = tpu.vector_load %arg10[%get3A_549, %get3A_550] {strides = array<i32>} : memref<128x64xf32, #tpu.memory_space<vmem>>, vector<1x16xf32>,
        %get3A_552 = vector.shape_cast %get3A_551 : vector<1x16xf32> to vector<16xf32>
        %mul3A_553 = arith.mulf %get3A_552, %broadcast_in_dim3A_518 : vector<16xf32>
        %swap3A_554 = arith.index_cast %add3A_515 : i32 to index
        %swap3A_555 = arith.constant 48 : index
        %swap3A_556 = tpu.vector_load %arg10[%swap3A_554, %swap3A_555] {strides = array<i32>} : memref<128x64xf32, #tpu.memory_space<vmem>>, vector<1x16xf32>,
        %swap3A_557 = vector.shape_cast %swap3A_556 : vector<1x16xf32> to vector<16xf32>
        %swap3A_558 = vector.shape_cast %mul3A_553 : vector<16xf32> to vector<1x16xf32>
        tpu.vector_store %arg10[%swap3A_554, %swap3A_555], %swap3A_558 {strides = array<i32>} : memref<128x64xf32, #tpu.memory_space<vmem>>, vector<1x16xf32>,
        %mul3A_559 = arith.constant 16 : i32
        %mul3A_560 = arith.muli %scan3A_41, %mul3A_559 : i32
        %add3A_561 = arith.constant 11 : i32
        %add3A_562 = arith.addi %mul3A_560, %add3A_561 : i32
        %slice3A_563 = vector.extract_strided_slice %get3A_45 {offsets = [11], sizes = [1], strides = [1]} : vector<16xf32> to vector<1xf32>
        %squeeze3A_564 = vector.extract %slice3A_563[0] : f32 from vector<1xf32>
        %broadcast_in_dim3A_565 = vector.broadcast %squeeze3A_564 : f32 to vector<16xf32>
        %get3A_566 = arith.index_cast %add3A_562 : i32 to index
        %get3A_567 = arith.constant 0 : index
        %get3A_568 = tpu.vector_load %arg10[%get3A_566, %get3A_567] {strides = array<i32>} : memref<128x64xf32, #tpu.memory_space<vmem>>, vector<1x16xf32>,
        %get3A_569 = vector.shape_cast %get3A_568 : vector<1x16xf32> to vector<16xf32>
        %mul3A_570 = arith.mulf %get3A_569, %broadcast_in_dim3A_565 : vector<16xf32>
        %swap3A_571 = arith.index_cast %add3A_562 : i32 to index
        %swap3A_572 = arith.constant 0 : index
        %swap3A_573 = tpu.vector_load %arg10[%swap3A_571, %swap3A_572] {strides = array<i32>} : memref<128x64xf32, #tpu.memory_space<vmem>>, vector<1x16xf32>,
        %swap3A_574 = vector.shape_cast %swap3A_573 : vector<1x16xf32> to vector<16xf32>
        %swap3A_575 = vector.shape_cast %mul3A_570 : vector<16xf32> to vector<1x16xf32>
        tpu.vector_store %arg10[%swap3A_571, %swap3A_572], %swap3A_575 {strides = array<i32>} : memref<128x64xf32, #tpu.memory_space<vmem>>, vector<1x16xf32>,
        %get3A_576 = arith.index_cast %add3A_562 : i32 to index
        %get3A_577 = arith.constant 16 : index
        %get3A_578 = tpu.vector_load %arg10[%get3A_576, %get3A_577] {strides = array<i32>} : memref<128x64xf32, #tpu.memory_space<vmem>>, vector<1x16xf32>,
        %get3A_579 = vector.shape_cast %get3A_578 : vector<1x16xf32> to vector<16xf32>
        %mul3A_580 = arith.mulf %get3A_579, %broadcast_in_dim3A_565 : vector<16xf32>
        %swap3A_581 = arith.index_cast %add3A_562 : i32 to index
        %swap3A_582 = arith.constant 16 : index
        %swap3A_583 = tpu.vector_load %arg10[%swap3A_581, %swap3A_582] {strides = array<i32>} : memref<128x64xf32, #tpu.memory_space<vmem>>, vector<1x16xf32>,
        %swap3A_584 = vector.shape_cast %swap3A_583 : vector<1x16xf32> to vector<16xf32>
        %swap3A_585 = vector.shape_cast %mul3A_580 : vector<16xf32> to vector<1x16xf32>
        tpu.vector_store %arg10[%swap3A_581, %swap3A_582], %swap3A_585 {strides = array<i32>} : memref<128x64xf32, #tpu.memory_space<vmem>>, vector<1x16xf32>,
        %get3A_586 = arith.index_cast %add3A_562 : i32 to index
        %get3A_587 = arith.constant 32 : index
        %get3A_588 = tpu.vector_load %arg10[%get3A_586, %get3A_587] {strides = array<i32>} : memref<128x64xf32, #tpu.memory_space<vmem>>, vector<1x16xf32>,
        %get3A_589 = vector.shape_cast %get3A_588 : vector<1x16xf32> to vector<16xf32>
        %mul3A_590 = arith.mulf %get3A_589, %broadcast_in_dim3A_565 : vector<16xf32>
        %swap3A_591 = arith.index_cast %add3A_562 : i32 to index
        %swap3A_592 = arith.constant 32 : index
        %swap3A_593 = tpu.vector_load %arg10[%swap3A_591, %swap3A_592] {strides = array<i32>} : memref<128x64xf32, #tpu.memory_space<vmem>>, vector<1x16xf32>,
        %swap3A_594 = vector.shape_cast %swap3A_593 : vector<1x16xf32> to vector<16xf32>
        %swap3A_595 = vector.shape_cast %mul3A_590 : vector<16xf32> to vector<1x16xf32>
        tpu.vector_store %arg10[%swap3A_591, %swap3A_592], %swap3A_595 {strides = array<i32>} : memref<128x64xf32, #tpu.memory_space<vmem>>, vector<1x16xf32>,
        %get3A_596 = arith.index_cast %add3A_562 : i32 to index
        %get3A_597 = arith.constant 48 : index
        %get3A_598 = tpu.vector_load %arg10[%get3A_596, %get3A_597] {strides = array<i32>} : memref<128x64xf32, #tpu.memory_space<vmem>>, vector<1x16xf32>,
        %get3A_599 = vector.shape_cast %get3A_598 : vector<1x16xf32> to vector<16xf32>
        %mul3A_600 = arith.mulf %get3A_599, %broadcast_in_dim3A_565 : vector<16xf32>
        %swap3A_601 = arith.index_cast %add3A_562 : i32 to index
        %swap3A_602 = arith.constant 48 : index
        %swap3A_603 = tpu.vector_load %arg10[%swap3A_601, %swap3A_602] {strides = array<i32>} : memref<128x64xf32, #tpu.memory_space<vmem>>, vector<1x16xf32>,
        %swap3A_604 = vector.shape_cast %swap3A_603 : vector<1x16xf32> to vector<16xf32>
        %swap3A_605 = vector.shape_cast %mul3A_600 : vector<16xf32> to vector<1x16xf32>
        tpu.vector_store %arg10[%swap3A_601, %swap3A_602], %swap3A_605 {strides = array<i32>} : memref<128x64xf32, #tpu.memory_space<vmem>>, vector<1x16xf32>,
        %mul3A_606 = arith.constant 16 : i32
        %mul3A_607 = arith.muli %scan3A_41, %mul3A_606 : i32
        %add3A_608 = arith.constant 12 : i32
        %add3A_609 = arith.addi %mul3A_607, %add3A_608 : i32
        %slice3A_610 = vector.extract_strided_slice %get3A_45 {offsets = [12], sizes = [1], strides = [1]} : vector<16xf32> to vector<1xf32>
        %squeeze3A_611 = vector.extract %slice3A_610[0] : f32 from vector<1xf32>
        %broadcast_in_dim3A_612 = vector.broadcast %squeeze3A_611 : f32 to vector<16xf32>
        %get3A_613 = arith.index_cast %add3A_609 : i32 to index
        %get3A_614 = arith.constant 0 : index
        %get3A_615 = tpu.vector_load %arg10[%get3A_613, %get3A_614] {strides = array<i32>} : memref<128x64xf32, #tpu.memory_space<vmem>>, vector<1x16xf32>,
        %get3A_616 = vector.shape_cast %get3A_615 : vector<1x16xf32> to vector<16xf32>
        %mul3A_617 = arith.mulf %get3A_616, %broadcast_in_dim3A_612 : vector<16xf32>
        %swap3A_618 = arith.index_cast %add3A_609 : i32 to index
        %swap3A_619 = arith.constant 0 : index
        %swap3A_620 = tpu.vector_load %arg10[%swap3A_618, %swap3A_619] {strides = array<i32>} : memref<128x64xf32, #tpu.memory_space<vmem>>, vector<1x16xf32>,
        %swap3A_621 = vector.shape_cast %swap3A_620 : vector<1x16xf32> to vector<16xf32>
        %swap3A_622 = vector.shape_cast %mul3A_617 : vector<16xf32> to vector<1x16xf32>
        tpu.vector_store %arg10[%swap3A_618, %swap3A_619], %swap3A_622 {strides = array<i32>} : memref<128x64xf32, #tpu.memory_space<vmem>>, vector<1x16xf32>,
        %get3A_623 = arith.index_cast %add3A_609 : i32 to index
        %get3A_624 = arith.constant 16 : index
        %get3A_625 = tpu.vector_load %arg10[%get3A_623, %get3A_624] {strides = array<i32>} : memref<128x64xf32, #tpu.memory_space<vmem>>, vector<1x16xf32>,
        %get3A_626 = vector.shape_cast %get3A_625 : vector<1x16xf32> to vector<16xf32>
        %mul3A_627 = arith.mulf %get3A_626, %broadcast_in_dim3A_612 : vector<16xf32>
        %swap3A_628 = arith.index_cast %add3A_609 : i32 to index
        %swap3A_629 = arith.constant 16 : index
        %swap3A_630 = tpu.vector_load %arg10[%swap3A_628, %swap3A_629] {strides = array<i32>} : memref<128x64xf32, #tpu.memory_space<vmem>>, vector<1x16xf32>,
        %swap3A_631 = vector.shape_cast %swap3A_630 : vector<1x16xf32> to vector<16xf32>
        %swap3A_632 = vector.shape_cast %mul3A_627 : vector<16xf32> to vector<1x16xf32>
        tpu.vector_store %arg10[%swap3A_628, %swap3A_629], %swap3A_632 {strides = array<i32>} : memref<128x64xf32, #tpu.memory_space<vmem>>, vector<1x16xf32>,
        %get3A_633 = arith.index_cast %add3A_609 : i32 to index
        %get3A_634 = arith.constant 32 : index
        %get3A_635 = tpu.vector_load %arg10[%get3A_633, %get3A_634] {strides = array<i32>} : memref<128x64xf32, #tpu.memory_space<vmem>>, vector<1x16xf32>,
        %get3A_636 = vector.shape_cast %get3A_635 : vector<1x16xf32> to vector<16xf32>
        %mul3A_637 = arith.mulf %get3A_636, %broadcast_in_dim3A_612 : vector<16xf32>
        %swap3A_638 = arith.index_cast %add3A_609 : i32 to index
        %swap3A_639 = arith.constant 32 : index
        %swap3A_640 = tpu.vector_load %arg10[%swap3A_638, %swap3A_639] {strides = array<i32>} : memref<128x64xf32, #tpu.memory_space<vmem>>, vector<1x16xf32>,
        %swap3A_641 = vector.shape_cast %swap3A_640 : vector<1x16xf32> to vector<16xf32>
        %swap3A_642 = vector.shape_cast %mul3A_637 : vector<16xf32> to vector<1x16xf32>
        tpu.vector_store %arg10[%swap3A_638, %swap3A_639], %swap3A_642 {strides = array<i32>} : memref<128x64xf32, #tpu.memory_space<vmem>>, vector<1x16xf32>,
        %get3A_643 = arith.index_cast %add3A_609 : i32 to index
        %get3A_644 = arith.constant 48 : index
        %get3A_645 = tpu.vector_load %arg10[%get3A_643, %get3A_644] {strides = array<i32>} : memref<128x64xf32, #tpu.memory_space<vmem>>, vector<1x16xf32>,
        %get3A_646 = vector.shape_cast %get3A_645 : vector<1x16xf32> to vector<16xf32>
        %mul3A_647 = arith.mulf %get3A_646, %broadcast_in_dim3A_612 : vector<16xf32>
        %swap3A_648 = arith.index_cast %add3A_609 : i32 to index
        %swap3A_649 = arith.constant 48 : index
        %swap3A_650 = tpu.vector_load %arg10[%swap3A_648, %swap3A_649] {strides = array<i32>} : memref<128x64xf32, #tpu.memory_space<vmem>>, vector<1x16xf32>,
        %swap3A_651 = vector.shape_cast %swap3A_650 : vector<1x16xf32> to vector<16xf32>
        %swap3A_652 = vector.shape_cast %mul3A_647 : vector<16xf32> to vector<1x16xf32>
        tpu.vector_store %arg10[%swap3A_648, %swap3A_649], %swap3A_652 {strides = array<i32>} : memref<128x64xf32, #tpu.memory_space<vmem>>, vector<1x16xf32>,
        %mul3A_653 = arith.constant 16 : i32
        %mul3A_654 = arith.muli %scan3A_41, %mul3A_653 : i32
        %add3A_655 = arith.constant 13 : i32
        %add3A_656 = arith.addi %mul3A_654, %add3A_655 : i32
        %slice3A_657 = vector.extract_strided_slice %get3A_45 {offsets = [13], sizes = [1], strides = [1]} : vector<16xf32> to vector<1xf32>
        %squeeze3A_658 = vector.extract %slice3A_657[0] : f32 from vector<1xf32>
        %broadcast_in_dim3A_659 = vector.broadcast %squeeze3A_658 : f32 to vector<16xf32>
        %get3A_660 = arith.index_cast %add3A_656 : i32 to index
        %get3A_661 = arith.constant 0 : index
        %get3A_662 = tpu.vector_load %arg10[%get3A_660, %get3A_661] {strides = array<i32>} : memref<128x64xf32, #tpu.memory_space<vmem>>, vector<1x16xf32>,
        %get3A_663 = vector.shape_cast %get3A_662 : vector<1x16xf32> to vector<16xf32>
        %mul3A_664 = arith.mulf %get3A_663, %broadcast_in_dim3A_659 : vector<16xf32>
        %swap3A_665 = arith.index_cast %add3A_656 : i32 to index
        %swap3A_666 = arith.constant 0 : index
        %swap3A_667 = tpu.vector_load %arg10[%swap3A_665, %swap3A_666] {strides = array<i32>} : memref<128x64xf32, #tpu.memory_space<vmem>>, vector<1x16xf32>,
        %swap3A_668 = vector.shape_cast %swap3A_667 : vector<1x16xf32> to vector<16xf32>
        %swap3A_669 = vector.shape_cast %mul3A_664 : vector<16xf32> to vector<1x16xf32>
        tpu.vector_store %arg10[%swap3A_665, %swap3A_666], %swap3A_669 {strides = array<i32>} : memref<128x64xf32, #tpu.memory_space<vmem>>, vector<1x16xf32>,
        %get3A_670 = arith.index_cast %add3A_656 : i32 to index
        %get3A_671 = arith.constant 16 : index
        %get3A_672 = tpu.vector_load %arg10[%get3A_670, %get3A_671] {strides = array<i32>} : memref<128x64xf32, #tpu.memory_space<vmem>>, vector<1x16xf32>,
        %get3A_673 = vector.shape_cast %get3A_672 : vector<1x16xf32> to vector<16xf32>
        %mul3A_674 = arith.mulf %get3A_673, %broadcast_in_dim3A_659 : vector<16xf32>
        %swap3A_675 = arith.index_cast %add3A_656 : i32 to index
        %swap3A_676 = arith.constant 16 : index
        %swap3A_677 = tpu.vector_load %arg10[%swap3A_675, %swap3A_676] {strides = array<i32>} : memref<128x64xf32, #tpu.memory_space<vmem>>, vector<1x16xf32>,
        %swap3A_678 = vector.shape_cast %swap3A_677 : vector<1x16xf32> to vector<16xf32>
        %swap3A_679 = vector.shape_cast %mul3A_674 : vector<16xf32> to vector<1x16xf32>
        tpu.vector_store %arg10[%swap3A_675, %swap3A_676], %swap3A_679 {strides = array<i32>} : memref<128x64xf32, #tpu.memory_space<vmem>>, vector<1x16xf32>,
        %get3A_680 = arith.index_cast %add3A_656 : i32 to index
        %get3A_681 = arith.constant 32 : index
        %get3A_682 = tpu.vector_load %arg10[%get3A_680, %get3A_681] {strides = array<i32>} : memref<128x64xf32, #tpu.memory_space<vmem>>, vector<1x16xf32>,
        %get3A_683 = vector.shape_cast %get3A_682 : vector<1x16xf32> to vector<16xf32>
        %mul3A_684 = arith.mulf %get3A_683, %broadcast_in_dim3A_659 : vector<16xf32>
        %swap3A_685 = arith.index_cast %add3A_656 : i32 to index
        %swap3A_686 = arith.constant 32 : index
        %swap3A_687 = tpu.vector_load %arg10[%swap3A_685, %swap3A_686] {strides = array<i32>} : memref<128x64xf32, #tpu.memory_space<vmem>>, vector<1x16xf32>,
        %swap3A_688 = vector.shape_cast %swap3A_687 : vector<1x16xf32> to vector<16xf32>
        %swap3A_689 = vector.shape_cast %mul3A_684 : vector<16xf32> to vector<1x16xf32>
        tpu.vector_store %arg10[%swap3A_685, %swap3A_686], %swap3A_689 {strides = array<i32>} : memref<128x64xf32, #tpu.memory_space<vmem>>, vector<1x16xf32>,
        %get3A_690 = arith.index_cast %add3A_656 : i32 to index
        %get3A_691 = arith.constant 48 : index
        %get3A_692 = tpu.vector_load %arg10[%get3A_690, %get3A_691] {strides = array<i32>} : memref<128x64xf32, #tpu.memory_space<vmem>>, vector<1x16xf32>,
        %get3A_693 = vector.shape_cast %get3A_692 : vector<1x16xf32> to vector<16xf32>
        %mul3A_694 = arith.mulf %get3A_693, %broadcast_in_dim3A_659 : vector<16xf32>
        %swap3A_695 = arith.index_cast %add3A_656 : i32 to index
        %swap3A_696 = arith.constant 48 : index
        %swap3A_697 = tpu.vector_load %arg10[%swap3A_695, %swap3A_696] {strides = array<i32>} : memref<128x64xf32, #tpu.memory_space<vmem>>, vector<1x16xf32>,
        %swap3A_698 = vector.shape_cast %swap3A_697 : vector<1x16xf32> to vector<16xf32>
        %swap3A_699 = vector.shape_cast %mul3A_694 : vector<16xf32> to vector<1x16xf32>
        tpu.vector_store %arg10[%swap3A_695, %swap3A_696], %swap3A_699 {strides = array<i32>} : memref<128x64xf32, #tpu.memory_space<vmem>>, vector<1x16xf32>,
        %mul3A_700 = arith.constant 16 : i32
        %mul3A_701 = arith.muli %scan3A_41, %mul3A_700 : i32
        %add3A_702 = arith.constant 14 : i32
        %add3A_703 = arith.addi %mul3A_701, %add3A_702 : i32
        %slice3A_704 = vector.extract_strided_slice %get3A_45 {offsets = [14], sizes = [1], strides = [1]} : vector<16xf32> to vector<1xf32>
        %squeeze3A_705 = vector.extract %slice3A_704[0] : f32 from vector<1xf32>
        %broadcast_in_dim3A_706 = vector.broadcast %squeeze3A_705 : f32 to vector<16xf32>
        %get3A_707 = arith.index_cast %add3A_703 : i32 to index
        %get3A_708 = arith.constant 0 : index
        %get3A_709 = tpu.vector_load %arg10[%get3A_707, %get3A_708] {strides = array<i32>} : memref<128x64xf32, #tpu.memory_space<vmem>>, vector<1x16xf32>,
        %get3A_710 = vector.shape_cast %get3A_709 : vector<1x16xf32> to vector<16xf32>
        %mul3A_711 = arith.mulf %get3A_710, %broadcast_in_dim3A_706 : vector<16xf32>
        %swap3A_712 = arith.index_cast %add3A_703 : i32 to index
        %swap3A_713 = arith.constant 0 : index
        %swap3A_714 = tpu.vector_load %arg10[%swap3A_712, %swap3A_713] {strides = array<i32>} : memref<128x64xf32, #tpu.memory_space<vmem>>, vector<1x16xf32>,
        %swap3A_715 = vector.shape_cast %swap3A_714 : vector<1x16xf32> to vector<16xf32>
        %swap3A_716 = vector.shape_cast %mul3A_711 : vector<16xf32> to vector<1x16xf32>
        tpu.vector_store %arg10[%swap3A_712, %swap3A_713], %swap3A_716 {strides = array<i32>} : memref<128x64xf32, #tpu.memory_space<vmem>>, vector<1x16xf32>,
        %get3A_717 = arith.index_cast %add3A_703 : i32 to index
        %get3A_718 = arith.constant 16 : index
        %get3A_719 = tpu.vector_load %arg10[%get3A_717, %get3A_718] {strides = array<i32>} : memref<128x64xf32, #tpu.memory_space<vmem>>, vector<1x16xf32>,
        %get3A_720 = vector.shape_cast %get3A_719 : vector<1x16xf32> to vector<16xf32>
        %mul3A_721 = arith.mulf %get3A_720, %broadcast_in_dim3A_706 : vector<16xf32>
        %swap3A_722 = arith.index_cast %add3A_703 : i32 to index
        %swap3A_723 = arith.constant 16 : index
        %swap3A_724 = tpu.vector_load %arg10[%swap3A_722, %swap3A_723] {strides = array<i32>} : memref<128x64xf32, #tpu.memory_space<vmem>>, vector<1x16xf32>,
        %swap3A_725 = vector.shape_cast %swap3A_724 : vector<1x16xf32> to vector<16xf32>
        %swap3A_726 = vector.shape_cast %mul3A_721 : vector<16xf32> to vector<1x16xf32>
        tpu.vector_store %arg10[%swap3A_722, %swap3A_723], %swap3A_726 {strides = array<i32>} : memref<128x64xf32, #tpu.memory_space<vmem>>, vector<1x16xf32>,
        %get3A_727 = arith.index_cast %add3A_703 : i32 to index
        %get3A_728 = arith.constant 32 : index
        %get3A_729 = tpu.vector_load %arg10[%get3A_727, %get3A_728] {strides = array<i32>} : memref<128x64xf32, #tpu.memory_space<vmem>>, vector<1x16xf32>,
        %get3A_730 = vector.shape_cast %get3A_729 : vector<1x16xf32> to vector<16xf32>
        %mul3A_731 = arith.mulf %get3A_730, %broadcast_in_dim3A_706 : vector<16xf32>
        %swap3A_732 = arith.index_cast %add3A_703 : i32 to index
        %swap3A_733 = arith.constant 32 : index
        %swap3A_734 = tpu.vector_load %arg10[%swap3A_732, %swap3A_733] {strides = array<i32>} : memref<128x64xf32, #tpu.memory_space<vmem>>, vector<1x16xf32>,
        %swap3A_735 = vector.shape_cast %swap3A_734 : vector<1x16xf32> to vector<16xf32>
        %swap3A_736 = vector.shape_cast %mul3A_731 : vector<16xf32> to vector<1x16xf32>
        tpu.vector_store %arg10[%swap3A_732, %swap3A_733], %swap3A_736 {strides = array<i32>} : memref<128x64xf32, #tpu.memory_space<vmem>>, vector<1x16xf32>,
        %get3A_737 = arith.index_cast %add3A_703 : i32 to index
        %get3A_738 = arith.constant 48 : index
        %get3A_739 = tpu.vector_load %arg10[%get3A_737, %get3A_738] {strides = array<i32>} : memref<128x64xf32, #tpu.memory_space<vmem>>, vector<1x16xf32>,
        %get3A_740 = vector.shape_cast %get3A_739 : vector<1x16xf32> to vector<16xf32>
        %mul3A_741 = arith.mulf %get3A_740, %broadcast_in_dim3A_706 : vector<16xf32>
        %swap3A_742 = arith.index_cast %add3A_703 : i32 to index
        %swap3A_743 = arith.constant 48 : index
        %swap3A_744 = tpu.vector_load %arg10[%swap3A_742, %swap3A_743] {strides = array<i32>} : memref<128x64xf32, #tpu.memory_space<vmem>>, vector<1x16xf32>,
        %swap3A_745 = vector.shape_cast %swap3A_744 : vector<1x16xf32> to vector<16xf32>
        %swap3A_746 = vector.shape_cast %mul3A_741 : vector<16xf32> to vector<1x16xf32>
        tpu.vector_store %arg10[%swap3A_742, %swap3A_743], %swap3A_746 {strides = array<i32>} : memref<128x64xf32, #tpu.memory_space<vmem>>, vector<1x16xf32>,
        %mul3A_747 = arith.constant 16 : i32
        %mul3A_748 = arith.muli %scan3A_41, %mul3A_747 : i32
        %add3A_749 = arith.constant 15 : i32
        %add3A_750 = arith.addi %mul3A_748, %add3A_749 : i32
        %slice3A_751 = vector.extract_strided_slice %get3A_45 {offsets = [15], sizes = [1], strides = [1]} : vector<16xf32> to vector<1xf32>
        %squeeze3A_752 = vector.extract %slice3A_751[0] : f32 from vector<1xf32>
        %broadcast_in_dim3A_753 = vector.broadcast %squeeze3A_752 : f32 to vector<16xf32>
        %get3A_754 = arith.index_cast %add3A_750 : i32 to index
        %get3A_755 = arith.constant 0 : index
        %get3A_756 = tpu.vector_load %arg10[%get3A_754, %get3A_755] {strides = array<i32>} : memref<128x64xf32, #tpu.memory_space<vmem>>, vector<1x16xf32>,
        %get3A_757 = vector.shape_cast %get3A_756 : vector<1x16xf32> to vector<16xf32>
        %mul3A_758 = arith.mulf %get3A_757, %broadcast_in_dim3A_753 : vector<16xf32>
        %swap3A_759 = arith.index_cast %add3A_750 : i32 to index
        %swap3A_760 = arith.constant 0 : index
        %swap3A_761 = tpu.vector_load %arg10[%swap3A_759, %swap3A_760] {strides = array<i32>} : memref<128x64xf32, #tpu.memory_space<vmem>>, vector<1x16xf32>,
        %swap3A_762 = vector.shape_cast %swap3A_761 : vector<1x16xf32> to vector<16xf32>
        %swap3A_763 = vector.shape_cast %mul3A_758 : vector<16xf32> to vector<1x16xf32>
        tpu.vector_store %arg10[%swap3A_759, %swap3A_760], %swap3A_763 {strides = array<i32>} : memref<128x64xf32, #tpu.memory_space<vmem>>, vector<1x16xf32>,
        %get3A_764 = arith.index_cast %add3A_750 : i32 to index
        %get3A_765 = arith.constant 16 : index
        %get3A_766 = tpu.vector_load %arg10[%get3A_764, %get3A_765] {strides = array<i32>} : memref<128x64xf32, #tpu.memory_space<vmem>>, vector<1x16xf32>,
        %get3A_767 = vector.shape_cast %get3A_766 : vector<1x16xf32> to vector<16xf32>
        %mul3A_768 = arith.mulf %get3A_767, %broadcast_in_dim3A_753 : vector<16xf32>
        %swap3A_769 = arith.index_cast %add3A_750 : i32 to index
        %swap3A_770 = arith.constant 16 : index
        %swap3A_771 = tpu.vector_load %arg10[%swap3A_769, %swap3A_770] {strides = array<i32>} : memref<128x64xf32, #tpu.memory_space<vmem>>, vector<1x16xf32>,
        %swap3A_772 = vector.shape_cast %swap3A_771 : vector<1x16xf32> to vector<16xf32>
        %swap3A_773 = vector.shape_cast %mul3A_768 : vector<16xf32> to vector<1x16xf32>
        tpu.vector_store %arg10[%swap3A_769, %swap3A_770], %swap3A_773 {strides = array<i32>} : memref<128x64xf32, #tpu.memory_space<vmem>>, vector<1x16xf32>,
        %get3A_774 = arith.index_cast %add3A_750 : i32 to index
        %get3A_775 = arith.constant 32 : index
        %get3A_776 = tpu.vector_load %arg10[%get3A_774, %get3A_775] {strides = array<i32>} : memref<128x64xf32, #tpu.memory_space<vmem>>, vector<1x16xf32>,
        %get3A_777 = vector.shape_cast %get3A_776 : vector<1x16xf32> to vector<16xf32>
        %mul3A_778 = arith.mulf %get3A_777, %broadcast_in_dim3A_753 : vector<16xf32>
        %swap3A_779 = arith.index_cast %add3A_750 : i32 to index
        %swap3A_780 = arith.constant 32 : index
        %swap3A_781 = tpu.vector_load %arg10[%swap3A_779, %swap3A_780] {strides = array<i32>} : memref<128x64xf32, #tpu.memory_space<vmem>>, vector<1x16xf32>,
        %swap3A_782 = vector.shape_cast %swap3A_781 : vector<1x16xf32> to vector<16xf32>
        %swap3A_783 = vector.shape_cast %mul3A_778 : vector<16xf32> to vector<1x16xf32>
        tpu.vector_store %arg10[%swap3A_779, %swap3A_780], %swap3A_783 {strides = array<i32>} : memref<128x64xf32, #tpu.memory_space<vmem>>, vector<1x16xf32>,
        %get3A_784 = arith.index_cast %add3A_750 : i32 to index
        %get3A_785 = arith.constant 48 : index
        %get3A_786 = tpu.vector_load %arg10[%get3A_784, %get3A_785] {strides = array<i32>} : memref<128x64xf32, #tpu.memory_space<vmem>>, vector<1x16xf32>,
        %get3A_787 = vector.shape_cast %get3A_786 : vector<1x16xf32> to vector<16xf32>
        %mul3A_788 = arith.mulf %get3A_787, %broadcast_in_dim3A_753 : vector<16xf32>
        %swap3A_789 = arith.index_cast %add3A_750 : i32 to index
        %swap3A_790 = arith.constant 48 : index
        %swap3A_791 = tpu.vector_load %arg10[%swap3A_789, %swap3A_790] {strides = array<i32>} : memref<128x64xf32, #tpu.memory_space<vmem>>, vector<1x16xf32>,
        %swap3A_792 = vector.shape_cast %swap3A_791 : vector<1x16xf32> to vector<16xf32>
        %swap3A_793 = vector.shape_cast %mul3A_788 : vector<16xf32> to vector<1x16xf32>
        tpu.vector_store %arg10[%swap3A_789, %swap3A_790], %swap3A_793 {strides = array<i32>} : memref<128x64xf32, #tpu.memory_space<vmem>>, vector<1x16xf32>,
      }
      %scan3A_40 = arith.constant 8 : i32
      "tpu.region"() ({
        %run_scoped3A = tpu.sem_alloc : memref<!tpu.dma_semaphore, #tpu.memory_space<semaphore_mem>>
        %dma_start3A_41 = arith.constant 0 : i32
        %dma_start3A_42 = arith.constant 0 : i32
        %dma_start3A_43 = tpu.memref_slice %arg11[%dma_start3A_41, %dma_start3A_42] : memref<10240x64xf32, #tpu.memory_space<vmem_shared>> -> memref<10240x64xf32, #tpu.memory_space<vmem_shared>>
        tpu.enqueue_indirect_dma source(%arg10 : memref<128x64xf32, #tpu.memory_space<vmem>>) target(%dma_start3A_43 : memref<10240x64xf32, #tpu.memory_space<vmem_shared>>) offsets(%arg8 : memref<128xi32, #tpu.memory_space<vmem>>) semaphore(%run_scoped3A : memref<!tpu.dma_semaphore, #tpu.memory_space<semaphore_mem>>) {add = true}
        %dma_wait3A_44 = arith.constant 0 : i32
        %dma_wait3A_45 = arith.constant 0 : i32
        %dma_wait3A_46 = tpu.memref_slice %arg11[%dma_wait3A_44, %dma_wait3A_45] : memref<10240x64xf32, #tpu.memory_space<vmem_shared>> -> memref<10240x64xf32, #tpu.memory_space<vmem_shared>>
        tpu.wait_indirect_dma semaphore(%run_scoped3A : memref<!tpu.dma_semaphore, #tpu.memory_space<semaphore_mem>>) src(%arg10 : memref<128x64xf32, #tpu.memory_space<vmem>>) dst(%dma_wait3A_46 : memref<10240x64xf32, #tpu.memory_space<vmem_shared>>)
        tpu.yield
      }) : () -> ()
    }
    %scan3A_25 = arith.constant 80 : i32
    %barrier3A_26 = arith.constant 0 : index
    tpu.barrier barrier_id(%barrier3A_26)
    "tpu.region"() ({
      %run_scoped3A = tpu.sem_alloc : memref<!tpu.dma_semaphore, #tpu.memory_space<semaphore_mem>>
      %dma_start3A = arith.constant 0 : i32
      %dma_start3A_27 = tpu.memref_slice %arg6[%arg0, %mul3A_7, %dma_start3A] : memref<2x10240x64xf32, #tpu.memory_space<hbm>> -> memref<1x640x64xf32, #tpu.memory_space<hbm>>
      %dma_start3A_28 = tpu.memref_squeeze %dma_start3A_27 : memref<1x640x64xf32, #tpu.memory_space<hbm>> -> memref<640x64xf32, #tpu.memory_space<hbm>>
      %dma_start3A_29 = arith.constant 0 : i32
      %dma_start3A_30 = tpu.memref_slice %arg11[%mul3A_7, %dma_start3A_29] : memref<10240x64xf32, #tpu.memory_space<vmem_shared>> -> memref<640x64xf32, #tpu.memory_space<vmem_shared>>
      tpu.enqueue_dma source(%dma_start3A_30 : memref<640x64xf32, #tpu.memory_space<vmem_shared>>) target(%dma_start3A_28 : memref<640x64xf32, #tpu.memory_space<hbm>>) target_semaphore(%run_scoped3A : memref<!tpu.dma_semaphore, #tpu.memory_space<semaphore_mem>>)
      %dma_wait3A = arith.constant 0 : i32
      %dma_wait3A_31 = tpu.memref_slice %arg6[%arg0, %mul3A_7, %dma_wait3A] : memref<2x10240x64xf32, #tpu.memory_space<hbm>> -> memref<1x640x64xf32, #tpu.memory_space<hbm>>
      %dma_wait3A_32 = tpu.memref_squeeze %dma_wait3A_31 : memref<1x640x64xf32, #tpu.memory_space<hbm>> -> memref<640x64xf32, #tpu.memory_space<hbm>>
      %dma_wait3A_33 = arith.constant 0 : i32
      %dma_wait3A_34 = tpu.memref_slice %arg11[%mul3A_7, %dma_wait3A_33] : memref<10240x64xf32, #tpu.memory_space<vmem_shared>> -> memref<640x64xf32, #tpu.memory_space<vmem_shared>>
      tpu.wait_dma2 semaphore(%run_scoped3A : memref<!tpu.dma_semaphore, #tpu.memory_space<semaphore_mem>>) src(%dma_wait3A_34 : memref<640x64xf32, #tpu.memory_space<vmem_shared>>) dst(%dma_wait3A_32 : memref<640x64xf32, #tpu.memory_space<hbm>>)
      tpu.yield
    }) : () -> ()
    return
  }
}

#map = affine_map<(d0, d1) -> (0, 0)>
#map1 = affine_map<(d0, d1) -> (0)>
#map2 = affine_map<(d0, d1) -> (0, 0, 0)>
module attributes {stable_mosaic.version = 14 : i64} {
  func.func @_sc_round_body(%arg0: i32, %arg1: i32, %arg2: memref<10240x64xf32, #tpu.memory_space<hbm>>, %arg3: memref<327680xi32, #tpu.memory_space<hbm>>, %arg4: memref<327680xi32, #tpu.memory_space<hbm>>, %arg5: memref<327680xf32, #tpu.memory_space<hbm>>, %arg6: memref<2x10240x64xf32, #tpu.memory_space<hbm>>, %arg7: memref<128xi32, #tpu.memory_space<vmem>>, %arg8: memref<128xi32, #tpu.memory_space<vmem>>, %arg9: memref<128xf32, #tpu.memory_space<vmem>>, %arg10: memref<128x64xf32, #tpu.memory_space<vmem>>, %arg11: memref<10240x64xf32, #tpu.memory_space<vmem_shared>>, %arg12: memref<!tpu.dma_semaphore, #tpu.memory_space<semaphore_mem>>) attributes {dimension_semantics = [#tpu.dimension_semantics<core_parallel>, #tpu.dimension_semantics<subcore_parallel>], iteration_bounds = array<i64: 2, 16>, scalar_prefetch = 0 : i64, scratch_operands = 6 : i64, tpu.core_type = #tpu.core_type<sc_vector_subcore>, window_params = [{transform_indices = #map}, {transform_indices = #map1}, {transform_indices = #map1}, {transform_indices = #map1}, {transform_indices = #map2}]} {
    %mul3A = arith.constant 16 : i32
    %mul3A_0 = arith.muli %arg0, %mul3A : i32
    %add3A = arith.addi %mul3A_0, %arg1 : i32
    %scan3A = arith.constant 0 : i32
    %scan3A_1 = arith.constant 0 : i32
    %scan3A_2 = arith.constant 128 : i32
    %scan3A_3 = arith.addi %scan3A_1, %scan3A_2 : i32
    %scan3A_4 = arith.constant 8 : i32
    scf.for %scan3A_27 = %scan3A_1 to %scan3A_3 step %scan3A_4  : i32 {
      %broadcast_in_dim3A = arith.constant 0.000000e+00 : f32
      %broadcast_in_dim3A_28 = vector.broadcast %broadcast_in_dim3A : f32 to vector<16xf32>
      %swap3A = arith.index_cast %scan3A_27 : i32 to index
      %swap3A_29 = arith.constant 0 : index
      %swap3A_30 = tpu.vector_load %arg10[%swap3A, %swap3A_29] {strides = array<i32>} : memref<128x64xf32, #tpu.memory_space<vmem>>, vector<1x16xf32>,
      %swap3A_31 = vector.shape_cast %swap3A_30 : vector<1x16xf32> to vector<16xf32>
      %swap3A_32 = vector.shape_cast %broadcast_in_dim3A_28 : vector<16xf32> to vector<1x16xf32>
      tpu.vector_store %arg10[%swap3A, %swap3A_29], %swap3A_32 {strides = array<i32>} : memref<128x64xf32, #tpu.memory_space<vmem>>, vector<1x16xf32>,
      %broadcast_in_dim3A_33 = arith.constant 0.000000e+00 : f32
      %broadcast_in_dim3A_34 = vector.broadcast %broadcast_in_dim3A_33 : f32 to vector<16xf32>
      %swap3A_35 = arith.index_cast %scan3A_27 : i32 to index
      %swap3A_36 = arith.constant 16 : index
      %swap3A_37 = tpu.vector_load %arg10[%swap3A_35, %swap3A_36] {strides = array<i32>} : memref<128x64xf32, #tpu.memory_space<vmem>>, vector<1x16xf32>,
      %swap3A_38 = vector.shape_cast %swap3A_37 : vector<1x16xf32> to vector<16xf32>
      %swap3A_39 = vector.shape_cast %broadcast_in_dim3A_34 : vector<16xf32> to vector<1x16xf32>
      tpu.vector_store %arg10[%swap3A_35, %swap3A_36], %swap3A_39 {strides = array<i32>} : memref<128x64xf32, #tpu.memory_space<vmem>>, vector<1x16xf32>,
      %broadcast_in_dim3A_40 = arith.constant 0.000000e+00 : f32
      %broadcast_in_dim3A_41 = vector.broadcast %broadcast_in_dim3A_40 : f32 to vector<16xf32>
      %swap3A_42 = arith.index_cast %scan3A_27 : i32 to index
      %swap3A_43 = arith.constant 32 : index
      %swap3A_44 = tpu.vector_load %arg10[%swap3A_42, %swap3A_43] {strides = array<i32>} : memref<128x64xf32, #tpu.memory_space<vmem>>, vector<1x16xf32>,
      %swap3A_45 = vector.shape_cast %swap3A_44 : vector<1x16xf32> to vector<16xf32>
      %swap3A_46 = vector.shape_cast %broadcast_in_dim3A_41 : vector<16xf32> to vector<1x16xf32>
      tpu.vector_store %arg10[%swap3A_42, %swap3A_43], %swap3A_46 {strides = array<i32>} : memref<128x64xf32, #tpu.memory_space<vmem>>, vector<1x16xf32>,
      %broadcast_in_dim3A_47 = arith.constant 0.000000e+00 : f32
      %broadcast_in_dim3A_48 = vector.broadcast %broadcast_in_dim3A_47 : f32 to vector<16xf32>
      %swap3A_49 = arith.index_cast %scan3A_27 : i32 to index
      %swap3A_50 = arith.constant 48 : index
      %swap3A_51 = tpu.vector_load %arg10[%swap3A_49, %swap3A_50] {strides = array<i32>} : memref<128x64xf32, #tpu.memory_space<vmem>>, vector<1x16xf32>,
      %swap3A_52 = vector.shape_cast %swap3A_51 : vector<1x16xf32> to vector<16xf32>
      %swap3A_53 = vector.shape_cast %broadcast_in_dim3A_48 : vector<16xf32> to vector<1x16xf32>
      tpu.vector_store %arg10[%swap3A_49, %swap3A_50], %swap3A_53 {strides = array<i32>} : memref<128x64xf32, #tpu.memory_space<vmem>>, vector<1x16xf32>,
      %scan3A_54 = arith.constant 1 : i32
      %scan3A_55 = arith.addi %scan3A_27, %scan3A_54 : i32
      %broadcast_in_dim3A_56 = arith.constant 0.000000e+00 : f32
      %broadcast_in_dim3A_57 = vector.broadcast %broadcast_in_dim3A_56 : f32 to vector<16xf32>
      %swap3A_58 = arith.index_cast %scan3A_55 : i32 to index
      %swap3A_59 = arith.constant 0 : index
      %swap3A_60 = tpu.vector_load %arg10[%swap3A_58, %swap3A_59] {strides = array<i32>} : memref<128x64xf32, #tpu.memory_space<vmem>>, vector<1x16xf32>,
      %swap3A_61 = vector.shape_cast %swap3A_60 : vector<1x16xf32> to vector<16xf32>
      %swap3A_62 = vector.shape_cast %broadcast_in_dim3A_57 : vector<16xf32> to vector<1x16xf32>
      tpu.vector_store %arg10[%swap3A_58, %swap3A_59], %swap3A_62 {strides = array<i32>} : memref<128x64xf32, #tpu.memory_space<vmem>>, vector<1x16xf32>,
      %broadcast_in_dim3A_63 = arith.constant 0.000000e+00 : f32
      %broadcast_in_dim3A_64 = vector.broadcast %broadcast_in_dim3A_63 : f32 to vector<16xf32>
      %swap3A_65 = arith.index_cast %scan3A_55 : i32 to index
      %swap3A_66 = arith.constant 16 : index
      %swap3A_67 = tpu.vector_load %arg10[%swap3A_65, %swap3A_66] {strides = array<i32>} : memref<128x64xf32, #tpu.memory_space<vmem>>, vector<1x16xf32>,
      %swap3A_68 = vector.shape_cast %swap3A_67 : vector<1x16xf32> to vector<16xf32>
      %swap3A_69 = vector.shape_cast %broadcast_in_dim3A_64 : vector<16xf32> to vector<1x16xf32>
      tpu.vector_store %arg10[%swap3A_65, %swap3A_66], %swap3A_69 {strides = array<i32>} : memref<128x64xf32, #tpu.memory_space<vmem>>, vector<1x16xf32>,
      %broadcast_in_dim3A_70 = arith.constant 0.000000e+00 : f32
      %broadcast_in_dim3A_71 = vector.broadcast %broadcast_in_dim3A_70 : f32 to vector<16xf32>
      %swap3A_72 = arith.index_cast %scan3A_55 : i32 to index
      %swap3A_73 = arith.constant 32 : index
      %swap3A_74 = tpu.vector_load %arg10[%swap3A_72, %swap3A_73] {strides = array<i32>} : memref<128x64xf32, #tpu.memory_space<vmem>>, vector<1x16xf32>,
      %swap3A_75 = vector.shape_cast %swap3A_74 : vector<1x16xf32> to vector<16xf32>
      %swap3A_76 = vector.shape_cast %broadcast_in_dim3A_71 : vector<16xf32> to vector<1x16xf32>
      tpu.vector_store %arg10[%swap3A_72, %swap3A_73], %swap3A_76 {strides = array<i32>} : memref<128x64xf32, #tpu.memory_space<vmem>>, vector<1x16xf32>,
      %broadcast_in_dim3A_77 = arith.constant 0.000000e+00 : f32
      %broadcast_in_dim3A_78 = vector.broadcast %broadcast_in_dim3A_77 : f32 to vector<16xf32>
      %swap3A_79 = arith.index_cast %scan3A_55 : i32 to index
      %swap3A_80 = arith.constant 48 : index
      %swap3A_81 = tpu.vector_load %arg10[%swap3A_79, %swap3A_80] {strides = array<i32>} : memref<128x64xf32, #tpu.memory_space<vmem>>, vector<1x16xf32>,
      %swap3A_82 = vector.shape_cast %swap3A_81 : vector<1x16xf32> to vector<16xf32>
      %swap3A_83 = vector.shape_cast %broadcast_in_dim3A_78 : vector<16xf32> to vector<1x16xf32>
      tpu.vector_store %arg10[%swap3A_79, %swap3A_80], %swap3A_83 {strides = array<i32>} : memref<128x64xf32, #tpu.memory_space<vmem>>, vector<1x16xf32>,
      %scan3A_84 = arith.constant 2 : i32
      %scan3A_85 = arith.addi %scan3A_27, %scan3A_84 : i32
      %broadcast_in_dim3A_86 = arith.constant 0.000000e+00 : f32
      %broadcast_in_dim3A_87 = vector.broadcast %broadcast_in_dim3A_86 : f32 to vector<16xf32>
      %swap3A_88 = arith.index_cast %scan3A_85 : i32 to index
      %swap3A_89 = arith.constant 0 : index
      %swap3A_90 = tpu.vector_load %arg10[%swap3A_88, %swap3A_89] {strides = array<i32>} : memref<128x64xf32, #tpu.memory_space<vmem>>, vector<1x16xf32>,
      %swap3A_91 = vector.shape_cast %swap3A_90 : vector<1x16xf32> to vector<16xf32>
      %swap3A_92 = vector.shape_cast %broadcast_in_dim3A_87 : vector<16xf32> to vector<1x16xf32>
      tpu.vector_store %arg10[%swap3A_88, %swap3A_89], %swap3A_92 {strides = array<i32>} : memref<128x64xf32, #tpu.memory_space<vmem>>, vector<1x16xf32>,
      %broadcast_in_dim3A_93 = arith.constant 0.000000e+00 : f32
      %broadcast_in_dim3A_94 = vector.broadcast %broadcast_in_dim3A_93 : f32 to vector<16xf32>
      %swap3A_95 = arith.index_cast %scan3A_85 : i32 to index
      %swap3A_96 = arith.constant 16 : index
      %swap3A_97 = tpu.vector_load %arg10[%swap3A_95, %swap3A_96] {strides = array<i32>} : memref<128x64xf32, #tpu.memory_space<vmem>>, vector<1x16xf32>,
      %swap3A_98 = vector.shape_cast %swap3A_97 : vector<1x16xf32> to vector<16xf32>
      %swap3A_99 = vector.shape_cast %broadcast_in_dim3A_94 : vector<16xf32> to vector<1x16xf32>
      tpu.vector_store %arg10[%swap3A_95, %swap3A_96], %swap3A_99 {strides = array<i32>} : memref<128x64xf32, #tpu.memory_space<vmem>>, vector<1x16xf32>,
      %broadcast_in_dim3A_100 = arith.constant 0.000000e+00 : f32
      %broadcast_in_dim3A_101 = vector.broadcast %broadcast_in_dim3A_100 : f32 to vector<16xf32>
      %swap3A_102 = arith.index_cast %scan3A_85 : i32 to index
      %swap3A_103 = arith.constant 32 : index
      %swap3A_104 = tpu.vector_load %arg10[%swap3A_102, %swap3A_103] {strides = array<i32>} : memref<128x64xf32, #tpu.memory_space<vmem>>, vector<1x16xf32>,
      %swap3A_105 = vector.shape_cast %swap3A_104 : vector<1x16xf32> to vector<16xf32>
      %swap3A_106 = vector.shape_cast %broadcast_in_dim3A_101 : vector<16xf32> to vector<1x16xf32>
      tpu.vector_store %arg10[%swap3A_102, %swap3A_103], %swap3A_106 {strides = array<i32>} : memref<128x64xf32, #tpu.memory_space<vmem>>, vector<1x16xf32>,
      %broadcast_in_dim3A_107 = arith.constant 0.000000e+00 : f32
      %broadcast_in_dim3A_108 = vector.broadcast %broadcast_in_dim3A_107 : f32 to vector<16xf32>
      %swap3A_109 = arith.index_cast %scan3A_85 : i32 to index
      %swap3A_110 = arith.constant 48 : index
      %swap3A_111 = tpu.vector_load %arg10[%swap3A_109, %swap3A_110] {strides = array<i32>} : memref<128x64xf32, #tpu.memory_space<vmem>>, vector<1x16xf32>,
      %swap3A_112 = vector.shape_cast %swap3A_111 : vector<1x16xf32> to vector<16xf32>
      %swap3A_113 = vector.shape_cast %broadcast_in_dim3A_108 : vector<16xf32> to vector<1x16xf32>
      tpu.vector_store %arg10[%swap3A_109, %swap3A_110], %swap3A_113 {strides = array<i32>} : memref<128x64xf32, #tpu.memory_space<vmem>>, vector<1x16xf32>,
      %scan3A_114 = arith.constant 3 : i32
      %scan3A_115 = arith.addi %scan3A_27, %scan3A_114 : i32
      %broadcast_in_dim3A_116 = arith.constant 0.000000e+00 : f32
      %broadcast_in_dim3A_117 = vector.broadcast %broadcast_in_dim3A_116 : f32 to vector<16xf32>
      %swap3A_118 = arith.index_cast %scan3A_115 : i32 to index
      %swap3A_119 = arith.constant 0 : index
      %swap3A_120 = tpu.vector_load %arg10[%swap3A_118, %swap3A_119] {strides = array<i32>} : memref<128x64xf32, #tpu.memory_space<vmem>>, vector<1x16xf32>,
      %swap3A_121 = vector.shape_cast %swap3A_120 : vector<1x16xf32> to vector<16xf32>
      %swap3A_122 = vector.shape_cast %broadcast_in_dim3A_117 : vector<16xf32> to vector<1x16xf32>
      tpu.vector_store %arg10[%swap3A_118, %swap3A_119], %swap3A_122 {strides = array<i32>} : memref<128x64xf32, #tpu.memory_space<vmem>>, vector<1x16xf32>,
      %broadcast_in_dim3A_123 = arith.constant 0.000000e+00 : f32
      %broadcast_in_dim3A_124 = vector.broadcast %broadcast_in_dim3A_123 : f32 to vector<16xf32>
      %swap3A_125 = arith.index_cast %scan3A_115 : i32 to index
      %swap3A_126 = arith.constant 16 : index
      %swap3A_127 = tpu.vector_load %arg10[%swap3A_125, %swap3A_126] {strides = array<i32>} : memref<128x64xf32, #tpu.memory_space<vmem>>, vector<1x16xf32>,
      %swap3A_128 = vector.shape_cast %swap3A_127 : vector<1x16xf32> to vector<16xf32>
      %swap3A_129 = vector.shape_cast %broadcast_in_dim3A_124 : vector<16xf32> to vector<1x16xf32>
      tpu.vector_store %arg10[%swap3A_125, %swap3A_126], %swap3A_129 {strides = array<i32>} : memref<128x64xf32, #tpu.memory_space<vmem>>, vector<1x16xf32>,
      %broadcast_in_dim3A_130 = arith.constant 0.000000e+00 : f32
      %broadcast_in_dim3A_131 = vector.broadcast %broadcast_in_dim3A_130 : f32 to vector<16xf32>
      %swap3A_132 = arith.index_cast %scan3A_115 : i32 to index
      %swap3A_133 = arith.constant 32 : index
      %swap3A_134 = tpu.vector_load %arg10[%swap3A_132, %swap3A_133] {strides = array<i32>} : memref<128x64xf32, #tpu.memory_space<vmem>>, vector<1x16xf32>,
      %swap3A_135 = vector.shape_cast %swap3A_134 : vector<1x16xf32> to vector<16xf32>
      %swap3A_136 = vector.shape_cast %broadcast_in_dim3A_131 : vector<16xf32> to vector<1x16xf32>
      tpu.vector_store %arg10[%swap3A_132, %swap3A_133], %swap3A_136 {strides = array<i32>} : memref<128x64xf32, #tpu.memory_space<vmem>>, vector<1x16xf32>,
      %broadcast_in_dim3A_137 = arith.constant 0.000000e+00 : f32
      %broadcast_in_dim3A_138 = vector.broadcast %broadcast_in_dim3A_137 : f32 to vector<16xf32>
      %swap3A_139 = arith.index_cast %scan3A_115 : i32 to index
      %swap3A_140 = arith.constant 48 : index
      %swap3A_141 = tpu.vector_load %arg10[%swap3A_139, %swap3A_140] {strides = array<i32>} : memref<128x64xf32, #tpu.memory_space<vmem>>, vector<1x16xf32>,
      %swap3A_142 = vector.shape_cast %swap3A_141 : vector<1x16xf32> to vector<16xf32>
      %swap3A_143 = vector.shape_cast %broadcast_in_dim3A_138 : vector<16xf32> to vector<1x16xf32>
      tpu.vector_store %arg10[%swap3A_139, %swap3A_140], %swap3A_143 {strides = array<i32>} : memref<128x64xf32, #tpu.memory_space<vmem>>, vector<1x16xf32>,
      %scan3A_144 = arith.constant 4 : i32
      %scan3A_145 = arith.addi %scan3A_27, %scan3A_144 : i32
      %broadcast_in_dim3A_146 = arith.constant 0.000000e+00 : f32
      %broadcast_in_dim3A_147 = vector.broadcast %broadcast_in_dim3A_146 : f32 to vector<16xf32>
      %swap3A_148 = arith.index_cast %scan3A_145 : i32 to index
      %swap3A_149 = arith.constant 0 : index
      %swap3A_150 = tpu.vector_load %arg10[%swap3A_148, %swap3A_149] {strides = array<i32>} : memref<128x64xf32, #tpu.memory_space<vmem>>, vector<1x16xf32>,
      %swap3A_151 = vector.shape_cast %swap3A_150 : vector<1x16xf32> to vector<16xf32>
      %swap3A_152 = vector.shape_cast %broadcast_in_dim3A_147 : vector<16xf32> to vector<1x16xf32>
      tpu.vector_store %arg10[%swap3A_148, %swap3A_149], %swap3A_152 {strides = array<i32>} : memref<128x64xf32, #tpu.memory_space<vmem>>, vector<1x16xf32>,
      %broadcast_in_dim3A_153 = arith.constant 0.000000e+00 : f32
      %broadcast_in_dim3A_154 = vector.broadcast %broadcast_in_dim3A_153 : f32 to vector<16xf32>
      %swap3A_155 = arith.index_cast %scan3A_145 : i32 to index
      %swap3A_156 = arith.constant 16 : index
      %swap3A_157 = tpu.vector_load %arg10[%swap3A_155, %swap3A_156] {strides = array<i32>} : memref<128x64xf32, #tpu.memory_space<vmem>>, vector<1x16xf32>,
      %swap3A_158 = vector.shape_cast %swap3A_157 : vector<1x16xf32> to vector<16xf32>
      %swap3A_159 = vector.shape_cast %broadcast_in_dim3A_154 : vector<16xf32> to vector<1x16xf32>
      tpu.vector_store %arg10[%swap3A_155, %swap3A_156], %swap3A_159 {strides = array<i32>} : memref<128x64xf32, #tpu.memory_space<vmem>>, vector<1x16xf32>,
      %broadcast_in_dim3A_160 = arith.constant 0.000000e+00 : f32
      %broadcast_in_dim3A_161 = vector.broadcast %broadcast_in_dim3A_160 : f32 to vector<16xf32>
      %swap3A_162 = arith.index_cast %scan3A_145 : i32 to index
      %swap3A_163 = arith.constant 32 : index
      %swap3A_164 = tpu.vector_load %arg10[%swap3A_162, %swap3A_163] {strides = array<i32>} : memref<128x64xf32, #tpu.memory_space<vmem>>, vector<1x16xf32>,
      %swap3A_165 = vector.shape_cast %swap3A_164 : vector<1x16xf32> to vector<16xf32>
      %swap3A_166 = vector.shape_cast %broadcast_in_dim3A_161 : vector<16xf32> to vector<1x16xf32>
      tpu.vector_store %arg10[%swap3A_162, %swap3A_163], %swap3A_166 {strides = array<i32>} : memref<128x64xf32, #tpu.memory_space<vmem>>, vector<1x16xf32>,
      %broadcast_in_dim3A_167 = arith.constant 0.000000e+00 : f32
      %broadcast_in_dim3A_168 = vector.broadcast %broadcast_in_dim3A_167 : f32 to vector<16xf32>
      %swap3A_169 = arith.index_cast %scan3A_145 : i32 to index
      %swap3A_170 = arith.constant 48 : index
      %swap3A_171 = tpu.vector_load %arg10[%swap3A_169, %swap3A_170] {strides = array<i32>} : memref<128x64xf32, #tpu.memory_space<vmem>>, vector<1x16xf32>,
      %swap3A_172 = vector.shape_cast %swap3A_171 : vector<1x16xf32> to vector<16xf32>
      %swap3A_173 = vector.shape_cast %broadcast_in_dim3A_168 : vector<16xf32> to vector<1x16xf32>
      tpu.vector_store %arg10[%swap3A_169, %swap3A_170], %swap3A_173 {strides = array<i32>} : memref<128x64xf32, #tpu.memory_space<vmem>>, vector<1x16xf32>,
      %scan3A_174 = arith.constant 5 : i32
      %scan3A_175 = arith.addi %scan3A_27, %scan3A_174 : i32
      %broadcast_in_dim3A_176 = arith.constant 0.000000e+00 : f32
      %broadcast_in_dim3A_177 = vector.broadcast %broadcast_in_dim3A_176 : f32 to vector<16xf32>
      %swap3A_178 = arith.index_cast %scan3A_175 : i32 to index
      %swap3A_179 = arith.constant 0 : index
      %swap3A_180 = tpu.vector_load %arg10[%swap3A_178, %swap3A_179] {strides = array<i32>} : memref<128x64xf32, #tpu.memory_space<vmem>>, vector<1x16xf32>,
      %swap3A_181 = vector.shape_cast %swap3A_180 : vector<1x16xf32> to vector<16xf32>
      %swap3A_182 = vector.shape_cast %broadcast_in_dim3A_177 : vector<16xf32> to vector<1x16xf32>
      tpu.vector_store %arg10[%swap3A_178, %swap3A_179], %swap3A_182 {strides = array<i32>} : memref<128x64xf32, #tpu.memory_space<vmem>>, vector<1x16xf32>,
      %broadcast_in_dim3A_183 = arith.constant 0.000000e+00 : f32
      %broadcast_in_dim3A_184 = vector.broadcast %broadcast_in_dim3A_183 : f32 to vector<16xf32>
      %swap3A_185 = arith.index_cast %scan3A_175 : i32 to index
      %swap3A_186 = arith.constant 16 : index
      %swap3A_187 = tpu.vector_load %arg10[%swap3A_185, %swap3A_186] {strides = array<i32>} : memref<128x64xf32, #tpu.memory_space<vmem>>, vector<1x16xf32>,
      %swap3A_188 = vector.shape_cast %swap3A_187 : vector<1x16xf32> to vector<16xf32>
      %swap3A_189 = vector.shape_cast %broadcast_in_dim3A_184 : vector<16xf32> to vector<1x16xf32>
      tpu.vector_store %arg10[%swap3A_185, %swap3A_186], %swap3A_189 {strides = array<i32>} : memref<128x64xf32, #tpu.memory_space<vmem>>, vector<1x16xf32>,
      %broadcast_in_dim3A_190 = arith.constant 0.000000e+00 : f32
      %broadcast_in_dim3A_191 = vector.broadcast %broadcast_in_dim3A_190 : f32 to vector<16xf32>
      %swap3A_192 = arith.index_cast %scan3A_175 : i32 to index
      %swap3A_193 = arith.constant 32 : index
      %swap3A_194 = tpu.vector_load %arg10[%swap3A_192, %swap3A_193] {strides = array<i32>} : memref<128x64xf32, #tpu.memory_space<vmem>>, vector<1x16xf32>,
      %swap3A_195 = vector.shape_cast %swap3A_194 : vector<1x16xf32> to vector<16xf32>
      %swap3A_196 = vector.shape_cast %broadcast_in_dim3A_191 : vector<16xf32> to vector<1x16xf32>
      tpu.vector_store %arg10[%swap3A_192, %swap3A_193], %swap3A_196 {strides = array<i32>} : memref<128x64xf32, #tpu.memory_space<vmem>>, vector<1x16xf32>,
      %broadcast_in_dim3A_197 = arith.constant 0.000000e+00 : f32
      %broadcast_in_dim3A_198 = vector.broadcast %broadcast_in_dim3A_197 : f32 to vector<16xf32>
      %swap3A_199 = arith.index_cast %scan3A_175 : i32 to index
      %swap3A_200 = arith.constant 48 : index
      %swap3A_201 = tpu.vector_load %arg10[%swap3A_199, %swap3A_200] {strides = array<i32>} : memref<128x64xf32, #tpu.memory_space<vmem>>, vector<1x16xf32>,
      %swap3A_202 = vector.shape_cast %swap3A_201 : vector<1x16xf32> to vector<16xf32>
      %swap3A_203 = vector.shape_cast %broadcast_in_dim3A_198 : vector<16xf32> to vector<1x16xf32>
      tpu.vector_store %arg10[%swap3A_199, %swap3A_200], %swap3A_203 {strides = array<i32>} : memref<128x64xf32, #tpu.memory_space<vmem>>, vector<1x16xf32>,
      %scan3A_204 = arith.constant 6 : i32
      %scan3A_205 = arith.addi %scan3A_27, %scan3A_204 : i32
      %broadcast_in_dim3A_206 = arith.constant 0.000000e+00 : f32
      %broadcast_in_dim3A_207 = vector.broadcast %broadcast_in_dim3A_206 : f32 to vector<16xf32>
      %swap3A_208 = arith.index_cast %scan3A_205 : i32 to index
      %swap3A_209 = arith.constant 0 : index
      %swap3A_210 = tpu.vector_load %arg10[%swap3A_208, %swap3A_209] {strides = array<i32>} : memref<128x64xf32, #tpu.memory_space<vmem>>, vector<1x16xf32>,
      %swap3A_211 = vector.shape_cast %swap3A_210 : vector<1x16xf32> to vector<16xf32>
      %swap3A_212 = vector.shape_cast %broadcast_in_dim3A_207 : vector<16xf32> to vector<1x16xf32>
      tpu.vector_store %arg10[%swap3A_208, %swap3A_209], %swap3A_212 {strides = array<i32>} : memref<128x64xf32, #tpu.memory_space<vmem>>, vector<1x16xf32>,
      %broadcast_in_dim3A_213 = arith.constant 0.000000e+00 : f32
      %broadcast_in_dim3A_214 = vector.broadcast %broadcast_in_dim3A_213 : f32 to vector<16xf32>
      %swap3A_215 = arith.index_cast %scan3A_205 : i32 to index
      %swap3A_216 = arith.constant 16 : index
      %swap3A_217 = tpu.vector_load %arg10[%swap3A_215, %swap3A_216] {strides = array<i32>} : memref<128x64xf32, #tpu.memory_space<vmem>>, vector<1x16xf32>,
      %swap3A_218 = vector.shape_cast %swap3A_217 : vector<1x16xf32> to vector<16xf32>
      %swap3A_219 = vector.shape_cast %broadcast_in_dim3A_214 : vector<16xf32> to vector<1x16xf32>
      tpu.vector_store %arg10[%swap3A_215, %swap3A_216], %swap3A_219 {strides = array<i32>} : memref<128x64xf32, #tpu.memory_space<vmem>>, vector<1x16xf32>,
      %broadcast_in_dim3A_220 = arith.constant 0.000000e+00 : f32
      %broadcast_in_dim3A_221 = vector.broadcast %broadcast_in_dim3A_220 : f32 to vector<16xf32>
      %swap3A_222 = arith.index_cast %scan3A_205 : i32 to index
      %swap3A_223 = arith.constant 32 : index
      %swap3A_224 = tpu.vector_load %arg10[%swap3A_222, %swap3A_223] {strides = array<i32>} : memref<128x64xf32, #tpu.memory_space<vmem>>, vector<1x16xf32>,
      %swap3A_225 = vector.shape_cast %swap3A_224 : vector<1x16xf32> to vector<16xf32>
      %swap3A_226 = vector.shape_cast %broadcast_in_dim3A_221 : vector<16xf32> to vector<1x16xf32>
      tpu.vector_store %arg10[%swap3A_222, %swap3A_223], %swap3A_226 {strides = array<i32>} : memref<128x64xf32, #tpu.memory_space<vmem>>, vector<1x16xf32>,
      %broadcast_in_dim3A_227 = arith.constant 0.000000e+00 : f32
      %broadcast_in_dim3A_228 = vector.broadcast %broadcast_in_dim3A_227 : f32 to vector<16xf32>
      %swap3A_229 = arith.index_cast %scan3A_205 : i32 to index
      %swap3A_230 = arith.constant 48 : index
      %swap3A_231 = tpu.vector_load %arg10[%swap3A_229, %swap3A_230] {strides = array<i32>} : memref<128x64xf32, #tpu.memory_space<vmem>>, vector<1x16xf32>,
      %swap3A_232 = vector.shape_cast %swap3A_231 : vector<1x16xf32> to vector<16xf32>
      %swap3A_233 = vector.shape_cast %broadcast_in_dim3A_228 : vector<16xf32> to vector<1x16xf32>
      tpu.vector_store %arg10[%swap3A_229, %swap3A_230], %swap3A_233 {strides = array<i32>} : memref<128x64xf32, #tpu.memory_space<vmem>>, vector<1x16xf32>,
      %scan3A_234 = arith.constant 7 : i32
      %scan3A_235 = arith.addi %scan3A_27, %scan3A_234 : i32
      %broadcast_in_dim3A_236 = arith.constant 0.000000e+00 : f32
      %broadcast_in_dim3A_237 = vector.broadcast %broadcast_in_dim3A_236 : f32 to vector<16xf32>
      %swap3A_238 = arith.index_cast %scan3A_235 : i32 to index
      %swap3A_239 = arith.constant 0 : index
      %swap3A_240 = tpu.vector_load %arg10[%swap3A_238, %swap3A_239] {strides = array<i32>} : memref<128x64xf32, #tpu.memory_space<vmem>>, vector<1x16xf32>,
      %swap3A_241 = vector.shape_cast %swap3A_240 : vector<1x16xf32> to vector<16xf32>
      %swap3A_242 = vector.shape_cast %broadcast_in_dim3A_237 : vector<16xf32> to vector<1x16xf32>
      tpu.vector_store %arg10[%swap3A_238, %swap3A_239], %swap3A_242 {strides = array<i32>} : memref<128x64xf32, #tpu.memory_space<vmem>>, vector<1x16xf32>,
      %broadcast_in_dim3A_243 = arith.constant 0.000000e+00 : f32
      %broadcast_in_dim3A_244 = vector.broadcast %broadcast_in_dim3A_243 : f32 to vector<16xf32>
      %swap3A_245 = arith.index_cast %scan3A_235 : i32 to index
      %swap3A_246 = arith.constant 16 : index
      %swap3A_247 = tpu.vector_load %arg10[%swap3A_245, %swap3A_246] {strides = array<i32>} : memref<128x64xf32, #tpu.memory_space<vmem>>, vector<1x16xf32>,
      %swap3A_248 = vector.shape_cast %swap3A_247 : vector<1x16xf32> to vector<16xf32>
      %swap3A_249 = vector.shape_cast %broadcast_in_dim3A_244 : vector<16xf32> to vector<1x16xf32>
      tpu.vector_store %arg10[%swap3A_245, %swap3A_246], %swap3A_249 {strides = array<i32>} : memref<128x64xf32, #tpu.memory_space<vmem>>, vector<1x16xf32>,
      %broadcast_in_dim3A_250 = arith.constant 0.000000e+00 : f32
      %broadcast_in_dim3A_251 = vector.broadcast %broadcast_in_dim3A_250 : f32 to vector<16xf32>
      %swap3A_252 = arith.index_cast %scan3A_235 : i32 to index
      %swap3A_253 = arith.constant 32 : index
      %swap3A_254 = tpu.vector_load %arg10[%swap3A_252, %swap3A_253] {strides = array<i32>} : memref<128x64xf32, #tpu.memory_space<vmem>>, vector<1x16xf32>,
      %swap3A_255 = vector.shape_cast %swap3A_254 : vector<1x16xf32> to vector<16xf32>
      %swap3A_256 = vector.shape_cast %broadcast_in_dim3A_251 : vector<16xf32> to vector<1x16xf32>
      tpu.vector_store %arg10[%swap3A_252, %swap3A_253], %swap3A_256 {strides = array<i32>} : memref<128x64xf32, #tpu.memory_space<vmem>>, vector<1x16xf32>,
      %broadcast_in_dim3A_257 = arith.constant 0.000000e+00 : f32
      %broadcast_in_dim3A_258 = vector.broadcast %broadcast_in_dim3A_257 : f32 to vector<16xf32>
      %swap3A_259 = arith.index_cast %scan3A_235 : i32 to index
      %swap3A_260 = arith.constant 48 : index
      %swap3A_261 = tpu.vector_load %arg10[%swap3A_259, %swap3A_260] {strides = array<i32>} : memref<128x64xf32, #tpu.memory_space<vmem>>, vector<1x16xf32>,
      %swap3A_262 = vector.shape_cast %swap3A_261 : vector<1x16xf32> to vector<16xf32>
      %swap3A_263 = vector.shape_cast %broadcast_in_dim3A_258 : vector<16xf32> to vector<1x16xf32>
      tpu.vector_store %arg10[%swap3A_259, %swap3A_260], %swap3A_263 {strides = array<i32>} : memref<128x64xf32, #tpu.memory_space<vmem>>, vector<1x16xf32>,
    }
    %scan3A_5 = arith.constant 128 : i32
    %mul3A_6 = arith.constant 640 : i32
    %mul3A_7 = arith.muli %arg1, %mul3A_6 : i32
    %add3A_8 = arith.constant 0 : i32
    %add3A_9 = arith.addi %mul3A_7, %add3A_8 : i32
    "tpu.region"() ({
      %run_scoped3A = tpu.sem_alloc : memref<!tpu.dma_semaphore, #tpu.memory_space<semaphore_mem>>
      %dma_start3A = arith.constant 0 : i32
      %dma_start3A_27 = tpu.memref_slice %arg11[%add3A_9, %dma_start3A] : memref<10240x64xf32, #tpu.memory_space<vmem_shared>> -> memref<128x64xf32, #tpu.memory_space<vmem_shared>>
      %dma_start3A_28 = arith.constant 0 : i32
      %dma_start3A_29 = tpu.memref_slice %arg11[%add3A_9, %dma_start3A_28] : memref<10240x64xf32, #tpu.memory_space<vmem_shared>> -> memref<128x64xf32, #tpu.memory_space<vmem_shared>>
      tpu.enqueue_dma source(%arg10 : memref<128x64xf32, #tpu.memory_space<vmem>>) target(%dma_start3A_29 : memref<128x64xf32, #tpu.memory_space<vmem_shared>>) target_semaphore(%run_scoped3A : memref<!tpu.dma_semaphore, #tpu.memory_space<semaphore_mem>>)
      %dma_wait3A = arith.constant 0 : i32
      %dma_wait3A_30 = tpu.memref_slice %arg11[%add3A_9, %dma_wait3A] : memref<10240x64xf32, #tpu.memory_space<vmem_shared>> -> memref<128x64xf32, #tpu.memory_space<vmem_shared>>
      %dma_wait3A_31 = arith.constant 0 : i32
      %dma_wait3A_32 = tpu.memref_slice %arg11[%add3A_9, %dma_wait3A_31] : memref<10240x64xf32, #tpu.memory_space<vmem_shared>> -> memref<128x64xf32, #tpu.memory_space<vmem_shared>>
      tpu.wait_dma2 semaphore(%run_scoped3A : memref<!tpu.dma_semaphore, #tpu.memory_space<semaphore_mem>>) src(%arg10 : memref<128x64xf32, #tpu.memory_space<vmem>>) dst(%dma_wait3A_32 : memref<128x64xf32, #tpu.memory_space<vmem_shared>>)
      tpu.yield
    }) : () -> ()
    %add3A_10 = arith.constant 128 : i32
    %add3A_11 = arith.addi %mul3A_7, %add3A_10 : i32
    "tpu.region"() ({
      %run_scoped3A = tpu.sem_alloc : memref<!tpu.dma_semaphore, #tpu.memory_space<semaphore_mem>>
      %dma_start3A = arith.constant 0 : i32
      %dma_start3A_27 = tpu.memref_slice %arg11[%add3A_11, %dma_start3A] : memref<10240x64xf32, #tpu.memory_space<vmem_shared>> -> memref<128x64xf32, #tpu.memory_space<vmem_shared>>
      %dma_start3A_28 = arith.constant 0 : i32
      %dma_start3A_29 = tpu.memref_slice %arg11[%add3A_11, %dma_start3A_28] : memref<10240x64xf32, #tpu.memory_space<vmem_shared>> -> memref<128x64xf32, #tpu.memory_space<vmem_shared>>
      tpu.enqueue_dma source(%arg10 : memref<128x64xf32, #tpu.memory_space<vmem>>) target(%dma_start3A_29 : memref<128x64xf32, #tpu.memory_space<vmem_shared>>) target_semaphore(%run_scoped3A : memref<!tpu.dma_semaphore, #tpu.memory_space<semaphore_mem>>)
      %dma_wait3A = arith.constant 0 : i32
      %dma_wait3A_30 = tpu.memref_slice %arg11[%add3A_11, %dma_wait3A] : memref<10240x64xf32, #tpu.memory_space<vmem_shared>> -> memref<128x64xf32, #tpu.memory_space<vmem_shared>>
      %dma_wait3A_31 = arith.constant 0 : i32
      %dma_wait3A_32 = tpu.memref_slice %arg11[%add3A_11, %dma_wait3A_31] : memref<10240x64xf32, #tpu.memory_space<vmem_shared>> -> memref<128x64xf32, #tpu.memory_space<vmem_shared>>
      tpu.wait_dma2 semaphore(%run_scoped3A : memref<!tpu.dma_semaphore, #tpu.memory_space<semaphore_mem>>) src(%arg10 : memref<128x64xf32, #tpu.memory_space<vmem>>) dst(%dma_wait3A_32 : memref<128x64xf32, #tpu.memory_space<vmem_shared>>)
      tpu.yield
    }) : () -> ()
    %add3A_12 = arith.constant 256 : i32
    %add3A_13 = arith.addi %mul3A_7, %add3A_12 : i32
    "tpu.region"() ({
      %run_scoped3A = tpu.sem_alloc : memref<!tpu.dma_semaphore, #tpu.memory_space<semaphore_mem>>
      %dma_start3A = arith.constant 0 : i32
      %dma_start3A_27 = tpu.memref_slice %arg11[%add3A_13, %dma_start3A] : memref<10240x64xf32, #tpu.memory_space<vmem_shared>> -> memref<128x64xf32, #tpu.memory_space<vmem_shared>>
      %dma_start3A_28 = arith.constant 0 : i32
      %dma_start3A_29 = tpu.memref_slice %arg11[%add3A_13, %dma_start3A_28] : memref<10240x64xf32, #tpu.memory_space<vmem_shared>> -> memref<128x64xf32, #tpu.memory_space<vmem_shared>>
      tpu.enqueue_dma source(%arg10 : memref<128x64xf32, #tpu.memory_space<vmem>>) target(%dma_start3A_29 : memref<128x64xf32, #tpu.memory_space<vmem_shared>>) target_semaphore(%run_scoped3A : memref<!tpu.dma_semaphore, #tpu.memory_space<semaphore_mem>>)
      %dma_wait3A = arith.constant 0 : i32
      %dma_wait3A_30 = tpu.memref_slice %arg11[%add3A_13, %dma_wait3A] : memref<10240x64xf32, #tpu.memory_space<vmem_shared>> -> memref<128x64xf32, #tpu.memory_space<vmem_shared>>
      %dma_wait3A_31 = arith.constant 0 : i32
      %dma_wait3A_32 = tpu.memref_slice %arg11[%add3A_13, %dma_wait3A_31] : memref<10240x64xf32, #tpu.memory_space<vmem_shared>> -> memref<128x64xf32, #tpu.memory_space<vmem_shared>>
      tpu.wait_dma2 semaphore(%run_scoped3A : memref<!tpu.dma_semaphore, #tpu.memory_space<semaphore_mem>>) src(%arg10 : memref<128x64xf32, #tpu.memory_space<vmem>>) dst(%dma_wait3A_32 : memref<128x64xf32, #tpu.memory_space<vmem_shared>>)
      tpu.yield
    }) : () -> ()
    %add3A_14 = arith.constant 384 : i32
    %add3A_15 = arith.addi %mul3A_7, %add3A_14 : i32
    "tpu.region"() ({
      %run_scoped3A = tpu.sem_alloc : memref<!tpu.dma_semaphore, #tpu.memory_space<semaphore_mem>>
      %dma_start3A = arith.constant 0 : i32
      %dma_start3A_27 = tpu.memref_slice %arg11[%add3A_15, %dma_start3A] : memref<10240x64xf32, #tpu.memory_space<vmem_shared>> -> memref<128x64xf32, #tpu.memory_space<vmem_shared>>
      %dma_start3A_28 = arith.constant 0 : i32
      %dma_start3A_29 = tpu.memref_slice %arg11[%add3A_15, %dma_start3A_28] : memref<10240x64xf32, #tpu.memory_space<vmem_shared>> -> memref<128x64xf32, #tpu.memory_space<vmem_shared>>
      tpu.enqueue_dma source(%arg10 : memref<128x64xf32, #tpu.memory_space<vmem>>) target(%dma_start3A_29 : memref<128x64xf32, #tpu.memory_space<vmem_shared>>) target_semaphore(%run_scoped3A : memref<!tpu.dma_semaphore, #tpu.memory_space<semaphore_mem>>)
      %dma_wait3A = arith.constant 0 : i32
      %dma_wait3A_30 = tpu.memref_slice %arg11[%add3A_15, %dma_wait3A] : memref<10240x64xf32, #tpu.memory_space<vmem_shared>> -> memref<128x64xf32, #tpu.memory_space<vmem_shared>>
      %dma_wait3A_31 = arith.constant 0 : i32
      %dma_wait3A_32 = tpu.memref_slice %arg11[%add3A_15, %dma_wait3A_31] : memref<10240x64xf32, #tpu.memory_space<vmem_shared>> -> memref<128x64xf32, #tpu.memory_space<vmem_shared>>
      tpu.wait_dma2 semaphore(%run_scoped3A : memref<!tpu.dma_semaphore, #tpu.memory_space<semaphore_mem>>) src(%arg10 : memref<128x64xf32, #tpu.memory_space<vmem>>) dst(%dma_wait3A_32 : memref<128x64xf32, #tpu.memory_space<vmem_shared>>)
      tpu.yield
    }) : () -> ()
    %add3A_16 = arith.constant 512 : i32
    %add3A_17 = arith.addi %mul3A_7, %add3A_16 : i32
    "tpu.region"() ({
      %run_scoped3A = tpu.sem_alloc : memref<!tpu.dma_semaphore, #tpu.memory_space<semaphore_mem>>
      %dma_start3A = arith.constant 0 : i32
      %dma_start3A_27 = tpu.memref_slice %arg11[%add3A_17, %dma_start3A] : memref<10240x64xf32, #tpu.memory_space<vmem_shared>> -> memref<128x64xf32, #tpu.memory_space<vmem_shared>>
      %dma_start3A_28 = arith.constant 0 : i32
      %dma_start3A_29 = tpu.memref_slice %arg11[%add3A_17, %dma_start3A_28] : memref<10240x64xf32, #tpu.memory_space<vmem_shared>> -> memref<128x64xf32, #tpu.memory_space<vmem_shared>>
      tpu.enqueue_dma source(%arg10 : memref<128x64xf32, #tpu.memory_space<vmem>>) target(%dma_start3A_29 : memref<128x64xf32, #tpu.memory_space<vmem_shared>>) target_semaphore(%run_scoped3A : memref<!tpu.dma_semaphore, #tpu.memory_space<semaphore_mem>>)
      %dma_wait3A = arith.constant 0 : i32
      %dma_wait3A_30 = tpu.memref_slice %arg11[%add3A_17, %dma_wait3A] : memref<10240x64xf32, #tpu.memory_space<vmem_shared>> -> memref<128x64xf32, #tpu.memory_space<vmem_shared>>
      %dma_wait3A_31 = arith.constant 0 : i32
      %dma_wait3A_32 = tpu.memref_slice %arg11[%add3A_17, %dma_wait3A_31] : memref<10240x64xf32, #tpu.memory_space<vmem_shared>> -> memref<128x64xf32, #tpu.memory_space<vmem_shared>>
      tpu.wait_dma2 semaphore(%run_scoped3A : memref<!tpu.dma_semaphore, #tpu.memory_space<semaphore_mem>>) src(%arg10 : memref<128x64xf32, #tpu.memory_space<vmem>>) dst(%dma_wait3A_32 : memref<128x64xf32, #tpu.memory_space<vmem_shared>>)
      tpu.yield
    }) : () -> ()
    %barrier3A = arith.constant 0 : index
    tpu.barrier barrier_id(%barrier3A)
    %mul3A_18 = arith.constant 10240 : i32
    %mul3A_19 = arith.muli %add3A, %mul3A_18 : i32
    %scan3A_20 = arith.constant 0 : i32
    %scan3A_21 = arith.constant 0 : i32
    %scan3A_22 = arith.constant 80 : i32
    %scan3A_23 = arith.addi %scan3A_21, %scan3A_22 : i32
    %scan3A_24 = arith.constant 1 : i32
    scf.for %scan3A_27 = %scan3A_21 to %scan3A_23 step %scan3A_24  : i32 {
      %mul3A_28 = arith.constant 128 : i32
      %mul3A_29 = arith.muli %scan3A_27, %mul3A_28 : i32
      %add3A_30 = arith.addi %mul3A_19, %mul3A_29 : i32
      "tpu.region"() ({
        %run_scoped3A = tpu.sem_alloc : memref<!tpu.dma_semaphore, #tpu.memory_space<semaphore_mem>>
        %dma_start3A_41 = tpu.memref_slice %arg3[%add3A_30] : memref<327680xi32, #tpu.memory_space<hbm>> -> memref<128xi32, #tpu.memory_space<hbm>>
        %dma_start3A_42 = tpu.memref_slice %arg3[%add3A_30] : memref<327680xi32, #tpu.memory_space<hbm>> -> memref<128xi32, #tpu.memory_space<hbm>>
        tpu.enqueue_dma source(%dma_start3A_42 : memref<128xi32, #tpu.memory_space<hbm>>) target(%arg7 : memref<128xi32, #tpu.memory_space<vmem>>) target_semaphore(%run_scoped3A : memref<!tpu.dma_semaphore, #tpu.memory_space<semaphore_mem>>)
        %dma_wait3A_43 = tpu.memref_slice %arg3[%add3A_30] : memref<327680xi32, #tpu.memory_space<hbm>> -> memref<128xi32, #tpu.memory_space<hbm>>
        %dma_wait3A_44 = tpu.memref_slice %arg3[%add3A_30] : memref<327680xi32, #tpu.memory_space<hbm>> -> memref<128xi32, #tpu.memory_space<hbm>>
        tpu.wait_dma2 semaphore(%run_scoped3A : memref<!tpu.dma_semaphore, #tpu.memory_space<semaphore_mem>>) src(%dma_wait3A_44 : memref<128xi32, #tpu.memory_space<hbm>>) dst(%arg7 : memref<128xi32, #tpu.memory_space<vmem>>)
        tpu.yield
      }) : () -> ()
      "tpu.region"() ({
        %run_scoped3A = tpu.sem_alloc : memref<!tpu.dma_semaphore, #tpu.memory_space<semaphore_mem>>
        %dma_start3A_41 = tpu.memref_slice %arg4[%add3A_30] : memref<327680xi32, #tpu.memory_space<hbm>> -> memref<128xi32, #tpu.memory_space<hbm>>
        %dma_start3A_42 = tpu.memref_slice %arg4[%add3A_30] : memref<327680xi32, #tpu.memory_space<hbm>> -> memref<128xi32, #tpu.memory_space<hbm>>
        tpu.enqueue_dma source(%dma_start3A_42 : memref<128xi32, #tpu.memory_space<hbm>>) target(%arg8 : memref<128xi32, #tpu.memory_space<vmem>>) target_semaphore(%run_scoped3A : memref<!tpu.dma_semaphore, #tpu.memory_space<semaphore_mem>>)
        %dma_wait3A_43 = tpu.memref_slice %arg4[%add3A_30] : memref<327680xi32, #tpu.memory_space<hbm>> -> memref<128xi32, #tpu.memory_space<hbm>>
        %dma_wait3A_44 = tpu.memref_slice %arg4[%add3A_30] : memref<327680xi32, #tpu.memory_space<hbm>> -> memref<128xi32, #tpu.memory_space<hbm>>
        tpu.wait_dma2 semaphore(%run_scoped3A : memref<!tpu.dma_semaphore, #tpu.memory_space<semaphore_mem>>) src(%dma_wait3A_44 : memref<128xi32, #tpu.memory_space<hbm>>) dst(%arg8 : memref<128xi32, #tpu.memory_space<vmem>>)
        tpu.yield
      }) : () -> ()
      "tpu.region"() ({
        %run_scoped3A = tpu.sem_alloc : memref<!tpu.dma_semaphore, #tpu.memory_space<semaphore_mem>>
        %dma_start3A_41 = tpu.memref_slice %arg5[%add3A_30] : memref<327680xf32, #tpu.memory_space<hbm>> -> memref<128xf32, #tpu.memory_space<hbm>>
        %dma_start3A_42 = tpu.memref_slice %arg5[%add3A_30] : memref<327680xf32, #tpu.memory_space<hbm>> -> memref<128xf32, #tpu.memory_space<hbm>>
        tpu.enqueue_dma source(%dma_start3A_42 : memref<128xf32, #tpu.memory_space<hbm>>) target(%arg9 : memref<128xf32, #tpu.memory_space<vmem>>) target_semaphore(%run_scoped3A : memref<!tpu.dma_semaphore, #tpu.memory_space<semaphore_mem>>)
        %dma_wait3A_43 = tpu.memref_slice %arg5[%add3A_30] : memref<327680xf32, #tpu.memory_space<hbm>> -> memref<128xf32, #tpu.memory_space<hbm>>
        %dma_wait3A_44 = tpu.memref_slice %arg5[%add3A_30] : memref<327680xf32, #tpu.memory_space<hbm>> -> memref<128xf32, #tpu.memory_space<hbm>>
        tpu.wait_dma2 semaphore(%run_scoped3A : memref<!tpu.dma_semaphore, #tpu.memory_space<semaphore_mem>>) src(%dma_wait3A_44 : memref<128xf32, #tpu.memory_space<hbm>>) dst(%arg9 : memref<128xf32, #tpu.memory_space<vmem>>)
        tpu.yield
      }) : () -> ()
      %dma_start3A = arith.constant 0 : i32
      %dma_start3A_31 = arith.constant 0 : i32
      %dma_start3A_32 = tpu.memref_slice %arg2[%dma_start3A, %dma_start3A_31] : memref<10240x64xf32, #tpu.memory_space<hbm>> -> memref<10240x64xf32, #tpu.memory_space<hbm>>
      tpu.enqueue_indirect_dma source(%dma_start3A_32 : memref<10240x64xf32, #tpu.memory_space<hbm>>) target(%arg10 : memref<128x64xf32, #tpu.memory_space<vmem>>) offsets(%arg7 : memref<128xi32, #tpu.memory_space<vmem>>) semaphore(%arg12 : memref<!tpu.dma_semaphore, #tpu.memory_space<semaphore_mem>>)
      %dma_wait3A = arith.constant 0 : i32
      %dma_wait3A_33 = arith.constant 0 : i32
      %dma_wait3A_34 = tpu.memref_slice %arg2[%dma_wait3A, %dma_wait3A_33] : memref<10240x64xf32, #tpu.memory_space<hbm>> -> memref<10240x64xf32, #tpu.memory_space<hbm>>
      tpu.wait_indirect_dma semaphore(%arg12 : memref<!tpu.dma_semaphore, #tpu.memory_space<semaphore_mem>>) src(%dma_wait3A_34 : memref<10240x64xf32, #tpu.memory_space<hbm>>) dst(%arg10 : memref<128x64xf32, #tpu.memory_space<vmem>>)
      %scan3A_35 = arith.constant 0 : i32
      %scan3A_36 = arith.constant 0 : i32
      %scan3A_37 = arith.constant 8 : i32
      %scan3A_38 = arith.addi %scan3A_36, %scan3A_37 : i32
      %scan3A_39 = arith.constant 1 : i32
      scf.for %scan3A_41 = %scan3A_36 to %scan3A_38 step %scan3A_39  : i32 {
        %mul3A_42 = arith.constant 16 : i32
        %mul3A_43 = arith.muli %scan3A_41, %mul3A_42 : i32
        %get3A = arith.index_cast %mul3A_43 : i32 to index
        %get3A_44 = tpu.vector_load %arg9[%get3A] {strides = array<i32>} : memref<128xf32, #tpu.memory_space<vmem>>, vector<16xf32>,
        %get3A_45 = vector.shape_cast %get3A_44 : vector<16xf32> to vector<16xf32>
        %mul3A_46 = arith.constant 16 : i32
        %mul3A_47 = arith.muli %scan3A_41, %mul3A_46 : i32
        %add3A_48 = arith.constant 0 : i32
        %add3A_49 = arith.addi %mul3A_47, %add3A_48 : i32
        %slice3A = vector.extract_strided_slice %get3A_45 {offsets = [0], sizes = [1], strides = [1]} : vector<16xf32> to vector<1xf32>
        %squeeze3A = vector.extract %slice3A[0] : f32 from vector<1xf32>
        %broadcast_in_dim3A = vector.broadcast %squeeze3A : f32 to vector<16xf32>
        %get3A_50 = arith.index_cast %add3A_49 : i32 to index
        %get3A_51 = arith.constant 0 : index
        %get3A_52 = tpu.vector_load %arg10[%get3A_50, %get3A_51] {strides = array<i32>} : memref<128x64xf32, #tpu.memory_space<vmem>>, vector<1x16xf32>,
        %get3A_53 = vector.shape_cast %get3A_52 : vector<1x16xf32> to vector<16xf32>
        %mul3A_54 = arith.mulf %get3A_53, %broadcast_in_dim3A : vector<16xf32>
        %swap3A = arith.index_cast %add3A_49 : i32 to index
        %swap3A_55 = arith.constant 0 : index
        %swap3A_56 = tpu.vector_load %arg10[%swap3A, %swap3A_55] {strides = array<i32>} : memref<128x64xf32, #tpu.memory_space<vmem>>, vector<1x16xf32>,
        %swap3A_57 = vector.shape_cast %swap3A_56 : vector<1x16xf32> to vector<16xf32>
        %swap3A_58 = vector.shape_cast %mul3A_54 : vector<16xf32> to vector<1x16xf32>
        tpu.vector_store %arg10[%swap3A, %swap3A_55], %swap3A_58 {strides = array<i32>} : memref<128x64xf32, #tpu.memory_space<vmem>>, vector<1x16xf32>,
        %get3A_59 = arith.index_cast %add3A_49 : i32 to index
        %get3A_60 = arith.constant 16 : index
        %get3A_61 = tpu.vector_load %arg10[%get3A_59, %get3A_60] {strides = array<i32>} : memref<128x64xf32, #tpu.memory_space<vmem>>, vector<1x16xf32>,
        %get3A_62 = vector.shape_cast %get3A_61 : vector<1x16xf32> to vector<16xf32>
        %mul3A_63 = arith.mulf %get3A_62, %broadcast_in_dim3A : vector<16xf32>
        %swap3A_64 = arith.index_cast %add3A_49 : i32 to index
        %swap3A_65 = arith.constant 16 : index
        %swap3A_66 = tpu.vector_load %arg10[%swap3A_64, %swap3A_65] {strides = array<i32>} : memref<128x64xf32, #tpu.memory_space<vmem>>, vector<1x16xf32>,
        %swap3A_67 = vector.shape_cast %swap3A_66 : vector<1x16xf32> to vector<16xf32>
        %swap3A_68 = vector.shape_cast %mul3A_63 : vector<16xf32> to vector<1x16xf32>
        tpu.vector_store %arg10[%swap3A_64, %swap3A_65], %swap3A_68 {strides = array<i32>} : memref<128x64xf32, #tpu.memory_space<vmem>>, vector<1x16xf32>,
        %get3A_69 = arith.index_cast %add3A_49 : i32 to index
        %get3A_70 = arith.constant 32 : index
        %get3A_71 = tpu.vector_load %arg10[%get3A_69, %get3A_70] {strides = array<i32>} : memref<128x64xf32, #tpu.memory_space<vmem>>, vector<1x16xf32>,
        %get3A_72 = vector.shape_cast %get3A_71 : vector<1x16xf32> to vector<16xf32>
        %mul3A_73 = arith.mulf %get3A_72, %broadcast_in_dim3A : vector<16xf32>
        %swap3A_74 = arith.index_cast %add3A_49 : i32 to index
        %swap3A_75 = arith.constant 32 : index
        %swap3A_76 = tpu.vector_load %arg10[%swap3A_74, %swap3A_75] {strides = array<i32>} : memref<128x64xf32, #tpu.memory_space<vmem>>, vector<1x16xf32>,
        %swap3A_77 = vector.shape_cast %swap3A_76 : vector<1x16xf32> to vector<16xf32>
        %swap3A_78 = vector.shape_cast %mul3A_73 : vector<16xf32> to vector<1x16xf32>
        tpu.vector_store %arg10[%swap3A_74, %swap3A_75], %swap3A_78 {strides = array<i32>} : memref<128x64xf32, #tpu.memory_space<vmem>>, vector<1x16xf32>,
        %get3A_79 = arith.index_cast %add3A_49 : i32 to index
        %get3A_80 = arith.constant 48 : index
        %get3A_81 = tpu.vector_load %arg10[%get3A_79, %get3A_80] {strides = array<i32>} : memref<128x64xf32, #tpu.memory_space<vmem>>, vector<1x16xf32>,
        %get3A_82 = vector.shape_cast %get3A_81 : vector<1x16xf32> to vector<16xf32>
        %mul3A_83 = arith.mulf %get3A_82, %broadcast_in_dim3A : vector<16xf32>
        %swap3A_84 = arith.index_cast %add3A_49 : i32 to index
        %swap3A_85 = arith.constant 48 : index
        %swap3A_86 = tpu.vector_load %arg10[%swap3A_84, %swap3A_85] {strides = array<i32>} : memref<128x64xf32, #tpu.memory_space<vmem>>, vector<1x16xf32>,
        %swap3A_87 = vector.shape_cast %swap3A_86 : vector<1x16xf32> to vector<16xf32>
        %swap3A_88 = vector.shape_cast %mul3A_83 : vector<16xf32> to vector<1x16xf32>
        tpu.vector_store %arg10[%swap3A_84, %swap3A_85], %swap3A_88 {strides = array<i32>} : memref<128x64xf32, #tpu.memory_space<vmem>>, vector<1x16xf32>,
        %mul3A_89 = arith.constant 16 : i32
        %mul3A_90 = arith.muli %scan3A_41, %mul3A_89 : i32
        %add3A_91 = arith.constant 1 : i32
        %add3A_92 = arith.addi %mul3A_90, %add3A_91 : i32
        %slice3A_93 = vector.extract_strided_slice %get3A_45 {offsets = [1], sizes = [1], strides = [1]} : vector<16xf32> to vector<1xf32>
        %squeeze3A_94 = vector.extract %slice3A_93[0] : f32 from vector<1xf32>
        %broadcast_in_dim3A_95 = vector.broadcast %squeeze3A_94 : f32 to vector<16xf32>
        %get3A_96 = arith.index_cast %add3A_92 : i32 to index
        %get3A_97 = arith.constant 0 : index
        %get3A_98 = tpu.vector_load %arg10[%get3A_96, %get3A_97] {strides = array<i32>} : memref<128x64xf32, #tpu.memory_space<vmem>>, vector<1x16xf32>,
        %get3A_99 = vector.shape_cast %get3A_98 : vector<1x16xf32> to vector<16xf32>
        %mul3A_100 = arith.mulf %get3A_99, %broadcast_in_dim3A_95 : vector<16xf32>
        %swap3A_101 = arith.index_cast %add3A_92 : i32 to index
        %swap3A_102 = arith.constant 0 : index
        %swap3A_103 = tpu.vector_load %arg10[%swap3A_101, %swap3A_102] {strides = array<i32>} : memref<128x64xf32, #tpu.memory_space<vmem>>, vector<1x16xf32>,
        %swap3A_104 = vector.shape_cast %swap3A_103 : vector<1x16xf32> to vector<16xf32>
        %swap3A_105 = vector.shape_cast %mul3A_100 : vector<16xf32> to vector<1x16xf32>
        tpu.vector_store %arg10[%swap3A_101, %swap3A_102], %swap3A_105 {strides = array<i32>} : memref<128x64xf32, #tpu.memory_space<vmem>>, vector<1x16xf32>,
        %get3A_106 = arith.index_cast %add3A_92 : i32 to index
        %get3A_107 = arith.constant 16 : index
        %get3A_108 = tpu.vector_load %arg10[%get3A_106, %get3A_107] {strides = array<i32>} : memref<128x64xf32, #tpu.memory_space<vmem>>, vector<1x16xf32>,
        %get3A_109 = vector.shape_cast %get3A_108 : vector<1x16xf32> to vector<16xf32>
        %mul3A_110 = arith.mulf %get3A_109, %broadcast_in_dim3A_95 : vector<16xf32>
        %swap3A_111 = arith.index_cast %add3A_92 : i32 to index
        %swap3A_112 = arith.constant 16 : index
        %swap3A_113 = tpu.vector_load %arg10[%swap3A_111, %swap3A_112] {strides = array<i32>} : memref<128x64xf32, #tpu.memory_space<vmem>>, vector<1x16xf32>,
        %swap3A_114 = vector.shape_cast %swap3A_113 : vector<1x16xf32> to vector<16xf32>
        %swap3A_115 = vector.shape_cast %mul3A_110 : vector<16xf32> to vector<1x16xf32>
        tpu.vector_store %arg10[%swap3A_111, %swap3A_112], %swap3A_115 {strides = array<i32>} : memref<128x64xf32, #tpu.memory_space<vmem>>, vector<1x16xf32>,
        %get3A_116 = arith.index_cast %add3A_92 : i32 to index
        %get3A_117 = arith.constant 32 : index
        %get3A_118 = tpu.vector_load %arg10[%get3A_116, %get3A_117] {strides = array<i32>} : memref<128x64xf32, #tpu.memory_space<vmem>>, vector<1x16xf32>,
        %get3A_119 = vector.shape_cast %get3A_118 : vector<1x16xf32> to vector<16xf32>
        %mul3A_120 = arith.mulf %get3A_119, %broadcast_in_dim3A_95 : vector<16xf32>
        %swap3A_121 = arith.index_cast %add3A_92 : i32 to index
        %swap3A_122 = arith.constant 32 : index
        %swap3A_123 = tpu.vector_load %arg10[%swap3A_121, %swap3A_122] {strides = array<i32>} : memref<128x64xf32, #tpu.memory_space<vmem>>, vector<1x16xf32>,
        %swap3A_124 = vector.shape_cast %swap3A_123 : vector<1x16xf32> to vector<16xf32>
        %swap3A_125 = vector.shape_cast %mul3A_120 : vector<16xf32> to vector<1x16xf32>
        tpu.vector_store %arg10[%swap3A_121, %swap3A_122], %swap3A_125 {strides = array<i32>} : memref<128x64xf32, #tpu.memory_space<vmem>>, vector<1x16xf32>,
        %get3A_126 = arith.index_cast %add3A_92 : i32 to index
        %get3A_127 = arith.constant 48 : index
        %get3A_128 = tpu.vector_load %arg10[%get3A_126, %get3A_127] {strides = array<i32>} : memref<128x64xf32, #tpu.memory_space<vmem>>, vector<1x16xf32>,
        %get3A_129 = vector.shape_cast %get3A_128 : vector<1x16xf32> to vector<16xf32>
        %mul3A_130 = arith.mulf %get3A_129, %broadcast_in_dim3A_95 : vector<16xf32>
        %swap3A_131 = arith.index_cast %add3A_92 : i32 to index
        %swap3A_132 = arith.constant 48 : index
        %swap3A_133 = tpu.vector_load %arg10[%swap3A_131, %swap3A_132] {strides = array<i32>} : memref<128x64xf32, #tpu.memory_space<vmem>>, vector<1x16xf32>,
        %swap3A_134 = vector.shape_cast %swap3A_133 : vector<1x16xf32> to vector<16xf32>
        %swap3A_135 = vector.shape_cast %mul3A_130 : vector<16xf32> to vector<1x16xf32>
        tpu.vector_store %arg10[%swap3A_131, %swap3A_132], %swap3A_135 {strides = array<i32>} : memref<128x64xf32, #tpu.memory_space<vmem>>, vector<1x16xf32>,
        %mul3A_136 = arith.constant 16 : i32
        %mul3A_137 = arith.muli %scan3A_41, %mul3A_136 : i32
        %add3A_138 = arith.constant 2 : i32
        %add3A_139 = arith.addi %mul3A_137, %add3A_138 : i32
        %slice3A_140 = vector.extract_strided_slice %get3A_45 {offsets = [2], sizes = [1], strides = [1]} : vector<16xf32> to vector<1xf32>
        %squeeze3A_141 = vector.extract %slice3A_140[0] : f32 from vector<1xf32>
        %broadcast_in_dim3A_142 = vector.broadcast %squeeze3A_141 : f32 to vector<16xf32>
        %get3A_143 = arith.index_cast %add3A_139 : i32 to index
        %get3A_144 = arith.constant 0 : index
        %get3A_145 = tpu.vector_load %arg10[%get3A_143, %get3A_144] {strides = array<i32>} : memref<128x64xf32, #tpu.memory_space<vmem>>, vector<1x16xf32>,
        %get3A_146 = vector.shape_cast %get3A_145 : vector<1x16xf32> to vector<16xf32>
        %mul3A_147 = arith.mulf %get3A_146, %broadcast_in_dim3A_142 : vector<16xf32>
        %swap3A_148 = arith.index_cast %add3A_139 : i32 to index
        %swap3A_149 = arith.constant 0 : index
        %swap3A_150 = tpu.vector_load %arg10[%swap3A_148, %swap3A_149] {strides = array<i32>} : memref<128x64xf32, #tpu.memory_space<vmem>>, vector<1x16xf32>,
        %swap3A_151 = vector.shape_cast %swap3A_150 : vector<1x16xf32> to vector<16xf32>
        %swap3A_152 = vector.shape_cast %mul3A_147 : vector<16xf32> to vector<1x16xf32>
        tpu.vector_store %arg10[%swap3A_148, %swap3A_149], %swap3A_152 {strides = array<i32>} : memref<128x64xf32, #tpu.memory_space<vmem>>, vector<1x16xf32>,
        %get3A_153 = arith.index_cast %add3A_139 : i32 to index
        %get3A_154 = arith.constant 16 : index
        %get3A_155 = tpu.vector_load %arg10[%get3A_153, %get3A_154] {strides = array<i32>} : memref<128x64xf32, #tpu.memory_space<vmem>>, vector<1x16xf32>,
        %get3A_156 = vector.shape_cast %get3A_155 : vector<1x16xf32> to vector<16xf32>
        %mul3A_157 = arith.mulf %get3A_156, %broadcast_in_dim3A_142 : vector<16xf32>
        %swap3A_158 = arith.index_cast %add3A_139 : i32 to index
        %swap3A_159 = arith.constant 16 : index
        %swap3A_160 = tpu.vector_load %arg10[%swap3A_158, %swap3A_159] {strides = array<i32>} : memref<128x64xf32, #tpu.memory_space<vmem>>, vector<1x16xf32>,
        %swap3A_161 = vector.shape_cast %swap3A_160 : vector<1x16xf32> to vector<16xf32>
        %swap3A_162 = vector.shape_cast %mul3A_157 : vector<16xf32> to vector<1x16xf32>
        tpu.vector_store %arg10[%swap3A_158, %swap3A_159], %swap3A_162 {strides = array<i32>} : memref<128x64xf32, #tpu.memory_space<vmem>>, vector<1x16xf32>,
        %get3A_163 = arith.index_cast %add3A_139 : i32 to index
        %get3A_164 = arith.constant 32 : index
        %get3A_165 = tpu.vector_load %arg10[%get3A_163, %get3A_164] {strides = array<i32>} : memref<128x64xf32, #tpu.memory_space<vmem>>, vector<1x16xf32>,
        %get3A_166 = vector.shape_cast %get3A_165 : vector<1x16xf32> to vector<16xf32>
        %mul3A_167 = arith.mulf %get3A_166, %broadcast_in_dim3A_142 : vector<16xf32>
        %swap3A_168 = arith.index_cast %add3A_139 : i32 to index
        %swap3A_169 = arith.constant 32 : index
        %swap3A_170 = tpu.vector_load %arg10[%swap3A_168, %swap3A_169] {strides = array<i32>} : memref<128x64xf32, #tpu.memory_space<vmem>>, vector<1x16xf32>,
        %swap3A_171 = vector.shape_cast %swap3A_170 : vector<1x16xf32> to vector<16xf32>
        %swap3A_172 = vector.shape_cast %mul3A_167 : vector<16xf32> to vector<1x16xf32>
        tpu.vector_store %arg10[%swap3A_168, %swap3A_169], %swap3A_172 {strides = array<i32>} : memref<128x64xf32, #tpu.memory_space<vmem>>, vector<1x16xf32>,
        %get3A_173 = arith.index_cast %add3A_139 : i32 to index
        %get3A_174 = arith.constant 48 : index
        %get3A_175 = tpu.vector_load %arg10[%get3A_173, %get3A_174] {strides = array<i32>} : memref<128x64xf32, #tpu.memory_space<vmem>>, vector<1x16xf32>,
        %get3A_176 = vector.shape_cast %get3A_175 : vector<1x16xf32> to vector<16xf32>
        %mul3A_177 = arith.mulf %get3A_176, %broadcast_in_dim3A_142 : vector<16xf32>
        %swap3A_178 = arith.index_cast %add3A_139 : i32 to index
        %swap3A_179 = arith.constant 48 : index
        %swap3A_180 = tpu.vector_load %arg10[%swap3A_178, %swap3A_179] {strides = array<i32>} : memref<128x64xf32, #tpu.memory_space<vmem>>, vector<1x16xf32>,
        %swap3A_181 = vector.shape_cast %swap3A_180 : vector<1x16xf32> to vector<16xf32>
        %swap3A_182 = vector.shape_cast %mul3A_177 : vector<16xf32> to vector<1x16xf32>
        tpu.vector_store %arg10[%swap3A_178, %swap3A_179], %swap3A_182 {strides = array<i32>} : memref<128x64xf32, #tpu.memory_space<vmem>>, vector<1x16xf32>,
        %mul3A_183 = arith.constant 16 : i32
        %mul3A_184 = arith.muli %scan3A_41, %mul3A_183 : i32
        %add3A_185 = arith.constant 3 : i32
        %add3A_186 = arith.addi %mul3A_184, %add3A_185 : i32
        %slice3A_187 = vector.extract_strided_slice %get3A_45 {offsets = [3], sizes = [1], strides = [1]} : vector<16xf32> to vector<1xf32>
        %squeeze3A_188 = vector.extract %slice3A_187[0] : f32 from vector<1xf32>
        %broadcast_in_dim3A_189 = vector.broadcast %squeeze3A_188 : f32 to vector<16xf32>
        %get3A_190 = arith.index_cast %add3A_186 : i32 to index
        %get3A_191 = arith.constant 0 : index
        %get3A_192 = tpu.vector_load %arg10[%get3A_190, %get3A_191] {strides = array<i32>} : memref<128x64xf32, #tpu.memory_space<vmem>>, vector<1x16xf32>,
        %get3A_193 = vector.shape_cast %get3A_192 : vector<1x16xf32> to vector<16xf32>
        %mul3A_194 = arith.mulf %get3A_193, %broadcast_in_dim3A_189 : vector<16xf32>
        %swap3A_195 = arith.index_cast %add3A_186 : i32 to index
        %swap3A_196 = arith.constant 0 : index
        %swap3A_197 = tpu.vector_load %arg10[%swap3A_195, %swap3A_196] {strides = array<i32>} : memref<128x64xf32, #tpu.memory_space<vmem>>, vector<1x16xf32>,
        %swap3A_198 = vector.shape_cast %swap3A_197 : vector<1x16xf32> to vector<16xf32>
        %swap3A_199 = vector.shape_cast %mul3A_194 : vector<16xf32> to vector<1x16xf32>
        tpu.vector_store %arg10[%swap3A_195, %swap3A_196], %swap3A_199 {strides = array<i32>} : memref<128x64xf32, #tpu.memory_space<vmem>>, vector<1x16xf32>,
        %get3A_200 = arith.index_cast %add3A_186 : i32 to index
        %get3A_201 = arith.constant 16 : index
        %get3A_202 = tpu.vector_load %arg10[%get3A_200, %get3A_201] {strides = array<i32>} : memref<128x64xf32, #tpu.memory_space<vmem>>, vector<1x16xf32>,
        %get3A_203 = vector.shape_cast %get3A_202 : vector<1x16xf32> to vector<16xf32>
        %mul3A_204 = arith.mulf %get3A_203, %broadcast_in_dim3A_189 : vector<16xf32>
        %swap3A_205 = arith.index_cast %add3A_186 : i32 to index
        %swap3A_206 = arith.constant 16 : index
        %swap3A_207 = tpu.vector_load %arg10[%swap3A_205, %swap3A_206] {strides = array<i32>} : memref<128x64xf32, #tpu.memory_space<vmem>>, vector<1x16xf32>,
        %swap3A_208 = vector.shape_cast %swap3A_207 : vector<1x16xf32> to vector<16xf32>
        %swap3A_209 = vector.shape_cast %mul3A_204 : vector<16xf32> to vector<1x16xf32>
        tpu.vector_store %arg10[%swap3A_205, %swap3A_206], %swap3A_209 {strides = array<i32>} : memref<128x64xf32, #tpu.memory_space<vmem>>, vector<1x16xf32>,
        %get3A_210 = arith.index_cast %add3A_186 : i32 to index
        %get3A_211 = arith.constant 32 : index
        %get3A_212 = tpu.vector_load %arg10[%get3A_210, %get3A_211] {strides = array<i32>} : memref<128x64xf32, #tpu.memory_space<vmem>>, vector<1x16xf32>,
        %get3A_213 = vector.shape_cast %get3A_212 : vector<1x16xf32> to vector<16xf32>
        %mul3A_214 = arith.mulf %get3A_213, %broadcast_in_dim3A_189 : vector<16xf32>
        %swap3A_215 = arith.index_cast %add3A_186 : i32 to index
        %swap3A_216 = arith.constant 32 : index
        %swap3A_217 = tpu.vector_load %arg10[%swap3A_215, %swap3A_216] {strides = array<i32>} : memref<128x64xf32, #tpu.memory_space<vmem>>, vector<1x16xf32>,
        %swap3A_218 = vector.shape_cast %swap3A_217 : vector<1x16xf32> to vector<16xf32>
        %swap3A_219 = vector.shape_cast %mul3A_214 : vector<16xf32> to vector<1x16xf32>
        tpu.vector_store %arg10[%swap3A_215, %swap3A_216], %swap3A_219 {strides = array<i32>} : memref<128x64xf32, #tpu.memory_space<vmem>>, vector<1x16xf32>,
        %get3A_220 = arith.index_cast %add3A_186 : i32 to index
        %get3A_221 = arith.constant 48 : index
        %get3A_222 = tpu.vector_load %arg10[%get3A_220, %get3A_221] {strides = array<i32>} : memref<128x64xf32, #tpu.memory_space<vmem>>, vector<1x16xf32>,
        %get3A_223 = vector.shape_cast %get3A_222 : vector<1x16xf32> to vector<16xf32>
        %mul3A_224 = arith.mulf %get3A_223, %broadcast_in_dim3A_189 : vector<16xf32>
        %swap3A_225 = arith.index_cast %add3A_186 : i32 to index
        %swap3A_226 = arith.constant 48 : index
        %swap3A_227 = tpu.vector_load %arg10[%swap3A_225, %swap3A_226] {strides = array<i32>} : memref<128x64xf32, #tpu.memory_space<vmem>>, vector<1x16xf32>,
        %swap3A_228 = vector.shape_cast %swap3A_227 : vector<1x16xf32> to vector<16xf32>
        %swap3A_229 = vector.shape_cast %mul3A_224 : vector<16xf32> to vector<1x16xf32>
        tpu.vector_store %arg10[%swap3A_225, %swap3A_226], %swap3A_229 {strides = array<i32>} : memref<128x64xf32, #tpu.memory_space<vmem>>, vector<1x16xf32>,
        %mul3A_230 = arith.constant 16 : i32
        %mul3A_231 = arith.muli %scan3A_41, %mul3A_230 : i32
        %add3A_232 = arith.constant 4 : i32
        %add3A_233 = arith.addi %mul3A_231, %add3A_232 : i32
        %slice3A_234 = vector.extract_strided_slice %get3A_45 {offsets = [4], sizes = [1], strides = [1]} : vector<16xf32> to vector<1xf32>
        %squeeze3A_235 = vector.extract %slice3A_234[0] : f32 from vector<1xf32>
        %broadcast_in_dim3A_236 = vector.broadcast %squeeze3A_235 : f32 to vector<16xf32>
        %get3A_237 = arith.index_cast %add3A_233 : i32 to index
        %get3A_238 = arith.constant 0 : index
        %get3A_239 = tpu.vector_load %arg10[%get3A_237, %get3A_238] {strides = array<i32>} : memref<128x64xf32, #tpu.memory_space<vmem>>, vector<1x16xf32>,
        %get3A_240 = vector.shape_cast %get3A_239 : vector<1x16xf32> to vector<16xf32>
        %mul3A_241 = arith.mulf %get3A_240, %broadcast_in_dim3A_236 : vector<16xf32>
        %swap3A_242 = arith.index_cast %add3A_233 : i32 to index
        %swap3A_243 = arith.constant 0 : index
        %swap3A_244 = tpu.vector_load %arg10[%swap3A_242, %swap3A_243] {strides = array<i32>} : memref<128x64xf32, #tpu.memory_space<vmem>>, vector<1x16xf32>,
        %swap3A_245 = vector.shape_cast %swap3A_244 : vector<1x16xf32> to vector<16xf32>
        %swap3A_246 = vector.shape_cast %mul3A_241 : vector<16xf32> to vector<1x16xf32>
        tpu.vector_store %arg10[%swap3A_242, %swap3A_243], %swap3A_246 {strides = array<i32>} : memref<128x64xf32, #tpu.memory_space<vmem>>, vector<1x16xf32>,
        %get3A_247 = arith.index_cast %add3A_233 : i32 to index
        %get3A_248 = arith.constant 16 : index
        %get3A_249 = tpu.vector_load %arg10[%get3A_247, %get3A_248] {strides = array<i32>} : memref<128x64xf32, #tpu.memory_space<vmem>>, vector<1x16xf32>,
        %get3A_250 = vector.shape_cast %get3A_249 : vector<1x16xf32> to vector<16xf32>
        %mul3A_251 = arith.mulf %get3A_250, %broadcast_in_dim3A_236 : vector<16xf32>
        %swap3A_252 = arith.index_cast %add3A_233 : i32 to index
        %swap3A_253 = arith.constant 16 : index
        %swap3A_254 = tpu.vector_load %arg10[%swap3A_252, %swap3A_253] {strides = array<i32>} : memref<128x64xf32, #tpu.memory_space<vmem>>, vector<1x16xf32>,
        %swap3A_255 = vector.shape_cast %swap3A_254 : vector<1x16xf32> to vector<16xf32>
        %swap3A_256 = vector.shape_cast %mul3A_251 : vector<16xf32> to vector<1x16xf32>
        tpu.vector_store %arg10[%swap3A_252, %swap3A_253], %swap3A_256 {strides = array<i32>} : memref<128x64xf32, #tpu.memory_space<vmem>>, vector<1x16xf32>,
        %get3A_257 = arith.index_cast %add3A_233 : i32 to index
        %get3A_258 = arith.constant 32 : index
        %get3A_259 = tpu.vector_load %arg10[%get3A_257, %get3A_258] {strides = array<i32>} : memref<128x64xf32, #tpu.memory_space<vmem>>, vector<1x16xf32>,
        %get3A_260 = vector.shape_cast %get3A_259 : vector<1x16xf32> to vector<16xf32>
        %mul3A_261 = arith.mulf %get3A_260, %broadcast_in_dim3A_236 : vector<16xf32>
        %swap3A_262 = arith.index_cast %add3A_233 : i32 to index
        %swap3A_263 = arith.constant 32 : index
        %swap3A_264 = tpu.vector_load %arg10[%swap3A_262, %swap3A_263] {strides = array<i32>} : memref<128x64xf32, #tpu.memory_space<vmem>>, vector<1x16xf32>,
        %swap3A_265 = vector.shape_cast %swap3A_264 : vector<1x16xf32> to vector<16xf32>
        %swap3A_266 = vector.shape_cast %mul3A_261 : vector<16xf32> to vector<1x16xf32>
        tpu.vector_store %arg10[%swap3A_262, %swap3A_263], %swap3A_266 {strides = array<i32>} : memref<128x64xf32, #tpu.memory_space<vmem>>, vector<1x16xf32>,
        %get3A_267 = arith.index_cast %add3A_233 : i32 to index
        %get3A_268 = arith.constant 48 : index
        %get3A_269 = tpu.vector_load %arg10[%get3A_267, %get3A_268] {strides = array<i32>} : memref<128x64xf32, #tpu.memory_space<vmem>>, vector<1x16xf32>,
        %get3A_270 = vector.shape_cast %get3A_269 : vector<1x16xf32> to vector<16xf32>
        %mul3A_271 = arith.mulf %get3A_270, %broadcast_in_dim3A_236 : vector<16xf32>
        %swap3A_272 = arith.index_cast %add3A_233 : i32 to index
        %swap3A_273 = arith.constant 48 : index
        %swap3A_274 = tpu.vector_load %arg10[%swap3A_272, %swap3A_273] {strides = array<i32>} : memref<128x64xf32, #tpu.memory_space<vmem>>, vector<1x16xf32>,
        %swap3A_275 = vector.shape_cast %swap3A_274 : vector<1x16xf32> to vector<16xf32>
        %swap3A_276 = vector.shape_cast %mul3A_271 : vector<16xf32> to vector<1x16xf32>
        tpu.vector_store %arg10[%swap3A_272, %swap3A_273], %swap3A_276 {strides = array<i32>} : memref<128x64xf32, #tpu.memory_space<vmem>>, vector<1x16xf32>,
        %mul3A_277 = arith.constant 16 : i32
        %mul3A_278 = arith.muli %scan3A_41, %mul3A_277 : i32
        %add3A_279 = arith.constant 5 : i32
        %add3A_280 = arith.addi %mul3A_278, %add3A_279 : i32
        %slice3A_281 = vector.extract_strided_slice %get3A_45 {offsets = [5], sizes = [1], strides = [1]} : vector<16xf32> to vector<1xf32>
        %squeeze3A_282 = vector.extract %slice3A_281[0] : f32 from vector<1xf32>
        %broadcast_in_dim3A_283 = vector.broadcast %squeeze3A_282 : f32 to vector<16xf32>
        %get3A_284 = arith.index_cast %add3A_280 : i32 to index
        %get3A_285 = arith.constant 0 : index
        %get3A_286 = tpu.vector_load %arg10[%get3A_284, %get3A_285] {strides = array<i32>} : memref<128x64xf32, #tpu.memory_space<vmem>>, vector<1x16xf32>,
        %get3A_287 = vector.shape_cast %get3A_286 : vector<1x16xf32> to vector<16xf32>
        %mul3A_288 = arith.mulf %get3A_287, %broadcast_in_dim3A_283 : vector<16xf32>
        %swap3A_289 = arith.index_cast %add3A_280 : i32 to index
        %swap3A_290 = arith.constant 0 : index
        %swap3A_291 = tpu.vector_load %arg10[%swap3A_289, %swap3A_290] {strides = array<i32>} : memref<128x64xf32, #tpu.memory_space<vmem>>, vector<1x16xf32>,
        %swap3A_292 = vector.shape_cast %swap3A_291 : vector<1x16xf32> to vector<16xf32>
        %swap3A_293 = vector.shape_cast %mul3A_288 : vector<16xf32> to vector<1x16xf32>
        tpu.vector_store %arg10[%swap3A_289, %swap3A_290], %swap3A_293 {strides = array<i32>} : memref<128x64xf32, #tpu.memory_space<vmem>>, vector<1x16xf32>,
        %get3A_294 = arith.index_cast %add3A_280 : i32 to index
        %get3A_295 = arith.constant 16 : index
        %get3A_296 = tpu.vector_load %arg10[%get3A_294, %get3A_295] {strides = array<i32>} : memref<128x64xf32, #tpu.memory_space<vmem>>, vector<1x16xf32>,
        %get3A_297 = vector.shape_cast %get3A_296 : vector<1x16xf32> to vector<16xf32>
        %mul3A_298 = arith.mulf %get3A_297, %broadcast_in_dim3A_283 : vector<16xf32>
        %swap3A_299 = arith.index_cast %add3A_280 : i32 to index
        %swap3A_300 = arith.constant 16 : index
        %swap3A_301 = tpu.vector_load %arg10[%swap3A_299, %swap3A_300] {strides = array<i32>} : memref<128x64xf32, #tpu.memory_space<vmem>>, vector<1x16xf32>,
        %swap3A_302 = vector.shape_cast %swap3A_301 : vector<1x16xf32> to vector<16xf32>
        %swap3A_303 = vector.shape_cast %mul3A_298 : vector<16xf32> to vector<1x16xf32>
        tpu.vector_store %arg10[%swap3A_299, %swap3A_300], %swap3A_303 {strides = array<i32>} : memref<128x64xf32, #tpu.memory_space<vmem>>, vector<1x16xf32>,
        %get3A_304 = arith.index_cast %add3A_280 : i32 to index
        %get3A_305 = arith.constant 32 : index
        %get3A_306 = tpu.vector_load %arg10[%get3A_304, %get3A_305] {strides = array<i32>} : memref<128x64xf32, #tpu.memory_space<vmem>>, vector<1x16xf32>,
        %get3A_307 = vector.shape_cast %get3A_306 : vector<1x16xf32> to vector<16xf32>
        %mul3A_308 = arith.mulf %get3A_307, %broadcast_in_dim3A_283 : vector<16xf32>
        %swap3A_309 = arith.index_cast %add3A_280 : i32 to index
        %swap3A_310 = arith.constant 32 : index
        %swap3A_311 = tpu.vector_load %arg10[%swap3A_309, %swap3A_310] {strides = array<i32>} : memref<128x64xf32, #tpu.memory_space<vmem>>, vector<1x16xf32>,
        %swap3A_312 = vector.shape_cast %swap3A_311 : vector<1x16xf32> to vector<16xf32>
        %swap3A_313 = vector.shape_cast %mul3A_308 : vector<16xf32> to vector<1x16xf32>
        tpu.vector_store %arg10[%swap3A_309, %swap3A_310], %swap3A_313 {strides = array<i32>} : memref<128x64xf32, #tpu.memory_space<vmem>>, vector<1x16xf32>,
        %get3A_314 = arith.index_cast %add3A_280 : i32 to index
        %get3A_315 = arith.constant 48 : index
        %get3A_316 = tpu.vector_load %arg10[%get3A_314, %get3A_315] {strides = array<i32>} : memref<128x64xf32, #tpu.memory_space<vmem>>, vector<1x16xf32>,
        %get3A_317 = vector.shape_cast %get3A_316 : vector<1x16xf32> to vector<16xf32>
        %mul3A_318 = arith.mulf %get3A_317, %broadcast_in_dim3A_283 : vector<16xf32>
        %swap3A_319 = arith.index_cast %add3A_280 : i32 to index
        %swap3A_320 = arith.constant 48 : index
        %swap3A_321 = tpu.vector_load %arg10[%swap3A_319, %swap3A_320] {strides = array<i32>} : memref<128x64xf32, #tpu.memory_space<vmem>>, vector<1x16xf32>,
        %swap3A_322 = vector.shape_cast %swap3A_321 : vector<1x16xf32> to vector<16xf32>
        %swap3A_323 = vector.shape_cast %mul3A_318 : vector<16xf32> to vector<1x16xf32>
        tpu.vector_store %arg10[%swap3A_319, %swap3A_320], %swap3A_323 {strides = array<i32>} : memref<128x64xf32, #tpu.memory_space<vmem>>, vector<1x16xf32>,
        %mul3A_324 = arith.constant 16 : i32
        %mul3A_325 = arith.muli %scan3A_41, %mul3A_324 : i32
        %add3A_326 = arith.constant 6 : i32
        %add3A_327 = arith.addi %mul3A_325, %add3A_326 : i32
        %slice3A_328 = vector.extract_strided_slice %get3A_45 {offsets = [6], sizes = [1], strides = [1]} : vector<16xf32> to vector<1xf32>
        %squeeze3A_329 = vector.extract %slice3A_328[0] : f32 from vector<1xf32>
        %broadcast_in_dim3A_330 = vector.broadcast %squeeze3A_329 : f32 to vector<16xf32>
        %get3A_331 = arith.index_cast %add3A_327 : i32 to index
        %get3A_332 = arith.constant 0 : index
        %get3A_333 = tpu.vector_load %arg10[%get3A_331, %get3A_332] {strides = array<i32>} : memref<128x64xf32, #tpu.memory_space<vmem>>, vector<1x16xf32>,
        %get3A_334 = vector.shape_cast %get3A_333 : vector<1x16xf32> to vector<16xf32>
        %mul3A_335 = arith.mulf %get3A_334, %broadcast_in_dim3A_330 : vector<16xf32>
        %swap3A_336 = arith.index_cast %add3A_327 : i32 to index
        %swap3A_337 = arith.constant 0 : index
        %swap3A_338 = tpu.vector_load %arg10[%swap3A_336, %swap3A_337] {strides = array<i32>} : memref<128x64xf32, #tpu.memory_space<vmem>>, vector<1x16xf32>,
        %swap3A_339 = vector.shape_cast %swap3A_338 : vector<1x16xf32> to vector<16xf32>
        %swap3A_340 = vector.shape_cast %mul3A_335 : vector<16xf32> to vector<1x16xf32>
        tpu.vector_store %arg10[%swap3A_336, %swap3A_337], %swap3A_340 {strides = array<i32>} : memref<128x64xf32, #tpu.memory_space<vmem>>, vector<1x16xf32>,
        %get3A_341 = arith.index_cast %add3A_327 : i32 to index
        %get3A_342 = arith.constant 16 : index
        %get3A_343 = tpu.vector_load %arg10[%get3A_341, %get3A_342] {strides = array<i32>} : memref<128x64xf32, #tpu.memory_space<vmem>>, vector<1x16xf32>,
        %get3A_344 = vector.shape_cast %get3A_343 : vector<1x16xf32> to vector<16xf32>
        %mul3A_345 = arith.mulf %get3A_344, %broadcast_in_dim3A_330 : vector<16xf32>
        %swap3A_346 = arith.index_cast %add3A_327 : i32 to index
        %swap3A_347 = arith.constant 16 : index
        %swap3A_348 = tpu.vector_load %arg10[%swap3A_346, %swap3A_347] {strides = array<i32>} : memref<128x64xf32, #tpu.memory_space<vmem>>, vector<1x16xf32>,
        %swap3A_349 = vector.shape_cast %swap3A_348 : vector<1x16xf32> to vector<16xf32>
        %swap3A_350 = vector.shape_cast %mul3A_345 : vector<16xf32> to vector<1x16xf32>
        tpu.vector_store %arg10[%swap3A_346, %swap3A_347], %swap3A_350 {strides = array<i32>} : memref<128x64xf32, #tpu.memory_space<vmem>>, vector<1x16xf32>,
        %get3A_351 = arith.index_cast %add3A_327 : i32 to index
        %get3A_352 = arith.constant 32 : index
        %get3A_353 = tpu.vector_load %arg10[%get3A_351, %get3A_352] {strides = array<i32>} : memref<128x64xf32, #tpu.memory_space<vmem>>, vector<1x16xf32>,
        %get3A_354 = vector.shape_cast %get3A_353 : vector<1x16xf32> to vector<16xf32>
        %mul3A_355 = arith.mulf %get3A_354, %broadcast_in_dim3A_330 : vector<16xf32>
        %swap3A_356 = arith.index_cast %add3A_327 : i32 to index
        %swap3A_357 = arith.constant 32 : index
        %swap3A_358 = tpu.vector_load %arg10[%swap3A_356, %swap3A_357] {strides = array<i32>} : memref<128x64xf32, #tpu.memory_space<vmem>>, vector<1x16xf32>,
        %swap3A_359 = vector.shape_cast %swap3A_358 : vector<1x16xf32> to vector<16xf32>
        %swap3A_360 = vector.shape_cast %mul3A_355 : vector<16xf32> to vector<1x16xf32>
        tpu.vector_store %arg10[%swap3A_356, %swap3A_357], %swap3A_360 {strides = array<i32>} : memref<128x64xf32, #tpu.memory_space<vmem>>, vector<1x16xf32>,
        %get3A_361 = arith.index_cast %add3A_327 : i32 to index
        %get3A_362 = arith.constant 48 : index
        %get3A_363 = tpu.vector_load %arg10[%get3A_361, %get3A_362] {strides = array<i32>} : memref<128x64xf32, #tpu.memory_space<vmem>>, vector<1x16xf32>,
        %get3A_364 = vector.shape_cast %get3A_363 : vector<1x16xf32> to vector<16xf32>
        %mul3A_365 = arith.mulf %get3A_364, %broadcast_in_dim3A_330 : vector<16xf32>
        %swap3A_366 = arith.index_cast %add3A_327 : i32 to index
        %swap3A_367 = arith.constant 48 : index
        %swap3A_368 = tpu.vector_load %arg10[%swap3A_366, %swap3A_367] {strides = array<i32>} : memref<128x64xf32, #tpu.memory_space<vmem>>, vector<1x16xf32>,
        %swap3A_369 = vector.shape_cast %swap3A_368 : vector<1x16xf32> to vector<16xf32>
        %swap3A_370 = vector.shape_cast %mul3A_365 : vector<16xf32> to vector<1x16xf32>
        tpu.vector_store %arg10[%swap3A_366, %swap3A_367], %swap3A_370 {strides = array<i32>} : memref<128x64xf32, #tpu.memory_space<vmem>>, vector<1x16xf32>,
        %mul3A_371 = arith.constant 16 : i32
        %mul3A_372 = arith.muli %scan3A_41, %mul3A_371 : i32
        %add3A_373 = arith.constant 7 : i32
        %add3A_374 = arith.addi %mul3A_372, %add3A_373 : i32
        %slice3A_375 = vector.extract_strided_slice %get3A_45 {offsets = [7], sizes = [1], strides = [1]} : vector<16xf32> to vector<1xf32>
        %squeeze3A_376 = vector.extract %slice3A_375[0] : f32 from vector<1xf32>
        %broadcast_in_dim3A_377 = vector.broadcast %squeeze3A_376 : f32 to vector<16xf32>
        %get3A_378 = arith.index_cast %add3A_374 : i32 to index
        %get3A_379 = arith.constant 0 : index
        %get3A_380 = tpu.vector_load %arg10[%get3A_378, %get3A_379] {strides = array<i32>} : memref<128x64xf32, #tpu.memory_space<vmem>>, vector<1x16xf32>,
        %get3A_381 = vector.shape_cast %get3A_380 : vector<1x16xf32> to vector<16xf32>
        %mul3A_382 = arith.mulf %get3A_381, %broadcast_in_dim3A_377 : vector<16xf32>
        %swap3A_383 = arith.index_cast %add3A_374 : i32 to index
        %swap3A_384 = arith.constant 0 : index
        %swap3A_385 = tpu.vector_load %arg10[%swap3A_383, %swap3A_384] {strides = array<i32>} : memref<128x64xf32, #tpu.memory_space<vmem>>, vector<1x16xf32>,
        %swap3A_386 = vector.shape_cast %swap3A_385 : vector<1x16xf32> to vector<16xf32>
        %swap3A_387 = vector.shape_cast %mul3A_382 : vector<16xf32> to vector<1x16xf32>
        tpu.vector_store %arg10[%swap3A_383, %swap3A_384], %swap3A_387 {strides = array<i32>} : memref<128x64xf32, #tpu.memory_space<vmem>>, vector<1x16xf32>,
        %get3A_388 = arith.index_cast %add3A_374 : i32 to index
        %get3A_389 = arith.constant 16 : index
        %get3A_390 = tpu.vector_load %arg10[%get3A_388, %get3A_389] {strides = array<i32>} : memref<128x64xf32, #tpu.memory_space<vmem>>, vector<1x16xf32>,
        %get3A_391 = vector.shape_cast %get3A_390 : vector<1x16xf32> to vector<16xf32>
        %mul3A_392 = arith.mulf %get3A_391, %broadcast_in_dim3A_377 : vector<16xf32>
        %swap3A_393 = arith.index_cast %add3A_374 : i32 to index
        %swap3A_394 = arith.constant 16 : index
        %swap3A_395 = tpu.vector_load %arg10[%swap3A_393, %swap3A_394] {strides = array<i32>} : memref<128x64xf32, #tpu.memory_space<vmem>>, vector<1x16xf32>,
        %swap3A_396 = vector.shape_cast %swap3A_395 : vector<1x16xf32> to vector<16xf32>
        %swap3A_397 = vector.shape_cast %mul3A_392 : vector<16xf32> to vector<1x16xf32>
        tpu.vector_store %arg10[%swap3A_393, %swap3A_394], %swap3A_397 {strides = array<i32>} : memref<128x64xf32, #tpu.memory_space<vmem>>, vector<1x16xf32>,
        %get3A_398 = arith.index_cast %add3A_374 : i32 to index
        %get3A_399 = arith.constant 32 : index
        %get3A_400 = tpu.vector_load %arg10[%get3A_398, %get3A_399] {strides = array<i32>} : memref<128x64xf32, #tpu.memory_space<vmem>>, vector<1x16xf32>,
        %get3A_401 = vector.shape_cast %get3A_400 : vector<1x16xf32> to vector<16xf32>
        %mul3A_402 = arith.mulf %get3A_401, %broadcast_in_dim3A_377 : vector<16xf32>
        %swap3A_403 = arith.index_cast %add3A_374 : i32 to index
        %swap3A_404 = arith.constant 32 : index
        %swap3A_405 = tpu.vector_load %arg10[%swap3A_403, %swap3A_404] {strides = array<i32>} : memref<128x64xf32, #tpu.memory_space<vmem>>, vector<1x16xf32>,
        %swap3A_406 = vector.shape_cast %swap3A_405 : vector<1x16xf32> to vector<16xf32>
        %swap3A_407 = vector.shape_cast %mul3A_402 : vector<16xf32> to vector<1x16xf32>
        tpu.vector_store %arg10[%swap3A_403, %swap3A_404], %swap3A_407 {strides = array<i32>} : memref<128x64xf32, #tpu.memory_space<vmem>>, vector<1x16xf32>,
        %get3A_408 = arith.index_cast %add3A_374 : i32 to index
        %get3A_409 = arith.constant 48 : index
        %get3A_410 = tpu.vector_load %arg10[%get3A_408, %get3A_409] {strides = array<i32>} : memref<128x64xf32, #tpu.memory_space<vmem>>, vector<1x16xf32>,
        %get3A_411 = vector.shape_cast %get3A_410 : vector<1x16xf32> to vector<16xf32>
        %mul3A_412 = arith.mulf %get3A_411, %broadcast_in_dim3A_377 : vector<16xf32>
        %swap3A_413 = arith.index_cast %add3A_374 : i32 to index
        %swap3A_414 = arith.constant 48 : index
        %swap3A_415 = tpu.vector_load %arg10[%swap3A_413, %swap3A_414] {strides = array<i32>} : memref<128x64xf32, #tpu.memory_space<vmem>>, vector<1x16xf32>,
        %swap3A_416 = vector.shape_cast %swap3A_415 : vector<1x16xf32> to vector<16xf32>
        %swap3A_417 = vector.shape_cast %mul3A_412 : vector<16xf32> to vector<1x16xf32>
        tpu.vector_store %arg10[%swap3A_413, %swap3A_414], %swap3A_417 {strides = array<i32>} : memref<128x64xf32, #tpu.memory_space<vmem>>, vector<1x16xf32>,
        %mul3A_418 = arith.constant 16 : i32
        %mul3A_419 = arith.muli %scan3A_41, %mul3A_418 : i32
        %add3A_420 = arith.constant 8 : i32
        %add3A_421 = arith.addi %mul3A_419, %add3A_420 : i32
        %slice3A_422 = vector.extract_strided_slice %get3A_45 {offsets = [8], sizes = [1], strides = [1]} : vector<16xf32> to vector<1xf32>
        %squeeze3A_423 = vector.extract %slice3A_422[0] : f32 from vector<1xf32>
        %broadcast_in_dim3A_424 = vector.broadcast %squeeze3A_423 : f32 to vector<16xf32>
        %get3A_425 = arith.index_cast %add3A_421 : i32 to index
        %get3A_426 = arith.constant 0 : index
        %get3A_427 = tpu.vector_load %arg10[%get3A_425, %get3A_426] {strides = array<i32>} : memref<128x64xf32, #tpu.memory_space<vmem>>, vector<1x16xf32>,
        %get3A_428 = vector.shape_cast %get3A_427 : vector<1x16xf32> to vector<16xf32>
        %mul3A_429 = arith.mulf %get3A_428, %broadcast_in_dim3A_424 : vector<16xf32>
        %swap3A_430 = arith.index_cast %add3A_421 : i32 to index
        %swap3A_431 = arith.constant 0 : index
        %swap3A_432 = tpu.vector_load %arg10[%swap3A_430, %swap3A_431] {strides = array<i32>} : memref<128x64xf32, #tpu.memory_space<vmem>>, vector<1x16xf32>,
        %swap3A_433 = vector.shape_cast %swap3A_432 : vector<1x16xf32> to vector<16xf32>
        %swap3A_434 = vector.shape_cast %mul3A_429 : vector<16xf32> to vector<1x16xf32>
        tpu.vector_store %arg10[%swap3A_430, %swap3A_431], %swap3A_434 {strides = array<i32>} : memref<128x64xf32, #tpu.memory_space<vmem>>, vector<1x16xf32>,
        %get3A_435 = arith.index_cast %add3A_421 : i32 to index
        %get3A_436 = arith.constant 16 : index
        %get3A_437 = tpu.vector_load %arg10[%get3A_435, %get3A_436] {strides = array<i32>} : memref<128x64xf32, #tpu.memory_space<vmem>>, vector<1x16xf32>,
        %get3A_438 = vector.shape_cast %get3A_437 : vector<1x16xf32> to vector<16xf32>
        %mul3A_439 = arith.mulf %get3A_438, %broadcast_in_dim3A_424 : vector<16xf32>
        %swap3A_440 = arith.index_cast %add3A_421 : i32 to index
        %swap3A_441 = arith.constant 16 : index
        %swap3A_442 = tpu.vector_load %arg10[%swap3A_440, %swap3A_441] {strides = array<i32>} : memref<128x64xf32, #tpu.memory_space<vmem>>, vector<1x16xf32>,
        %swap3A_443 = vector.shape_cast %swap3A_442 : vector<1x16xf32> to vector<16xf32>
        %swap3A_444 = vector.shape_cast %mul3A_439 : vector<16xf32> to vector<1x16xf32>
        tpu.vector_store %arg10[%swap3A_440, %swap3A_441], %swap3A_444 {strides = array<i32>} : memref<128x64xf32, #tpu.memory_space<vmem>>, vector<1x16xf32>,
        %get3A_445 = arith.index_cast %add3A_421 : i32 to index
        %get3A_446 = arith.constant 32 : index
        %get3A_447 = tpu.vector_load %arg10[%get3A_445, %get3A_446] {strides = array<i32>} : memref<128x64xf32, #tpu.memory_space<vmem>>, vector<1x16xf32>,
        %get3A_448 = vector.shape_cast %get3A_447 : vector<1x16xf32> to vector<16xf32>
        %mul3A_449 = arith.mulf %get3A_448, %broadcast_in_dim3A_424 : vector<16xf32>
        %swap3A_450 = arith.index_cast %add3A_421 : i32 to index
        %swap3A_451 = arith.constant 32 : index
        %swap3A_452 = tpu.vector_load %arg10[%swap3A_450, %swap3A_451] {strides = array<i32>} : memref<128x64xf32, #tpu.memory_space<vmem>>, vector<1x16xf32>,
        %swap3A_453 = vector.shape_cast %swap3A_452 : vector<1x16xf32> to vector<16xf32>
        %swap3A_454 = vector.shape_cast %mul3A_449 : vector<16xf32> to vector<1x16xf32>
        tpu.vector_store %arg10[%swap3A_450, %swap3A_451], %swap3A_454 {strides = array<i32>} : memref<128x64xf32, #tpu.memory_space<vmem>>, vector<1x16xf32>,
        %get3A_455 = arith.index_cast %add3A_421 : i32 to index
        %get3A_456 = arith.constant 48 : index
        %get3A_457 = tpu.vector_load %arg10[%get3A_455, %get3A_456] {strides = array<i32>} : memref<128x64xf32, #tpu.memory_space<vmem>>, vector<1x16xf32>,
        %get3A_458 = vector.shape_cast %get3A_457 : vector<1x16xf32> to vector<16xf32>
        %mul3A_459 = arith.mulf %get3A_458, %broadcast_in_dim3A_424 : vector<16xf32>
        %swap3A_460 = arith.index_cast %add3A_421 : i32 to index
        %swap3A_461 = arith.constant 48 : index
        %swap3A_462 = tpu.vector_load %arg10[%swap3A_460, %swap3A_461] {strides = array<i32>} : memref<128x64xf32, #tpu.memory_space<vmem>>, vector<1x16xf32>,
        %swap3A_463 = vector.shape_cast %swap3A_462 : vector<1x16xf32> to vector<16xf32>
        %swap3A_464 = vector.shape_cast %mul3A_459 : vector<16xf32> to vector<1x16xf32>
        tpu.vector_store %arg10[%swap3A_460, %swap3A_461], %swap3A_464 {strides = array<i32>} : memref<128x64xf32, #tpu.memory_space<vmem>>, vector<1x16xf32>,
        %mul3A_465 = arith.constant 16 : i32
        %mul3A_466 = arith.muli %scan3A_41, %mul3A_465 : i32
        %add3A_467 = arith.constant 9 : i32
        %add3A_468 = arith.addi %mul3A_466, %add3A_467 : i32
        %slice3A_469 = vector.extract_strided_slice %get3A_45 {offsets = [9], sizes = [1], strides = [1]} : vector<16xf32> to vector<1xf32>
        %squeeze3A_470 = vector.extract %slice3A_469[0] : f32 from vector<1xf32>
        %broadcast_in_dim3A_471 = vector.broadcast %squeeze3A_470 : f32 to vector<16xf32>
        %get3A_472 = arith.index_cast %add3A_468 : i32 to index
        %get3A_473 = arith.constant 0 : index
        %get3A_474 = tpu.vector_load %arg10[%get3A_472, %get3A_473] {strides = array<i32>} : memref<128x64xf32, #tpu.memory_space<vmem>>, vector<1x16xf32>,
        %get3A_475 = vector.shape_cast %get3A_474 : vector<1x16xf32> to vector<16xf32>
        %mul3A_476 = arith.mulf %get3A_475, %broadcast_in_dim3A_471 : vector<16xf32>
        %swap3A_477 = arith.index_cast %add3A_468 : i32 to index
        %swap3A_478 = arith.constant 0 : index
        %swap3A_479 = tpu.vector_load %arg10[%swap3A_477, %swap3A_478] {strides = array<i32>} : memref<128x64xf32, #tpu.memory_space<vmem>>, vector<1x16xf32>,
        %swap3A_480 = vector.shape_cast %swap3A_479 : vector<1x16xf32> to vector<16xf32>
        %swap3A_481 = vector.shape_cast %mul3A_476 : vector<16xf32> to vector<1x16xf32>
        tpu.vector_store %arg10[%swap3A_477, %swap3A_478], %swap3A_481 {strides = array<i32>} : memref<128x64xf32, #tpu.memory_space<vmem>>, vector<1x16xf32>,
        %get3A_482 = arith.index_cast %add3A_468 : i32 to index
        %get3A_483 = arith.constant 16 : index
        %get3A_484 = tpu.vector_load %arg10[%get3A_482, %get3A_483] {strides = array<i32>} : memref<128x64xf32, #tpu.memory_space<vmem>>, vector<1x16xf32>,
        %get3A_485 = vector.shape_cast %get3A_484 : vector<1x16xf32> to vector<16xf32>
        %mul3A_486 = arith.mulf %get3A_485, %broadcast_in_dim3A_471 : vector<16xf32>
        %swap3A_487 = arith.index_cast %add3A_468 : i32 to index
        %swap3A_488 = arith.constant 16 : index
        %swap3A_489 = tpu.vector_load %arg10[%swap3A_487, %swap3A_488] {strides = array<i32>} : memref<128x64xf32, #tpu.memory_space<vmem>>, vector<1x16xf32>,
        %swap3A_490 = vector.shape_cast %swap3A_489 : vector<1x16xf32> to vector<16xf32>
        %swap3A_491 = vector.shape_cast %mul3A_486 : vector<16xf32> to vector<1x16xf32>
        tpu.vector_store %arg10[%swap3A_487, %swap3A_488], %swap3A_491 {strides = array<i32>} : memref<128x64xf32, #tpu.memory_space<vmem>>, vector<1x16xf32>,
        %get3A_492 = arith.index_cast %add3A_468 : i32 to index
        %get3A_493 = arith.constant 32 : index
        %get3A_494 = tpu.vector_load %arg10[%get3A_492, %get3A_493] {strides = array<i32>} : memref<128x64xf32, #tpu.memory_space<vmem>>, vector<1x16xf32>,
        %get3A_495 = vector.shape_cast %get3A_494 : vector<1x16xf32> to vector<16xf32>
        %mul3A_496 = arith.mulf %get3A_495, %broadcast_in_dim3A_471 : vector<16xf32>
        %swap3A_497 = arith.index_cast %add3A_468 : i32 to index
        %swap3A_498 = arith.constant 32 : index
        %swap3A_499 = tpu.vector_load %arg10[%swap3A_497, %swap3A_498] {strides = array<i32>} : memref<128x64xf32, #tpu.memory_space<vmem>>, vector<1x16xf32>,
        %swap3A_500 = vector.shape_cast %swap3A_499 : vector<1x16xf32> to vector<16xf32>
        %swap3A_501 = vector.shape_cast %mul3A_496 : vector<16xf32> to vector<1x16xf32>
        tpu.vector_store %arg10[%swap3A_497, %swap3A_498], %swap3A_501 {strides = array<i32>} : memref<128x64xf32, #tpu.memory_space<vmem>>, vector<1x16xf32>,
        %get3A_502 = arith.index_cast %add3A_468 : i32 to index
        %get3A_503 = arith.constant 48 : index
        %get3A_504 = tpu.vector_load %arg10[%get3A_502, %get3A_503] {strides = array<i32>} : memref<128x64xf32, #tpu.memory_space<vmem>>, vector<1x16xf32>,
        %get3A_505 = vector.shape_cast %get3A_504 : vector<1x16xf32> to vector<16xf32>
        %mul3A_506 = arith.mulf %get3A_505, %broadcast_in_dim3A_471 : vector<16xf32>
        %swap3A_507 = arith.index_cast %add3A_468 : i32 to index
        %swap3A_508 = arith.constant 48 : index
        %swap3A_509 = tpu.vector_load %arg10[%swap3A_507, %swap3A_508] {strides = array<i32>} : memref<128x64xf32, #tpu.memory_space<vmem>>, vector<1x16xf32>,
        %swap3A_510 = vector.shape_cast %swap3A_509 : vector<1x16xf32> to vector<16xf32>
        %swap3A_511 = vector.shape_cast %mul3A_506 : vector<16xf32> to vector<1x16xf32>
        tpu.vector_store %arg10[%swap3A_507, %swap3A_508], %swap3A_511 {strides = array<i32>} : memref<128x64xf32, #tpu.memory_space<vmem>>, vector<1x16xf32>,
        %mul3A_512 = arith.constant 16 : i32
        %mul3A_513 = arith.muli %scan3A_41, %mul3A_512 : i32
        %add3A_514 = arith.constant 10 : i32
        %add3A_515 = arith.addi %mul3A_513, %add3A_514 : i32
        %slice3A_516 = vector.extract_strided_slice %get3A_45 {offsets = [10], sizes = [1], strides = [1]} : vector<16xf32> to vector<1xf32>
        %squeeze3A_517 = vector.extract %slice3A_516[0] : f32 from vector<1xf32>
        %broadcast_in_dim3A_518 = vector.broadcast %squeeze3A_517 : f32 to vector<16xf32>
        %get3A_519 = arith.index_cast %add3A_515 : i32 to index
        %get3A_520 = arith.constant 0 : index
        %get3A_521 = tpu.vector_load %arg10[%get3A_519, %get3A_520] {strides = array<i32>} : memref<128x64xf32, #tpu.memory_space<vmem>>, vector<1x16xf32>,
        %get3A_522 = vector.shape_cast %get3A_521 : vector<1x16xf32> to vector<16xf32>
        %mul3A_523 = arith.mulf %get3A_522, %broadcast_in_dim3A_518 : vector<16xf32>
        %swap3A_524 = arith.index_cast %add3A_515 : i32 to index
        %swap3A_525 = arith.constant 0 : index
        %swap3A_526 = tpu.vector_load %arg10[%swap3A_524, %swap3A_525] {strides = array<i32>} : memref<128x64xf32, #tpu.memory_space<vmem>>, vector<1x16xf32>,
        %swap3A_527 = vector.shape_cast %swap3A_526 : vector<1x16xf32> to vector<16xf32>
        %swap3A_528 = vector.shape_cast %mul3A_523 : vector<16xf32> to vector<1x16xf32>
        tpu.vector_store %arg10[%swap3A_524, %swap3A_525], %swap3A_528 {strides = array<i32>} : memref<128x64xf32, #tpu.memory_space<vmem>>, vector<1x16xf32>,
        %get3A_529 = arith.index_cast %add3A_515 : i32 to index
        %get3A_530 = arith.constant 16 : index
        %get3A_531 = tpu.vector_load %arg10[%get3A_529, %get3A_530] {strides = array<i32>} : memref<128x64xf32, #tpu.memory_space<vmem>>, vector<1x16xf32>,
        %get3A_532 = vector.shape_cast %get3A_531 : vector<1x16xf32> to vector<16xf32>
        %mul3A_533 = arith.mulf %get3A_532, %broadcast_in_dim3A_518 : vector<16xf32>
        %swap3A_534 = arith.index_cast %add3A_515 : i32 to index
        %swap3A_535 = arith.constant 16 : index
        %swap3A_536 = tpu.vector_load %arg10[%swap3A_534, %swap3A_535] {strides = array<i32>} : memref<128x64xf32, #tpu.memory_space<vmem>>, vector<1x16xf32>,
        %swap3A_537 = vector.shape_cast %swap3A_536 : vector<1x16xf32> to vector<16xf32>
        %swap3A_538 = vector.shape_cast %mul3A_533 : vector<16xf32> to vector<1x16xf32>
        tpu.vector_store %arg10[%swap3A_534, %swap3A_535], %swap3A_538 {strides = array<i32>} : memref<128x64xf32, #tpu.memory_space<vmem>>, vector<1x16xf32>,
        %get3A_539 = arith.index_cast %add3A_515 : i32 to index
        %get3A_540 = arith.constant 32 : index
        %get3A_541 = tpu.vector_load %arg10[%get3A_539, %get3A_540] {strides = array<i32>} : memref<128x64xf32, #tpu.memory_space<vmem>>, vector<1x16xf32>,
        %get3A_542 = vector.shape_cast %get3A_541 : vector<1x16xf32> to vector<16xf32>
        %mul3A_543 = arith.mulf %get3A_542, %broadcast_in_dim3A_518 : vector<16xf32>
        %swap3A_544 = arith.index_cast %add3A_515 : i32 to index
        %swap3A_545 = arith.constant 32 : index
        %swap3A_546 = tpu.vector_load %arg10[%swap3A_544, %swap3A_545] {strides = array<i32>} : memref<128x64xf32, #tpu.memory_space<vmem>>, vector<1x16xf32>,
        %swap3A_547 = vector.shape_cast %swap3A_546 : vector<1x16xf32> to vector<16xf32>
        %swap3A_548 = vector.shape_cast %mul3A_543 : vector<16xf32> to vector<1x16xf32>
        tpu.vector_store %arg10[%swap3A_544, %swap3A_545], %swap3A_548 {strides = array<i32>} : memref<128x64xf32, #tpu.memory_space<vmem>>, vector<1x16xf32>,
        %get3A_549 = arith.index_cast %add3A_515 : i32 to index
        %get3A_550 = arith.constant 48 : index
        %get3A_551 = tpu.vector_load %arg10[%get3A_549, %get3A_550] {strides = array<i32>} : memref<128x64xf32, #tpu.memory_space<vmem>>, vector<1x16xf32>,
        %get3A_552 = vector.shape_cast %get3A_551 : vector<1x16xf32> to vector<16xf32>
        %mul3A_553 = arith.mulf %get3A_552, %broadcast_in_dim3A_518 : vector<16xf32>
        %swap3A_554 = arith.index_cast %add3A_515 : i32 to index
        %swap3A_555 = arith.constant 48 : index
        %swap3A_556 = tpu.vector_load %arg10[%swap3A_554, %swap3A_555] {strides = array<i32>} : memref<128x64xf32, #tpu.memory_space<vmem>>, vector<1x16xf32>,
        %swap3A_557 = vector.shape_cast %swap3A_556 : vector<1x16xf32> to vector<16xf32>
        %swap3A_558 = vector.shape_cast %mul3A_553 : vector<16xf32> to vector<1x16xf32>
        tpu.vector_store %arg10[%swap3A_554, %swap3A_555], %swap3A_558 {strides = array<i32>} : memref<128x64xf32, #tpu.memory_space<vmem>>, vector<1x16xf32>,
        %mul3A_559 = arith.constant 16 : i32
        %mul3A_560 = arith.muli %scan3A_41, %mul3A_559 : i32
        %add3A_561 = arith.constant 11 : i32
        %add3A_562 = arith.addi %mul3A_560, %add3A_561 : i32
        %slice3A_563 = vector.extract_strided_slice %get3A_45 {offsets = [11], sizes = [1], strides = [1]} : vector<16xf32> to vector<1xf32>
        %squeeze3A_564 = vector.extract %slice3A_563[0] : f32 from vector<1xf32>
        %broadcast_in_dim3A_565 = vector.broadcast %squeeze3A_564 : f32 to vector<16xf32>
        %get3A_566 = arith.index_cast %add3A_562 : i32 to index
        %get3A_567 = arith.constant 0 : index
        %get3A_568 = tpu.vector_load %arg10[%get3A_566, %get3A_567] {strides = array<i32>} : memref<128x64xf32, #tpu.memory_space<vmem>>, vector<1x16xf32>,
        %get3A_569 = vector.shape_cast %get3A_568 : vector<1x16xf32> to vector<16xf32>
        %mul3A_570 = arith.mulf %get3A_569, %broadcast_in_dim3A_565 : vector<16xf32>
        %swap3A_571 = arith.index_cast %add3A_562 : i32 to index
        %swap3A_572 = arith.constant 0 : index
        %swap3A_573 = tpu.vector_load %arg10[%swap3A_571, %swap3A_572] {strides = array<i32>} : memref<128x64xf32, #tpu.memory_space<vmem>>, vector<1x16xf32>,
        %swap3A_574 = vector.shape_cast %swap3A_573 : vector<1x16xf32> to vector<16xf32>
        %swap3A_575 = vector.shape_cast %mul3A_570 : vector<16xf32> to vector<1x16xf32>
        tpu.vector_store %arg10[%swap3A_571, %swap3A_572], %swap3A_575 {strides = array<i32>} : memref<128x64xf32, #tpu.memory_space<vmem>>, vector<1x16xf32>,
        %get3A_576 = arith.index_cast %add3A_562 : i32 to index
        %get3A_577 = arith.constant 16 : index
        %get3A_578 = tpu.vector_load %arg10[%get3A_576, %get3A_577] {strides = array<i32>} : memref<128x64xf32, #tpu.memory_space<vmem>>, vector<1x16xf32>,
        %get3A_579 = vector.shape_cast %get3A_578 : vector<1x16xf32> to vector<16xf32>
        %mul3A_580 = arith.mulf %get3A_579, %broadcast_in_dim3A_565 : vector<16xf32>
        %swap3A_581 = arith.index_cast %add3A_562 : i32 to index
        %swap3A_582 = arith.constant 16 : index
        %swap3A_583 = tpu.vector_load %arg10[%swap3A_581, %swap3A_582] {strides = array<i32>} : memref<128x64xf32, #tpu.memory_space<vmem>>, vector<1x16xf32>,
        %swap3A_584 = vector.shape_cast %swap3A_583 : vector<1x16xf32> to vector<16xf32>
        %swap3A_585 = vector.shape_cast %mul3A_580 : vector<16xf32> to vector<1x16xf32>
        tpu.vector_store %arg10[%swap3A_581, %swap3A_582], %swap3A_585 {strides = array<i32>} : memref<128x64xf32, #tpu.memory_space<vmem>>, vector<1x16xf32>,
        %get3A_586 = arith.index_cast %add3A_562 : i32 to index
        %get3A_587 = arith.constant 32 : index
        %get3A_588 = tpu.vector_load %arg10[%get3A_586, %get3A_587] {strides = array<i32>} : memref<128x64xf32, #tpu.memory_space<vmem>>, vector<1x16xf32>,
        %get3A_589 = vector.shape_cast %get3A_588 : vector<1x16xf32> to vector<16xf32>
        %mul3A_590 = arith.mulf %get3A_589, %broadcast_in_dim3A_565 : vector<16xf32>
        %swap3A_591 = arith.index_cast %add3A_562 : i32 to index
        %swap3A_592 = arith.constant 32 : index
        %swap3A_593 = tpu.vector_load %arg10[%swap3A_591, %swap3A_592] {strides = array<i32>} : memref<128x64xf32, #tpu.memory_space<vmem>>, vector<1x16xf32>,
        %swap3A_594 = vector.shape_cast %swap3A_593 : vector<1x16xf32> to vector<16xf32>
        %swap3A_595 = vector.shape_cast %mul3A_590 : vector<16xf32> to vector<1x16xf32>
        tpu.vector_store %arg10[%swap3A_591, %swap3A_592], %swap3A_595 {strides = array<i32>} : memref<128x64xf32, #tpu.memory_space<vmem>>, vector<1x16xf32>,
        %get3A_596 = arith.index_cast %add3A_562 : i32 to index
        %get3A_597 = arith.constant 48 : index
        %get3A_598 = tpu.vector_load %arg10[%get3A_596, %get3A_597] {strides = array<i32>} : memref<128x64xf32, #tpu.memory_space<vmem>>, vector<1x16xf32>,
        %get3A_599 = vector.shape_cast %get3A_598 : vector<1x16xf32> to vector<16xf32>
        %mul3A_600 = arith.mulf %get3A_599, %broadcast_in_dim3A_565 : vector<16xf32>
        %swap3A_601 = arith.index_cast %add3A_562 : i32 to index
        %swap3A_602 = arith.constant 48 : index
        %swap3A_603 = tpu.vector_load %arg10[%swap3A_601, %swap3A_602] {strides = array<i32>} : memref<128x64xf32, #tpu.memory_space<vmem>>, vector<1x16xf32>,
        %swap3A_604 = vector.shape_cast %swap3A_603 : vector<1x16xf32> to vector<16xf32>
        %swap3A_605 = vector.shape_cast %mul3A_600 : vector<16xf32> to vector<1x16xf32>
        tpu.vector_store %arg10[%swap3A_601, %swap3A_602], %swap3A_605 {strides = array<i32>} : memref<128x64xf32, #tpu.memory_space<vmem>>, vector<1x16xf32>,
        %mul3A_606 = arith.constant 16 : i32
        %mul3A_607 = arith.muli %scan3A_41, %mul3A_606 : i32
        %add3A_608 = arith.constant 12 : i32
        %add3A_609 = arith.addi %mul3A_607, %add3A_608 : i32
        %slice3A_610 = vector.extract_strided_slice %get3A_45 {offsets = [12], sizes = [1], strides = [1]} : vector<16xf32> to vector<1xf32>
        %squeeze3A_611 = vector.extract %slice3A_610[0] : f32 from vector<1xf32>
        %broadcast_in_dim3A_612 = vector.broadcast %squeeze3A_611 : f32 to vector<16xf32>
        %get3A_613 = arith.index_cast %add3A_609 : i32 to index
        %get3A_614 = arith.constant 0 : index
        %get3A_615 = tpu.vector_load %arg10[%get3A_613, %get3A_614] {strides = array<i32>} : memref<128x64xf32, #tpu.memory_space<vmem>>, vector<1x16xf32>,
        %get3A_616 = vector.shape_cast %get3A_615 : vector<1x16xf32> to vector<16xf32>
        %mul3A_617 = arith.mulf %get3A_616, %broadcast_in_dim3A_612 : vector<16xf32>
        %swap3A_618 = arith.index_cast %add3A_609 : i32 to index
        %swap3A_619 = arith.constant 0 : index
        %swap3A_620 = tpu.vector_load %arg10[%swap3A_618, %swap3A_619] {strides = array<i32>} : memref<128x64xf32, #tpu.memory_space<vmem>>, vector<1x16xf32>,
        %swap3A_621 = vector.shape_cast %swap3A_620 : vector<1x16xf32> to vector<16xf32>
        %swap3A_622 = vector.shape_cast %mul3A_617 : vector<16xf32> to vector<1x16xf32>
        tpu.vector_store %arg10[%swap3A_618, %swap3A_619], %swap3A_622 {strides = array<i32>} : memref<128x64xf32, #tpu.memory_space<vmem>>, vector<1x16xf32>,
        %get3A_623 = arith.index_cast %add3A_609 : i32 to index
        %get3A_624 = arith.constant 16 : index
        %get3A_625 = tpu.vector_load %arg10[%get3A_623, %get3A_624] {strides = array<i32>} : memref<128x64xf32, #tpu.memory_space<vmem>>, vector<1x16xf32>,
        %get3A_626 = vector.shape_cast %get3A_625 : vector<1x16xf32> to vector<16xf32>
        %mul3A_627 = arith.mulf %get3A_626, %broadcast_in_dim3A_612 : vector<16xf32>
        %swap3A_628 = arith.index_cast %add3A_609 : i32 to index
        %swap3A_629 = arith.constant 16 : index
        %swap3A_630 = tpu.vector_load %arg10[%swap3A_628, %swap3A_629] {strides = array<i32>} : memref<128x64xf32, #tpu.memory_space<vmem>>, vector<1x16xf32>,
        %swap3A_631 = vector.shape_cast %swap3A_630 : vector<1x16xf32> to vector<16xf32>
        %swap3A_632 = vector.shape_cast %mul3A_627 : vector<16xf32> to vector<1x16xf32>
        tpu.vector_store %arg10[%swap3A_628, %swap3A_629], %swap3A_632 {strides = array<i32>} : memref<128x64xf32, #tpu.memory_space<vmem>>, vector<1x16xf32>,
        %get3A_633 = arith.index_cast %add3A_609 : i32 to index
        %get3A_634 = arith.constant 32 : index
        %get3A_635 = tpu.vector_load %arg10[%get3A_633, %get3A_634] {strides = array<i32>} : memref<128x64xf32, #tpu.memory_space<vmem>>, vector<1x16xf32>,
        %get3A_636 = vector.shape_cast %get3A_635 : vector<1x16xf32> to vector<16xf32>
        %mul3A_637 = arith.mulf %get3A_636, %broadcast_in_dim3A_612 : vector<16xf32>
        %swap3A_638 = arith.index_cast %add3A_609 : i32 to index
        %swap3A_639 = arith.constant 32 : index
        %swap3A_640 = tpu.vector_load %arg10[%swap3A_638, %swap3A_639] {strides = array<i32>} : memref<128x64xf32, #tpu.memory_space<vmem>>, vector<1x16xf32>,
        %swap3A_641 = vector.shape_cast %swap3A_640 : vector<1x16xf32> to vector<16xf32>
        %swap3A_642 = vector.shape_cast %mul3A_637 : vector<16xf32> to vector<1x16xf32>
        tpu.vector_store %arg10[%swap3A_638, %swap3A_639], %swap3A_642 {strides = array<i32>} : memref<128x64xf32, #tpu.memory_space<vmem>>, vector<1x16xf32>,
        %get3A_643 = arith.index_cast %add3A_609 : i32 to index
        %get3A_644 = arith.constant 48 : index
        %get3A_645 = tpu.vector_load %arg10[%get3A_643, %get3A_644] {strides = array<i32>} : memref<128x64xf32, #tpu.memory_space<vmem>>, vector<1x16xf32>,
        %get3A_646 = vector.shape_cast %get3A_645 : vector<1x16xf32> to vector<16xf32>
        %mul3A_647 = arith.mulf %get3A_646, %broadcast_in_dim3A_612 : vector<16xf32>
        %swap3A_648 = arith.index_cast %add3A_609 : i32 to index
        %swap3A_649 = arith.constant 48 : index
        %swap3A_650 = tpu.vector_load %arg10[%swap3A_648, %swap3A_649] {strides = array<i32>} : memref<128x64xf32, #tpu.memory_space<vmem>>, vector<1x16xf32>,
        %swap3A_651 = vector.shape_cast %swap3A_650 : vector<1x16xf32> to vector<16xf32>
        %swap3A_652 = vector.shape_cast %mul3A_647 : vector<16xf32> to vector<1x16xf32>
        tpu.vector_store %arg10[%swap3A_648, %swap3A_649], %swap3A_652 {strides = array<i32>} : memref<128x64xf32, #tpu.memory_space<vmem>>, vector<1x16xf32>,
        %mul3A_653 = arith.constant 16 : i32
        %mul3A_654 = arith.muli %scan3A_41, %mul3A_653 : i32
        %add3A_655 = arith.constant 13 : i32
        %add3A_656 = arith.addi %mul3A_654, %add3A_655 : i32
        %slice3A_657 = vector.extract_strided_slice %get3A_45 {offsets = [13], sizes = [1], strides = [1]} : vector<16xf32> to vector<1xf32>
        %squeeze3A_658 = vector.extract %slice3A_657[0] : f32 from vector<1xf32>
        %broadcast_in_dim3A_659 = vector.broadcast %squeeze3A_658 : f32 to vector<16xf32>
        %get3A_660 = arith.index_cast %add3A_656 : i32 to index
        %get3A_661 = arith.constant 0 : index
        %get3A_662 = tpu.vector_load %arg10[%get3A_660, %get3A_661] {strides = array<i32>} : memref<128x64xf32, #tpu.memory_space<vmem>>, vector<1x16xf32>,
        %get3A_663 = vector.shape_cast %get3A_662 : vector<1x16xf32> to vector<16xf32>
        %mul3A_664 = arith.mulf %get3A_663, %broadcast_in_dim3A_659 : vector<16xf32>
        %swap3A_665 = arith.index_cast %add3A_656 : i32 to index
        %swap3A_666 = arith.constant 0 : index
        %swap3A_667 = tpu.vector_load %arg10[%swap3A_665, %swap3A_666] {strides = array<i32>} : memref<128x64xf32, #tpu.memory_space<vmem>>, vector<1x16xf32>,
        %swap3A_668 = vector.shape_cast %swap3A_667 : vector<1x16xf32> to vector<16xf32>
        %swap3A_669 = vector.shape_cast %mul3A_664 : vector<16xf32> to vector<1x16xf32>
        tpu.vector_store %arg10[%swap3A_665, %swap3A_666], %swap3A_669 {strides = array<i32>} : memref<128x64xf32, #tpu.memory_space<vmem>>, vector<1x16xf32>,
        %get3A_670 = arith.index_cast %add3A_656 : i32 to index
        %get3A_671 = arith.constant 16 : index
        %get3A_672 = tpu.vector_load %arg10[%get3A_670, %get3A_671] {strides = array<i32>} : memref<128x64xf32, #tpu.memory_space<vmem>>, vector<1x16xf32>,
        %get3A_673 = vector.shape_cast %get3A_672 : vector<1x16xf32> to vector<16xf32>
        %mul3A_674 = arith.mulf %get3A_673, %broadcast_in_dim3A_659 : vector<16xf32>
        %swap3A_675 = arith.index_cast %add3A_656 : i32 to index
        %swap3A_676 = arith.constant 16 : index
        %swap3A_677 = tpu.vector_load %arg10[%swap3A_675, %swap3A_676] {strides = array<i32>} : memref<128x64xf32, #tpu.memory_space<vmem>>, vector<1x16xf32>,
        %swap3A_678 = vector.shape_cast %swap3A_677 : vector<1x16xf32> to vector<16xf32>
        %swap3A_679 = vector.shape_cast %mul3A_674 : vector<16xf32> to vector<1x16xf32>
        tpu.vector_store %arg10[%swap3A_675, %swap3A_676], %swap3A_679 {strides = array<i32>} : memref<128x64xf32, #tpu.memory_space<vmem>>, vector<1x16xf32>,
        %get3A_680 = arith.index_cast %add3A_656 : i32 to index
        %get3A_681 = arith.constant 32 : index
        %get3A_682 = tpu.vector_load %arg10[%get3A_680, %get3A_681] {strides = array<i32>} : memref<128x64xf32, #tpu.memory_space<vmem>>, vector<1x16xf32>,
        %get3A_683 = vector.shape_cast %get3A_682 : vector<1x16xf32> to vector<16xf32>
        %mul3A_684 = arith.mulf %get3A_683, %broadcast_in_dim3A_659 : vector<16xf32>
        %swap3A_685 = arith.index_cast %add3A_656 : i32 to index
        %swap3A_686 = arith.constant 32 : index
        %swap3A_687 = tpu.vector_load %arg10[%swap3A_685, %swap3A_686] {strides = array<i32>} : memref<128x64xf32, #tpu.memory_space<vmem>>, vector<1x16xf32>,
        %swap3A_688 = vector.shape_cast %swap3A_687 : vector<1x16xf32> to vector<16xf32>
        %swap3A_689 = vector.shape_cast %mul3A_684 : vector<16xf32> to vector<1x16xf32>
        tpu.vector_store %arg10[%swap3A_685, %swap3A_686], %swap3A_689 {strides = array<i32>} : memref<128x64xf32, #tpu.memory_space<vmem>>, vector<1x16xf32>,
        %get3A_690 = arith.index_cast %add3A_656 : i32 to index
        %get3A_691 = arith.constant 48 : index
        %get3A_692 = tpu.vector_load %arg10[%get3A_690, %get3A_691] {strides = array<i32>} : memref<128x64xf32, #tpu.memory_space<vmem>>, vector<1x16xf32>,
        %get3A_693 = vector.shape_cast %get3A_692 : vector<1x16xf32> to vector<16xf32>
        %mul3A_694 = arith.mulf %get3A_693, %broadcast_in_dim3A_659 : vector<16xf32>
        %swap3A_695 = arith.index_cast %add3A_656 : i32 to index
        %swap3A_696 = arith.constant 48 : index
        %swap3A_697 = tpu.vector_load %arg10[%swap3A_695, %swap3A_696] {strides = array<i32>} : memref<128x64xf32, #tpu.memory_space<vmem>>, vector<1x16xf32>,
        %swap3A_698 = vector.shape_cast %swap3A_697 : vector<1x16xf32> to vector<16xf32>
        %swap3A_699 = vector.shape_cast %mul3A_694 : vector<16xf32> to vector<1x16xf32>
        tpu.vector_store %arg10[%swap3A_695, %swap3A_696], %swap3A_699 {strides = array<i32>} : memref<128x64xf32, #tpu.memory_space<vmem>>, vector<1x16xf32>,
        %mul3A_700 = arith.constant 16 : i32
        %mul3A_701 = arith.muli %scan3A_41, %mul3A_700 : i32
        %add3A_702 = arith.constant 14 : i32
        %add3A_703 = arith.addi %mul3A_701, %add3A_702 : i32
        %slice3A_704 = vector.extract_strided_slice %get3A_45 {offsets = [14], sizes = [1], strides = [1]} : vector<16xf32> to vector<1xf32>
        %squeeze3A_705 = vector.extract %slice3A_704[0] : f32 from vector<1xf32>
        %broadcast_in_dim3A_706 = vector.broadcast %squeeze3A_705 : f32 to vector<16xf32>
        %get3A_707 = arith.index_cast %add3A_703 : i32 to index
        %get3A_708 = arith.constant 0 : index
        %get3A_709 = tpu.vector_load %arg10[%get3A_707, %get3A_708] {strides = array<i32>} : memref<128x64xf32, #tpu.memory_space<vmem>>, vector<1x16xf32>,
        %get3A_710 = vector.shape_cast %get3A_709 : vector<1x16xf32> to vector<16xf32>
        %mul3A_711 = arith.mulf %get3A_710, %broadcast_in_dim3A_706 : vector<16xf32>
        %swap3A_712 = arith.index_cast %add3A_703 : i32 to index
        %swap3A_713 = arith.constant 0 : index
        %swap3A_714 = tpu.vector_load %arg10[%swap3A_712, %swap3A_713] {strides = array<i32>} : memref<128x64xf32, #tpu.memory_space<vmem>>, vector<1x16xf32>,
        %swap3A_715 = vector.shape_cast %swap3A_714 : vector<1x16xf32> to vector<16xf32>
        %swap3A_716 = vector.shape_cast %mul3A_711 : vector<16xf32> to vector<1x16xf32>
        tpu.vector_store %arg10[%swap3A_712, %swap3A_713], %swap3A_716 {strides = array<i32>} : memref<128x64xf32, #tpu.memory_space<vmem>>, vector<1x16xf32>,
        %get3A_717 = arith.index_cast %add3A_703 : i32 to index
        %get3A_718 = arith.constant 16 : index
        %get3A_719 = tpu.vector_load %arg10[%get3A_717, %get3A_718] {strides = array<i32>} : memref<128x64xf32, #tpu.memory_space<vmem>>, vector<1x16xf32>,
        %get3A_720 = vector.shape_cast %get3A_719 : vector<1x16xf32> to vector<16xf32>
        %mul3A_721 = arith.mulf %get3A_720, %broadcast_in_dim3A_706 : vector<16xf32>
        %swap3A_722 = arith.index_cast %add3A_703 : i32 to index
        %swap3A_723 = arith.constant 16 : index
        %swap3A_724 = tpu.vector_load %arg10[%swap3A_722, %swap3A_723] {strides = array<i32>} : memref<128x64xf32, #tpu.memory_space<vmem>>, vector<1x16xf32>,
        %swap3A_725 = vector.shape_cast %swap3A_724 : vector<1x16xf32> to vector<16xf32>
        %swap3A_726 = vector.shape_cast %mul3A_721 : vector<16xf32> to vector<1x16xf32>
        tpu.vector_store %arg10[%swap3A_722, %swap3A_723], %swap3A_726 {strides = array<i32>} : memref<128x64xf32, #tpu.memory_space<vmem>>, vector<1x16xf32>,
        %get3A_727 = arith.index_cast %add3A_703 : i32 to index
        %get3A_728 = arith.constant 32 : index
        %get3A_729 = tpu.vector_load %arg10[%get3A_727, %get3A_728] {strides = array<i32>} : memref<128x64xf32, #tpu.memory_space<vmem>>, vector<1x16xf32>,
        %get3A_730 = vector.shape_cast %get3A_729 : vector<1x16xf32> to vector<16xf32>
        %mul3A_731 = arith.mulf %get3A_730, %broadcast_in_dim3A_706 : vector<16xf32>
        %swap3A_732 = arith.index_cast %add3A_703 : i32 to index
        %swap3A_733 = arith.constant 32 : index
        %swap3A_734 = tpu.vector_load %arg10[%swap3A_732, %swap3A_733] {strides = array<i32>} : memref<128x64xf32, #tpu.memory_space<vmem>>, vector<1x16xf32>,
        %swap3A_735 = vector.shape_cast %swap3A_734 : vector<1x16xf32> to vector<16xf32>
        %swap3A_736 = vector.shape_cast %mul3A_731 : vector<16xf32> to vector<1x16xf32>
        tpu.vector_store %arg10[%swap3A_732, %swap3A_733], %swap3A_736 {strides = array<i32>} : memref<128x64xf32, #tpu.memory_space<vmem>>, vector<1x16xf32>,
        %get3A_737 = arith.index_cast %add3A_703 : i32 to index
        %get3A_738 = arith.constant 48 : index
        %get3A_739 = tpu.vector_load %arg10[%get3A_737, %get3A_738] {strides = array<i32>} : memref<128x64xf32, #tpu.memory_space<vmem>>, vector<1x16xf32>,
        %get3A_740 = vector.shape_cast %get3A_739 : vector<1x16xf32> to vector<16xf32>
        %mul3A_741 = arith.mulf %get3A_740, %broadcast_in_dim3A_706 : vector<16xf32>
        %swap3A_742 = arith.index_cast %add3A_703 : i32 to index
        %swap3A_743 = arith.constant 48 : index
        %swap3A_744 = tpu.vector_load %arg10[%swap3A_742, %swap3A_743] {strides = array<i32>} : memref<128x64xf32, #tpu.memory_space<vmem>>, vector<1x16xf32>,
        %swap3A_745 = vector.shape_cast %swap3A_744 : vector<1x16xf32> to vector<16xf32>
        %swap3A_746 = vector.shape_cast %mul3A_741 : vector<16xf32> to vector<1x16xf32>
        tpu.vector_store %arg10[%swap3A_742, %swap3A_743], %swap3A_746 {strides = array<i32>} : memref<128x64xf32, #tpu.memory_space<vmem>>, vector<1x16xf32>,
        %mul3A_747 = arith.constant 16 : i32
        %mul3A_748 = arith.muli %scan3A_41, %mul3A_747 : i32
        %add3A_749 = arith.constant 15 : i32
        %add3A_750 = arith.addi %mul3A_748, %add3A_749 : i32
        %slice3A_751 = vector.extract_strided_slice %get3A_45 {offsets = [15], sizes = [1], strides = [1]} : vector<16xf32> to vector<1xf32>
        %squeeze3A_752 = vector.extract %slice3A_751[0] : f32 from vector<1xf32>
        %broadcast_in_dim3A_753 = vector.broadcast %squeeze3A_752 : f32 to vector<16xf32>
        %get3A_754 = arith.index_cast %add3A_750 : i32 to index
        %get3A_755 = arith.constant 0 : index
        %get3A_756 = tpu.vector_load %arg10[%get3A_754, %get3A_755] {strides = array<i32>} : memref<128x64xf32, #tpu.memory_space<vmem>>, vector<1x16xf32>,
        %get3A_757 = vector.shape_cast %get3A_756 : vector<1x16xf32> to vector<16xf32>
        %mul3A_758 = arith.mulf %get3A_757, %broadcast_in_dim3A_753 : vector<16xf32>
        %swap3A_759 = arith.index_cast %add3A_750 : i32 to index
        %swap3A_760 = arith.constant 0 : index
        %swap3A_761 = tpu.vector_load %arg10[%swap3A_759, %swap3A_760] {strides = array<i32>} : memref<128x64xf32, #tpu.memory_space<vmem>>, vector<1x16xf32>,
        %swap3A_762 = vector.shape_cast %swap3A_761 : vector<1x16xf32> to vector<16xf32>
        %swap3A_763 = vector.shape_cast %mul3A_758 : vector<16xf32> to vector<1x16xf32>
        tpu.vector_store %arg10[%swap3A_759, %swap3A_760], %swap3A_763 {strides = array<i32>} : memref<128x64xf32, #tpu.memory_space<vmem>>, vector<1x16xf32>,
        %get3A_764 = arith.index_cast %add3A_750 : i32 to index
        %get3A_765 = arith.constant 16 : index
        %get3A_766 = tpu.vector_load %arg10[%get3A_764, %get3A_765] {strides = array<i32>} : memref<128x64xf32, #tpu.memory_space<vmem>>, vector<1x16xf32>,
        %get3A_767 = vector.shape_cast %get3A_766 : vector<1x16xf32> to vector<16xf32>
        %mul3A_768 = arith.mulf %get3A_767, %broadcast_in_dim3A_753 : vector<16xf32>
        %swap3A_769 = arith.index_cast %add3A_750 : i32 to index
        %swap3A_770 = arith.constant 16 : index
        %swap3A_771 = tpu.vector_load %arg10[%swap3A_769, %swap3A_770] {strides = array<i32>} : memref<128x64xf32, #tpu.memory_space<vmem>>, vector<1x16xf32>,
        %swap3A_772 = vector.shape_cast %swap3A_771 : vector<1x16xf32> to vector<16xf32>
        %swap3A_773 = vector.shape_cast %mul3A_768 : vector<16xf32> to vector<1x16xf32>
        tpu.vector_store %arg10[%swap3A_769, %swap3A_770], %swap3A_773 {strides = array<i32>} : memref<128x64xf32, #tpu.memory_space<vmem>>, vector<1x16xf32>,
        %get3A_774 = arith.index_cast %add3A_750 : i32 to index
        %get3A_775 = arith.constant 32 : index
        %get3A_776 = tpu.vector_load %arg10[%get3A_774, %get3A_775] {strides = array<i32>} : memref<128x64xf32, #tpu.memory_space<vmem>>, vector<1x16xf32>,
        %get3A_777 = vector.shape_cast %get3A_776 : vector<1x16xf32> to vector<16xf32>
        %mul3A_778 = arith.mulf %get3A_777, %broadcast_in_dim3A_753 : vector<16xf32>
        %swap3A_779 = arith.index_cast %add3A_750 : i32 to index
        %swap3A_780 = arith.constant 32 : index
        %swap3A_781 = tpu.vector_load %arg10[%swap3A_779, %swap3A_780] {strides = array<i32>} : memref<128x64xf32, #tpu.memory_space<vmem>>, vector<1x16xf32>,
        %swap3A_782 = vector.shape_cast %swap3A_781 : vector<1x16xf32> to vector<16xf32>
        %swap3A_783 = vector.shape_cast %mul3A_778 : vector<16xf32> to vector<1x16xf32>
        tpu.vector_store %arg10[%swap3A_779, %swap3A_780], %swap3A_783 {strides = array<i32>} : memref<128x64xf32, #tpu.memory_space<vmem>>, vector<1x16xf32>,
        %get3A_784 = arith.index_cast %add3A_750 : i32 to index
        %get3A_785 = arith.constant 48 : index
        %get3A_786 = tpu.vector_load %arg10[%get3A_784, %get3A_785] {strides = array<i32>} : memref<128x64xf32, #tpu.memory_space<vmem>>, vector<1x16xf32>,
        %get3A_787 = vector.shape_cast %get3A_786 : vector<1x16xf32> to vector<16xf32>
        %mul3A_788 = arith.mulf %get3A_787, %broadcast_in_dim3A_753 : vector<16xf32>
        %swap3A_789 = arith.index_cast %add3A_750 : i32 to index
        %swap3A_790 = arith.constant 48 : index
        %swap3A_791 = tpu.vector_load %arg10[%swap3A_789, %swap3A_790] {strides = array<i32>} : memref<128x64xf32, #tpu.memory_space<vmem>>, vector<1x16xf32>,
        %swap3A_792 = vector.shape_cast %swap3A_791 : vector<1x16xf32> to vector<16xf32>
        %swap3A_793 = vector.shape_cast %mul3A_788 : vector<16xf32> to vector<1x16xf32>
        tpu.vector_store %arg10[%swap3A_789, %swap3A_790], %swap3A_793 {strides = array<i32>} : memref<128x64xf32, #tpu.memory_space<vmem>>, vector<1x16xf32>,
      }
      %scan3A_40 = arith.constant 8 : i32
      "tpu.region"() ({
        %run_scoped3A = tpu.sem_alloc : memref<!tpu.dma_semaphore, #tpu.memory_space<semaphore_mem>>
        %dma_start3A_41 = arith.constant 0 : i32
        %dma_start3A_42 = arith.constant 0 : i32
        %dma_start3A_43 = tpu.memref_slice %arg11[%dma_start3A_41, %dma_start3A_42] : memref<10240x64xf32, #tpu.memory_space<vmem_shared>> -> memref<10240x64xf32, #tpu.memory_space<vmem_shared>>
        tpu.enqueue_indirect_dma source(%arg10 : memref<128x64xf32, #tpu.memory_space<vmem>>) target(%dma_start3A_43 : memref<10240x64xf32, #tpu.memory_space<vmem_shared>>) offsets(%arg8 : memref<128xi32, #tpu.memory_space<vmem>>) semaphore(%run_scoped3A : memref<!tpu.dma_semaphore, #tpu.memory_space<semaphore_mem>>) {add = true}
        %dma_wait3A_44 = arith.constant 0 : i32
        %dma_wait3A_45 = arith.constant 0 : i32
        %dma_wait3A_46 = tpu.memref_slice %arg11[%dma_wait3A_44, %dma_wait3A_45] : memref<10240x64xf32, #tpu.memory_space<vmem_shared>> -> memref<10240x64xf32, #tpu.memory_space<vmem_shared>>
        tpu.wait_indirect_dma semaphore(%run_scoped3A : memref<!tpu.dma_semaphore, #tpu.memory_space<semaphore_mem>>) src(%arg10 : memref<128x64xf32, #tpu.memory_space<vmem>>) dst(%dma_wait3A_46 : memref<10240x64xf32, #tpu.memory_space<vmem_shared>>)
        tpu.yield
      }) : () -> ()
    }
    %scan3A_25 = arith.constant 80 : i32
    %barrier3A_26 = arith.constant 0 : index
    tpu.barrier barrier_id(%barrier3A_26)
    "tpu.region"() ({
      %run_scoped3A = tpu.sem_alloc : memref<!tpu.dma_semaphore, #tpu.memory_space<semaphore_mem>>
      %dma_start3A = arith.constant 0 : i32
      %dma_start3A_27 = tpu.memref_slice %arg6[%arg0, %mul3A_7, %dma_start3A] : memref<2x10240x64xf32, #tpu.memory_space<hbm>> -> memref<1x640x64xf32, #tpu.memory_space<hbm>>
      %dma_start3A_28 = tpu.memref_squeeze %dma_start3A_27 : memref<1x640x64xf32, #tpu.memory_space<hbm>> -> memref<640x64xf32, #tpu.memory_space<hbm>>
      %dma_start3A_29 = arith.constant 0 : i32
      %dma_start3A_30 = tpu.memref_slice %arg11[%mul3A_7, %dma_start3A_29] : memref<10240x64xf32, #tpu.memory_space<vmem_shared>> -> memref<640x64xf32, #tpu.memory_space<vmem_shared>>
      tpu.enqueue_dma source(%dma_start3A_30 : memref<640x64xf32, #tpu.memory_space<vmem_shared>>) target(%dma_start3A_28 : memref<640x64xf32, #tpu.memory_space<hbm>>) target_semaphore(%run_scoped3A : memref<!tpu.dma_semaphore, #tpu.memory_space<semaphore_mem>>)
      %dma_wait3A = arith.constant 0 : i32
      %dma_wait3A_31 = tpu.memref_slice %arg6[%arg0, %mul3A_7, %dma_wait3A] : memref<2x10240x64xf32, #tpu.memory_space<hbm>> -> memref<1x640x64xf32, #tpu.memory_space<hbm>>
      %dma_wait3A_32 = tpu.memref_squeeze %dma_wait3A_31 : memref<1x640x64xf32, #tpu.memory_space<hbm>> -> memref<640x64xf32, #tpu.memory_space<hbm>>
      %dma_wait3A_33 = arith.constant 0 : i32
      %dma_wait3A_34 = tpu.memref_slice %arg11[%mul3A_7, %dma_wait3A_33] : memref<10240x64xf32, #tpu.memory_space<vmem_shared>> -> memref<640x64xf32, #tpu.memory_space<vmem_shared>>
      tpu.wait_dma2 semaphore(%run_scoped3A : memref<!tpu.dma_semaphore, #tpu.memory_space<semaphore_mem>>) src(%dma_wait3A_34 : memref<640x64xf32, #tpu.memory_space<vmem_shared>>) dst(%dma_wait3A_32 : memref<640x64xf32, #tpu.memory_space<hbm>>)
      tpu.yield
    }) : () -> ()
    return
  }
}

module attributes {stable_mosaic.version = 14 : i64} {
  func.func @_project_body(%arg0: i32, %arg1: memref<1024x128xf32, #tpu.memory_space<vmem>>, %arg2: memref<128x256xf32, #tpu.memory_space<vmem>>, %arg3: memref<1x64xf32, #tpu.memory_space<vmem>>, %arg4: memref<1024x64xf32, #tpu.memory_space<vmem>>, %arg5: memref<1024x64xf32, #tpu.memory_space<vmem>>, %arg6: memref<1024x64xf32, #tpu.memory_space<vmem>>, %arg7: memref<1024x64xf32, #tpu.memory_space<vmem>>) attributes {dimension_semantics = [#tpu.dimension_semantics<arbitrary>], iteration_bounds = array<i64: 10>, scalar_prefetch = 0 : i64, scratch_operands = 0 : i64, tpu.core_type = #tpu.core_type<tc>, window_params = [{transform_indices = @transform_0, window_bounds = array<i64: 1024, 128>}, {pipeline_mode = #tpu.pipeline_mode<synchronous>, transform_indices = @transform_1, window_bounds = array<i64: 128, 256>}, {pipeline_mode = #tpu.pipeline_mode<synchronous>, transform_indices = @transform_2, window_bounds = array<i64: 1, 64>}, {transform_indices = @transform_3, window_bounds = array<i64: 1024, 64>}, {transform_indices = @transform_4, window_bounds = array<i64: 1024, 64>}, {transform_indices = @transform_5, window_bounds = array<i64: 1024, 64>}, {transform_indices = @transform_6, window_bounds = array<i64: 1024, 64>}]} {
    %get3A = arith.constant 0 : index
    %get3A_0 = arith.constant 0 : index
    %get3A_1 = vector.load %arg1[%get3A, %get3A_0] : memref<1024x128xf32, #tpu.memory_space<vmem>>, vector<1024x128xf32>
    %get3A_2 = arith.constant 0 : index
    %get3A_3 = arith.constant 0 : index
    %get3A_4 = vector.load %arg2[%get3A_2, %get3A_3] : memref<128x256xf32, #tpu.memory_space<vmem>>, vector<128x256xf32>
    %dot_general3A = arith.constant dense<0.000000e+00> : vector<1024x256xf32>
    %dot_general3A_5 = tpu.matmul %get3A_1, %get3A_4, %dot_general3A {dimension_numbers = #tpu.dot_dimension_numbers<[1], [0], [0], [1], [0, 0, 1, 1], [], []>, transpose_lhs_hint = false} : vector<1024x128xf32>, vector<128x256xf32>, vector<1024x256xf32> -> vector<1024x256xf32>
    %slice3A = vector.extract_strided_slice %dot_general3A_5 {offsets = [0, 64], sizes = [1024, 64], strides = [1, 1]} : vector<1024x256xf32> to vector<1024x64xf32>
    %swap3A = arith.constant 0 : index
    %swap3A_6 = arith.constant 0 : index
    %swap3A_7 = vector.load %arg4[%swap3A, %swap3A_6] : memref<1024x64xf32, #tpu.memory_space<vmem>>, vector<1024x64xf32>
    tpu.vector_store %arg4[%swap3A, %swap3A_6], %slice3A {strides = array<i32>} : memref<1024x64xf32, #tpu.memory_space<vmem>>, vector<1024x64xf32>,
    %slice3A_8 = vector.extract_strided_slice %dot_general3A_5 {offsets = [0, 128], sizes = [1024, 64], strides = [1, 1]} : vector<1024x256xf32> to vector<1024x64xf32>
    %swap3A_9 = arith.constant 0 : index
    %swap3A_10 = arith.constant 0 : index
    %swap3A_11 = vector.load %arg5[%swap3A_9, %swap3A_10] : memref<1024x64xf32, #tpu.memory_space<vmem>>, vector<1024x64xf32>
    tpu.vector_store %arg5[%swap3A_9, %swap3A_10], %slice3A_8 {strides = array<i32>} : memref<1024x64xf32, #tpu.memory_space<vmem>>, vector<1024x64xf32>,
    %slice3A_12 = vector.extract_strided_slice %dot_general3A_5 {offsets = [0, 192], sizes = [1024, 64], strides = [1, 1]} : vector<1024x256xf32> to vector<1024x64xf32>
    %swap3A_13 = arith.constant 0 : index
    %swap3A_14 = arith.constant 0 : index
    %swap3A_15 = vector.load %arg6[%swap3A_13, %swap3A_14] : memref<1024x64xf32, #tpu.memory_space<vmem>>, vector<1024x64xf32>
    tpu.vector_store %arg6[%swap3A_13, %swap3A_14], %slice3A_12 {strides = array<i32>} : memref<1024x64xf32, #tpu.memory_space<vmem>>, vector<1024x64xf32>,
    %slice3A_16 = vector.extract_strided_slice %dot_general3A_5 {offsets = [0, 0], sizes = [1024, 64], strides = [1, 1]} : vector<1024x256xf32> to vector<1024x64xf32>
    %slice3A_17 = vector.extract_strided_slice %dot_general3A_5 {offsets = [0, 128], sizes = [1024, 64], strides = [1, 1]} : vector<1024x256xf32> to vector<1024x64xf32>
    %sub3A = arith.subf %slice3A_16, %slice3A_17 : vector<1024x64xf32>
    %get3A_18 = arith.constant 0 : index
    %get3A_19 = arith.constant 0 : index
    %get3A_20 = vector.load %arg3[%get3A_18, %get3A_19] : memref<1x64xf32, #tpu.memory_space<vmem>>, vector<1x64xf32>
    %add3A = vector.broadcast %get3A_20 : vector<1x64xf32> to vector<1024x64xf32>
    %add3A_21 = arith.addf %sub3A, %add3A : vector<1024x64xf32>
    %swap3A_22 = arith.constant 0 : index
    %swap3A_23 = arith.constant 0 : index
    %swap3A_24 = vector.load %arg7[%swap3A_22, %swap3A_23] : memref<1024x64xf32, #tpu.memory_space<vmem>>, vector<1024x64xf32>
    tpu.vector_store %arg7[%swap3A_22, %swap3A_23], %add3A_21 {strides = array<i32>} : memref<1024x64xf32, #tpu.memory_space<vmem>>, vector<1024x64xf32>,
    return
  }
  func.func @transform_0(%arg0: i32) -> (i32, i32) {
    %c0_i32 = arith.constant 0 : i32
    %c0_i32_0 = arith.constant 0 : i32
    return %arg0, %c0_i32 : i32, i32
  }
  func.func @transform_1(%arg0: i32) -> (i32, i32) {
    %c0_i32 = arith.constant 0 : i32
    %c0_i32_0 = arith.constant 0 : i32
    %c0_i32_1 = arith.constant 0 : i32
    return %c0_i32, %c0_i32_0 : i32, i32
  }
  func.func @transform_2(%arg0: i32) -> (i32, i32) {
    %c0_i32 = arith.constant 0 : i32
    %c0_i32_0 = arith.constant 0 : i32
    %c0_i32_1 = arith.constant 0 : i32
    return %c0_i32, %c0_i32_0 : i32, i32
  }
  func.func @transform_3(%arg0: i32) -> (i32, i32) {
    %c0_i32 = arith.constant 0 : i32
    %c0_i32_0 = arith.constant 0 : i32
    return %arg0, %c0_i32 : i32, i32
  }
  func.func @transform_4(%arg0: i32) -> (i32, i32) {
    %c0_i32 = arith.constant 0 : i32
    %c0_i32_0 = arith.constant 0 : i32
    return %arg0, %c0_i32 : i32, i32
  }
  func.func @transform_5(%arg0: i32) -> (i32, i32) {
    %c0_i32 = arith.constant 0 : i32
    %c0_i32_0 = arith.constant 0 : i32
    return %arg0, %c0_i32 : i32, i32
  }
  func.func @transform_6(%arg0: i32) -> (i32, i32) {
    %c0_i32 = arith.constant 0 : i32
    %c0_i32_0 = arith.constant 0 : i32
    return %arg0, %c0_i32 : i32, i32
  }
}

module attributes {stable_mosaic.version = 14 : i64} {
  func.func @_combine1_body(%arg0: i32, %arg1: memref<2x1024x64xf32, #tpu.memory_space<vmem>>, %arg2: memref<1024x64xf32, #tpu.memory_space<vmem>>, %arg3: memref<1024x64xf32, #tpu.memory_space<vmem>>) attributes {dimension_semantics = [#tpu.dimension_semantics<arbitrary>], iteration_bounds = array<i64: 10>, scalar_prefetch = 0 : i64, scratch_operands = 0 : i64, tpu.core_type = #tpu.core_type<tc>, window_params = [{transform_indices = @transform_0, window_bounds = array<i64: 2, 1024, 64>}, {transform_indices = @transform_1, window_bounds = array<i64: 1024, 64>}, {transform_indices = @transform_2, window_bounds = array<i64: 1024, 64>}]} {
    %get3A = arith.constant 0 : index
    %get3A_0 = arith.constant 0 : index
    %get3A_1 = vector.load %arg2[%get3A, %get3A_0] : memref<1024x64xf32, #tpu.memory_space<vmem>>, vector<1024x64xf32>
    %get3A_2 = arith.constant 0 : index
    %get3A_3 = arith.constant 0 : index
    %get3A_4 = arith.constant 0 : index
    %get3A_5 = vector.load %arg1[%get3A_2, %get3A_3, %get3A_4] : memref<2x1024x64xf32, #tpu.memory_space<vmem>>, vector<1x1024x64xf32>
    %get3A_6 = vector.shape_cast %get3A_5 : vector<1x1024x64xf32> to vector<1024x64xf32>
    %get3A_7 = arith.constant 1 : index
    %get3A_8 = arith.constant 0 : index
    %get3A_9 = arith.constant 0 : index
    %get3A_10 = vector.load %arg1[%get3A_7, %get3A_8, %get3A_9] : memref<2x1024x64xf32, #tpu.memory_space<vmem>>, vector<1x1024x64xf32>
    %get3A_11 = vector.shape_cast %get3A_10 : vector<1x1024x64xf32> to vector<1024x64xf32>
    %add3A = arith.addf %get3A_6, %get3A_11 : vector<1024x64xf32>
    %mul3A = arith.constant 2.000000e+00 : f32
    %mul3A_12 = vector.broadcast %mul3A : f32 to vector<1024x64xf32>
    %mul3A_13 = arith.mulf %mul3A_12, %add3A : vector<1024x64xf32>
    %add3A_14 = arith.addf %get3A_1, %mul3A_13 : vector<1024x64xf32>
    %swap3A = arith.constant 0 : index
    %swap3A_15 = arith.constant 0 : index
    %swap3A_16 = vector.load %arg3[%swap3A, %swap3A_15] : memref<1024x64xf32, #tpu.memory_space<vmem>>, vector<1024x64xf32>
    tpu.vector_store %arg3[%swap3A, %swap3A_15], %add3A_14 {strides = array<i32>} : memref<1024x64xf32, #tpu.memory_space<vmem>>, vector<1024x64xf32>,
    return
  }
  func.func @transform_0(%arg0: i32) -> (i32, i32, i32) {
    %c0_i32 = arith.constant 0 : i32
    %c0_i32_0 = arith.constant 0 : i32
    %c0_i32_1 = arith.constant 0 : i32
    return %c0_i32, %arg0, %c0_i32_0 : i32, i32, i32
  }
  func.func @transform_1(%arg0: i32) -> (i32, i32) {
    %c0_i32 = arith.constant 0 : i32
    %c0_i32_0 = arith.constant 0 : i32
    return %arg0, %c0_i32 : i32, i32
  }
  func.func @transform_2(%arg0: i32) -> (i32, i32) {
    %c0_i32 = arith.constant 0 : i32
    %c0_i32_0 = arith.constant 0 : i32
    return %arg0, %c0_i32 : i32, i32
  }
}

module attributes {stable_mosaic.version = 14 : i64} {
  func.func @_combine2_body(%arg0: i32, %arg1: memref<2x1024x64xf32, #tpu.memory_space<vmem>>, %arg2: memref<1024x64xf32, #tpu.memory_space<vmem>>, %arg3: memref<1024x64xf32, #tpu.memory_space<vmem>>, %arg4: memref<1024x64xf32, #tpu.memory_space<vmem>>) attributes {dimension_semantics = [#tpu.dimension_semantics<arbitrary>], iteration_bounds = array<i64: 10>, scalar_prefetch = 0 : i64, scratch_operands = 0 : i64, tpu.core_type = #tpu.core_type<tc>, window_params = [{transform_indices = @transform_0, window_bounds = array<i64: 2, 1024, 64>}, {transform_indices = @transform_1, window_bounds = array<i64: 1024, 64>}, {transform_indices = @transform_2, window_bounds = array<i64: 1024, 64>}, {transform_indices = @transform_3, window_bounds = array<i64: 1024, 64>}]} {
    %get3A = arith.constant 0 : index
    %get3A_0 = arith.constant 0 : index
    %get3A_1 = vector.load %arg2[%get3A, %get3A_0] : memref<1024x64xf32, #tpu.memory_space<vmem>>, vector<1024x64xf32>
    %get3A_2 = arith.constant 0 : index
    %get3A_3 = arith.constant 0 : index
    %get3A_4 = vector.load %arg3[%get3A_2, %get3A_3] : memref<1024x64xf32, #tpu.memory_space<vmem>>, vector<1024x64xf32>
    %mul3A = arith.constant 3.000000e+00 : f32
    %mul3A_5 = vector.broadcast %mul3A : f32 to vector<1024x64xf32>
    %mul3A_6 = arith.mulf %mul3A_5, %get3A_4 : vector<1024x64xf32>
    %sub3A = arith.subf %get3A_1, %mul3A_6 : vector<1024x64xf32>
    %get3A_7 = arith.constant 0 : index
    %get3A_8 = arith.constant 0 : index
    %get3A_9 = arith.constant 0 : index
    %get3A_10 = vector.load %arg1[%get3A_7, %get3A_8, %get3A_9] : memref<2x1024x64xf32, #tpu.memory_space<vmem>>, vector<1x1024x64xf32>
    %get3A_11 = vector.shape_cast %get3A_10 : vector<1x1024x64xf32> to vector<1024x64xf32>
    %get3A_12 = arith.constant 1 : index
    %get3A_13 = arith.constant 0 : index
    %get3A_14 = arith.constant 0 : index
    %get3A_15 = vector.load %arg1[%get3A_12, %get3A_13, %get3A_14] : memref<2x1024x64xf32, #tpu.memory_space<vmem>>, vector<1x1024x64xf32>
    %get3A_16 = vector.shape_cast %get3A_15 : vector<1x1024x64xf32> to vector<1024x64xf32>
    %add3A = arith.addf %get3A_11, %get3A_16 : vector<1024x64xf32>
    %mul3A_17 = arith.constant 2.000000e+00 : f32
    %mul3A_18 = vector.broadcast %mul3A_17 : f32 to vector<1024x64xf32>
    %mul3A_19 = arith.mulf %mul3A_18, %add3A : vector<1024x64xf32>
    %add3A_20 = arith.addf %sub3A, %mul3A_19 : vector<1024x64xf32>
    %swap3A = arith.constant 0 : index
    %swap3A_21 = arith.constant 0 : index
    %swap3A_22 = vector.load %arg4[%swap3A, %swap3A_21] : memref<1024x64xf32, #tpu.memory_space<vmem>>, vector<1024x64xf32>
    tpu.vector_store %arg4[%swap3A, %swap3A_21], %add3A_20 {strides = array<i32>} : memref<1024x64xf32, #tpu.memory_space<vmem>>, vector<1024x64xf32>,
    return
  }
  func.func @transform_0(%arg0: i32) -> (i32, i32, i32) {
    %c0_i32 = arith.constant 0 : i32
    %c0_i32_0 = arith.constant 0 : i32
    %c0_i32_1 = arith.constant 0 : i32
    return %c0_i32, %arg0, %c0_i32_0 : i32, i32, i32
  }
  func.func @transform_1(%arg0: i32) -> (i32, i32) {
    %c0_i32 = arith.constant 0 : i32
    %c0_i32_0 = arith.constant 0 : i32
    return %arg0, %c0_i32 : i32, i32
  }
  func.func @transform_2(%arg0: i32) -> (i32, i32) {
    %c0_i32 = arith.constant 0 : i32
    %c0_i32_0 = arith.constant 0 : i32
    return %arg0, %c0_i32 : i32, i32
  }
  func.func @transform_3(%arg0: i32) -> (i32, i32) {
    %c0_i32 = arith.constant 0 : i32
    %c0_i32_0 = arith.constant 0 : i32
    return %arg0, %c0_i32 : i32, i32
  }
}

module attributes {stable_mosaic.version = 14 : i64} {
  func.func @_epilogue_body(%arg0: i32, %arg1: memref<2x1024x64xf32, #tpu.memory_space<vmem>>, %arg2: memref<1024x64xf32, #tpu.memory_space<vmem>>, %arg3: memref<1024x32xf32, #tpu.memory_space<vmem>>, %arg4: memref<1024x32xf32, #tpu.memory_space<vmem>>) attributes {dimension_semantics = [#tpu.dimension_semantics<arbitrary>], iteration_bounds = array<i64: 10>, scalar_prefetch = 0 : i64, scratch_operands = 0 : i64, tpu.core_type = #tpu.core_type<tc>, window_params = [{transform_indices = @transform_0, window_bounds = array<i64: 2, 1024, 64>}, {transform_indices = @transform_1, window_bounds = array<i64: 1024, 64>}, {transform_indices = @transform_2, window_bounds = array<i64: 1024, 32>}, {transform_indices = @transform_3, window_bounds = array<i64: 1024, 32>}]} {
    %get3A = arith.constant 0 : index
    %get3A_0 = arith.constant 0 : index
    %get3A_1 = vector.load %arg2[%get3A, %get3A_0] : memref<1024x64xf32, #tpu.memory_space<vmem>>, vector<1024x64xf32>
    %get3A_2 = arith.constant 0 : index
    %get3A_3 = arith.constant 0 : index
    %get3A_4 = arith.constant 0 : index
    %get3A_5 = vector.load %arg1[%get3A_2, %get3A_3, %get3A_4] : memref<2x1024x64xf32, #tpu.memory_space<vmem>>, vector<1x1024x64xf32>
    %get3A_6 = vector.shape_cast %get3A_5 : vector<1x1024x64xf32> to vector<1024x64xf32>
    %add3A = arith.addf %get3A_1, %get3A_6 : vector<1024x64xf32>
    %get3A_7 = arith.constant 1 : index
    %get3A_8 = arith.constant 0 : index
    %get3A_9 = arith.constant 0 : index
    %get3A_10 = vector.load %arg1[%get3A_7, %get3A_8, %get3A_9] : memref<2x1024x64xf32, #tpu.memory_space<vmem>>, vector<1x1024x64xf32>
    %get3A_11 = vector.shape_cast %get3A_10 : vector<1x1024x64xf32> to vector<1024x64xf32>
    %add3A_12 = arith.addf %add3A, %get3A_11 : vector<1024x64xf32>
    %slice3A = vector.extract_strided_slice %add3A_12 {offsets = [0, 0], sizes = [1024, 32], strides = [1, 1]} : vector<1024x64xf32> to vector<1024x32xf32>
    %get3A_13 = arith.constant 0 : index
    %get3A_14 = arith.constant 0 : index
    %get3A_15 = vector.load %arg3[%get3A_13, %get3A_14] : memref<1024x32xf32, #tpu.memory_space<vmem>>, vector<1024x32xf32>
    %slice3A_16 = vector.extract_strided_slice %add3A_12 {offsets = [0, 32], sizes = [1024, 32], strides = [1, 1]} : vector<1024x64xf32> to vector<1024x32xf32>
    %mul3A = arith.mulf %get3A_15, %slice3A_16 : vector<1024x32xf32>
    %add3A_17 = arith.addf %slice3A, %mul3A : vector<1024x32xf32>
    %swap3A = arith.constant 0 : index
    %swap3A_18 = arith.constant 0 : index
    %swap3A_19 = vector.load %arg4[%swap3A, %swap3A_18] : memref<1024x32xf32, #tpu.memory_space<vmem>>, vector<1024x32xf32>
    tpu.vector_store %arg4[%swap3A, %swap3A_18], %add3A_17 {strides = array<i32>} : memref<1024x32xf32, #tpu.memory_space<vmem>>, vector<1024x32xf32>,
    return
  }
  func.func @transform_0(%arg0: i32) -> (i32, i32, i32) {
    %c0_i32 = arith.constant 0 : i32
    %c0_i32_0 = arith.constant 0 : i32
    %c0_i32_1 = arith.constant 0 : i32
    return %c0_i32, %arg0, %c0_i32_0 : i32, i32, i32
  }
  func.func @transform_1(%arg0: i32) -> (i32, i32) {
    %c0_i32 = arith.constant 0 : i32
    %c0_i32_0 = arith.constant 0 : i32
    return %arg0, %c0_i32 : i32, i32
  }
  func.func @transform_2(%arg0: i32) -> (i32, i32) {
    %c0_i32 = arith.constant 0 : i32
    %c0_i32_0 = arith.constant 0 : i32
    return %arg0, %c0_i32 : i32, i32
  }
  func.func @transform_3(%arg0: i32) -> (i32, i32) {
    %c0_i32 = arith.constant 0 : i32
    %c0_i32_0 = arith.constant 0 : i32
    return %arg0, %c0_i32 : i32, i32
  }
}

</mosaic_0001>

<sc_bundles>
// kernel: kernel.12.cloned.1.call-start
scs
__scs_entry_jumppad:
0x0: {  	(pc) =	sbr.rel $0x88, $3  }
0x1: {  	(tag) =	ssettag $0x0;
	lr =	simm.s32 $0x1  }
0x2: {  	[smem:$0x3F9A] =	sst lr;
	_ =	strace $0xD0000000  }
0x3: {  	_ = 	snop  }
0x4: {  	_ = 	snop  }
0x5: {  	_ = 	snop  }
0x6: {  	_ = 	snop  }
0x7: {  	_ = 	snop  }
__scs_overlays_trampoline_lowered:
0x8: {  	[smem:$0x3FA9] =	sst s0  }
0x9: {  	[smem:$0x3FAA] =	sst s1  }
0xa: {  	[smem:$0x3FAB] =	sst s2  }
0xb: {  	[smem:$0x3FAC] =	sst s3  }
0xc: {  	[smem:$0x3FAD] =	sst s4  }
0xd: {  	[smem:$0x3FAE] =	sst s5  }
0xe: {  	[smem:$0x3FAF] =	sst s6  }
0xf: {  	[smem:$0x3FB0] =	sst s7  }
0x10: {  	[smem:$0x3FB1] =	sst s8  }
0x11: {  	[smem:$0x3FB2] =	sst s9;
	s0 =	simm.s32 @!p0 $0x0  }
0x12: {  	s1 =	sld [smem:$0x3F98];
	s0 =	simm.s32 @p0 $0x1  }
0x13: {  	[smem:$0x3FB3] =	sst s0;
	s0 =	simm.s32 @!p1 $0x0  }
0x14: {  	s2 =	sld [smem:$0x3F97];
	s0 =	simm.s32 @p1 $0x1  }
0x15: {  	[smem:$0x3FB4] =	sst s0;
	s0 =	simm.s32 @!p2 $0x0  }
0x16: {  	s3 =	sld [smem:$0x3FDB];
	s0 =	simm.s32 @p2 $0x1  }
0x17: {  	s4 =	simm.s32 $0x1BF5;
	[smem:$0x3FB6] =	sst s0  }
0x18: {  	s0 =	sld [smem:$0x3F99];
	_ =	swait.ge [sflag:s4], $0x0  }
0x19: {  	s7 =	sld [smem:$0x3F9A]  }
0x1a: {  	s8 =	sadd.s32 $0xFFFFE003, lr  }
0x1b: {  	s9 =	sadd.s32 $0xFFFFFEF7, lr;
	s5 =	simm.s32 $0xFFFFFFFF;
	p2 =	slt.u32 s8, $0xFFFFF086  }
0x1c: {  	p1 =	slt.u32 s9, $0xF7A;
	s5 =	simm.s32 @!p2 $0x0  }
0x1d: {  	s5 =	simm.s32 @p1 $0x1;
	p0 =	seq.s32 s7, s2  }
0x1e: {  	s7 =	smul.u32 @!p0 $0xF7A, s2;
	p2 =	seq.s32 @!p0 s5, $0x0  }
0x1f: {  	s9 =	smul.u32 $0xF7A, s1;
	s8 =	simm.s32 @!p0 $0x1BF5;
	p2 =	por !p2, p0  }
0x20: {  	[sflag:s8] =	ssyncset.s32 @!p0 $0xFFFFF086;
	s6 =	sadd.s32 @!p0 s3, s7;
	s7 =	simm.s32 @!p0 $0x108  }
0x21: {  	s3 =	sadd.s32 s3, s9;
	s6 =	sadd.s32 @!p0 $0x88, s6;
	s7 =	simm.s32 @p2 $0x1082  }
0x22: {  	[simem:s7], [sflag:s8] =	dma.local @!p0 [hbm:s6], $0xF7A  }
0x23: {  	s9 =	sor.u32 $0xD0000000, s2;
	s6 =	simm.s32 $0x108;
	_ =	swait.ge @!p0 [sflag:s8], $0x0  }
0x24: {  	s3 =	sadd.s32 $0x88, s3;
	s6 =	simm.s32 @!p1 $0x1082;
	[sflag:s4] =	ssyncset.s32 $0xFFFFF086  }
0x25: {  	[simem:s6], [sflag:s4] =	dma.local [hbm:s3], $0xF7A  }
0x26: {  	[smem:$0x3F9A] =	sst s1;
	(tag) =	ssettag s2;
	_ =	strace s9  }
0x27: {  	s1 =	sld [smem:$0x3FAA]  }
0x28: {  	s2 =	sld [smem:$0x3FAB]  }
0x29: {  	s4 =	sld [smem:$0x3FAD]  }
0x2a: {  	p0 =	seq.s32 s5, $0x0;
	s5 =	sld [smem:$0x3FAE]  }
0x2b: {  	s6 =	sld [smem:$0x3FAF]  }
0x2c: {  	s7 =	sld [smem:$0x3FB0]  }
0x2d: {  	s3 =	simm.s32 $0x108;
	s8 =	sld [smem:$0x3FB1]  }
0x2e: {  	s3 =	simm.s32 @!p0 $0x1082;
	s9 =	sld [smem:$0x3FB2]  }
0x2f: {  	lr =	sadd.s32 s0, s3;
	s0 =	sld [smem:$0x3FA9]  }
0x30: {  	s3 =	sld [smem:$0x3FAC]  }
0x31: {  	[smem:$0x3FB5] =	sst s10  }
0x32: {  	s10 =	sld [smem:$0x3FB3];
	_ =	sdelay $0x3  }
0x33: {  	p0 =	seq.s32 s10, $0x1;
	s10 =	sld [smem:$0x3FB5];
	_ =	sdelay $0x3  }
0x34: {  	[smem:$0x3FB5] =	sst s10  }
0x35: {  	s10 =	sld [smem:$0x3FB4];
	_ =	sdelay $0x3  }
0x36: {  	p1 =	seq.s32 s10, $0x1;
	s10 =	sld [smem:$0x3FB5];
	_ =	sdelay $0x3  }
0x37: {  	[smem:$0x3FB5] =	sst s10  }
0x38: {  	s10 =	sld [smem:$0x3FB6]  }
0x39: {  	_ = 	snop;
	(pc) =	sbr.ind lr, $3  }
0x3a: {  	_ = 	snop  }
0x3b: {  	_ = 	snop  }
0x3c: {  	p2 =	seq.s32 s10, $0x1;
	s10 =	sld [smem:$0x3FB5]  }
0x3d: {  	_ =	shalt  }
0x3e: {  	_ =	shalt  }
0x3f: {  	_ =	shalt  }
0x40: {  	_ =	shalt  }
0x41: {  	_ =	shalt  }
0x42: {  	_ =	shalt  }
0x43: {  	_ =	shalt  }
0x44: {  	_ =	shalt  }
0x45: {  	_ =	shalt  }
0x46: {  	_ =	shalt  }
0x47: {  	_ =	shalt  }
0x48: {  	_ =	shalt  }
0x49: {  	_ =	shalt  }
0x4a: {  	_ =	shalt  }
0x4b: {  	_ =	shalt  }
0x4c: {  	_ =	shalt  }
0x4d: {  	_ =	shalt  }
0x4e: {  	_ =	shalt  }
0x4f: {  	_ =	shalt  }
0x50: {  	_ =	shalt  }
0x51: {  	_ =	shalt  }
0x52: {  	_ =	shalt  }
0x53: {  	_ =	shalt  }
0x54: {  	_ =	shalt  }
0x55: {  	_ =	shalt  }
0x56: {  	_ =	shalt  }
0x57: {  	_ =	shalt  }
0x58: {  	_ =	shalt  }
0x59: {  	_ =	shalt  }
0x5a: {  	_ =	shalt  }
0x5b: {  	_ =	shalt  }
0x5c: {  	_ =	shalt  }
0x5d: {  	_ =	shalt  }
0x5e: {  	_ =	shalt  }
0x5f: {  	_ =	shalt  }
0x60: {  	_ =	shalt  }
0x61: {  	_ =	shalt  }
0x62: {  	_ =	shalt  }
0x63: {  	_ =	shalt  }
0x64: {  	_ =	shalt  }
0x65: {  	_ =	shalt  }
0x66: {  	_ =	shalt  }
0x67: {  	_ =	shalt  }
0x68: {  	_ =	shalt  }
0x69: {  	_ =	shalt  }
0x6a: {  	_ =	shalt  }
0x6b: {  	_ =	shalt  }
0x6c: {  	_ =	shalt  }
0x6d: {  	_ =	shalt  }
0x6e: {  	_ =	shalt  }
0x6f: {  	_ =	shalt  }
0x70: {  	_ =	shalt  }
0x71: {  	_ =	shalt  }
0x72: {  	_ =	shalt  }
0x73: {  	_ =	shalt  }
0x74: {  	_ =	shalt  }
0x75: {  	_ =	shalt  }
0x76: {  	_ =	shalt  }
0x77: {  	_ =	shalt  }
0x78: {  	_ =	shalt  }
0x79: {  	_ =	shalt  }
0x7a: {  	_ =	shalt  }
0x7b: {  	_ =	shalt  }
0x7c: {  	_ =	shalt  }
0x7d: {  	_ =	shalt  }
0x7e: {  	_ =	shalt  }
0x7f: {  	_ =	shalt  }
0x80: {  	_ =	shalt  }
0x81: {  	_ =	shalt  }
0x82: {  	_ =	shalt  }
0x83: {  	_ =	shalt  }
0x84: {  	_ =	shalt  }
0x85: {  	_ =	shalt  }
0x86: {  	_ =	shalt  }
0x87: {  	_ =	shalt  }
.Lfunc_end0:
.L_simem_size_0:
called_computation.1_lowered:
.L_overlay_start_0:
0x88: {  	s2 =	sld [smem:$0x3FD9]  }
0x89: {  	s3 =	sld [smem:$0x3FFE];
	_ =	sdelay $0x1  }
0x8a: {  	s1 =	srdreg.scid  }
0x8b: {  	s0 =	sand.u32 $0x1, s1  }
0x8c: {  	s16 =	sshll.u32 s0, $0xA;
	s2 =	sadd.s32 s3, s2  }
0x8d: {  	s2 =	sadd.s32 s2, s16  }
0x8e: {  	[smem:$0x3FC1] =	sst s2  }
0x8f: {  	_ = 	snop  }
0x90: {  	(tm) =	ssettm $0x1  }
0x91: {  	s17 =	sld [smem:$0x3FFB];
	_ =	sdelay $0x3  }
0x92: {  	_ =	strace s17  }
0x93: {  	s2 =	sld [smem:$0x3FFC];
	_ =	sdelay $0x3  }
0x94: {  	_ =	strace s2  }
0x95: {  	s2 =	sld [smem:$0x3FFD];
	_ =	sdelay $0x3  }
0x96: {  	_ =	strace s2  }
0x97: {  	_ =	strace $0x8FFFFFFF  }
0x98: {  	s18 =	sld [smem:$0x3FDB];
	_ =	sdelay $0x1  }
0x99: {  	s19 =	simm.s32 $_scs_section_size  }
0x9a: {  	s4 =	simm.s32 $_size__tile_overlayer_lowered;
	s5 =	simm.s32 $_tile_overlayer_lowered  }
0x9b: {  	s22 =	simm.s32 $0x1BFF;
	s21 =	sshll.u32 s5, $0x1;
	s2 =	sadd.s32 s19, s18  }
0x9c: {  	s6 =	simm.s32 $0x0;
	s20 =	sshll.u32 s4, $0x1;
	s4 =	sadd.s32 s21, s2  }
0x9d: {  	[timem:s6], [sflag:s22] =	dma.local [hbm:s4], s20  }
0x9e: {  	_ =	swait.ge [sflag:s22], s20  }
0x9f: {  	s3 =	ssub.s32 $0x0, s20;
	[sflag:s22] =	ssyncset.done $0x0  }
0xa0: {  	[sflag:s22] =	ssyncadd.s32 s3;
	_ =	sdelay $0x1  }
0xa1: {  	s23 =	simm.s32 $0x1B8B  }
0xa2: {  	_ =	swait.ge [sflag:s23], $0x1  }
0xa3: {  	[sflag:s23] =	ssyncset.done $0x0  }
0xa4: {  	s25 =	simm.s32 $0x1B8E;
	s24 =	sld [smem:$0x3FFE];
	[sflag:s23] =	ssyncadd.s32 $0xFFFFFFFF  }
0xa5: {  	s26 =	simm.s32 $execute0_lowered;
	[smem:$0x3FD2] =	sst s25  }
0xa6: {  	s4 =	sshll.u32 s26, $0x1;
	_ =	strace $0x80000049;
	[dreg:$0x1] =	wrdreg $0xFFFFFFFF  }
0xa7: {  	s28 =	simm.s32 $_size_execute0_lowered;
	s2 =	sadd.s32 s2, s4;
	[dreg:$0x0] =	wrdreg $0x0  }
0xa8: {  	s4 =	sshll.u32 s28, $0x1;
	[dreg:$0x2] =	wrdreg s2  }
0xa9: {  	[dreg:$0x3] =	wrdreg s4  }
0xaa: {  	[dreg:$0x4] =	wrdreg $0xC0  }
0xab: {  	_ =	task [dreg:s6], $0x5FFFF  }
0xac: {  	[dreg:$0x1] =	wrdreg $0xFFFFFFFF  }
0xad: {  	[dreg:$0x0] =	wrdreg $0x60  }
0xae: {  	[dreg:$0x2] =	wrdreg s24  }
0xaf: {  	[dreg:$0x3] =	wrdreg $0x21800  }
0xb0: {  	[dreg:$0x4] =	wrdreg $0x9  }
0xb1: {  	_ =	task.clear_ibuf [dreg:s6], $0x5FFFF;
	_ =	strace $0x90000049  }
0xb2: {  	s29 =	simm.s32 $0x9;
	_ =	strace $0x8000004B  }
0xb3: {  	_ =	swait.ge [sflag:s29], $0x1  }
0xb4: {  	[sflag:s29] =	ssyncadd.s32 $0xFFFFFFFF  }
0xb5: {  	_ =	strace $0x9000004B  }
0xb6: {  	_ =	sfence  }
0xb7: {  	s30 =	sld [smem:$0x0];
	_ =	sdelay $0x2  }
0xb8: {  	s31 =	sshll.u32 s1, $0xD;
	s1 =	sshrl.u32 s1, $0x2  }
0xb9: {  	s3 =	sand.u32 $0x4000, s31;
	s1 =	sadd.s32 s1, s30  }
0xba: {  	s0 =	sor.u32 s3, s0;
	s1 =	sshll.u32 s1, $0x11  }
0xbb: {  	s0 =	sor.u32 s1, s0  }
0xbc: {  	s0 =	sadd.s32 $0x8F2B, s0  }
0xbd: {  	[sflag:s0] =	ssyncadd.remote.s32 $0x1  }
0xbe: {  	_ =	sfence.sel $0xFFFF  }
0xbf: {  	[dreg:$0x0] =	wrdreg $0xFFFFFFFF;
	(pc) =	sbr.abs _section_cstart, $3  }
0xc0: {  	[dreg:$0x1] =	wrdreg $0xFFFFFFFF  }
0xc1: {  	_ =	task.clear_ibuf [dreg:s6], $0x2FFFF;
	_ =	strace $0x9FFFFFFF  }
0xc2: {  	(tm) =	ssettm $0x7FFFFFFF  }
0xc3: {  	_ =	shalt  }
tec
execute0_lowered:
.L_overlay_start_1:
0x0: {  	(tag) =	ssettag $0x1  }
0x1: {  	s8 =	rddreg [dreg:$0x0]  }
0x2: {  	s2 =	rddreg [dreg:$0x1]  }
0x3: {  	s0 =	rddreg [dreg:$0x2]  }
0x4: {  	s4 =	srdreg.scid;
	s1 =	stileid.u32;
	s3 =	simm.s32 $0x0  }
0x5: {  	s16 =	simm.s32 $0x180;
	s17 =	simm.s32 $0x2;
	s18 =	simm.s32 $0x80  }
0x6: {  	s19 =	simm.s32 $0x100;
	s20 =	simm.s32 $0x1;
	s9 =	sand.u32 $0x1, s4  }
0x7: {  	s10 =	smul.u32 $0xA000, s1;
	[smem:$0x7FF] =	sst s3;
	s4 =	sadd.s32 $0x51E00, s8  }
0x8: {  	s5 =	sadd.s32 $0x6FE00, s8;
	s6 =	sadd.s32 $0x65E00, s8;
	s13 =	smul.u32 $0x28000, s1  }
0x9: {  	s7 =	smul.u32 $0xA0000, s9;
	_ =	strace $0x8000004A;
	s12 =	ssub.s32 $0x2, s9  }
0xa: {  	s28 =	sshll.u32 s9, $0x4;
	s26 =	sshrl.u32 s12, $0x1;
	s29 =	sshrl.u32 s13, $0x2  }
0xb: {  	s30 =	sor.u32 s1, s28;
	s7 =	sadd.s32 s10, s7;
	s15 =	ssub.s32 s12, s26  }
0xc: {  	s31 =	sadd.s32 s29, s2;
	s13 =	smul.u32 $0x2800, s30;
	s11 =	sshrl.u32 s7, $0x3  }
0xd: {  	s7 =	sadd.s32 $0x79E00, s8;
	s9 =	sadd.s32 $0x2000, s31;
	s12 =	sadd.s32 $0x8000, s31  }
0xe: {  	s15 =	smax.u32 s15, $0x1;
	s14 =	sadd.s32 s11, s8;
	s8 =	sadd.s32 s10, s2  }
0xf: {  	v0 =	vimm.f32 $0.0e+00;
	s10 =	sadd.s32 $0x4000, s31;
	s11 =	sadd.s32 $0x6000, s31;
	s14 =	sadd.s32 $0x83E00, s14  }
.LBB2_1:
0x10: {  	s21 =	simm.s32 $0x280  }
0x11: {  	[tilespmem:s21+$0xFFFFFF00] =	vst v0  }
0x12: {  	[tilespmem:s21+$0xF0] =	vst v0  }
0x13: {  	[tilespmem:s21+$0xE0] =	vst v0  }
0x14: {  	[tilespmem:s21+$0xD0] =	vst v0  }
0x15: {  	[tilespmem:s21+$0xC0] =	vst v0  }
0x16: {  	[tilespmem:s21+$0xB0] =	vst v0  }
0x17: {  	[tilespmem:s21+$0xA0] =	vst v0  }
0x18: {  	[tilespmem:s21+$0x90] =	vst v0  }
0x19: {  	[tilespmem:s21+$0x80] =	vst v0  }
0x1a: {  	[tilespmem:s21+$0x70] =	vst v0  }
0x1b: {  	[tilespmem:s21+$0x60] =	vst v0  }
0x1c: {  	[tilespmem:s21+$0x50] =	vst v0  }
0x1d: {  	[tilespmem:s21+$0x40] =	vst v0  }
0x1e: {  	[tilespmem:s21+$0x30] =	vst v0  }
0x1f: {  	[tilespmem:s21+$0x20] =	vst v0  }
0x20: {  	[tilespmem:s21+$0x10] =	vst v0  }
0x21: {  	[tilespmem:s21+$0x0] =	vst v0  }
0x22: {  	[tilespmem:s21+$0xFFFFFFF0] =	vst v0  }
0x23: {  	[tilespmem:s21+$0xFFFFFFE0] =	vst v0  }
0x24: {  	[tilespmem:s21+$0xFFFFFFD0] =	vst v0  }
0x25: {  	[tilespmem:s21+$0xFFFFFFC0] =	vst v0  }
0x26: {  	[tilespmem:s21+$0xFFFFFFB0] =	vst v0  }
0x27: {  	[tilespmem:s21+$0xFFFFFFA0] =	vst v0  }
0x28: {  	[tilespmem:s21+$0xFFFFFF90] =	vst v0  }
0x29: {  	[tilespmem:s21+$0xFFFFFF80] =	vst v0  }
0x2a: {  	[tilespmem:s21+$0xFFFFFF70] =	vst v0  }
0x2b: {  	[tilespmem:s21+$0xFFFFFF60] =	vst v0  }
0x2c: {  	[tilespmem:s21+$0xFFFFFF50] =	vst v0  }
0x2d: {  	[tilespmem:s21+$0xFFFFFF40] =	vst v0  }
0x2e: {  	[tilespmem:s21+$0xFFFFFF30] =	vst v0  }
0x2f: {  	s22 =	simm.s32 $0x0;
	[tilespmem:s21+$0xFFFFFF20] =	vst v0  }
.LBB2_2:
0x30: {  	s22 =	sadd.s32 $0x8, s22;
	[tilespmem:s21+$0xFFFFFF10] =	vst v0;
	s21 =	sadd.s32 $0x200, s21  }
0x31: {  	[tilespmem:s21+$0xFFFFFF00] =	vst v0;
	p0 =	slt.u32 s22, $0x78  }
0x32: {  	[tilespmem:s21+$0xF0] =	vst v0  }
0x33: {  	[tilespmem:s21+$0xE0] =	vst v0  }
0x34: {  	[tilespmem:s21+$0xD0] =	vst v0  }
0x35: {  	[tilespmem:s21+$0xC0] =	vst v0  }
0x36: {  	[tilespmem:s21+$0xB0] =	vst v0  }
0x37: {  	[tilespmem:s21+$0xA0] =	vst v0  }
0x38: {  	[tilespmem:s21+$0x90] =	vst v0  }
0x39: {  	[tilespmem:s21+$0x80] =	vst v0  }
0x3a: {  	[tilespmem:s21+$0x70] =	vst v0  }
0x3b: {  	[tilespmem:s21+$0x60] =	vst v0  }
0x3c: {  	[tilespmem:s21+$0x50] =	vst v0  }
0x3d: {  	[tilespmem:s21+$0x40] =	vst v0  }
0x3e: {  	[tilespmem:s21+$0x30] =	vst v0  }
0x3f: {  	[tilespmem:s21+$0x20] =	vst v0  }
0x40: {  	[tilespmem:s21+$0x10] =	vst v0  }
0x41: {  	[tilespmem:s21+$0x0] =	vst v0  }
0x42: {  	[tilespmem:s21+$0xFFFFFFF0] =	vst v0  }
0x43: {  	[tilespmem:s21+$0xFFFFFFE0] =	vst v0  }
0x44: {  	[tilespmem:s21+$0xFFFFFFD0] =	vst v0  }
0x45: {  	[tilespmem:s21+$0xFFFFFFC0] =	vst v0  }
0x46: {  	[tilespmem:s21+$0xFFFFFFB0] =	vst v0  }
0x47: {  	[tilespmem:s21+$0xFFFFFFA0] =	vst v0  }
0x48: {  	[tilespmem:s21+$0xFFFFFF90] =	vst v0  }
0x49: {  	[tilespmem:s21+$0xFFFFFF80] =	vst v0  }
0x4a: {  	[tilespmem:s21+$0xFFFFFF70] =	vst v0  }
.Ltmp0:
0x4b: {  	[tilespmem:s21+$0xFFFFFF60] =	vst v0;
	(pc) =	sbr.rel @p0 .LBB2_2-.Ltmp0, $4  }
0x4c: {  	[tilespmem:s21+$0xFFFFFF50] =	vst v0  }
0x4d: {  	[tilespmem:s21+$0xFFFFFF40] =	vst v0  }
0x4e: {  	[tilespmem:s21+$0xFFFFFF30] =	vst v0  }
0x4f: {  	[tilespmem:s21+$0xFFFFFF20] =	vst v0  }
0x50: {  	[tilespmem:s21+$0xFFFFFF10] =	vst v0  }
0x51: {  	[spmem:s8] =	stream.linear.scatter [tilespmem:s16], [sflag:$0x2], $0x2000, $0x38;
	[tilespmem:$0xC180] =	vst v63  }
0x52: {  	_ =	swait.ge [sflag:s17], $0x2000  }
0x53: {  	[sflag:s17] =	ssyncset.done $0x0  }
0x54: {  	[sflag:s17] =	ssyncadd.s32 $0xFFFFE000  }
0x55: {  	[spmem:s9] =	stream.linear.scatter [tilespmem:s16], [sflag:$0x2], $0x2000, $0x38;
	[tilespmem:$0xC180] =	vst v63  }
0x56: {  	_ =	swait.ge [sflag:s17], $0x2000  }
0x57: {  	[sflag:s17] =	ssyncset.done $0x0  }
0x58: {  	[sflag:s17] =	ssyncadd.s32 $0xFFFFE000  }
0x59: {  	[spmem:s10] =	stream.linear.scatter [tilespmem:s16], [sflag:$0x2], $0x2000, $0x38;
	[tilespmem:$0xC180] =	vst v63  }
0x5a: {  	_ =	swait.ge [sflag:s17], $0x2000  }
0x5b: {  	[sflag:s17] =	ssyncset.done $0x0  }
0x5c: {  	[sflag:s17] =	ssyncadd.s32 $0xFFFFE000  }
0x5d: {  	[spmem:s11] =	stream.linear.scatter [tilespmem:s16], [sflag:$0x2], $0x2000, $0x38;
	[tilespmem:$0xC180] =	vst v63  }
0x5e: {  	_ =	swait.ge [sflag:s17], $0x2000  }
0x5f: {  	[sflag:s17] =	ssyncset.done $0x0  }
0x60: {  	[sflag:s17] =	ssyncadd.s32 $0xFFFFE000  }
0x61: {  	[spmem:s12] =	stream.linear.scatter [tilespmem:s16], [sflag:$0x2], $0x2000, $0x38;
	[tilespmem:$0xC180] =	vst v63  }
0x62: {  	_ =	swait.ge [sflag:s17], $0x2000  }
0x63: {  	[sflag:s17] =	ssyncset.done $0x0  }
0x64: {  	[sflag:s17] =	ssyncadd.s32 $0xFFFFE000  }
0x65: {  	s21 =	simm.s32 $0x0;
	s22 =	simm.s32 $0x0;
	[bflag:$0x0] =	sbarrier.arrive $0xFFFF  }
.LBB2_4:
0x66: {  	s23 =	sshll.u32 s22, $0x7  }
0x67: {  	s23 =	sadd.s32 s13, s23  }
0x68: {  	s23 =	sshrl.u32 s23, $0x3  }
0x69: {  	s24 =	sadd.s32 s5, s23  }
0x6a: {  	[tilespmem:s21], [sflag:$0x2] =	stream.linear.gather [hbm4b:s24+s21], $0x80, $0x38;
	[tilespmem:$0xC180] =	vst v63  }
0x6b: {  	_ =	swait.ge [sflag:s17], $0x80  }
0x6c: {  	[sflag:s17] =	ssyncset.done $0x0  }
0x6d: {  	s31 =	sadd.s32 s6, s23;
	[sflag:s17] =	ssyncadd.s32 $0xFFFFFF80  }
0x6e: {  	[tilespmem:s18], [sflag:$0x2] =	stream.linear.gather [hbm4b:s31+s21], $0x80, $0x38;
	[tilespmem:$0xC180] =	vst v63  }
0x6f: {  	_ =	swait.ge [sflag:s17], $0x80  }
0x70: {  	[sflag:s17] =	ssyncset.done $0x0  }
0x71: {  	s23 =	sadd.s32 s7, s23;
	[sflag:s17] =	ssyncadd.s32 $0xFFFFFF80  }
0x72: {  	[tilespmem:s19], [sflag:$0x2] =	stream.linear.gather [hbm4b:s23+s21], $0x80, $0x38;
	[tilespmem:$0xC180] =	vst v63  }
0x73: {  	_ =	swait.ge [sflag:s17], $0x80  }
0x74: {  	[sflag:s17] =	ssyncset.done $0x0  }
0x75: {  	[sflag:s17] =	ssyncadd.s32 $0xFFFFFF80  }
0x76: {  	[tilespmem:s16], [sflag:$0x1] =	stream.indirect.gather [hbm4b:s4+s18], $0x40, s21, s18, $0xb8;
	[tilespmem:$0xC180] =	vst v63  }
0x77: {  	_ =	swait.ge [sflag:s20], $0x2000  }
0x78: {  	[sflag:s20] =	ssyncset.done $0x0  }
0x79: {  	s24 =	simm.s32 $0x0;
	s23 =	simm.s32 $0x380;
	[sflag:s20] =	ssyncadd.s32 $0xFFFFE000  }
.LBB2_5:
0x7a: {  	s25 =	sshra.s32 s24, $0x2  }
0x7b: {  	v1 =	vld [tilespmem:s25+$0x100];
	_ =	sdelay $0x1  }
0x7c: {  	v2 =	vld [tilespmem:s23+$0xFFFFFE00];
	_ =	sdelay $0x2  }
0x7d: {  	v3 =	vbroadcast v1, $0x0;
	_ =	sdelay $0x1  }
0x7e: {  	v2 =	vmul.f32 v3, v2;
	_ =	sdelay $0x1  }
0x7f: {  	[tilespmem:s23+$0xFFFFFE00] =	vst v2;
	v2 =	vld [tilespmem:s23+$0xFFFFFE10];
	_ =	sdelay $0x4  }
0x80: {  	v2 =	vmul.f32 v2, v3;
	_ =	sdelay $0x1  }
0x81: {  	[tilespmem:s23+$0xFFFFFE10] =	vst v2;
	v2 =	vld [tilespmem:s23+$0xFFFFFE20];
	_ =	sdelay $0x4  }
0x82: {  	v2 =	vmul.f32 v2, v3;
	_ =	sdelay $0x1  }
0x83: {  	[tilespmem:s23+$0xFFFFFE20] =	vst v2;
	v2 =	vld [tilespmem:s23+$0xFFFFFE30];
	_ =	sdelay $0x4  }
0x84: {  	v2 =	vmul.f32 v2, v3;
	_ =	sdelay $0x1  }
0x85: {  	[tilespmem:s23+$0xFFFFFE30] =	vst v2;
	v2 =	vld [tilespmem:s23+$0xFFFFFE40];
	_ =	sdelay $0x2  }
0x86: {  	v3 =	vbroadcast v1, $0x1;
	_ =	sdelay $0x1  }
0x87: {  	v2 =	vmul.f32 v2, v3;
	_ =	sdelay $0x1  }
0x88: {  	[tilespmem:s23+$0xFFFFFE40] =	vst v2;
	v2 =	vld [tilespmem:s23+$0xFFFFFE50];
	_ =	sdelay $0x4  }
0x89: {  	v2 =	vmul.f32 v2, v3;
	_ =	sdelay $0x1  }
0x8a: {  	[tilespmem:s23+$0xFFFFFE50] =	vst v2;
	v2 =	vld [tilespmem:s23+$0xFFFFFE60];
	_ =	sdelay $0x4  }
0x8b: {  	v2 =	vmul.f32 v2, v3;
	_ =	sdelay $0x1  }
0x8c: {  	[tilespmem:s23+$0xFFFFFE60] =	vst v2;
	v2 =	vld [tilespmem:s23+$0xFFFFFE70];
	_ =	sdelay $0x4  }
0x8d: {  	v2 =	vmul.f32 v2, v3;
	_ =	sdelay $0x1  }
0x8e: {  	[tilespmem:s23+$0xFFFFFE70] =	vst v2;
	v2 =	vld [tilespmem:s23+$0xFFFFFE80];
	_ =	sdelay $0x2  }
0x8f: {  	v3 =	vbroadcast v1, $0x2;
	_ =	sdelay $0x1  }
0x90: {  	v2 =	vmul.f32 v2, v3;
	_ =	sdelay $0x1  }
0x91: {  	[tilespmem:s23+$0xFFFFFE80] =	vst v2;
	v2 =	vld [tilespmem:s23+$0xFFFFFE90];
	_ =	sdelay $0x4  }
0x92: {  	v2 =	vmul.f32 v2, v3;
	_ =	sdelay $0x1  }
0x93: {  	[tilespmem:s23+$0xFFFFFE90] =	vst v2;
	v2 =	vld [tilespmem:s23+$0xFFFFFEA0];
	_ =	sdelay $0x4  }
0x94: {  	v2 =	vmul.f32 v2, v3;
	_ =	sdelay $0x1  }
0x95: {  	[tilespmem:s23+$0xFFFFFEA0] =	vst v2;
	v2 =	vld [tilespmem:s23+$0xFFFFFEB0];
	_ =	sdelay $0x4  }
0x96: {  	v2 =	vmul.f32 v2, v3;
	_ =	sdelay $0x1  }
0x97: {  	[tilespmem:s23+$0xFFFFFEB0] =	vst v2;
	v2 =	vld [tilespmem:s23+$0xFFFFFEC0];
	_ =	sdelay $0x2  }
0x98: {  	v3 =	vbroadcast v1, $0x3;
	_ =	sdelay $0x1  }
0x99: {  	v2 =	vmul.f32 v2, v3;
	_ =	sdelay $0x1  }
0x9a: {  	[tilespmem:s23+$0xFFFFFEC0] =	vst v2;
	v2 =	vld [tilespmem:s23+$0xFFFFFED0];
	_ =	sdelay $0x4  }
0x9b: {  	v2 =	vmul.f32 v2, v3;
	_ =	sdelay $0x1  }
0x9c: {  	[tilespmem:s23+$0xFFFFFED0] =	vst v2;
	v2 =	vld [tilespmem:s23+$0xFFFFFEE0];
	_ =	sdelay $0x4  }
0x9d: {  	v2 =	vmul.f32 v2, v3;
	_ =	sdelay $0x1  }
0x9e: {  	[tilespmem:s23+$0xFFFFFEE0] =	vst v2;
	v2 =	vld [tilespmem:s23+$0xFFFFFEF0];
	_ =	sdelay $0x4  }
0x9f: {  	v2 =	vmul.f32 v2, v3;
	_ =	sdelay $0x1  }
0xa0: {  	[tilespmem:s23+$0xFFFFFEF0] =	vst v2;
	v2 =	vld [tilespmem:s23+$0xFFFFFF00];
	_ =	sdelay $0x2  }
0xa1: {  	v3 =	vbroadcast v1, $0x4;
	_ =	sdelay $0x1  }
0xa2: {  	v2 =	vmul.f32 v2, v3;
	_ =	sdelay $0x1  }
0xa3: {  	[tilespmem:s23+$0xFFFFFF00] =	vst v2;
	v2 =	vld [tilespmem:s23+$0xFFFFFF10];
	_ =	sdelay $0x4  }
0xa4: {  	v2 =	vmul.f32 v2, v3;
	_ =	sdelay $0x1  }
0xa5: {  	[tilespmem:s23+$0xFFFFFF10] =	vst v2;
	v2 =	vld [tilespmem:s23+$0xFFFFFF20];
	_ =	sdelay $0x4  }
0xa6: {  	v2 =	vmul.f32 v2, v3;
	_ =	sdelay $0x1  }
0xa7: {  	[tilespmem:s23+$0xFFFFFF20] =	vst v2;
	v2 =	vld [tilespmem:s23+$0xFFFFFF30];
	_ =	sdelay $0x4  }
0xa8: {  	v2 =	vmul.f32 v2, v3;
	_ =	sdelay $0x1  }
0xa9: {  	[tilespmem:s23+$0xFFFFFF30] =	vst v2;
	v2 =	vld [tilespmem:s23+$0xFFFFFF40];
	_ =	sdelay $0x2  }
0xaa: {  	v3 =	vbroadcast v1, $0x5;
	_ =	sdelay $0x1  }
0xab: {  	v2 =	vmul.f32 v2, v3;
	_ =	sdelay $0x1  }
0xac: {  	[tilespmem:s23+$0xFFFFFF40] =	vst v2;
	v2 =	vld [tilespmem:s23+$0xFFFFFF50];
	_ =	sdelay $0x4  }
0xad: {  	v2 =	vmul.f32 v2, v3;
	_ =	sdelay $0x1  }
0xae: {  	[tilespmem:s23+$0xFFFFFF50] =	vst v2;
	v2 =	vld [tilespmem:s23+$0xFFFFFF60];
	_ =	sdelay $0x4  }
0xaf: {  	v2 =	vmul.f32 v2, v3;
	_ =	sdelay $0x1  }
0xb0: {  	[tilespmem:s23+$0xFFFFFF60] =	vst v2;
	v2 =	vld [tilespmem:s23+$0xFFFFFF70];
	_ =	sdelay $0x4  }
0xb1: {  	v2 =	vmul.f32 v2, v3;
	_ =	sdelay $0x1  }
0xb2: {  	[tilespmem:s23+$0xFFFFFF70] =	vst v2;
	v2 =	vld [tilespmem:s23+$0xFFFFFF80];
	_ =	sdelay $0x2  }
0xb3: {  	v3 =	vbroadcast v1, $0x6;
	_ =	sdelay $0x1  }
0xb4: {  	v2 =	vmul.f32 v2, v3;
	_ =	sdelay $0x1  }
0xb5: {  	[tilespmem:s23+$0xFFFFFF80] =	vst v2;
	v2 =	vld [tilespmem:s23+$0xFFFFFF90];
	_ =	sdelay $0x4  }
0xb6: {  	v2 =	vmul.f32 v2, v3;
	_ =	sdelay $0x1  }
0xb7: {  	[tilespmem:s23+$0xFFFFFF90] =	vst v2;
	v2 =	vld [tilespmem:s23+$0xFFFFFFA0];
	_ =	sdelay $0x4  }
0xb8: {  	v2 =	vmul.f32 v2, v3;
	_ =	sdelay $0x1  }
0xb9: {  	[tilespmem:s23+$0xFFFFFFA0] =	vst v2;
	v2 =	vld [tilespmem:s23+$0xFFFFFFB0];
	_ =	sdelay $0x4  }
0xba: {  	v2 =	vmul.f32 v2, v3;
	_ =	sdelay $0x1  }
0xbb: {  	[tilespmem:s23+$0xFFFFFFB0] =	vst v2;
	v2 =	vld [tilespmem:s23+$0xFFFFFFC0];
	_ =	sdelay $0x2  }
0xbc: {  	v3 =	vbroadcast v1, $0x7;
	_ =	sdelay $0x1  }
0xbd: {  	v2 =	vmul.f32 v2, v3;
	_ =	sdelay $0x1  }
0xbe: {  	[tilespmem:s23+$0xFFFFFFC0] =	vst v2;
	v2 =	vld [tilespmem:s23+$0xFFFFFFD0];
	_ =	sdelay $0x4  }
0xbf: {  	v2 =	vmul.f32 v2, v3;
	_ =	sdelay $0x1  }
0xc0: {  	[tilespmem:s23+$0xFFFFFFD0] =	vst v2;
	v2 =	vld [tilespmem:s23+$0xFFFFFFE0];
	_ =	sdelay $0x4  }
0xc1: {  	v2 =	vmul.f32 v2, v3;
	_ =	sdelay $0x1  }
0xc2: {  	[tilespmem:s23+$0xFFFFFFE0] =	vst v2;
	v2 =	vld [tilespmem:s23+$0xFFFFFFF0];
	_ =	sdelay $0x4  }
0xc3: {  	v2 =	vmul.f32 v2, v3;
	_ =	sdelay $0x1  }
0xc4: {  	[tilespmem:s23+$0xFFFFFFF0] =	vst v2;
	v2 =	vld [tilespmem:s23+$0x0];
	_ =	sdelay $0x2  }
0xc5: {  	v3 =	vbroadcast v1, $0x8;
	_ =	sdelay $0x1  }
0xc6: {  	v2 =	vmul.f32 v2, v3;
	_ =	sdelay $0x1  }
0xc7: {  	[tilespmem:s23+$0x0] =	vst v2;
	v2 =	vld [tilespmem:s23+$0x10];
	_ =	sdelay $0x4  }
0xc8: {  	v2 =	vmul.f32 v2, v3;
	_ =	sdelay $0x1  }
0xc9: {  	[tilespmem:s23+$0x10] =	vst v2;
	v2 =	vld [tilespmem:s23+$0x20];
	_ =	sdelay $0x4  }
0xca: {  	v2 =	vmul.f32 v2, v3;
	_ =	sdelay $0x1  }
0xcb: {  	[tilespmem:s23+$0x20] =	vst v2;
	v2 =	vld [tilespmem:s23+$0x30];
	_ =	sdelay $0x4  }
0xcc: {  	v2 =	vmul.f32 v2, v3;
	_ =	sdelay $0x1  }
0xcd: {  	[tilespmem:s23+$0x30] =	vst v2;
	v2 =	vld [tilespmem:s23+$0x40];
	_ =	sdelay $0x2  }
0xce: {  	v3 =	vbroadcast v1, $0x9;
	_ =	sdelay $0x1  }
0xcf: {  	v2 =	vmul.f32 v2, v3;
	_ =	sdelay $0x1  }
0xd0: {  	[tilespmem:s23+$0x40] =	vst v2;
	v2 =	vld [tilespmem:s23+$0x50];
	_ =	sdelay $0x4  }
0xd1: {  	v2 =	vmul.f32 v2, v3;
	_ =	sdelay $0x1  }
0xd2: {  	[tilespmem:s23+$0x50] =	vst v2;
	v2 =	vld [tilespmem:s23+$0x60];
	_ =	sdelay $0x4  }
0xd3: {  	v2 =	vmul.f32 v2, v3;
	_ =	sdelay $0x1  }
0xd4: {  	[tilespmem:s23+$0x60] =	vst v2;
	v2 =	vld [tilespmem:s23+$0x70];
	_ =	sdelay $0x4  }
0xd5: {  	v2 =	vmul.f32 v2, v3;
	_ =	sdelay $0x1  }
0xd6: {  	[tilespmem:s23+$0x70] =	vst v2;
	v2 =	vld [tilespmem:s23+$0x80];
	_ =	sdelay $0x2  }
0xd7: {  	v3 =	vbroadcast v1, $0xA;
	_ =	sdelay $0x1  }
0xd8: {  	v2 =	vmul.f32 v2, v3;
	_ =	sdelay $0x1  }
0xd9: {  	[tilespmem:s23+$0x80] =	vst v2;
	v2 =	vld [tilespmem:s23+$0x90];
	_ =	sdelay $0x4  }
0xda: {  	v2 =	vmul.f32 v2, v3;
	_ =	sdelay $0x1  }
0xdb: {  	[tilespmem:s23+$0x90] =	vst v2;
	v2 =	vld [tilespmem:s23+$0xA0];
	_ =	sdelay $0x4  }
0xdc: {  	v2 =	vmul.f32 v2, v3;
	_ =	sdelay $0x1  }
0xdd: {  	[tilespmem:s23+$0xA0] =	vst v2;
	v2 =	vld [tilespmem:s23+$0xB0];
	_ =	sdelay $0x4  }
0xde: {  	v2 =	vmul.f32 v2, v3;
	_ =	sdelay $0x1  }
0xdf: {  	[tilespmem:s23+$0xB0] =	vst v2;
	v2 =	vld [tilespmem:s23+$0xC0];
	_ =	sdelay $0x2  }
0xe0: {  	v3 =	vbroadcast v1, $0xB;
	_ =	sdelay $0x1  }
0xe1: {  	v2 =	vmul.f32 v2, v3;
	_ =	sdelay $0x1  }
0xe2: {  	[tilespmem:s23+$0xC0] =	vst v2;
	v2 =	vld [tilespmem:s23+$0xD0];
	_ =	sdelay $0x4  }
0xe3: {  	v2 =	vmul.f32 v2, v3;
	_ =	sdelay $0x1  }
0xe4: {  	[tilespmem:s23+$0xD0] =	vst v2;
	v2 =	vld [tilespmem:s23+$0xE0];
	_ =	sdelay $0x4  }
0xe5: {  	v2 =	vmul.f32 v2, v3;
	_ =	sdelay $0x1  }
0xe6: {  	[tilespmem:s23+$0xE0] =	vst v2;
	v2 =	vld [tilespmem:s23+$0xF0];
	_ =	sdelay $0x4  }
0xe7: {  	v2 =	vmul.f32 v2, v3;
	_ =	sdelay $0x1  }
0xe8: {  	[tilespmem:s23+$0xF0] =	vst v2;
	v2 =	vld [tilespmem:s23+$0x100];
	_ =	sdelay $0x2  }
0xe9: {  	v3 =	vbroadcast v1, $0xC;
	_ =	sdelay $0x1  }
0xea: {  	v2 =	vmul.f32 v2, v3;
	_ =	sdelay $0x1  }
0xeb: {  	[tilespmem:s23+$0x100] =	vst v2;
	v2 =	vld [tilespmem:s23+$0x110];
	_ =	sdelay $0x4  }
0xec: {  	v2 =	vmul.f32 v2, v3;
	_ =	sdelay $0x1  }
0xed: {  	[tilespmem:s23+$0x110] =	vst v2;
	v2 =	vld [tilespmem:s23+$0x120];
	_ =	sdelay $0x4  }
0xee: {  	v2 =	vmul.f32 v2, v3;
	_ =	sdelay $0x1  }
0xef: {  	[tilespmem:s23+$0x120] =	vst v2;
	v2 =	vld [tilespmem:s23+$0x130];
	_ =	sdelay $0x4  }
0xf0: {  	v2 =	vmul.f32 v2, v3;
	_ =	sdelay $0x1  }
0xf1: {  	[tilespmem:s23+$0x130] =	vst v2;
	v2 =	vld [tilespmem:s23+$0x140];
	_ =	sdelay $0x2  }
0xf2: {  	v3 =	vbroadcast v1, $0xD;
	_ =	sdelay $0x1  }
0xf3: {  	v2 =	vmul.f32 v2, v3;
	_ =	sdelay $0x1  }
0xf4: {  	[tilespmem:s23+$0x140] =	vst v2;
	v2 =	vld [tilespmem:s23+$0x150];
	_ =	sdelay $0x4  }
0xf5: {  	v2 =	vmul.f32 v2, v3;
	_ =	sdelay $0x1  }
0xf6: {  	[tilespmem:s23+$0x150] =	vst v2;
	v2 =	vld [tilespmem:s23+$0x160];
	_ =	sdelay $0x4  }
0xf7: {  	v2 =	vmul.f32 v2, v3;
	_ =	sdelay $0x1  }
0xf8: {  	[tilespmem:s23+$0x160] =	vst v2;
	v2 =	vld [tilespmem:s23+$0x170];
	_ =	sdelay $0x4  }
0xf9: {  	v2 =	vmul.f32 v2, v3;
	_ =	sdelay $0x1  }
0xfa: {  	[tilespmem:s23+$0x170] =	vst v2;
	v2 =	vld [tilespmem:s23+$0x180];
	_ =	sdelay $0x2  }
0xfb: {  	v3 =	vbroadcast v1, $0xE;
	_ =	sdelay $0x1  }
0xfc: {  	v2 =	vmul.f32 v2, v3;
	_ =	sdelay $0x1  }
0xfd: {  	[tilespmem:s23+$0x180] =	vst v2;
	v2 =	vld [tilespmem:s23+$0x190];
	_ =	sdelay $0x4  }
0xfe: {  	v2 =	vmul.f32 v2, v3;
	_ =	sdelay $0x1  }
0xff: {  	[tilespmem:s23+$0x190] =	vst v2;
	v2 =	vld [tilespmem:s23+$0x1A0];
	_ =	sdelay $0x4  }
0x100: {  	v2 =	vmul.f32 v2, v3;
	_ =	sdelay $0x1  }
0x101: {  	[tilespmem:s23+$0x1A0] =	vst v2;
	v2 =	vld [tilespmem:s23+$0x1B0];
	_ =	sdelay $0x4  }
0x102: {  	v2 =	vmul.f32 v2, v3;
	_ =	sdelay $0x1  }
0x103: {  	[tilespmem:s23+$0x1B0] =	vst v2;
	v2 =	vld [tilespmem:s23+$0x1C0];
	_ =	sdelay $0x2  }
0x104: {  	v1 =	vbroadcast v1, $0xF;
	_ =	sdelay $0x1  }
0x105: {  	v2 =	vmul.f32 v2, v1;
	_ =	sdelay $0x1  }
0x106: {  	[tilespmem:s23+$0x1C0] =	vst v2;
	v2 =	vld [tilespmem:s23+$0x1D0];
	_ =	sdelay $0x4  }
0x107: {  	v2 =	vmul.f32 v2, v1;
	_ =	sdelay $0x1  }
0x108: {  	[tilespmem:s23+$0x1D0] =	vst v2;
	v2 =	vld [tilespmem:s23+$0x1E0];
	_ =	sdelay $0x4  }
0x109: {  	v2 =	vmul.f32 v2, v1;
	_ =	sdelay $0x1  }
0x10a: {  	[tilespmem:s23+$0x1E0] =	vst v2;
	v2 =	vld [tilespmem:s23+$0x1F0];
	_ =	sdelay $0x1  }
0x10b: {  	p0 =	sne.s32 s24, $0x1C0  }
.Ltmp1:
0x10c: {  	_ = 	snop;
	(pc) =	sbr.rel @p0 .LBB2_5-.Ltmp1, $3  }
0x10d: {  	_ = 	snop  }
0x10e: {  	v1 =	vmul.f32 v2, v1;
	_ =	sdelay $0x1  }
0x10f: {  	s24 =	sadd.s32 $0x40, s24;
	[tilespmem:s23+$0x1F0] =	vst v1;
	s23 =	sadd.s32 $0x400, s23  }
0x110: {  	s22 =	sadd.s32 $0x1, s22  }
0x111: {  	p0 =	sne.s32 s22, $0x50  }
.Ltmp2:
0x112: {  	_ = 	snop;
	(pc) =	sbr.rel @p0 .LBB2_4-.Ltmp2, $4  }
0x113: {  	[spmem:s2] =	stream.indirect.scatter.add.f32 [tilespmem:s16], [sflag:$0x2], $0x40, s18, s18, $0xb8;
	[tilespmem:$0xC180] =	vst v63  }
0x114: {  	_ =	swait.ge [sflag:s17], $0x2000  }
0x115: {  	[sflag:s17] =	ssyncset.done $0x0  }
0x116: {  	[sflag:s17] =	ssyncadd.s32 $0xFFFFE000  }
0x117: {  	s3 =	sadd.s32 $0x1, s3  }
0x118: {  	s21 =	sshll.u32 s1, $0x6;
	[bflag:$0x0] =	sbarrier.arrive $0xFFFF;
	p0 =	sne.s32 s3, s15  }
.Ltmp3:
0x119: {  	s22 =	sshrl.u32 s8, $0x3;
	s21 =	sor.u32 $0x1C02, s21;
	(pc) =	sbr.rel @p0 .LBB2_1-.Ltmp3, $4  }
0x11a: {  	[hbm:s14], [sflag:s21] =	dma.local [spmem:s22], $0x1400  }
0x11b: {  	_ =	swait.ge [sflag:s17], $0x1400  }
0x11c: {  	[sflag:s17] =	ssyncset.done $0x0  }
0x11d: {  	[sflag:s17] =	ssyncadd.s32 $0xFFFFEC00  }
0x11e: {  	_ =	sfence.sel $0x180000  }
0x11f: {  	[bflag:$0x0] =	sbarrier.arrive $0xFFFF  }
0x120: {  	p0 =	sne.s32 s1, $0x0;
	_ =	strace $0x9000004A  }
0x121: {  	s0 =	sadd.s32 @!p0 $0x100000, s0;
	[bflag:$0x2] =	sbarrier.arrive $0xFFFF  }
0x122: {  	[sflag:s0] =	ssyncadd.tile.s32 @!p0 $0x1;
	_ =	shalt  }
.Lfunc_end2:
_tile_overlayer_lowered:
.L_overlay_start_2:
0x123: {  	(tag) =	ssettag $0x2  }
0x124: {  	s0 =	rddreg [dreg:$0x0];
	s2 =	stileid.u32  }
0x125: {  	s1 =	rddreg [dreg:$0x1];
	p0 =	sne.s32 s2, $0x0  }
0x126: {  	s3 =	rddreg [dreg:$0x2];
	[bflag:$0x3] =	sbarrier.arrive $0xFFFF;
	s2 =	simm.s32 @!p0 $0x1C02  }
0x127: {  	[timem:s3], [sflag:s2] =	dma.local @!p0 [hbm:s0], s1  }
0x128: {  	s0 =	simm.s32 @!p0 $0x2  }
0x129: {  	_ =	swait.ge @!p0 [sflag:s0], s1  }
0x12a: {  	s1 =	ssub.s32 @!p0 $0x0, s1;
	[sflag:s0] =	ssyncset.done @!p0 $0x0  }
0x12b: {  	[sflag:s0] =	ssyncadd.s32 @!p0 s1  }
0x12c: {  	[bflag:$0x3] =	sbarrier.arrive $0xFFFF  }
0x12d: {  	_ =	shalt  }

// kernel: kernel.15.cloned.1.call-start
scs
__scs_entry_jumppad:
0x0: {  	(pc) =	sbr.rel $0x88, $3  }
0x1: {  	(tag) =	ssettag $0x0;
	lr =	simm.s32 $0x1  }
0x2: {  	[smem:$0x3F9A] =	sst lr;
	_ =	strace $0xD0000000  }
0x3: {  	_ = 	snop  }
0x4: {  	_ = 	snop  }
0x5: {  	_ = 	snop  }
0x6: {  	_ = 	snop  }
0x7: {  	_ = 	snop  }
__scs_overlays_trampoline_lowered:
0x8: {  	[smem:$0x3FA9] =	sst s0  }
0x9: {  	[smem:$0x3FAA] =	sst s1  }
0xa: {  	[smem:$0x3FAB] =	sst s2  }
0xb: {  	[smem:$0x3FAC] =	sst s3  }
0xc: {  	[smem:$0x3FAD] =	sst s4  }
0xd: {  	[smem:$0x3FAE] =	sst s5  }
0xe: {  	[smem:$0x3FAF] =	sst s6  }
0xf: {  	[smem:$0x3FB0] =	sst s7  }
0x10: {  	[smem:$0x3FB1] =	sst s8  }
0x11: {  	[smem:$0x3FB2] =	sst s9;
	s0 =	simm.s32 @!p0 $0x0  }
0x12: {  	s1 =	sld [smem:$0x3F98];
	s0 =	simm.s32 @p0 $0x1  }
0x13: {  	[smem:$0x3FB3] =	sst s0;
	s0 =	simm.s32 @!p1 $0x0  }
0x14: {  	s2 =	sld [smem:$0x3F97];
	s0 =	simm.s32 @p1 $0x1  }
0x15: {  	[smem:$0x3FB4] =	sst s0;
	s0 =	simm.s32 @!p2 $0x0  }
0x16: {  	s3 =	sld [smem:$0x3FDB];
	s0 =	simm.s32 @p2 $0x1  }
0x17: {  	s4 =	simm.s32 $0x1BF5;
	[smem:$0x3FB6] =	sst s0  }
0x18: {  	s0 =	sld [smem:$0x3F99];
	_ =	swait.ge [sflag:s4], $0x0  }
0x19: {  	s7 =	sld [smem:$0x3F9A]  }
0x1a: {  	s8 =	sadd.s32 $0xFFFFE003, lr  }
0x1b: {  	s9 =	sadd.s32 $0xFFFFFEF7, lr;
	s5 =	simm.s32 $0xFFFFFFFF;
	p2 =	slt.u32 s8, $0xFFFFF086  }
0x1c: {  	p1 =	slt.u32 s9, $0xF7A;
	s5 =	simm.s32 @!p2 $0x0  }
0x1d: {  	s5 =	simm.s32 @p1 $0x1;
	p0 =	seq.s32 s7, s2  }
0x1e: {  	s7 =	smul.u32 @!p0 $0xF7A, s2;
	p2 =	seq.s32 @!p0 s5, $0x0  }
0x1f: {  	s9 =	smul.u32 $0xF7A, s1;
	s8 =	simm.s32 @!p0 $0x1BF5;
	p2 =	por !p2, p0  }
0x20: {  	[sflag:s8] =	ssyncset.s32 @!p0 $0xFFFFF086;
	s6 =	sadd.s32 @!p0 s3, s7;
	s7 =	simm.s32 @!p0 $0x108  }
0x21: {  	s3 =	sadd.s32 s3, s9;
	s6 =	sadd.s32 @!p0 $0x88, s6;
	s7 =	simm.s32 @p2 $0x1082  }
0x22: {  	[simem:s7], [sflag:s8] =	dma.local @!p0 [hbm:s6], $0xF7A  }
0x23: {  	s9 =	sor.u32 $0xD0000000, s2;
	s6 =	simm.s32 $0x108;
	_ =	swait.ge @!p0 [sflag:s8], $0x0  }
0x24: {  	s3 =	sadd.s32 $0x88, s3;
	s6 =	simm.s32 @!p1 $0x1082;
	[sflag:s4] =	ssyncset.s32 $0xFFFFF086  }
0x25: {  	[simem:s6], [sflag:s4] =	dma.local [hbm:s3], $0xF7A  }
0x26: {  	[smem:$0x3F9A] =	sst s1;
	(tag) =	ssettag s2;
	_ =	strace s9  }
0x27: {  	s1 =	sld [smem:$0x3FAA]  }
0x28: {  	s2 =	sld [smem:$0x3FAB]  }
0x29: {  	s4 =	sld [smem:$0x3FAD]  }
0x2a: {  	p0 =	seq.s32 s5, $0x0;
	s5 =	sld [smem:$0x3FAE]  }
0x2b: {  	s6 =	sld [smem:$0x3FAF]  }
0x2c: {  	s7 =	sld [smem:$0x3FB0]  }
0x2d: {  	s3 =	simm.s32 $0x108;
	s8 =	sld [smem:$0x3FB1]  }
0x2e: {  	s3 =	simm.s32 @!p0 $0x1082;
	s9 =	sld [smem:$0x3FB2]  }
0x2f: {  	lr =	sadd.s32 s0, s3;
	s0 =	sld [smem:$0x3FA9]  }
0x30: {  	s3 =	sld [smem:$0x3FAC]  }
0x31: {  	[smem:$0x3FB5] =	sst s10  }
0x32: {  	s10 =	sld [smem:$0x3FB3];
	_ =	sdelay $0x3  }
0x33: {  	p0 =	seq.s32 s10, $0x1;
	s10 =	sld [smem:$0x3FB5];
	_ =	sdelay $0x3  }
0x34: {  	[smem:$0x3FB5] =	sst s10  }
0x35: {  	s10 =	sld [smem:$0x3FB4];
	_ =	sdelay $0x3  }
0x36: {  	p1 =	seq.s32 s10, $0x1;
	s10 =	sld [smem:$0x3FB5];
	_ =	sdelay $0x3  }
0x37: {  	[smem:$0x3FB5] =	sst s10  }
0x38: {  	s10 =	sld [smem:$0x3FB6]  }
0x39: {  	_ = 	snop;
	(pc) =	sbr.ind lr, $3  }
0x3a: {  	_ = 	snop  }
0x3b: {  	_ = 	snop  }
0x3c: {  	p2 =	seq.s32 s10, $0x1;
	s10 =	sld [smem:$0x3FB5]  }
0x3d: {  	_ =	shalt  }
0x3e: {  	_ =	shalt  }
0x3f: {  	_ =	shalt  }
0x40: {  	_ =	shalt  }
0x41: {  	_ =	shalt  }
0x42: {  	_ =	shalt  }
0x43: {  	_ =	shalt  }
0x44: {  	_ =	shalt  }
0x45: {  	_ =	shalt  }
0x46: {  	_ =	shalt  }
0x47: {  	_ =	shalt  }
0x48: {  	_ =	shalt  }
0x49: {  	_ =	shalt  }
0x4a: {  	_ =	shalt  }
0x4b: {  	_ =	shalt  }
0x4c: {  	_ =	shalt  }
0x4d: {  	_ =	shalt  }
0x4e: {  	_ =	shalt  }
0x4f: {  	_ =	shalt  }
0x50: {  	_ =	shalt  }
0x51: {  	_ =	shalt  }
0x52: {  	_ =	shalt  }
0x53: {  	_ =	shalt  }
0x54: {  	_ =	shalt  }
0x55: {  	_ =	shalt  }
0x56: {  	_ =	shalt  }
0x57: {  	_ =	shalt  }
0x58: {  	_ =	shalt  }
0x59: {  	_ =	shalt  }
0x5a: {  	_ =	shalt  }
0x5b: {  	_ =	shalt  }
0x5c: {  	_ =	shalt  }
0x5d: {  	_ =	shalt  }
0x5e: {  	_ =	shalt  }
0x5f: {  	_ =	shalt  }
0x60: {  	_ =	shalt  }
0x61: {  	_ =	shalt  }
0x62: {  	_ =	shalt  }
0x63: {  	_ =	shalt  }
0x64: {  	_ =	shalt  }
0x65: {  	_ =	shalt  }
0x66: {  	_ =	shalt  }
0x67: {  	_ =	shalt  }
0x68: {  	_ =	shalt  }
0x69: {  	_ =	shalt  }
0x6a: {  	_ =	shalt  }
0x6b: {  	_ =	shalt  }
0x6c: {  	_ =	shalt  }
0x6d: {  	_ =	shalt  }
0x6e: {  	_ =	shalt  }
0x6f: {  	_ =	shalt  }
0x70: {  	_ =	shalt  }
0x71: {  	_ =	shalt  }
0x72: {  	_ =	shalt  }
0x73: {  	_ =	shalt  }
0x74: {  	_ =	shalt  }
0x75: {  	_ =	shalt  }
0x76: {  	_ =	shalt  }
0x77: {  	_ =	shalt  }
0x78: {  	_ =	shalt  }
0x79: {  	_ =	shalt  }
0x7a: {  	_ =	shalt  }
0x7b: {  	_ =	shalt  }
0x7c: {  	_ =	shalt  }
0x7d: {  	_ =	shalt  }
0x7e: {  	_ =	shalt  }
0x7f: {  	_ =	shalt  }
0x80: {  	_ =	shalt  }
0x81: {  	_ =	shalt  }
0x82: {  	_ =	shalt  }
0x83: {  	_ =	shalt  }
0x84: {  	_ =	shalt  }
0x85: {  	_ =	shalt  }
0x86: {  	_ =	shalt  }
0x87: {  	_ =	shalt  }
.Lfunc_end0:
.L_simem_size_0:
called_computation.2_lowered:
.L_overlay_start_0:
0x88: {  	s2 =	sld [smem:$0x3FD9]  }
0x89: {  	s3 =	sld [smem:$0x3FFE];
	_ =	sdelay $0x1  }
0x8a: {  	s1 =	srdreg.scid  }
0x8b: {  	s0 =	sand.u32 $0x1, s1  }
0x8c: {  	s16 =	sshll.u32 s0, $0xA;
	s2 =	sadd.s32 s3, s2  }
0x8d: {  	s2 =	sadd.s32 s2, s16  }
0x8e: {  	[smem:$0x3FC1] =	sst s2  }
0x8f: {  	_ = 	snop  }
0x90: {  	(tm) =	ssettm $0x1  }
0x91: {  	s17 =	sld [smem:$0x3FFB];
	_ =	sdelay $0x3  }
0x92: {  	_ =	strace s17  }
0x93: {  	s2 =	sld [smem:$0x3FFC];
	_ =	sdelay $0x3  }
0x94: {  	_ =	strace s2  }
0x95: {  	s2 =	sld [smem:$0x3FFD];
	_ =	sdelay $0x3  }
0x96: {  	_ =	strace s2  }
0x97: {  	_ =	strace $0x8FFFFFFF  }
0x98: {  	s18 =	sld [smem:$0x3FDB];
	_ =	sdelay $0x1  }
0x99: {  	s19 =	simm.s32 $_scs_section_size  }
0x9a: {  	s4 =	simm.s32 $_size__tile_overlayer_lowered;
	s5 =	simm.s32 $_tile_overlayer_lowered  }
0x9b: {  	s22 =	simm.s32 $0x1BFF;
	s21 =	sshll.u32 s5, $0x1;
	s2 =	sadd.s32 s19, s18  }
0x9c: {  	s6 =	simm.s32 $0x0;
	s20 =	sshll.u32 s4, $0x1;
	s4 =	sadd.s32 s21, s2  }
0x9d: {  	[timem:s6], [sflag:s22] =	dma.local [hbm:s4], s20  }
0x9e: {  	_ =	swait.ge [sflag:s22], s20  }
0x9f: {  	s3 =	ssub.s32 $0x0, s20;
	[sflag:s22] =	ssyncset.done $0x0  }
0xa0: {  	[sflag:s22] =	ssyncadd.s32 s3;
	_ =	sdelay $0x1  }
0xa1: {  	s23 =	simm.s32 $0x1B8B  }
0xa2: {  	_ =	swait.ge [sflag:s23], $0x1  }
0xa3: {  	[sflag:s23] =	ssyncset.done $0x0  }
0xa4: {  	s25 =	simm.s32 $0x1B8E;
	s24 =	sld [smem:$0x3FFE];
	[sflag:s23] =	ssyncadd.s32 $0xFFFFFFFF  }
0xa5: {  	s26 =	simm.s32 $execute0_lowered;
	[smem:$0x3FD2] =	sst s25  }
0xa6: {  	s4 =	sshll.u32 s26, $0x1;
	_ =	strace $0x8000004C;
	[dreg:$0x1] =	wrdreg $0xFFFFFFFF  }
0xa7: {  	s28 =	simm.s32 $_size_execute0_lowered;
	s2 =	sadd.s32 s2, s4;
	[dreg:$0x0] =	wrdreg $0x0  }
0xa8: {  	s4 =	sshll.u32 s28, $0x1;
	[dreg:$0x2] =	wrdreg s2  }
0xa9: {  	[dreg:$0x3] =	wrdreg s4  }
0xaa: {  	[dreg:$0x4] =	wrdreg $0xC0  }
0xab: {  	_ =	task [dreg:s6], $0x5FFFF  }
0xac: {  	[dreg:$0x1] =	wrdreg $0xFFFFFFFF  }
0xad: {  	[dreg:$0x0] =	wrdreg $0x60  }
0xae: {  	[dreg:$0x2] =	wrdreg s24  }
0xaf: {  	[dreg:$0x3] =	wrdreg $0x21800  }
0xb0: {  	[dreg:$0x4] =	wrdreg $0x9  }
0xb1: {  	_ =	task.clear_ibuf [dreg:s6], $0x5FFFF;
	_ =	strace $0x9000004C  }
0xb2: {  	s29 =	simm.s32 $0x9;
	_ =	strace $0x8000004E  }
0xb3: {  	_ =	swait.ge [sflag:s29], $0x1  }
0xb4: {  	[sflag:s29] =	ssyncadd.s32 $0xFFFFFFFF  }
0xb5: {  	_ =	strace $0x9000004E  }
0xb6: {  	_ =	sfence  }
0xb7: {  	s30 =	sld [smem:$0x0];
	_ =	sdelay $0x2  }
0xb8: {  	s31 =	sshll.u32 s1, $0xD;
	s1 =	sshrl.u32 s1, $0x2  }
0xb9: {  	s3 =	sand.u32 $0x4000, s31;
	s1 =	sadd.s32 s1, s30  }
0xba: {  	s0 =	sor.u32 s3, s0;
	s1 =	sshll.u32 s1, $0x11  }
0xbb: {  	s0 =	sor.u32 s1, s0  }
0xbc: {  	s0 =	sadd.s32 $0x8F2B, s0  }
0xbd: {  	[sflag:s0] =	ssyncadd.remote.s32 $0x1  }
0xbe: {  	_ =	sfence.sel $0xFFFF  }
0xbf: {  	[dreg:$0x0] =	wrdreg $0xFFFFFFFF;
	(pc) =	sbr.abs _section_cstart, $3  }
0xc0: {  	[dreg:$0x1] =	wrdreg $0xFFFFFFFF  }
0xc1: {  	_ =	task.clear_ibuf [dreg:s6], $0x2FFFF;
	_ =	strace $0x9FFFFFFF  }
0xc2: {  	(tm) =	ssettm $0x7FFFFFFF  }
0xc3: {  	_ =	shalt  }
tec
execute0_lowered:
.L_overlay_start_1:
0x0: {  	(tag) =	ssettag $0x1  }
0x1: {  	s8 =	rddreg [dreg:$0x0]  }
0x2: {  	s2 =	rddreg [dreg:$0x1]  }
0x3: {  	s0 =	rddreg [dreg:$0x2]  }
0x4: {  	s4 =	srdreg.scid;
	s1 =	stileid.u32;
	s3 =	simm.s32 $0x0  }
0x5: {  	s16 =	simm.s32 $0x180;
	s17 =	simm.s32 $0x2;
	s18 =	simm.s32 $0x80  }
0x6: {  	s19 =	simm.s32 $0x100;
	s20 =	simm.s32 $0x1;
	s9 =	sand.u32 $0x1, s4  }
0x7: {  	s10 =	smul.u32 $0xA000, s1;
	[smem:$0x7FF] =	sst s3;
	s4 =	sadd.s32 $0x29E00, s8  }
0x8: {  	s5 =	sadd.s32 $0x6FE00, s8;
	s6 =	sadd.s32 $0x65E00, s8;
	s13 =	smul.u32 $0x28000, s1  }
0x9: {  	s7 =	smul.u32 $0xA0000, s9;
	_ =	strace $0x8000004D;
	s12 =	ssub.s32 $0x2, s9  }
0xa: {  	s28 =	sshll.u32 s9, $0x4;
	s26 =	sshrl.u32 s12, $0x1;
	s29 =	sshrl.u32 s13, $0x2  }
0xb: {  	s30 =	sor.u32 s1, s28;
	s7 =	sadd.s32 s10, s7;
	s15 =	ssub.s32 s12, s26  }
0xc: {  	s31 =	sadd.s32 s29, s2;
	s13 =	smul.u32 $0x2800, s30;
	s11 =	sshrl.u32 s7, $0x3  }
0xd: {  	s7 =	sadd.s32 $0x79E00, s8;
	s9 =	sadd.s32 $0x2000, s31;
	s12 =	sadd.s32 $0x8000, s31  }
0xe: {  	s15 =	smax.u32 s15, $0x1;
	s14 =	sadd.s32 s11, s8;
	s8 =	sadd.s32 s10, s2  }
0xf: {  	v0 =	vimm.f32 $0.0e+00;
	s10 =	sadd.s32 $0x4000, s31;
	s11 =	sadd.s32 $0x6000, s31;
	s14 =	sadd.s32 $0x3DE00, s14  }
.LBB2_1:
0x10: {  	s21 =	simm.s32 $0x280  }
0x11: {  	[tilespmem:s21+$0xFFFFFF00] =	vst v0  }
0x12: {  	[tilespmem:s21+$0xF0] =	vst v0  }
0x13: {  	[tilespmem:s21+$0xE0] =	vst v0  }
0x14: {  	[tilespmem:s21+$0xD0] =	vst v0  }
0x15: {  	[tilespmem:s21+$0xC0] =	vst v0  }
0x16: {  	[tilespmem:s21+$0xB0] =	vst v0  }
0x17: {  	[tilespmem:s21+$0xA0] =	vst v0  }
0x18: {  	[tilespmem:s21+$0x90] =	vst v0  }
0x19: {  	[tilespmem:s21+$0x80] =	vst v0  }
0x1a: {  	[tilespmem:s21+$0x70] =	vst v0  }
0x1b: {  	[tilespmem:s21+$0x60] =	vst v0  }
0x1c: {  	[tilespmem:s21+$0x50] =	vst v0  }
0x1d: {  	[tilespmem:s21+$0x40] =	vst v0  }
0x1e: {  	[tilespmem:s21+$0x30] =	vst v0  }
0x1f: {  	[tilespmem:s21+$0x20] =	vst v0  }
0x20: {  	[tilespmem:s21+$0x10] =	vst v0  }
0x21: {  	[tilespmem:s21+$0x0] =	vst v0  }
0x22: {  	[tilespmem:s21+$0xFFFFFFF0] =	vst v0  }
0x23: {  	[tilespmem:s21+$0xFFFFFFE0] =	vst v0  }
0x24: {  	[tilespmem:s21+$0xFFFFFFD0] =	vst v0  }
0x25: {  	[tilespmem:s21+$0xFFFFFFC0] =	vst v0  }
0x26: {  	[tilespmem:s21+$0xFFFFFFB0] =	vst v0  }
0x27: {  	[tilespmem:s21+$0xFFFFFFA0] =	vst v0  }
0x28: {  	[tilespmem:s21+$0xFFFFFF90] =	vst v0  }
0x29: {  	[tilespmem:s21+$0xFFFFFF80] =	vst v0  }
0x2a: {  	[tilespmem:s21+$0xFFFFFF70] =	vst v0  }
0x2b: {  	[tilespmem:s21+$0xFFFFFF60] =	vst v0  }
0x2c: {  	[tilespmem:s21+$0xFFFFFF50] =	vst v0  }
0x2d: {  	[tilespmem:s21+$0xFFFFFF40] =	vst v0  }
0x2e: {  	[tilespmem:s21+$0xFFFFFF30] =	vst v0  }
0x2f: {  	s22 =	simm.s32 $0x0;
	[tilespmem:s21+$0xFFFFFF20] =	vst v0  }
.LBB2_2:
0x30: {  	s22 =	sadd.s32 $0x8, s22;
	[tilespmem:s21+$0xFFFFFF10] =	vst v0;
	s21 =	sadd.s32 $0x200, s21  }
0x31: {  	[tilespmem:s21+$0xFFFFFF00] =	vst v0;
	p0 =	slt.u32 s22, $0x78  }
0x32: {  	[tilespmem:s21+$0xF0] =	vst v0  }
0x33: {  	[tilespmem:s21+$0xE0] =	vst v0  }
0x34: {  	[tilespmem:s21+$0xD0] =	vst v0  }
0x35: {  	[tilespmem:s21+$0xC0] =	vst v0  }
0x36: {  	[tilespmem:s21+$0xB0] =	vst v0  }
0x37: {  	[tilespmem:s21+$0xA0] =	vst v0  }
0x38: {  	[tilespmem:s21+$0x90] =	vst v0  }
0x39: {  	[tilespmem:s21+$0x80] =	vst v0  }
0x3a: {  	[tilespmem:s21+$0x70] =	vst v0  }
0x3b: {  	[tilespmem:s21+$0x60] =	vst v0  }
0x3c: {  	[tilespmem:s21+$0x50] =	vst v0  }
0x3d: {  	[tilespmem:s21+$0x40] =	vst v0  }
0x3e: {  	[tilespmem:s21+$0x30] =	vst v0  }
0x3f: {  	[tilespmem:s21+$0x20] =	vst v0  }
0x40: {  	[tilespmem:s21+$0x10] =	vst v0  }
0x41: {  	[tilespmem:s21+$0x0] =	vst v0  }
0x42: {  	[tilespmem:s21+$0xFFFFFFF0] =	vst v0  }
0x43: {  	[tilespmem:s21+$0xFFFFFFE0] =	vst v0  }
0x44: {  	[tilespmem:s21+$0xFFFFFFD0] =	vst v0  }
0x45: {  	[tilespmem:s21+$0xFFFFFFC0] =	vst v0  }
0x46: {  	[tilespmem:s21+$0xFFFFFFB0] =	vst v0  }
0x47: {  	[tilespmem:s21+$0xFFFFFFA0] =	vst v0  }
0x48: {  	[tilespmem:s21+$0xFFFFFF90] =	vst v0  }
0x49: {  	[tilespmem:s21+$0xFFFFFF80] =	vst v0  }
0x4a: {  	[tilespmem:s21+$0xFFFFFF70] =	vst v0  }
.Ltmp0:
0x4b: {  	[tilespmem:s21+$0xFFFFFF60] =	vst v0;
	(pc) =	sbr.rel @p0 .LBB2_2-.Ltmp0, $4  }
0x4c: {  	[tilespmem:s21+$0xFFFFFF50] =	vst v0  }
0x4d: {  	[tilespmem:s21+$0xFFFFFF40] =	vst v0  }
0x4e: {  	[tilespmem:s21+$0xFFFFFF30] =	vst v0  }
0x4f: {  	[tilespmem:s21+$0xFFFFFF20] =	vst v0  }
0x50: {  	[tilespmem:s21+$0xFFFFFF10] =	vst v0  }
0x51: {  	[spmem:s8] =	stream.linear.scatter [tilespmem:s16], [sflag:$0x2], $0x2000, $0x38;
	[tilespmem:$0xC180] =	vst v63  }
0x52: {  	_ =	swait.ge [sflag:s17], $0x2000  }
0x53: {  	[sflag:s17] =	ssyncset.done $0x0  }
0x54: {  	[sflag:s17] =	ssyncadd.s32 $0xFFFFE000  }
0x55: {  	[spmem:s9] =	stream.linear.scatter [tilespmem:s16], [sflag:$0x2], $0x2000, $0x38;
	[tilespmem:$0xC180] =	vst v63  }
0x56: {  	_ =	swait.ge [sflag:s17], $0x2000  }
0x57: {  	[sflag:s17] =	ssyncset.done $0x0  }
0x58: {  	[sflag:s17] =	ssyncadd.s32 $0xFFFFE000  }
0x59: {  	[spmem:s10] =	stream.linear.scatter [tilespmem:s16], [sflag:$0x2], $0x2000, $0x38;
	[tilespmem:$0xC180] =	vst v63  }
0x5a: {  	_ =	swait.ge [sflag:s17], $0x2000  }
0x5b: {  	[sflag:s17] =	ssyncset.done $0x0  }
0x5c: {  	[sflag:s17] =	ssyncadd.s32 $0xFFFFE000  }
0x5d: {  	[spmem:s11] =	stream.linear.scatter [tilespmem:s16], [sflag:$0x2], $0x2000, $0x38;
	[tilespmem:$0xC180] =	vst v63  }
0x5e: {  	_ =	swait.ge [sflag:s17], $0x2000  }
0x5f: {  	[sflag:s17] =	ssyncset.done $0x0  }
0x60: {  	[sflag:s17] =	ssyncadd.s32 $0xFFFFE000  }
0x61: {  	[spmem:s12] =	stream.linear.scatter [tilespmem:s16], [sflag:$0x2], $0x2000, $0x38;
	[tilespmem:$0xC180] =	vst v63  }
0x62: {  	_ =	swait.ge [sflag:s17], $0x2000  }
0x63: {  	[sflag:s17] =	ssyncset.done $0x0  }
0x64: {  	[sflag:s17] =	ssyncadd.s32 $0xFFFFE000  }
0x65: {  	s21 =	simm.s32 $0x0;
	s22 =	simm.s32 $0x0;
	[bflag:$0x0] =	sbarrier.arrive $0xFFFF  }
.LBB2_4:
0x66: {  	s23 =	sshll.u32 s22, $0x7  }
0x67: {  	s23 =	sadd.s32 s13, s23  }
0x68: {  	s23 =	sshrl.u32 s23, $0x3  }
0x69: {  	s24 =	sadd.s32 s5, s23  }
0x6a: {  	[tilespmem:s21], [sflag:$0x2] =	stream.linear.gather [hbm4b:s24+s21], $0x80, $0x38;
	[tilespmem:$0xC180] =	vst v63  }
0x6b: {  	_ =	swait.ge [sflag:s17], $0x80  }
0x6c: {  	[sflag:s17] =	ssyncset.done $0x0  }
0x6d: {  	s31 =	sadd.s32 s6, s23;
	[sflag:s17] =	ssyncadd.s32 $0xFFFFFF80  }
0x6e: {  	[tilespmem:s18], [sflag:$0x2] =	stream.linear.gather [hbm4b:s31+s21], $0x80, $0x38;
	[tilespmem:$0xC180] =	vst v63  }
0x6f: {  	_ =	swait.ge [sflag:s17], $0x80  }
0x70: {  	[sflag:s17] =	ssyncset.done $0x0  }
0x71: {  	s23 =	sadd.s32 s7, s23;
	[sflag:s17] =	ssyncadd.s32 $0xFFFFFF80  }
0x72: {  	[tilespmem:s19], [sflag:$0x2] =	stream.linear.gather [hbm4b:s23+s21], $0x80, $0x38;
	[tilespmem:$0xC180] =	vst v63  }
0x73: {  	_ =	swait.ge [sflag:s17], $0x80  }
0x74: {  	[sflag:s17] =	ssyncset.done $0x0  }
0x75: {  	[sflag:s17] =	ssyncadd.s32 $0xFFFFFF80  }
0x76: {  	[tilespmem:s16], [sflag:$0x1] =	stream.indirect.gather [hbm4b:s4+s18], $0x40, s21, s18, $0xb8;
	[tilespmem:$0xC180] =	vst v63  }
0x77: {  	_ =	swait.ge [sflag:s20], $0x2000  }
0x78: {  	[sflag:s20] =	ssyncset.done $0x0  }
0x79: {  	s24 =	simm.s32 $0x0;
	s23 =	simm.s32 $0x380;
	[sflag:s20] =	ssyncadd.s32 $0xFFFFE000  }
.LBB2_5:
0x7a: {  	s25 =	sshra.s32 s24, $0x2  }
0x7b: {  	v1 =	vld [tilespmem:s25+$0x100];
	_ =	sdelay $0x1  }
0x7c: {  	v2 =	vld [tilespmem:s23+$0xFFFFFE00];
	_ =	sdelay $0x2  }
0x7d: {  	v3 =	vbroadcast v1, $0x0;
	_ =	sdelay $0x1  }
0x7e: {  	v2 =	vmul.f32 v3, v2;
	_ =	sdelay $0x1  }
0x7f: {  	[tilespmem:s23+$0xFFFFFE00] =	vst v2;
	v2 =	vld [tilespmem:s23+$0xFFFFFE10];
	_ =	sdelay $0x4  }
0x80: {  	v2 =	vmul.f32 v2, v3;
	_ =	sdelay $0x1  }
0x81: {  	[tilespmem:s23+$0xFFFFFE10] =	vst v2;
	v2 =	vld [tilespmem:s23+$0xFFFFFE20];
	_ =	sdelay $0x4  }
0x82: {  	v2 =	vmul.f32 v2, v3;
	_ =	sdelay $0x1  }
0x83: {  	[tilespmem:s23+$0xFFFFFE20] =	vst v2;
	v2 =	vld [tilespmem:s23+$0xFFFFFE30];
	_ =	sdelay $0x4  }
0x84: {  	v2 =	vmul.f32 v2, v3;
	_ =	sdelay $0x1  }
0x85: {  	[tilespmem:s23+$0xFFFFFE30] =	vst v2;
	v2 =	vld [tilespmem:s23+$0xFFFFFE40];
	_ =	sdelay $0x2  }
0x86: {  	v3 =	vbroadcast v1, $0x1;
	_ =	sdelay $0x1  }
0x87: {  	v2 =	vmul.f32 v2, v3;
	_ =	sdelay $0x1  }
0x88: {  	[tilespmem:s23+$0xFFFFFE40] =	vst v2;
	v2 =	vld [tilespmem:s23+$0xFFFFFE50];
	_ =	sdelay $0x4  }
0x89: {  	v2 =	vmul.f32 v2, v3;
	_ =	sdelay $0x1  }
0x8a: {  	[tilespmem:s23+$0xFFFFFE50] =	vst v2;
	v2 =	vld [tilespmem:s23+$0xFFFFFE60];
	_ =	sdelay $0x4  }
0x8b: {  	v2 =	vmul.f32 v2, v3;
	_ =	sdelay $0x1  }
0x8c: {  	[tilespmem:s23+$0xFFFFFE60] =	vst v2;
	v2 =	vld [tilespmem:s23+$0xFFFFFE70];
	_ =	sdelay $0x4  }
0x8d: {  	v2 =	vmul.f32 v2, v3;
	_ =	sdelay $0x1  }
0x8e: {  	[tilespmem:s23+$0xFFFFFE70] =	vst v2;
	v2 =	vld [tilespmem:s23+$0xFFFFFE80];
	_ =	sdelay $0x2  }
0x8f: {  	v3 =	vbroadcast v1, $0x2;
	_ =	sdelay $0x1  }
0x90: {  	v2 =	vmul.f32 v2, v3;
	_ =	sdelay $0x1  }
0x91: {  	[tilespmem:s23+$0xFFFFFE80] =	vst v2;
	v2 =	vld [tilespmem:s23+$0xFFFFFE90];
	_ =	sdelay $0x4  }
0x92: {  	v2 =	vmul.f32 v2, v3;
	_ =	sdelay $0x1  }
0x93: {  	[tilespmem:s23+$0xFFFFFE90] =	vst v2;
	v2 =	vld [tilespmem:s23+$0xFFFFFEA0];
	_ =	sdelay $0x4  }
0x94: {  	v2 =	vmul.f32 v2, v3;
	_ =	sdelay $0x1  }
0x95: {  	[tilespmem:s23+$0xFFFFFEA0] =	vst v2;
	v2 =	vld [tilespmem:s23+$0xFFFFFEB0];
	_ =	sdelay $0x4  }
0x96: {  	v2 =	vmul.f32 v2, v3;
	_ =	sdelay $0x1  }
0x97: {  	[tilespmem:s23+$0xFFFFFEB0] =	vst v2;
	v2 =	vld [tilespmem:s23+$0xFFFFFEC0];
	_ =	sdelay $0x2  }
0x98: {  	v3 =	vbroadcast v1, $0x3;
	_ =	sdelay $0x1  }
0x99: {  	v2 =	vmul.f32 v2, v3;
	_ =	sdelay $0x1  }
0x9a: {  	[tilespmem:s23+$0xFFFFFEC0] =	vst v2;
	v2 =	vld [tilespmem:s23+$0xFFFFFED0];
	_ =	sdelay $0x4  }
0x9b: {  	v2 =	vmul.f32 v2, v3;
	_ =	sdelay $0x1  }
0x9c: {  	[tilespmem:s23+$0xFFFFFED0] =	vst v2;
	v2 =	vld [tilespmem:s23+$0xFFFFFEE0];
	_ =	sdelay $0x4  }
0x9d: {  	v2 =	vmul.f32 v2, v3;
	_ =	sdelay $0x1  }
0x9e: {  	[tilespmem:s23+$0xFFFFFEE0] =	vst v2;
	v2 =	vld [tilespmem:s23+$0xFFFFFEF0];
	_ =	sdelay $0x4  }
0x9f: {  	v2 =	vmul.f32 v2, v3;
	_ =	sdelay $0x1  }
0xa0: {  	[tilespmem:s23+$0xFFFFFEF0] =	vst v2;
	v2 =	vld [tilespmem:s23+$0xFFFFFF00];
	_ =	sdelay $0x2  }
0xa1: {  	v3 =	vbroadcast v1, $0x4;
	_ =	sdelay $0x1  }
0xa2: {  	v2 =	vmul.f32 v2, v3;
	_ =	sdelay $0x1  }
0xa3: {  	[tilespmem:s23+$0xFFFFFF00] =	vst v2;
	v2 =	vld [tilespmem:s23+$0xFFFFFF10];
	_ =	sdelay $0x4  }
0xa4: {  	v2 =	vmul.f32 v2, v3;
	_ =	sdelay $0x1  }
0xa5: {  	[tilespmem:s23+$0xFFFFFF10] =	vst v2;
	v2 =	vld [tilespmem:s23+$0xFFFFFF20];
	_ =	sdelay $0x4  }
0xa6: {  	v2 =	vmul.f32 v2, v3;
	_ =	sdelay $0x1  }
0xa7: {  	[tilespmem:s23+$0xFFFFFF20] =	vst v2;
	v2 =	vld [tilespmem:s23+$0xFFFFFF30];
	_ =	sdelay $0x4  }
0xa8: {  	v2 =	vmul.f32 v2, v3;
	_ =	sdelay $0x1  }
0xa9: {  	[tilespmem:s23+$0xFFFFFF30] =	vst v2;
	v2 =	vld [tilespmem:s23+$0xFFFFFF40];
	_ =	sdelay $0x2  }
0xaa: {  	v3 =	vbroadcast v1, $0x5;
	_ =	sdelay $0x1  }
0xab: {  	v2 =	vmul.f32 v2, v3;
	_ =	sdelay $0x1  }
0xac: {  	[tilespmem:s23+$0xFFFFFF40] =	vst v2;
	v2 =	vld [tilespmem:s23+$0xFFFFFF50];
	_ =	sdelay $0x4  }
0xad: {  	v2 =	vmul.f32 v2, v3;
	_ =	sdelay $0x1  }
0xae: {  	[tilespmem:s23+$0xFFFFFF50] =	vst v2;
	v2 =	vld [tilespmem:s23+$0xFFFFFF60];
	_ =	sdelay $0x4  }
0xaf: {  	v2 =	vmul.f32 v2, v3;
	_ =	sdelay $0x1  }
0xb0: {  	[tilespmem:s23+$0xFFFFFF60] =	vst v2;
	v2 =	vld [tilespmem:s23+$0xFFFFFF70];
	_ =	sdelay $0x4  }
0xb1: {  	v2 =	vmul.f32 v2, v3;
	_ =	sdelay $0x1  }
0xb2: {  	[tilespmem:s23+$0xFFFFFF70] =	vst v2;
	v2 =	vld [tilespmem:s23+$0xFFFFFF80];
	_ =	sdelay $0x2  }
0xb3: {  	v3 =	vbroadcast v1, $0x6;
	_ =	sdelay $0x1  }
0xb4: {  	v2 =	vmul.f32 v2, v3;
	_ =	sdelay $0x1  }
0xb5: {  	[tilespmem:s23+$0xFFFFFF80] =	vst v2;
	v2 =	vld [tilespmem:s23+$0xFFFFFF90];
	_ =	sdelay $0x4  }
0xb6: {  	v2 =	vmul.f32 v2, v3;
	_ =	sdelay $0x1  }
0xb7: {  	[tilespmem:s23+$0xFFFFFF90] =	vst v2;
	v2 =	vld [tilespmem:s23+$0xFFFFFFA0];
	_ =	sdelay $0x4  }
0xb8: {  	v2 =	vmul.f32 v2, v3;
	_ =	sdelay $0x1  }
0xb9: {  	[tilespmem:s23+$0xFFFFFFA0] =	vst v2;
	v2 =	vld [tilespmem:s23+$0xFFFFFFB0];
	_ =	sdelay $0x4  }
0xba: {  	v2 =	vmul.f32 v2, v3;
	_ =	sdelay $0x1  }
0xbb: {  	[tilespmem:s23+$0xFFFFFFB0] =	vst v2;
	v2 =	vld [tilespmem:s23+$0xFFFFFFC0];
	_ =	sdelay $0x2  }
0xbc: {  	v3 =	vbroadcast v1, $0x7;
	_ =	sdelay $0x1  }
0xbd: {  	v2 =	vmul.f32 v2, v3;
	_ =	sdelay $0x1  }
0xbe: {  	[tilespmem:s23+$0xFFFFFFC0] =	vst v2;
	v2 =	vld [tilespmem:s23+$0xFFFFFFD0];
	_ =	sdelay $0x4  }
0xbf: {  	v2 =	vmul.f32 v2, v3;
	_ =	sdelay $0x1  }
0xc0: {  	[tilespmem:s23+$0xFFFFFFD0] =	vst v2;
	v2 =	vld [tilespmem:s23+$0xFFFFFFE0];
	_ =	sdelay $0x4  }
0xc1: {  	v2 =	vmul.f32 v2, v3;
	_ =	sdelay $0x1  }
0xc2: {  	[tilespmem:s23+$0xFFFFFFE0] =	vst v2;
	v2 =	vld [tilespmem:s23+$0xFFFFFFF0];
	_ =	sdelay $0x4  }
0xc3: {  	v2 =	vmul.f32 v2, v3;
	_ =	sdelay $0x1  }
0xc4: {  	[tilespmem:s23+$0xFFFFFFF0] =	vst v2;
	v2 =	vld [tilespmem:s23+$0x0];
	_ =	sdelay $0x2  }
0xc5: {  	v3 =	vbroadcast v1, $0x8;
	_ =	sdelay $0x1  }
0xc6: {  	v2 =	vmul.f32 v2, v3;
	_ =	sdelay $0x1  }
0xc7: {  	[tilespmem:s23+$0x0] =	vst v2;
	v2 =	vld [tilespmem:s23+$0x10];
	_ =	sdelay $0x4  }
0xc8: {  	v2 =	vmul.f32 v2, v3;
	_ =	sdelay $0x1  }
0xc9: {  	[tilespmem:s23+$0x10] =	vst v2;
	v2 =	vld [tilespmem:s23+$0x20];
	_ =	sdelay $0x4  }
0xca: {  	v2 =	vmul.f32 v2, v3;
	_ =	sdelay $0x1  }
0xcb: {  	[tilespmem:s23+$0x20] =	vst v2;
	v2 =	vld [tilespmem:s23+$0x30];
	_ =	sdelay $0x4  }
0xcc: {  	v2 =	vmul.f32 v2, v3;
	_ =	sdelay $0x1  }
0xcd: {  	[tilespmem:s23+$0x30] =	vst v2;
	v2 =	vld [tilespmem:s23+$0x40];
	_ =	sdelay $0x2  }
0xce: {  	v3 =	vbroadcast v1, $0x9;
	_ =	sdelay $0x1  }
0xcf: {  	v2 =	vmul.f32 v2, v3;
	_ =	sdelay $0x1  }
0xd0: {  	[tilespmem:s23+$0x40] =	vst v2;
	v2 =	vld [tilespmem:s23+$0x50];
	_ =	sdelay $0x4  }
0xd1: {  	v2 =	vmul.f32 v2, v3;
	_ =	sdelay $0x1  }
0xd2: {  	[tilespmem:s23+$0x50] =	vst v2;
	v2 =	vld [tilespmem:s23+$0x60];
	_ =	sdelay $0x4  }
0xd3: {  	v2 =	vmul.f32 v2, v3;
	_ =	sdelay $0x1  }
0xd4: {  	[tilespmem:s23+$0x60] =	vst v2;
	v2 =	vld [tilespmem:s23+$0x70];
	_ =	sdelay $0x4  }
0xd5: {  	v2 =	vmul.f32 v2, v3;
	_ =	sdelay $0x1  }
0xd6: {  	[tilespmem:s23+$0x70] =	vst v2;
	v2 =	vld [tilespmem:s23+$0x80];
	_ =	sdelay $0x2  }
0xd7: {  	v3 =	vbroadcast v1, $0xA;
	_ =	sdelay $0x1  }
0xd8: {  	v2 =	vmul.f32 v2, v3;
	_ =	sdelay $0x1  }
0xd9: {  	[tilespmem:s23+$0x80] =	vst v2;
	v2 =	vld [tilespmem:s23+$0x90];
	_ =	sdelay $0x4  }
0xda: {  	v2 =	vmul.f32 v2, v3;
	_ =	sdelay $0x1  }
0xdb: {  	[tilespmem:s23+$0x90] =	vst v2;
	v2 =	vld [tilespmem:s23+$0xA0];
	_ =	sdelay $0x4  }
0xdc: {  	v2 =	vmul.f32 v2, v3;
	_ =	sdelay $0x1  }
0xdd: {  	[tilespmem:s23+$0xA0] =	vst v2;
	v2 =	vld [tilespmem:s23+$0xB0];
	_ =	sdelay $0x4  }
0xde: {  	v2 =	vmul.f32 v2, v3;
	_ =	sdelay $0x1  }
0xdf: {  	[tilespmem:s23+$0xB0] =	vst v2;
	v2 =	vld [tilespmem:s23+$0xC0];
	_ =	sdelay $0x2  }
0xe0: {  	v3 =	vbroadcast v1, $0xB;
	_ =	sdelay $0x1  }
0xe1: {  	v2 =	vmul.f32 v2, v3;
	_ =	sdelay $0x1  }
0xe2: {  	[tilespmem:s23+$0xC0] =	vst v2;
	v2 =	vld [tilespmem:s23+$0xD0];
	_ =	sdelay $0x4  }
0xe3: {  	v2 =	vmul.f32 v2, v3;
	_ =	sdelay $0x1  }
0xe4: {  	[tilespmem:s23+$0xD0] =	vst v2;
	v2 =	vld [tilespmem:s23+$0xE0];
	_ =	sdelay $0x4  }
0xe5: {  	v2 =	vmul.f32 v2, v3;
	_ =	sdelay $0x1  }
0xe6: {  	[tilespmem:s23+$0xE0] =	vst v2;
	v2 =	vld [tilespmem:s23+$0xF0];
	_ =	sdelay $0x4  }
0xe7: {  	v2 =	vmul.f32 v2, v3;
	_ =	sdelay $0x1  }
0xe8: {  	[tilespmem:s23+$0xF0] =	vst v2;
	v2 =	vld [tilespmem:s23+$0x100];
	_ =	sdelay $0x2  }
0xe9: {  	v3 =	vbroadcast v1, $0xC;
	_ =	sdelay $0x1  }
0xea: {  	v2 =	vmul.f32 v2, v3;
	_ =	sdelay $0x1  }
0xeb: {  	[tilespmem:s23+$0x100] =	vst v2;
	v2 =	vld [tilespmem:s23+$0x110];
	_ =	sdelay $0x4  }
0xec: {  	v2 =	vmul.f32 v2, v3;
	_ =	sdelay $0x1  }
0xed: {  	[tilespmem:s23+$0x110] =	vst v2;
	v2 =	vld [tilespmem:s23+$0x120];
	_ =	sdelay $0x4  }
0xee: {  	v2 =	vmul.f32 v2, v3;
	_ =	sdelay $0x1  }
0xef: {  	[tilespmem:s23+$0x120] =	vst v2;
	v2 =	vld [tilespmem:s23+$0x130];
	_ =	sdelay $0x4  }
0xf0: {  	v2 =	vmul.f32 v2, v3;
	_ =	sdelay $0x1  }
0xf1: {  	[tilespmem:s23+$0x130] =	vst v2;
	v2 =	vld [tilespmem:s23+$0x140];
	_ =	sdelay $0x2  }
0xf2: {  	v3 =	vbroadcast v1, $0xD;
	_ =	sdelay $0x1  }
0xf3: {  	v2 =	vmul.f32 v2, v3;
	_ =	sdelay $0x1  }
0xf4: {  	[tilespmem:s23+$0x140] =	vst v2;
	v2 =	vld [tilespmem:s23+$0x150];
	_ =	sdelay $0x4  }
0xf5: {  	v2 =	vmul.f32 v2, v3;
	_ =	sdelay $0x1  }
0xf6: {  	[tilespmem:s23+$0x150] =	vst v2;
	v2 =	vld [tilespmem:s23+$0x160];
	_ =	sdelay $0x4  }
0xf7: {  	v2 =	vmul.f32 v2, v3;
	_ =	sdelay $0x1  }
0xf8: {  	[tilespmem:s23+$0x160] =	vst v2;
	v2 =	vld [tilespmem:s23+$0x170];
	_ =	sdelay $0x4  }
0xf9: {  	v2 =	vmul.f32 v2, v3;
	_ =	sdelay $0x1  }
0xfa: {  	[tilespmem:s23+$0x170] =	vst v2;
	v2 =	vld [tilespmem:s23+$0x180];
	_ =	sdelay $0x2  }
0xfb: {  	v3 =	vbroadcast v1, $0xE;
	_ =	sdelay $0x1  }
0xfc: {  	v2 =	vmul.f32 v2, v3;
	_ =	sdelay $0x1  }
0xfd: {  	[tilespmem:s23+$0x180] =	vst v2;
	v2 =	vld [tilespmem:s23+$0x190];
	_ =	sdelay $0x4  }
0xfe: {  	v2 =	vmul.f32 v2, v3;
	_ =	sdelay $0x1  }
0xff: {  	[tilespmem:s23+$0x190] =	vst v2;
	v2 =	vld [tilespmem:s23+$0x1A0];
	_ =	sdelay $0x4  }
0x100: {  	v2 =	vmul.f32 v2, v3;
	_ =	sdelay $0x1  }
0x101: {  	[tilespmem:s23+$0x1A0] =	vst v2;
	v2 =	vld [tilespmem:s23+$0x1B0];
	_ =	sdelay $0x4  }
0x102: {  	v2 =	vmul.f32 v2, v3;
	_ =	sdelay $0x1  }
0x103: {  	[tilespmem:s23+$0x1B0] =	vst v2;
	v2 =	vld [tilespmem:s23+$0x1C0];
	_ =	sdelay $0x2  }
0x104: {  	v1 =	vbroadcast v1, $0xF;
	_ =	sdelay $0x1  }
0x105: {  	v2 =	vmul.f32 v2, v1;
	_ =	sdelay $0x1  }
0x106: {  	[tilespmem:s23+$0x1C0] =	vst v2;
	v2 =	vld [tilespmem:s23+$0x1D0];
	_ =	sdelay $0x4  }
0x107: {  	v2 =	vmul.f32 v2, v1;
	_ =	sdelay $0x1  }
0x108: {  	[tilespmem:s23+$0x1D0] =	vst v2;
	v2 =	vld [tilespmem:s23+$0x1E0];
	_ =	sdelay $0x4  }
0x109: {  	v2 =	vmul.f32 v2, v1;
	_ =	sdelay $0x1  }
0x10a: {  	[tilespmem:s23+$0x1E0] =	vst v2;
	v2 =	vld [tilespmem:s23+$0x1F0];
	_ =	sdelay $0x1  }
0x10b: {  	p0 =	sne.s32 s24, $0x1C0  }
.Ltmp1:
0x10c: {  	_ = 	snop;
	(pc) =	sbr.rel @p0 .LBB2_5-.Ltmp1, $3  }
0x10d: {  	_ = 	snop  }
0x10e: {  	v1 =	vmul.f32 v2, v1;
	_ =	sdelay $0x1  }
0x10f: {  	s24 =	sadd.s32 $0x40, s24;
	[tilespmem:s23+$0x1F0] =	vst v1;
	s23 =	sadd.s32 $0x400, s23  }
0x110: {  	s22 =	sadd.s32 $0x1, s22  }
0x111: {  	p0 =	sne.s32 s22, $0x50  }
.Ltmp2:
0x112: {  	_ = 	snop;
	(pc) =	sbr.rel @p0 .LBB2_4-.Ltmp2, $4  }
0x113: {  	[spmem:s2] =	stream.indirect.scatter.add.f32 [tilespmem:s16], [sflag:$0x2], $0x40, s18, s18, $0xb8;
	[tilespmem:$0xC180] =	vst v63  }
0x114: {  	_ =	swait.ge [sflag:s17], $0x2000  }
0x115: {  	[sflag:s17] =	ssyncset.done $0x0  }
0x116: {  	[sflag:s17] =	ssyncadd.s32 $0xFFFFE000  }
0x117: {  	s3 =	sadd.s32 $0x1, s3  }
0x118: {  	s21 =	sshll.u32 s1, $0x6;
	[bflag:$0x0] =	sbarrier.arrive $0xFFFF;
	p0 =	sne.s32 s3, s15  }
.Ltmp3:
0x119: {  	s22 =	sshrl.u32 s8, $0x3;
	s21 =	sor.u32 $0x1C02, s21;
	(pc) =	sbr.rel @p0 .LBB2_1-.Ltmp3, $4  }
0x11a: {  	[hbm:s14], [sflag:s21] =	dma.local [spmem:s22], $0x1400  }
0x11b: {  	_ =	swait.ge [sflag:s17], $0x1400  }
0x11c: {  	[sflag:s17] =	ssyncset.done $0x0  }
0x11d: {  	[sflag:s17] =	ssyncadd.s32 $0xFFFFEC00  }
0x11e: {  	_ =	sfence.sel $0x180000  }
0x11f: {  	[bflag:$0x0] =	sbarrier.arrive $0xFFFF  }
0x120: {  	p0 =	sne.s32 s1, $0x0;
	_ =	strace $0x9000004D  }
0x121: {  	s0 =	sadd.s32 @!p0 $0x100000, s0;
	[bflag:$0x2] =	sbarrier.arrive $0xFFFF  }
0x122: {  	[sflag:s0] =	ssyncadd.tile.s32 @!p0 $0x1;
	_ =	shalt  }
.Lfunc_end2:
_tile_overlayer_lowered:
.L_overlay_start_2:
0x123: {  	(tag) =	ssettag $0x2  }
0x124: {  	s0 =	rddreg [dreg:$0x0];
	s2 =	stileid.u32  }
0x125: {  	s1 =	rddreg [dreg:$0x1];
	p0 =	sne.s32 s2, $0x0  }
0x126: {  	s3 =	rddreg [dreg:$0x2];
	[bflag:$0x3] =	sbarrier.arrive $0xFFFF;
	s2 =	simm.s32 @!p0 $0x1C02  }
0x127: {  	[timem:s3], [sflag:s2] =	dma.local @!p0 [hbm:s0], s1  }
0x128: {  	s0 =	simm.s32 @!p0 $0x2  }
0x129: {  	_ =	swait.ge @!p0 [sflag:s0], s1  }
0x12a: {  	s1 =	ssub.s32 @!p0 $0x0, s1;
	[sflag:s0] =	ssyncset.done @!p0 $0x0  }
0x12b: {  	[sflag:s0] =	ssyncadd.s32 @!p0 s1  }
0x12c: {  	[bflag:$0x3] =	sbarrier.arrive $0xFFFF  }
0x12d: {  	_ =	shalt  }

// kernel: kernel.9.cloned.1.call-start
scs
__scs_entry_jumppad:
0x0: {  	(pc) =	sbr.rel $0x88, $3  }
0x1: {  	(tag) =	ssettag $0x0;
	lr =	simm.s32 $0x1  }
0x2: {  	[smem:$0x3F9A] =	sst lr;
	_ =	strace $0xD0000000  }
0x3: {  	_ = 	snop  }
0x4: {  	_ = 	snop  }
0x5: {  	_ = 	snop  }
0x6: {  	_ = 	snop  }
0x7: {  	_ = 	snop  }
__scs_overlays_trampoline_lowered:
0x8: {  	[smem:$0x3FA9] =	sst s0  }
0x9: {  	[smem:$0x3FAA] =	sst s1  }
0xa: {  	[smem:$0x3FAB] =	sst s2  }
0xb: {  	[smem:$0x3FAC] =	sst s3  }
0xc: {  	[smem:$0x3FAD] =	sst s4  }
0xd: {  	[smem:$0x3FAE] =	sst s5  }
0xe: {  	[smem:$0x3FAF] =	sst s6  }
0xf: {  	[smem:$0x3FB0] =	sst s7  }
0x10: {  	[smem:$0x3FB1] =	sst s8  }
0x11: {  	[smem:$0x3FB2] =	sst s9;
	s0 =	simm.s32 @!p0 $0x0  }
0x12: {  	s1 =	sld [smem:$0x3F98];
	s0 =	simm.s32 @p0 $0x1  }
0x13: {  	[smem:$0x3FB3] =	sst s0;
	s0 =	simm.s32 @!p1 $0x0  }
0x14: {  	s2 =	sld [smem:$0x3F97];
	s0 =	simm.s32 @p1 $0x1  }
0x15: {  	[smem:$0x3FB4] =	sst s0;
	s0 =	simm.s32 @!p2 $0x0  }
0x16: {  	s3 =	sld [smem:$0x3FDB];
	s0 =	simm.s32 @p2 $0x1  }
0x17: {  	s4 =	simm.s32 $0x1BF5;
	[smem:$0x3FB6] =	sst s0  }
0x18: {  	s0 =	sld [smem:$0x3F99];
	_ =	swait.ge [sflag:s4], $0x0  }
0x19: {  	s7 =	sld [smem:$0x3F9A]  }
0x1a: {  	s8 =	sadd.s32 $0xFFFFE003, lr  }
0x1b: {  	s9 =	sadd.s32 $0xFFFFFEF7, lr;
	s5 =	simm.s32 $0xFFFFFFFF;
	p2 =	slt.u32 s8, $0xFFFFF086  }
0x1c: {  	p1 =	slt.u32 s9, $0xF7A;
	s5 =	simm.s32 @!p2 $0x0  }
0x1d: {  	s5 =	simm.s32 @p1 $0x1;
	p0 =	seq.s32 s7, s2  }
0x1e: {  	s7 =	smul.u32 @!p0 $0xF7A, s2;
	p2 =	seq.s32 @!p0 s5, $0x0  }
0x1f: {  	s9 =	smul.u32 $0xF7A, s1;
	s8 =	simm.s32 @!p0 $0x1BF5;
	p2 =	por !p2, p0  }
0x20: {  	[sflag:s8] =	ssyncset.s32 @!p0 $0xFFFFF086;
	s6 =	sadd.s32 @!p0 s3, s7;
	s7 =	simm.s32 @!p0 $0x108  }
0x21: {  	s3 =	sadd.s32 s3, s9;
	s6 =	sadd.s32 @!p0 $0x88, s6;
	s7 =	simm.s32 @p2 $0x1082  }
0x22: {  	[simem:s7], [sflag:s8] =	dma.local @!p0 [hbm:s6], $0xF7A  }
0x23: {  	s9 =	sor.u32 $0xD0000000, s2;
	s6 =	simm.s32 $0x108;
	_ =	swait.ge @!p0 [sflag:s8], $0x0  }
0x24: {  	s3 =	sadd.s32 $0x88, s3;
	s6 =	simm.s32 @!p1 $0x1082;
	[sflag:s4] =	ssyncset.s32 $0xFFFFF086  }
0x25: {  	[simem:s6], [sflag:s4] =	dma.local [hbm:s3], $0xF7A  }
0x26: {  	[smem:$0x3F9A] =	sst s1;
	(tag) =	ssettag s2;
	_ =	strace s9  }
0x27: {  	s1 =	sld [smem:$0x3FAA]  }
0x28: {  	s2 =	sld [smem:$0x3FAB]  }
0x29: {  	s4 =	sld [smem:$0x3FAD]  }
0x2a: {  	p0 =	seq.s32 s5, $0x0;
	s5 =	sld [smem:$0x3FAE]  }
0x2b: {  	s6 =	sld [smem:$0x3FAF]  }
0x2c: {  	s7 =	sld [smem:$0x3FB0]  }
0x2d: {  	s3 =	simm.s32 $0x108;
	s8 =	sld [smem:$0x3FB1]  }
0x2e: {  	s3 =	simm.s32 @!p0 $0x1082;
	s9 =	sld [smem:$0x3FB2]  }
0x2f: {  	lr =	sadd.s32 s0, s3;
	s0 =	sld [smem:$0x3FA9]  }
0x30: {  	s3 =	sld [smem:$0x3FAC]  }
0x31: {  	[smem:$0x3FB5] =	sst s10  }
0x32: {  	s10 =	sld [smem:$0x3FB3];
	_ =	sdelay $0x3  }
0x33: {  	p0 =	seq.s32 s10, $0x1;
	s10 =	sld [smem:$0x3FB5];
	_ =	sdelay $0x3  }
0x34: {  	[smem:$0x3FB5] =	sst s10  }
0x35: {  	s10 =	sld [smem:$0x3FB4];
	_ =	sdelay $0x3  }
0x36: {  	p1 =	seq.s32 s10, $0x1;
	s10 =	sld [smem:$0x3FB5];
	_ =	sdelay $0x3  }
0x37: {  	[smem:$0x3FB5] =	sst s10  }
0x38: {  	s10 =	sld [smem:$0x3FB6]  }
0x39: {  	_ = 	snop;
	(pc) =	sbr.ind lr, $3  }
0x3a: {  	_ = 	snop  }
0x3b: {  	_ = 	snop  }
0x3c: {  	p2 =	seq.s32 s10, $0x1;
	s10 =	sld [smem:$0x3FB5]  }
0x3d: {  	_ =	shalt  }
0x3e: {  	_ =	shalt  }
0x3f: {  	_ =	shalt  }
0x40: {  	_ =	shalt  }
0x41: {  	_ =	shalt  }
0x42: {  	_ =	shalt  }
0x43: {  	_ =	shalt  }
0x44: {  	_ =	shalt  }
0x45: {  	_ =	shalt  }
0x46: {  	_ =	shalt  }
0x47: {  	_ =	shalt  }
0x48: {  	_ =	shalt  }
0x49: {  	_ =	shalt  }
0x4a: {  	_ =	shalt  }
0x4b: {  	_ =	shalt  }
0x4c: {  	_ =	shalt  }
0x4d: {  	_ =	shalt  }
0x4e: {  	_ =	shalt  }
0x4f: {  	_ =	shalt  }
0x50: {  	_ =	shalt  }
0x51: {  	_ =	shalt  }
0x52: {  	_ =	shalt  }
0x53: {  	_ =	shalt  }
0x54: {  	_ =	shalt  }
0x55: {  	_ =	shalt  }
0x56: {  	_ =	shalt  }
0x57: {  	_ =	shalt  }
0x58: {  	_ =	shalt  }
0x59: {  	_ =	shalt  }
0x5a: {  	_ =	shalt  }
0x5b: {  	_ =	shalt  }
0x5c: {  	_ =	shalt  }
0x5d: {  	_ =	shalt  }
0x5e: {  	_ =	shalt  }
0x5f: {  	_ =	shalt  }
0x60: {  	_ =	shalt  }
0x61: {  	_ =	shalt  }
0x62: {  	_ =	shalt  }
0x63: {  	_ =	shalt  }
0x64: {  	_ =	shalt  }
0x65: {  	_ =	shalt  }
0x66: {  	_ =	shalt  }
0x67: {  	_ =	shalt  }
0x68: {  	_ =	shalt  }
0x69: {  	_ =	shalt  }
0x6a: {  	_ =	shalt  }
0x6b: {  	_ =	shalt  }
0x6c: {  	_ =	shalt  }
0x6d: {  	_ =	shalt  }
0x6e: {  	_ =	shalt  }
0x6f: {  	_ =	shalt  }
0x70: {  	_ =	shalt  }
0x71: {  	_ =	shalt  }
0x72: {  	_ =	shalt  }
0x73: {  	_ =	shalt  }
0x74: {  	_ =	shalt  }
0x75: {  	_ =	shalt  }
0x76: {  	_ =	shalt  }
0x77: {  	_ =	shalt  }
0x78: {  	_ =	shalt  }
0x79: {  	_ =	shalt  }
0x7a: {  	_ =	shalt  }
0x7b: {  	_ =	shalt  }
0x7c: {  	_ =	shalt  }
0x7d: {  	_ =	shalt  }
0x7e: {  	_ =	shalt  }
0x7f: {  	_ =	shalt  }
0x80: {  	_ =	shalt  }
0x81: {  	_ =	shalt  }
0x82: {  	_ =	shalt  }
0x83: {  	_ =	shalt  }
0x84: {  	_ =	shalt  }
0x85: {  	_ =	shalt  }
0x86: {  	_ =	shalt  }
0x87: {  	_ =	shalt  }
.Lfunc_end0:
.L_simem_size_0:
called_computation_lowered:
.L_overlay_start_0:
0x88: {  	s2 =	sld [smem:$0x3FD9]  }
0x89: {  	s3 =	sld [smem:$0x3FFE];
	_ =	sdelay $0x1  }
0x8a: {  	s1 =	srdreg.scid  }
0x8b: {  	s0 =	sand.u32 $0x1, s1  }
0x8c: {  	s16 =	sshll.u32 s0, $0xA;
	s2 =	sadd.s32 s3, s2  }
0x8d: {  	s2 =	sadd.s32 s2, s16  }
0x8e: {  	[smem:$0x3FC1] =	sst s2  }
0x8f: {  	_ = 	snop  }
0x90: {  	(tm) =	ssettm $0x1  }
0x91: {  	s17 =	sld [smem:$0x3FFB];
	_ =	sdelay $0x3  }
0x92: {  	_ =	strace s17  }
0x93: {  	s2 =	sld [smem:$0x3FFC];
	_ =	sdelay $0x3  }
0x94: {  	_ =	strace s2  }
0x95: {  	s2 =	sld [smem:$0x3FFD];
	_ =	sdelay $0x3  }
0x96: {  	_ =	strace s2  }
0x97: {  	_ =	strace $0x8FFFFFFF  }
0x98: {  	s18 =	sld [smem:$0x3FDB];
	_ =	sdelay $0x1  }
0x99: {  	s19 =	simm.s32 $_scs_section_size  }
0x9a: {  	s4 =	simm.s32 $_size__tile_overlayer_lowered;
	s5 =	simm.s32 $_tile_overlayer_lowered  }
0x9b: {  	s22 =	simm.s32 $0x1BFF;
	s21 =	sshll.u32 s5, $0x1;
	s2 =	sadd.s32 s19, s18  }
0x9c: {  	s6 =	simm.s32 $0x0;
	s20 =	sshll.u32 s4, $0x1;
	s4 =	sadd.s32 s21, s2  }
0x9d: {  	[timem:s6], [sflag:s22] =	dma.local [hbm:s4], s20  }
0x9e: {  	_ =	swait.ge [sflag:s22], s20  }
0x9f: {  	s3 =	ssub.s32 $0x0, s20;
	[sflag:s22] =	ssyncset.done $0x0  }
0xa0: {  	[sflag:s22] =	ssyncadd.s32 s3;
	_ =	sdelay $0x1  }
0xa1: {  	s23 =	simm.s32 $0x1B8B  }
0xa2: {  	_ =	swait.ge [sflag:s23], $0x1  }
0xa3: {  	[sflag:s23] =	ssyncset.done $0x0  }
0xa4: {  	s25 =	simm.s32 $0x1B8E;
	s24 =	sld [smem:$0x3FFE];
	[sflag:s23] =	ssyncadd.s32 $0xFFFFFFFF  }
0xa5: {  	s26 =	simm.s32 $execute0_lowered;
	[smem:$0x3FD2] =	sst s25  }
0xa6: {  	s4 =	sshll.u32 s26, $0x1;
	_ =	strace $0x80000046;
	[dreg:$0x1] =	wrdreg $0xFFFFFFFF  }
0xa7: {  	s28 =	simm.s32 $_size_execute0_lowered;
	s2 =	sadd.s32 s2, s4;
	[dreg:$0x0] =	wrdreg $0x0  }
0xa8: {  	s4 =	sshll.u32 s28, $0x1;
	[dreg:$0x2] =	wrdreg s2  }
0xa9: {  	[dreg:$0x3] =	wrdreg s4  }
0xaa: {  	[dreg:$0x4] =	wrdreg $0xC0  }
0xab: {  	_ =	task [dreg:s6], $0x5FFFF  }
0xac: {  	[dreg:$0x1] =	wrdreg $0xFFFFFFFF  }
0xad: {  	[dreg:$0x0] =	wrdreg $0x60  }
0xae: {  	[dreg:$0x2] =	wrdreg s24  }
0xaf: {  	[dreg:$0x3] =	wrdreg $0x21800  }
0xb0: {  	[dreg:$0x4] =	wrdreg $0x9  }
0xb1: {  	_ =	task.clear_ibuf [dreg:s6], $0x5FFFF;
	_ =	strace $0x90000046  }
0xb2: {  	s29 =	simm.s32 $0x9;
	_ =	strace $0x80000048  }
0xb3: {  	_ =	swait.ge [sflag:s29], $0x1  }
0xb4: {  	[sflag:s29] =	ssyncadd.s32 $0xFFFFFFFF  }
0xb5: {  	_ =	strace $0x90000048  }
0xb6: {  	_ =	sfence  }
0xb7: {  	s30 =	sld [smem:$0x0];
	_ =	sdelay $0x2  }
0xb8: {  	s31 =	sshll.u32 s1, $0xD;
	s1 =	sshrl.u32 s1, $0x2  }
0xb9: {  	s3 =	sand.u32 $0x4000, s31;
	s1 =	sadd.s32 s1, s30  }
0xba: {  	s0 =	sor.u32 s3, s0;
	s1 =	sshll.u32 s1, $0x11  }
0xbb: {  	s0 =	sor.u32 s1, s0  }
0xbc: {  	s0 =	sadd.s32 $0x8F2B, s0  }
0xbd: {  	[sflag:s0] =	ssyncadd.remote.s32 $0x1  }
0xbe: {  	_ =	sfence.sel $0xFFFF  }
0xbf: {  	[dreg:$0x0] =	wrdreg $0xFFFFFFFF;
	(pc) =	sbr.abs _section_cstart, $3  }
0xc0: {  	[dreg:$0x1] =	wrdreg $0xFFFFFFFF  }
0xc1: {  	_ =	task.clear_ibuf [dreg:s6], $0x2FFFF;
	_ =	strace $0x9FFFFFFF  }
0xc2: {  	(tm) =	ssettm $0x7FFFFFFF  }
0xc3: {  	_ =	shalt  }
tec
execute0_lowered:
.L_overlay_start_1:
0x0: {  	(tag) =	ssettag $0x1  }
0x1: {  	s8 =	rddreg [dreg:$0x0]  }
0x2: {  	s2 =	rddreg [dreg:$0x1]  }
0x3: {  	s0 =	rddreg [dreg:$0x2]  }
0x4: {  	s4 =	srdreg.scid;
	s1 =	stileid.u32;
	s3 =	simm.s32 $0x0  }
0x5: {  	s16 =	simm.s32 $0x180;
	s17 =	simm.s32 $0x2;
	s18 =	simm.s32 $0x80  }
0x6: {  	s19 =	simm.s32 $0x100;
	s20 =	simm.s32 $0x1;
	s9 =	sand.u32 $0x1, s4  }
0x7: {  	s10 =	smul.u32 $0xA000, s1;
	[smem:$0x7FF] =	sst s3;
	s4 =	sadd.s32 $0x51E00, s8  }
0x8: {  	s5 =	sadd.s32 $0x6FE00, s8;
	s6 =	sadd.s32 $0x65E00, s8;
	s13 =	smul.u32 $0x28000, s1  }
0x9: {  	s7 =	smul.u32 $0xA0000, s9;
	_ =	strace $0x80000047;
	s12 =	ssub.s32 $0x2, s9  }
0xa: {  	s28 =	sshll.u32 s9, $0x4;
	s26 =	sshrl.u32 s12, $0x1;
	s29 =	sshrl.u32 s13, $0x2  }
0xb: {  	s30 =	sor.u32 s1, s28;
	s7 =	sadd.s32 s10, s7;
	s15 =	ssub.s32 s12, s26  }
0xc: {  	s31 =	sadd.s32 s29, s2;
	s13 =	smul.u32 $0x2800, s30;
	s11 =	sshrl.u32 s7, $0x3  }
0xd: {  	s7 =	sadd.s32 $0x79E00, s8;
	s9 =	sadd.s32 $0x2000, s31;
	s12 =	sadd.s32 $0x8000, s31  }
0xe: {  	s15 =	smax.u32 s15, $0x1;
	s14 =	sadd.s32 s11, s8;
	s8 =	sadd.s32 s10, s2  }
0xf: {  	v0 =	vimm.f32 $0.0e+00;
	s10 =	sadd.s32 $0x4000, s31;
	s11 =	sadd.s32 $0x6000, s31;
	s14 =	sadd.s32 $0x83E00, s14  }
.LBB2_1:
0x10: {  	s21 =	simm.s32 $0x280  }
0x11: {  	[tilespmem:s21+$0xFFFFFF00] =	vst v0  }
0x12: {  	[tilespmem:s21+$0xF0] =	vst v0  }
0x13: {  	[tilespmem:s21+$0xE0] =	vst v0  }
0x14: {  	[tilespmem:s21+$0xD0] =	vst v0  }
0x15: {  	[tilespmem:s21+$0xC0] =	vst v0  }
0x16: {  	[tilespmem:s21+$0xB0] =	vst v0  }
0x17: {  	[tilespmem:s21+$0xA0] =	vst v0  }
0x18: {  	[tilespmem:s21+$0x90] =	vst v0  }
0x19: {  	[tilespmem:s21+$0x80] =	vst v0  }
0x1a: {  	[tilespmem:s21+$0x70] =	vst v0  }
0x1b: {  	[tilespmem:s21+$0x60] =	vst v0  }
0x1c: {  	[tilespmem:s21+$0x50] =	vst v0  }
0x1d: {  	[tilespmem:s21+$0x40] =	vst v0  }
0x1e: {  	[tilespmem:s21+$0x30] =	vst v0  }
0x1f: {  	[tilespmem:s21+$0x20] =	vst v0  }
0x20: {  	[tilespmem:s21+$0x10] =	vst v0  }
0x21: {  	[tilespmem:s21+$0x0] =	vst v0  }
0x22: {  	[tilespmem:s21+$0xFFFFFFF0] =	vst v0  }
0x23: {  	[tilespmem:s21+$0xFFFFFFE0] =	vst v0  }
0x24: {  	[tilespmem:s21+$0xFFFFFFD0] =	vst v0  }
0x25: {  	[tilespmem:s21+$0xFFFFFFC0] =	vst v0  }
0x26: {  	[tilespmem:s21+$0xFFFFFFB0] =	vst v0  }
0x27: {  	[tilespmem:s21+$0xFFFFFFA0] =	vst v0  }
0x28: {  	[tilespmem:s21+$0xFFFFFF90] =	vst v0  }
0x29: {  	[tilespmem:s21+$0xFFFFFF80] =	vst v0  }
0x2a: {  	[tilespmem:s21+$0xFFFFFF70] =	vst v0  }
0x2b: {  	[tilespmem:s21+$0xFFFFFF60] =	vst v0  }
0x2c: {  	[tilespmem:s21+$0xFFFFFF50] =	vst v0  }
0x2d: {  	[tilespmem:s21+$0xFFFFFF40] =	vst v0  }
0x2e: {  	[tilespmem:s21+$0xFFFFFF30] =	vst v0  }
0x2f: {  	s22 =	simm.s32 $0x0;
	[tilespmem:s21+$0xFFFFFF20] =	vst v0  }
.LBB2_2:
0x30: {  	s22 =	sadd.s32 $0x8, s22;
	[tilespmem:s21+$0xFFFFFF10] =	vst v0;
	s21 =	sadd.s32 $0x200, s21  }
0x31: {  	[tilespmem:s21+$0xFFFFFF00] =	vst v0;
	p0 =	slt.u32 s22, $0x78  }
0x32: {  	[tilespmem:s21+$0xF0] =	vst v0  }
0x33: {  	[tilespmem:s21+$0xE0] =	vst v0  }
0x34: {  	[tilespmem:s21+$0xD0] =	vst v0  }
0x35: {  	[tilespmem:s21+$0xC0] =	vst v0  }
0x36: {  	[tilespmem:s21+$0xB0] =	vst v0  }
0x37: {  	[tilespmem:s21+$0xA0] =	vst v0  }
0x38: {  	[tilespmem:s21+$0x90] =	vst v0  }
0x39: {  	[tilespmem:s21+$0x80] =	vst v0  }
0x3a: {  	[tilespmem:s21+$0x70] =	vst v0  }
0x3b: {  	[tilespmem:s21+$0x60] =	vst v0  }
0x3c: {  	[tilespmem:s21+$0x50] =	vst v0  }
0x3d: {  	[tilespmem:s21+$0x40] =	vst v0  }
0x3e: {  	[tilespmem:s21+$0x30] =	vst v0  }
0x3f: {  	[tilespmem:s21+$0x20] =	vst v0  }
0x40: {  	[tilespmem:s21+$0x10] =	vst v0  }
0x41: {  	[tilespmem:s21+$0x0] =	vst v0  }
0x42: {  	[tilespmem:s21+$0xFFFFFFF0] =	vst v0  }
0x43: {  	[tilespmem:s21+$0xFFFFFFE0] =	vst v0  }
0x44: {  	[tilespmem:s21+$0xFFFFFFD0] =	vst v0  }
0x45: {  	[tilespmem:s21+$0xFFFFFFC0] =	vst v0  }
0x46: {  	[tilespmem:s21+$0xFFFFFFB0] =	vst v0  }
0x47: {  	[tilespmem:s21+$0xFFFFFFA0] =	vst v0  }
0x48: {  	[tilespmem:s21+$0xFFFFFF90] =	vst v0  }
0x49: {  	[tilespmem:s21+$0xFFFFFF80] =	vst v0  }
0x4a: {  	[tilespmem:s21+$0xFFFFFF70] =	vst v0  }
.Ltmp0:
0x4b: {  	[tilespmem:s21+$0xFFFFFF60] =	vst v0;
	(pc) =	sbr.rel @p0 .LBB2_2-.Ltmp0, $4  }
0x4c: {  	[tilespmem:s21+$0xFFFFFF50] =	vst v0  }
0x4d: {  	[tilespmem:s21+$0xFFFFFF40] =	vst v0  }
0x4e: {  	[tilespmem:s21+$0xFFFFFF30] =	vst v0  }
0x4f: {  	[tilespmem:s21+$0xFFFFFF20] =	vst v0  }
0x50: {  	[tilespmem:s21+$0xFFFFFF10] =	vst v0  }
0x51: {  	[spmem:s8] =	stream.linear.scatter [tilespmem:s16], [sflag:$0x2], $0x2000, $0x38;
	[tilespmem:$0xC180] =	vst v63  }
0x52: {  	_ =	swait.ge [sflag:s17], $0x2000  }
0x53: {  	[sflag:s17] =	ssyncset.done $0x0  }
0x54: {  	[sflag:s17] =	ssyncadd.s32 $0xFFFFE000  }
0x55: {  	[spmem:s9] =	stream.linear.scatter [tilespmem:s16], [sflag:$0x2], $0x2000, $0x38;
	[tilespmem:$0xC180] =	vst v63  }
0x56: {  	_ =	swait.ge [sflag:s17], $0x2000  }
0x57: {  	[sflag:s17] =	ssyncset.done $0x0  }
0x58: {  	[sflag:s17] =	ssyncadd.s32 $0xFFFFE000  }
0x59: {  	[spmem:s10] =	stream.linear.scatter [tilespmem:s16], [sflag:$0x2], $0x2000, $0x38;
	[tilespmem:$0xC180] =	vst v63  }
0x5a: {  	_ =	swait.ge [sflag:s17], $0x2000  }
0x5b: {  	[sflag:s17] =	ssyncset.done $0x0  }
0x5c: {  	[sflag:s17] =	ssyncadd.s32 $0xFFFFE000  }
0x5d: {  	[spmem:s11] =	stream.linear.scatter [tilespmem:s16], [sflag:$0x2], $0x2000, $0x38;
	[tilespmem:$0xC180] =	vst v63  }
0x5e: {  	_ =	swait.ge [sflag:s17], $0x2000  }
0x5f: {  	[sflag:s17] =	ssyncset.done $0x0  }
0x60: {  	[sflag:s17] =	ssyncadd.s32 $0xFFFFE000  }
0x61: {  	[spmem:s12] =	stream.linear.scatter [tilespmem:s16], [sflag:$0x2], $0x2000, $0x38;
	[tilespmem:$0xC180] =	vst v63  }
0x62: {  	_ =	swait.ge [sflag:s17], $0x2000  }
0x63: {  	[sflag:s17] =	ssyncset.done $0x0  }
0x64: {  	[sflag:s17] =	ssyncadd.s32 $0xFFFFE000  }
0x65: {  	s21 =	simm.s32 $0x0;
	s22 =	simm.s32 $0x0;
	[bflag:$0x0] =	sbarrier.arrive $0xFFFF  }
.LBB2_4:
0x66: {  	s23 =	sshll.u32 s22, $0x7  }
0x67: {  	s23 =	sadd.s32 s13, s23  }
0x68: {  	s23 =	sshrl.u32 s23, $0x3  }
0x69: {  	s24 =	sadd.s32 s5, s23  }
0x6a: {  	[tilespmem:s21], [sflag:$0x2] =	stream.linear.gather [hbm4b:s24+s21], $0x80, $0x38;
	[tilespmem:$0xC180] =	vst v63  }
0x6b: {  	_ =	swait.ge [sflag:s17], $0x80  }
0x6c: {  	[sflag:s17] =	ssyncset.done $0x0  }
0x6d: {  	s31 =	sadd.s32 s6, s23;
	[sflag:s17] =	ssyncadd.s32 $0xFFFFFF80  }
0x6e: {  	[tilespmem:s18], [sflag:$0x2] =	stream.linear.gather [hbm4b:s31+s21], $0x80, $0x38;
	[tilespmem:$0xC180] =	vst v63  }
0x6f: {  	_ =	swait.ge [sflag:s17], $0x80  }
0x70: {  	[sflag:s17] =	ssyncset.done $0x0  }
0x71: {  	s23 =	sadd.s32 s7, s23;
	[sflag:s17] =	ssyncadd.s32 $0xFFFFFF80  }
0x72: {  	[tilespmem:s19], [sflag:$0x2] =	stream.linear.gather [hbm4b:s23+s21], $0x80, $0x38;
	[tilespmem:$0xC180] =	vst v63  }
0x73: {  	_ =	swait.ge [sflag:s17], $0x80  }
0x74: {  	[sflag:s17] =	ssyncset.done $0x0  }
0x75: {  	[sflag:s17] =	ssyncadd.s32 $0xFFFFFF80  }
0x76: {  	[tilespmem:s16], [sflag:$0x1] =	stream.indirect.gather [hbm4b:s4+s18], $0x40, s21, s18, $0xb8;
	[tilespmem:$0xC180] =	vst v63  }
0x77: {  	_ =	swait.ge [sflag:s20], $0x2000  }
0x78: {  	[sflag:s20] =	ssyncset.done $0x0  }
0x79: {  	s24 =	simm.s32 $0x0;
	s23 =	simm.s32 $0x380;
	[sflag:s20] =	ssyncadd.s32 $0xFFFFE000  }
.LBB2_5:
0x7a: {  	s25 =	sshra.s32 s24, $0x2  }
0x7b: {  	v1 =	vld [tilespmem:s25+$0x100];
	_ =	sdelay $0x1  }
0x7c: {  	v2 =	vld [tilespmem:s23+$0xFFFFFE00];
	_ =	sdelay $0x2  }
0x7d: {  	v3 =	vbroadcast v1, $0x0;
	_ =	sdelay $0x1  }
0x7e: {  	v2 =	vmul.f32 v3, v2;
	_ =	sdelay $0x1  }
0x7f: {  	[tilespmem:s23+$0xFFFFFE00] =	vst v2;
	v2 =	vld [tilespmem:s23+$0xFFFFFE10];
	_ =	sdelay $0x4  }
0x80: {  	v2 =	vmul.f32 v2, v3;
	_ =	sdelay $0x1  }
0x81: {  	[tilespmem:s23+$0xFFFFFE10] =	vst v2;
	v2 =	vld [tilespmem:s23+$0xFFFFFE20];
	_ =	sdelay $0x4  }
0x82: {  	v2 =	vmul.f32 v2, v3;
	_ =	sdelay $0x1  }
0x83: {  	[tilespmem:s23+$0xFFFFFE20] =	vst v2;
	v2 =	vld [tilespmem:s23+$0xFFFFFE30];
	_ =	sdelay $0x4  }
0x84: {  	v2 =	vmul.f32 v2, v3;
	_ =	sdelay $0x1  }
0x85: {  	[tilespmem:s23+$0xFFFFFE30] =	vst v2;
	v2 =	vld [tilespmem:s23+$0xFFFFFE40];
	_ =	sdelay $0x2  }
0x86: {  	v3 =	vbroadcast v1, $0x1;
	_ =	sdelay $0x1  }
0x87: {  	v2 =	vmul.f32 v2, v3;
	_ =	sdelay $0x1  }
0x88: {  	[tilespmem:s23+$0xFFFFFE40] =	vst v2;
	v2 =	vld [tilespmem:s23+$0xFFFFFE50];
	_ =	sdelay $0x4  }
0x89: {  	v2 =	vmul.f32 v2, v3;
	_ =	sdelay $0x1  }
0x8a: {  	[tilespmem:s23+$0xFFFFFE50] =	vst v2;
	v2 =	vld [tilespmem:s23+$0xFFFFFE60];
	_ =	sdelay $0x4  }
0x8b: {  	v2 =	vmul.f32 v2, v3;
	_ =	sdelay $0x1  }
0x8c: {  	[tilespmem:s23+$0xFFFFFE60] =	vst v2;
	v2 =	vld [tilespmem:s23+$0xFFFFFE70];
	_ =	sdelay $0x4  }
0x8d: {  	v2 =	vmul.f32 v2, v3;
	_ =	sdelay $0x1  }
0x8e: {  	[tilespmem:s23+$0xFFFFFE70] =	vst v2;
	v2 =	vld [tilespmem:s23+$0xFFFFFE80];
	_ =	sdelay $0x2  }
0x8f: {  	v3 =	vbroadcast v1, $0x2;
	_ =	sdelay $0x1  }
0x90: {  	v2 =	vmul.f32 v2, v3;
	_ =	sdelay $0x1  }
0x91: {  	[tilespmem:s23+$0xFFFFFE80] =	vst v2;
	v2 =	vld [tilespmem:s23+$0xFFFFFE90];
	_ =	sdelay $0x4  }
0x92: {  	v2 =	vmul.f32 v2, v3;
	_ =	sdelay $0x1  }
0x93: {  	[tilespmem:s23+$0xFFFFFE90] =	vst v2;
	v2 =	vld [tilespmem:s23+$0xFFFFFEA0];
	_ =	sdelay $0x4  }
0x94: {  	v2 =	vmul.f32 v2, v3;
	_ =	sdelay $0x1  }
0x95: {  	[tilespmem:s23+$0xFFFFFEA0] =	vst v2;
	v2 =	vld [tilespmem:s23+$0xFFFFFEB0];
	_ =	sdelay $0x4  }
0x96: {  	v2 =	vmul.f32 v2, v3;
	_ =	sdelay $0x1  }
0x97: {  	[tilespmem:s23+$0xFFFFFEB0] =	vst v2;
	v2 =	vld [tilespmem:s23+$0xFFFFFEC0];
	_ =	sdelay $0x2  }
0x98: {  	v3 =	vbroadcast v1, $0x3;
	_ =	sdelay $0x1  }
0x99: {  	v2 =	vmul.f32 v2, v3;
	_ =	sdelay $0x1  }
0x9a: {  	[tilespmem:s23+$0xFFFFFEC0] =	vst v2;
	v2 =	vld [tilespmem:s23+$0xFFFFFED0];
	_ =	sdelay $0x4  }
0x9b: {  	v2 =	vmul.f32 v2, v3;
	_ =	sdelay $0x1  }
0x9c: {  	[tilespmem:s23+$0xFFFFFED0] =	vst v2;
	v2 =	vld [tilespmem:s23+$0xFFFFFEE0];
	_ =	sdelay $0x4  }
0x9d: {  	v2 =	vmul.f32 v2, v3;
	_ =	sdelay $0x1  }
0x9e: {  	[tilespmem:s23+$0xFFFFFEE0] =	vst v2;
	v2 =	vld [tilespmem:s23+$0xFFFFFEF0];
	_ =	sdelay $0x4  }
0x9f: {  	v2 =	vmul.f32 v2, v3;
	_ =	sdelay $0x1  }
0xa0: {  	[tilespmem:s23+$0xFFFFFEF0] =	vst v2;
	v2 =	vld [tilespmem:s23+$0xFFFFFF00];
	_ =	sdelay $0x2  }
0xa1: {  	v3 =	vbroadcast v1, $0x4;
	_ =	sdelay $0x1  }
0xa2: {  	v2 =	vmul.f32 v2, v3;
	_ =	sdelay $0x1  }
0xa3: {  	[tilespmem:s23+$0xFFFFFF00] =	vst v2;
	v2 =	vld [tilespmem:s23+$0xFFFFFF10];
	_ =	sdelay $0x4  }
0xa4: {  	v2 =	vmul.f32 v2, v3;
	_ =	sdelay $0x1  }
0xa5: {  	[tilespmem:s23+$0xFFFFFF10] =	vst v2;
	v2 =	vld [tilespmem:s23+$0xFFFFFF20];
	_ =	sdelay $0x4  }
0xa6: {  	v2 =	vmul.f32 v2, v3;
	_ =	sdelay $0x1  }
0xa7: {  	[tilespmem:s23+$0xFFFFFF20] =	vst v2;
	v2 =	vld [tilespmem:s23+$0xFFFFFF30];
	_ =	sdelay $0x4  }
0xa8: {  	v2 =	vmul.f32 v2, v3;
	_ =	sdelay $0x1  }
0xa9: {  	[tilespmem:s23+$0xFFFFFF30] =	vst v2;
	v2 =	vld [tilespmem:s23+$0xFFFFFF40];
	_ =	sdelay $0x2  }
0xaa: {  	v3 =	vbroadcast v1, $0x5;
	_ =	sdelay $0x1  }
0xab: {  	v2 =	vmul.f32 v2, v3;
	_ =	sdelay $0x1  }
0xac: {  	[tilespmem:s23+$0xFFFFFF40] =	vst v2;
	v2 =	vld [tilespmem:s23+$0xFFFFFF50];
	_ =	sdelay $0x4  }
0xad: {  	v2 =	vmul.f32 v2, v3;
	_ =	sdelay $0x1  }
0xae: {  	[tilespmem:s23+$0xFFFFFF50] =	vst v2;
	v2 =	vld [tilespmem:s23+$0xFFFFFF60];
	_ =	sdelay $0x4  }
0xaf: {  	v2 =	vmul.f32 v2, v3;
	_ =	sdelay $0x1  }
0xb0: {  	[tilespmem:s23+$0xFFFFFF60] =	vst v2;
	v2 =	vld [tilespmem:s23+$0xFFFFFF70];
	_ =	sdelay $0x4  }
0xb1: {  	v2 =	vmul.f32 v2, v3;
	_ =	sdelay $0x1  }
0xb2: {  	[tilespmem:s23+$0xFFFFFF70] =	vst v2;
	v2 =	vld [tilespmem:s23+$0xFFFFFF80];
	_ =	sdelay $0x2  }
0xb3: {  	v3 =	vbroadcast v1, $0x6;
	_ =	sdelay $0x1  }
0xb4: {  	v2 =	vmul.f32 v2, v3;
	_ =	sdelay $0x1  }
0xb5: {  	[tilespmem:s23+$0xFFFFFF80] =	vst v2;
	v2 =	vld [tilespmem:s23+$0xFFFFFF90];
	_ =	sdelay $0x4  }
0xb6: {  	v2 =	vmul.f32 v2, v3;
	_ =	sdelay $0x1  }
0xb7: {  	[tilespmem:s23+$0xFFFFFF90] =	vst v2;
	v2 =	vld [tilespmem:s23+$0xFFFFFFA0];
	_ =	sdelay $0x4  }
0xb8: {  	v2 =	vmul.f32 v2, v3;
	_ =	sdelay $0x1  }
0xb9: {  	[tilespmem:s23+$0xFFFFFFA0] =	vst v2;
	v2 =	vld [tilespmem:s23+$0xFFFFFFB0];
	_ =	sdelay $0x4  }
0xba: {  	v2 =	vmul.f32 v2, v3;
	_ =	sdelay $0x1  }
0xbb: {  	[tilespmem:s23+$0xFFFFFFB0] =	vst v2;
	v2 =	vld [tilespmem:s23+$0xFFFFFFC0];
	_ =	sdelay $0x2  }
0xbc: {  	v3 =	vbroadcast v1, $0x7;
	_ =	sdelay $0x1  }
0xbd: {  	v2 =	vmul.f32 v2, v3;
	_ =	sdelay $0x1  }
0xbe: {  	[tilespmem:s23+$0xFFFFFFC0] =	vst v2;
	v2 =	vld [tilespmem:s23+$0xFFFFFFD0];
	_ =	sdelay $0x4  }
0xbf: {  	v2 =	vmul.f32 v2, v3;
	_ =	sdelay $0x1  }
0xc0: {  	[tilespmem:s23+$0xFFFFFFD0] =	vst v2;
	v2 =	vld [tilespmem:s23+$0xFFFFFFE0];
	_ =	sdelay $0x4  }
0xc1: {  	v2 =	vmul.f32 v2, v3;
	_ =	sdelay $0x1  }
0xc2: {  	[tilespmem:s23+$0xFFFFFFE0] =	vst v2;
	v2 =	vld [tilespmem:s23+$0xFFFFFFF0];
	_ =	sdelay $0x4  }
0xc3: {  	v2 =	vmul.f32 v2, v3;
	_ =	sdelay $0x1  }
0xc4: {  	[tilespmem:s23+$0xFFFFFFF0] =	vst v2;
	v2 =	vld [tilespmem:s23+$0x0];
	_ =	sdelay $0x2  }
0xc5: {  	v3 =	vbroadcast v1, $0x8;
	_ =	sdelay $0x1  }
0xc6: {  	v2 =	vmul.f32 v2, v3;
	_ =	sdelay $0x1  }
0xc7: {  	[tilespmem:s23+$0x0] =	vst v2;
	v2 =	vld [tilespmem:s23+$0x10];
	_ =	sdelay $0x4  }
0xc8: {  	v2 =	vmul.f32 v2, v3;
	_ =	sdelay $0x1  }
0xc9: {  	[tilespmem:s23+$0x10] =	vst v2;
	v2 =	vld [tilespmem:s23+$0x20];
	_ =	sdelay $0x4  }
0xca: {  	v2 =	vmul.f32 v2, v3;
	_ =	sdelay $0x1  }
0xcb: {  	[tilespmem:s23+$0x20] =	vst v2;
	v2 =	vld [tilespmem:s23+$0x30];
	_ =	sdelay $0x4  }
0xcc: {  	v2 =	vmul.f32 v2, v3;
	_ =	sdelay $0x1  }
0xcd: {  	[tilespmem:s23+$0x30] =	vst v2;
	v2 =	vld [tilespmem:s23+$0x40];
	_ =	sdelay $0x2  }
0xce: {  	v3 =	vbroadcast v1, $0x9;
	_ =	sdelay $0x1  }
0xcf: {  	v2 =	vmul.f32 v2, v3;
	_ =	sdelay $0x1  }
0xd0: {  	[tilespmem:s23+$0x40] =	vst v2;
	v2 =	vld [tilespmem:s23+$0x50];
	_ =	sdelay $0x4  }
0xd1: {  	v2 =	vmul.f32 v2, v3;
	_ =	sdelay $0x1  }
0xd2: {  	[tilespmem:s23+$0x50] =	vst v2;
	v2 =	vld [tilespmem:s23+$0x60];
	_ =	sdelay $0x4  }
0xd3: {  	v2 =	vmul.f32 v2, v3;
	_ =	sdelay $0x1  }
0xd4: {  	[tilespmem:s23+$0x60] =	vst v2;
	v2 =	vld [tilespmem:s23+$0x70];
	_ =	sdelay $0x4  }
0xd5: {  	v2 =	vmul.f32 v2, v3;
	_ =	sdelay $0x1  }
0xd6: {  	[tilespmem:s23+$0x70] =	vst v2;
	v2 =	vld [tilespmem:s23+$0x80];
	_ =	sdelay $0x2  }
0xd7: {  	v3 =	vbroadcast v1, $0xA;
	_ =	sdelay $0x1  }
0xd8: {  	v2 =	vmul.f32 v2, v3;
	_ =	sdelay $0x1  }
0xd9: {  	[tilespmem:s23+$0x80] =	vst v2;
	v2 =	vld [tilespmem:s23+$0x90];
	_ =	sdelay $0x4  }
0xda: {  	v2 =	vmul.f32 v2, v3;
	_ =	sdelay $0x1  }
0xdb: {  	[tilespmem:s23+$0x90] =	vst v2;
	v2 =	vld [tilespmem:s23+$0xA0];
	_ =	sdelay $0x4  }
0xdc: {  	v2 =	vmul.f32 v2, v3;
	_ =	sdelay $0x1  }
0xdd: {  	[tilespmem:s23+$0xA0] =	vst v2;
	v2 =	vld [tilespmem:s23+$0xB0];
	_ =	sdelay $0x4  }
0xde: {  	v2 =	vmul.f32 v2, v3;
	_ =	sdelay $0x1  }
0xdf: {  	[tilespmem:s23+$0xB0] =	vst v2;
	v2 =	vld [tilespmem:s23+$0xC0];
	_ =	sdelay $0x2  }
0xe0: {  	v3 =	vbroadcast v1, $0xB;
	_ =	sdelay $0x1  }
0xe1: {  	v2 =	vmul.f32 v2, v3;
	_ =	sdelay $0x1  }
0xe2: {  	[tilespmem:s23+$0xC0] =	vst v2;
	v2 =	vld [tilespmem:s23+$0xD0];
	_ =	sdelay $0x4  }
0xe3: {  	v2 =	vmul.f32 v2, v3;
	_ =	sdelay $0x1  }
0xe4: {  	[tilespmem:s23+$0xD0] =	vst v2;
	v2 =	vld [tilespmem:s23+$0xE0];
	_ =	sdelay $0x4  }
0xe5: {  	v2 =	vmul.f32 v2, v3;
	_ =	sdelay $0x1  }
0xe6: {  	[tilespmem:s23+$0xE0] =	vst v2;
	v2 =	vld [tilespmem:s23+$0xF0];
	_ =	sdelay $0x4  }
0xe7: {  	v2 =	vmul.f32 v2, v3;
	_ =	sdelay $0x1  }
0xe8: {  	[tilespmem:s23+$0xF0] =	vst v2;
	v2 =	vld [tilespmem:s23+$0x100];
	_ =	sdelay $0x2  }
0xe9: {  	v3 =	vbroadcast v1, $0xC;
	_ =	sdelay $0x1  }
0xea: {  	v2 =	vmul.f32 v2, v3;
	_ =	sdelay $0x1  }
0xeb: {  	[tilespmem:s23+$0x100] =	vst v2;
	v2 =	vld [tilespmem:s23+$0x110];
	_ =	sdelay $0x4  }
0xec: {  	v2 =	vmul.f32 v2, v3;
	_ =	sdelay $0x1  }
0xed: {  	[tilespmem:s23+$0x110] =	vst v2;
	v2 =	vld [tilespmem:s23+$0x120];
	_ =	sdelay $0x4  }
0xee: {  	v2 =	vmul.f32 v2, v3;
	_ =	sdelay $0x1  }
0xef: {  	[tilespmem:s23+$0x120] =	vst v2;
	v2 =	vld [tilespmem:s23+$0x130];
	_ =	sdelay $0x4  }
0xf0: {  	v2 =	vmul.f32 v2, v3;
	_ =	sdelay $0x1  }
0xf1: {  	[tilespmem:s23+$0x130] =	vst v2;
	v2 =	vld [tilespmem:s23+$0x140];
	_ =	sdelay $0x2  }
0xf2: {  	v3 =	vbroadcast v1, $0xD;
	_ =	sdelay $0x1  }
0xf3: {  	v2 =	vmul.f32 v2, v3;
	_ =	sdelay $0x1  }
0xf4: {  	[tilespmem:s23+$0x140] =	vst v2;
	v2 =	vld [tilespmem:s23+$0x150];
	_ =	sdelay $0x4  }
0xf5: {  	v2 =	vmul.f32 v2, v3;
	_ =	sdelay $0x1  }
0xf6: {  	[tilespmem:s23+$0x150] =	vst v2;
	v2 =	vld [tilespmem:s23+$0x160];
	_ =	sdelay $0x4  }
0xf7: {  	v2 =	vmul.f32 v2, v3;
	_ =	sdelay $0x1  }
0xf8: {  	[tilespmem:s23+$0x160] =	vst v2;
	v2 =	vld [tilespmem:s23+$0x170];
	_ =	sdelay $0x4  }
0xf9: {  	v2 =	vmul.f32 v2, v3;
	_ =	sdelay $0x1  }
0xfa: {  	[tilespmem:s23+$0x170] =	vst v2;
	v2 =	vld [tilespmem:s23+$0x180];
	_ =	sdelay $0x2  }
0xfb: {  	v3 =	vbroadcast v1, $0xE;
	_ =	sdelay $0x1  }
0xfc: {  	v2 =	vmul.f32 v2, v3;
	_ =	sdelay $0x1  }
0xfd: {  	[tilespmem:s23+$0x180] =	vst v2;
	v2 =	vld [tilespmem:s23+$0x190];
	_ =	sdelay $0x4  }
0xfe: {  	v2 =	vmul.f32 v2, v3;
	_ =	sdelay $0x1  }
0xff: {  	[tilespmem:s23+$0x190] =	vst v2;
	v2 =	vld [tilespmem:s23+$0x1A0];
	_ =	sdelay $0x4  }
0x100: {  	v2 =	vmul.f32 v2, v3;
	_ =	sdelay $0x1  }
0x101: {  	[tilespmem:s23+$0x1A0] =	vst v2;
	v2 =	vld [tilespmem:s23+$0x1B0];
	_ =	sdelay $0x4  }
0x102: {  	v2 =	vmul.f32 v2, v3;
	_ =	sdelay $0x1  }
0x103: {  	[tilespmem:s23+$0x1B0] =	vst v2;
	v2 =	vld [tilespmem:s23+$0x1C0];
	_ =	sdelay $0x2  }
0x104: {  	v1 =	vbroadcast v1, $0xF;
	_ =	sdelay $0x1  }
0x105: {  	v2 =	vmul.f32 v2, v1;
	_ =	sdelay $0x1  }
0x106: {  	[tilespmem:s23+$0x1C0] =	vst v2;
	v2 =	vld [tilespmem:s23+$0x1D0];
	_ =	sdelay $0x4  }
0x107: {  	v2 =	vmul.f32 v2, v1;
	_ =	sdelay $0x1  }
0x108: {  	[tilespmem:s23+$0x1D0] =	vst v2;
	v2 =	vld [tilespmem:s23+$0x1E0];
	_ =	sdelay $0x4  }
0x109: {  	v2 =	vmul.f32 v2, v1;
	_ =	sdelay $0x1  }
0x10a: {  	[tilespmem:s23+$0x1E0] =	vst v2;
	v2 =	vld [tilespmem:s23+$0x1F0];
	_ =	sdelay $0x1  }
0x10b: {  	p0 =	sne.s32 s24, $0x1C0  }
.Ltmp1:
0x10c: {  	_ = 	snop;
	(pc) =	sbr.rel @p0 .LBB2_5-.Ltmp1, $3  }
0x10d: {  	_ = 	snop  }
0x10e: {  	v1 =	vmul.f32 v2, v1;
	_ =	sdelay $0x1  }
0x10f: {  	s24 =	sadd.s32 $0x40, s24;
	[tilespmem:s23+$0x1F0] =	vst v1;
	s23 =	sadd.s32 $0x400, s23  }
0x110: {  	s22 =	sadd.s32 $0x1, s22  }
0x111: {  	p0 =	sne.s32 s22, $0x50  }
.Ltmp2:
0x112: {  	_ = 	snop;
	(pc) =	sbr.rel @p0 .LBB2_4-.Ltmp2, $4  }
0x113: {  	[spmem:s2] =	stream.indirect.scatter.add.f32 [tilespmem:s16], [sflag:$0x2], $0x40, s18, s18, $0xb8;
	[tilespmem:$0xC180] =	vst v63  }
0x114: {  	_ =	swait.ge [sflag:s17], $0x2000  }
0x115: {  	[sflag:s17] =	ssyncset.done $0x0  }
0x116: {  	[sflag:s17] =	ssyncadd.s32 $0xFFFFE000  }
0x117: {  	s3 =	sadd.s32 $0x1, s3  }
0x118: {  	s21 =	sshll.u32 s1, $0x6;
	[bflag:$0x0] =	sbarrier.arrive $0xFFFF;
	p0 =	sne.s32 s3, s15  }
.Ltmp3:
0x119: {  	s22 =	sshrl.u32 s8, $0x3;
	s21 =	sor.u32 $0x1C02, s21;
	(pc) =	sbr.rel @p0 .LBB2_1-.Ltmp3, $4  }
0x11a: {  	[hbm:s14], [sflag:s21] =	dma.local [spmem:s22], $0x1400  }
0x11b: {  	_ =	swait.ge [sflag:s17], $0x1400  }
0x11c: {  	[sflag:s17] =	ssyncset.done $0x0  }
0x11d: {  	[sflag:s17] =	ssyncadd.s32 $0xFFFFEC00  }
0x11e: {  	_ =	sfence.sel $0x180000  }
0x11f: {  	[bflag:$0x0] =	sbarrier.arrive $0xFFFF  }
0x120: {  	p0 =	sne.s32 s1, $0x0;
	_ =	strace $0x90000047  }
0x121: {  	s0 =	sadd.s32 @!p0 $0x100000, s0;
	[bflag:$0x2] =	sbarrier.arrive $0xFFFF  }
0x122: {  	[sflag:s0] =	ssyncadd.tile.s32 @!p0 $0x1;
	_ =	shalt  }
.Lfunc_end2:
_tile_overlayer_lowered:
.L_overlay_start_2:
0x123: {  	(tag) =	ssettag $0x2  }
0x124: {  	s0 =	rddreg [dreg:$0x0];
	s2 =	stileid.u32  }
0x125: {  	s1 =	rddreg [dreg:$0x1];
	p0 =	sne.s32 s2, $0x0  }
0x126: {  	s3 =	rddreg [dreg:$0x2];
	[bflag:$0x3] =	sbarrier.arrive $0xFFFF;
	s2 =	simm.s32 @!p0 $0x1C02  }
0x127: {  	[timem:s3], [sflag:s2] =	dma.local @!p0 [hbm:s0], s1  }
0x128: {  	s0 =	simm.s32 @!p0 $0x2  }
0x129: {  	_ =	swait.ge @!p0 [sflag:s0], s1  }
0x12a: {  	s1 =	ssub.s32 @!p0 $0x0, s1;
	[sflag:s0] =	ssyncset.done @!p0 $0x0  }
0x12b: {  	[sflag:s0] =	ssyncadd.s32 @!p0 s1  }
0x12c: {  	[bflag:$0x3] =	sbarrier.arrive $0xFFFF  }
0x12d: {  	_ =	shalt  }

</sc_bundles>
